<compile_context>
chip_gen: v7x
topology: tpu7x:2x2x1
jax: 0.10.2.dev20260603
libtpu: 0.0.44.dev20260713+nightly
codegen_flags: <defaults>
</compile_context>

<pallas_src>
import functools

import jax
import jax.numpy as jnp
from jax import lax
from jax.experimental import pallas as pl
from jax.experimental.pallas import tpu as pltpu
from jax.experimental.pallas import tpu_sc as plsc

_N_CHANNELS = 26
_EMBED_DIM = 32


_QUARTER = 655360
_TBLK = 5120


def _transpose_body(x0, x1, x2, x3, out_ref):
    x = jnp.concatenate([x0[...], x1[...], x2[...], x3[...]], axis=0)
    eye = jnp.eye(128, dtype=jnp.bfloat16)
    dn = (((0,), (0,)), ((), ()))
    hi = x.astype(jnp.bfloat16)
    lo = (x - hi.astype(jnp.float32)).astype(jnp.bfloat16)
    y = lax.dot_general(hi, eye, dn, preferred_element_type=jnp.float32)
    y = y + lax.dot_general(lo, eye, dn, preferred_element_type=jnp.float32)
    out_ref[...] = y


@functools.lru_cache(maxsize=None)
def _make_transpose(v, d):
    n_blocks = _QUARTER // _TBLK
    quarter_blocks = _QUARTER // _TBLK
    max_blk = pl.cdiv(v, _TBLK) - 1

    def spec(a):
        return pl.BlockSpec(
            (d, _TBLK),
            lambda i, a=a: (0, jnp.minimum(a * quarter_blocks + i, max_blk)))

    grid_spec = pl.GridSpec(
        grid=(n_blocks,),
        in_specs=[spec(0), spec(1), spec(2), spec(3)],
        out_specs=pl.BlockSpec((_TBLK, 4 * d), lambda i: (i, 0)),
    )
    return pl.pallas_call(
        _transpose_body,
        grid_spec=grid_spec,
        compiler_params=pltpu.CompilerParams(
            fuse_transposed_lhs_in_matmul=True),
        out_shape=jax.ShapeDtypeStruct((_QUARTER, 4 * d), jnp.float32),
    )


@functools.lru_cache(maxsize=None)
def _make_gather(n_rows, dim):
    info = plsc.get_sparse_core_info()
    nc, ns, lanes = info.num_cores, info.num_subcores, info.num_lanes
    nw = nc * ns
    rows_per_w = n_rows // nw
    ch_rows = 1664
    n_chunks = rows_per_w // ch_rows
    n_streams = ch_rows // 128
    n_groups = ch_rows // lanes

    mesh = plsc.VectorSubcoreMesh(core_axis_name="c", subcore_axis_name="s")

    @functools.partial(
        pl.kernel,
        mesh=mesh,
        out_type=jax.ShapeDtypeStruct((n_rows, dim), jnp.float32),
        compiler_params=pltpu.CompilerParams(use_tc_tiling_on_sc=False),
        scratch_types=[
            pltpu.VMEM((ch_rows,), jnp.int32),
            pltpu.VMEM((ch_rows,), jnp.int32),
            pltpu.VMEM((ch_rows, dim), jnp.float32),
            pltpu.VMEM((ch_rows, dim), jnp.float32),
            pltpu.VMEM((64,), jnp.int32),
            pltpu.SemaphoreType.DMA,
            pltpu.SemaphoreType.DMA,
        ],
    )
    def gather_kernel(idx_hbm, table_hbm, offs_hbm, out_hbm,
                      idx_v0, idx_v1, rows_v0, rows_v1, offs_v,
                      sem_g, sem_w):
        wid = lax.axis_index("s") * nc + lax.axis_index("c")
        pltpu.sync_copy(offs_hbm, offs_v)
        base_w = wid * rows_per_w
        bufs = ((idx_v0, rows_v0), (idx_v1, rows_v1))
        pending = [None, None]

        for k in range(n_chunks):
            idx_v, rows_v = bufs[k % 2]
            if pending[k % 2] is not None:
                pending[k % 2].wait()
            base = base_w + k * ch_rows
            pltpu.sync_copy(idx_hbm.at[pl.ds(base, ch_rows)], idx_v)

            def add_offsets(t, _, idx_v=idx_v, base=base):
                p0 = base + t * lanes
                r = lax.rem(p0, _N_CHANNELS)
                off = offs_v[pl.ds(r, lanes)]
                full = idx_v[pl.ds(t * lanes, lanes)] + off
                zero = jnp.zeros((lanes,), jnp.int32)
                a2 = jnp.where(full >= 2 * _QUARTER, zero + 2, zero)
                rest = full - a2 * _QUARTER
                a1 = jnp.where(rest >= _QUARTER, zero + 1, zero)
                q = rest - a1 * _QUARTER
                idx_v[pl.ds(t * lanes, lanes)] = q * 4 + a2 + a1
                return 0

            lax.fori_loop(0, n_groups, add_offsets, 0)

            copies = []
            for j in range(n_streams):
                copies.append(pltpu.async_copy(
                    table_hbm.at[idx_v.at[pl.ds(j * 128, 128)]],
                    rows_v.at[pl.ds(j * 128, 128)],
                    sem_g))
            for cp in copies:
                cp.wait()
            pending[k % 2] = pltpu.async_copy(
                rows_v, out_hbm.at[pl.ds(base, ch_rows)], sem_w)

        for p in pending:
            if p is not None:
                p.wait()

    return gather_kernel


def kernel(inputs, table, offsets):
    b, c = inputs.shape
    v, d = table.shape
    idx_flat = inputs.astype(jnp.int32).reshape(-1)
    offs = jnp.tile(offsets.astype(jnp.int32), 3)[:64]
    tt = table.T
    table_lin = _make_transpose(v, d)(tt, tt, tt, tt).reshape(4 * _QUARTER, d)
    out = _make_gather(b * c, d)(idx_flat, table_lin, offs)
    return out.reshape(b, c * d)

# --- scband reference (transcript-rebuilt; emitter-appended) ---
"""Pipeline reference for scband-bowembedding-63024350101753 (READ-ONLY COPY).

The authoritative reference and input builder live on the scoring server;
editing this copy changes nothing except your own understanding.
"""

import jax, jax.numpy as jnp
import numpy as np

MAX_VALUE = 100000
N_CHANNELS = 26
EMBED_DIM = 32
BATCH = 16384


def setup_inputs(seed: int = 0) -> dict:
    key = jax.random.key(seed)
    k1, k2 = jax.random.split(key)
    inputs = jax.random.randint(k1, (BATCH, N_CHANNELS), 0, MAX_VALUE)
    # nn.Embedding default init: N(0, 1)
    table = jax.random.normal(k2, (MAX_VALUE * N_CHANNELS, EMBED_DIM), dtype=jnp.float32)
    # state_component_offsets buffer: cumsum([0] + [max_value]*(n_channels-1))
    offsets = jnp.asarray(np.cumsum([0] + [MAX_VALUE] * (N_CHANNELS - 1)), dtype=inputs.dtype)
    return {"inputs": inputs, "table": table, "offsets": offsets}


def reference(inputs, table, offsets):
    # flat_inputs = inputs.flatten(0, -2) -- inputs is [B, C], already flat
    flat_inputs = inputs.reshape(-1, inputs.shape[-1])
    offsetted = flat_inputs + offsets[None, :]
    each_embedding = jnp.take(table, offsetted, axis=0)  # [B, C, D] gather
    each_embedding_flat = each_embedding.reshape(each_embedding.shape[0], -1)  # flatten(-2, -1)
    out = each_embedding_flat.reshape(inputs.shape[:-1] + (N_CHANNELS * EMBED_DIM,))
    return out

if __name__ == "__main__":
    import jax
    _d = setup_inputs()
    print(jax.jit(kernel)(*tuple(_d.values())))

</pallas_src>

<mosaic_0001>
#map = affine_map<(d0, d1) -> (0)>
#map1 = affine_map<(d0, d1) -> (0, 0)>
module attributes {stable_mosaic.version = 14 : i64} {
  func.func @gather_kernel(%arg0: i32, %arg1: i32, %arg2: memref<425984xi32, #tpu.memory_space<hbm>>, %arg3: memref<2621440x32xf32, #tpu.memory_space<hbm>>, %arg4: memref<64xi32, #tpu.memory_space<hbm>>, %arg5: memref<425984x32xf32, #tpu.memory_space<hbm>>, %arg6: memref<1664xi32, #tpu.memory_space<vmem>>, %arg7: memref<1664xi32, #tpu.memory_space<vmem>>, %arg8: memref<1664x32xf32, #tpu.memory_space<vmem>>, %arg9: memref<1664x32xf32, #tpu.memory_space<vmem>>, %arg10: memref<64xi32, #tpu.memory_space<vmem>>, %arg11: memref<!tpu.dma_semaphore, #tpu.memory_space<semaphore_mem>>, %arg12: memref<!tpu.dma_semaphore, #tpu.memory_space<semaphore_mem>>) attributes {dimension_semantics = [#tpu.dimension_semantics<core_parallel>, #tpu.dimension_semantics<subcore_parallel>], iteration_bounds = array<i64: 2, 16>, scalar_prefetch = 0 : i64, scratch_operands = 7 : i64, tpu.core_type = #tpu.core_type<sc_vector_subcore>, window_params = [{transform_indices = #map}, {transform_indices = #map1}, {transform_indices = #map}, {transform_indices = #map1}]} {
    %mul3A = arith.constant 2 : i32
    %mul3A_0 = arith.muli %arg1, %mul3A : i32
    %add3A = arith.addi %mul3A_0, %arg0 : i32
    "tpu.region"() ({
      %run_scoped3A = tpu.sem_alloc : memref<!tpu.dma_semaphore, #tpu.memory_space<semaphore_mem>>
      tpu.enqueue_dma source(%arg4 : memref<64xi32, #tpu.memory_space<hbm>>) target(%arg10 : memref<64xi32, #tpu.memory_space<vmem>>) target_semaphore(%run_scoped3A : memref<!tpu.dma_semaphore, #tpu.memory_space<semaphore_mem>>)
      tpu.wait_dma2 semaphore(%run_scoped3A : memref<!tpu.dma_semaphore, #tpu.memory_space<semaphore_mem>>) src(%arg4 : memref<64xi32, #tpu.memory_space<hbm>>) dst(%arg10 : memref<64xi32, #tpu.memory_space<vmem>>)
      tpu.yield
    }) : () -> ()
    %mul3A_1 = arith.constant 13312 : i32
    %mul3A_2 = arith.muli %add3A, %mul3A_1 : i32
    %add3A_3 = arith.constant 0 : i32
    %add3A_4 = arith.addi %mul3A_2, %add3A_3 : i32
    "tpu.region"() ({
      %run_scoped3A = tpu.sem_alloc : memref<!tpu.dma_semaphore, #tpu.memory_space<semaphore_mem>>
      %dma_start3A_1800 = tpu.memref_slice %arg2[%add3A_4] : memref<425984xi32, #tpu.memory_space<hbm>> -> memref<1664xi32, #tpu.memory_space<hbm>>
      %dma_start3A_1801 = tpu.memref_slice %arg2[%add3A_4] : memref<425984xi32, #tpu.memory_space<hbm>> -> memref<1664xi32, #tpu.memory_space<hbm>>
      tpu.enqueue_dma source(%dma_start3A_1801 : memref<1664xi32, #tpu.memory_space<hbm>>) target(%arg6 : memref<1664xi32, #tpu.memory_space<vmem>>) target_semaphore(%run_scoped3A : memref<!tpu.dma_semaphore, #tpu.memory_space<semaphore_mem>>)
      %dma_wait3A_1802 = tpu.memref_slice %arg2[%add3A_4] : memref<425984xi32, #tpu.memory_space<hbm>> -> memref<1664xi32, #tpu.memory_space<hbm>>
      %dma_wait3A_1803 = tpu.memref_slice %arg2[%add3A_4] : memref<425984xi32, #tpu.memory_space<hbm>> -> memref<1664xi32, #tpu.memory_space<hbm>>
      tpu.wait_dma2 semaphore(%run_scoped3A : memref<!tpu.dma_semaphore, #tpu.memory_space<semaphore_mem>>) src(%dma_wait3A_1803 : memref<1664xi32, #tpu.memory_space<hbm>>) dst(%arg6 : memref<1664xi32, #tpu.memory_space<vmem>>)
      tpu.yield
    }) : () -> ()
    %scan3A = arith.constant 0 : i32
    %scan3A_5 = arith.constant 0 : i32
    %scan3A_6 = arith.constant 104 : i32
    %scan3A_7 = arith.addi %scan3A_5, %scan3A_6 : i32
    %scan3A_8 = arith.constant 1 : i32
    %scan3A_9 = scf.for %scan3A_1800 = %scan3A_5 to %scan3A_7 step %scan3A_8 iter_args(%scan3A_1801 = %scan3A) -> (i32)  : i32 {
      %mul3A_1802 = arith.constant 16 : i32
      %mul3A_1803 = arith.muli %scan3A_1800, %mul3A_1802 : i32
      %add3A_1804 = arith.addi %add3A_4, %mul3A_1803 : i32
      %rem3A = arith.constant 26 : i32
      %rem3A_1805 = arith.remsi %add3A_1804, %rem3A : i32
      %get3A = arith.index_cast %rem3A_1805 : i32 to index
      %get3A_1806 = tpu.vector_load %arg10[%get3A] {strides = array<i32>} : memref<64xi32, #tpu.memory_space<vmem>>, vector<16xi32>,
      %get3A_1807 = vector.shape_cast %get3A_1806 : vector<16xi32> to vector<16xi32>
      %mul3A_1808 = arith.constant 16 : i32
      %mul3A_1809 = arith.muli %scan3A_1800, %mul3A_1808 : i32
      %get3A_1810 = arith.index_cast %mul3A_1809 : i32 to index
      %get3A_1811 = tpu.vector_load %arg6[%get3A_1810] {strides = array<i32>} : memref<1664xi32, #tpu.memory_space<vmem>>, vector<16xi32>,
      %get3A_1812 = vector.shape_cast %get3A_1811 : vector<16xi32> to vector<16xi32>
      %add3A_1813 = arith.addi %get3A_1812, %get3A_1807 : vector<16xi32>
      %broadcast_in_dim3A = arith.constant 0 : i32
      %broadcast_in_dim3A_1814 = vector.broadcast %broadcast_in_dim3A : i32 to vector<16xi32>
      %ge3A = arith.constant 1310720 : i32
      %ge3A_1815 = vector.broadcast %ge3A : i32 to vector<16xi32>
      %ge3A_1816 = arith.cmpi sge, %add3A_1813, %ge3A_1815 : vector<16xi32>
      %add3A_1817 = arith.constant 2 : i32
      %add3A_1818 = vector.broadcast %add3A_1817 : i32 to vector<16xi32>
      %add3A_1819 = arith.addi %broadcast_in_dim3A_1814, %add3A_1818 : vector<16xi32>
      %select_n3A = arith.select %ge3A_1816, %add3A_1819, %broadcast_in_dim3A_1814 : vector<16xi1>, vector<16xi32>
      %mul3A_1820 = arith.constant 655360 : i32
      %mul3A_1821 = vector.broadcast %mul3A_1820 : i32 to vector<16xi32>
      %mul3A_1822 = arith.muli %select_n3A, %mul3A_1821 : vector<16xi32>
      %sub3A = arith.subi %add3A_1813, %mul3A_1822 : vector<16xi32>
      %ge3A_1823 = arith.constant 655360 : i32
      %ge3A_1824 = vector.broadcast %ge3A_1823 : i32 to vector<16xi32>
      %ge3A_1825 = arith.cmpi sge, %sub3A, %ge3A_1824 : vector<16xi32>
      %add3A_1826 = arith.constant 1 : i32
      %add3A_1827 = vector.broadcast %add3A_1826 : i32 to vector<16xi32>
      %add3A_1828 = arith.addi %broadcast_in_dim3A_1814, %add3A_1827 : vector<16xi32>
      %select_n3A_1829 = arith.select %ge3A_1825, %add3A_1828, %broadcast_in_dim3A_1814 : vector<16xi1>, vector<16xi32>
      %mul3A_1830 = arith.constant 655360 : i32
      %mul3A_1831 = vector.broadcast %mul3A_1830 : i32 to vector<16xi32>
      %mul3A_1832 = arith.muli %select_n3A_1829, %mul3A_1831 : vector<16xi32>
      %sub3A_1833 = arith.subi %sub3A, %mul3A_1832 : vector<16xi32>
      %mul3A_1834 = arith.constant 4 : i32
      %mul3A_1835 = vector.broadcast %mul3A_1834 : i32 to vector<16xi32>
      %mul3A_1836 = arith.muli %sub3A_1833, %mul3A_1835 : vector<16xi32>
      %add3A_1837 = arith.addi %mul3A_1836, %select_n3A : vector<16xi32>
      %add3A_1838 = arith.addi %add3A_1837, %select_n3A_1829 : vector<16xi32>
      %mul3A_1839 = arith.constant 16 : i32
      %mul3A_1840 = arith.muli %scan3A_1800, %mul3A_1839 : i32
      %swap3A = arith.index_cast %mul3A_1840 : i32 to index
      %swap3A_1841 = tpu.vector_load %arg6[%swap3A] {strides = array<i32>} : memref<1664xi32, #tpu.memory_space<vmem>>, vector<16xi32>,
      %swap3A_1842 = vector.shape_cast %swap3A_1841 : vector<16xi32> to vector<16xi32>
      %swap3A_1843 = vector.shape_cast %add3A_1838 : vector<16xi32> to vector<16xi32>
      tpu.vector_store %arg6[%swap3A], %swap3A_1843 {strides = array<i32>} : memref<1664xi32, #tpu.memory_space<vmem>>, vector<16xi32>,
      %scan3A_1844 = arith.constant 0 : i32
      scf.yield %scan3A_1844 : i32
    }
    %scan3A_10 = arith.constant 104 : i32
    %dma_start3A = arith.constant 0 : i32
    %dma_start3A_11 = arith.constant 0 : i32
    %dma_start3A_12 = tpu.memref_slice %arg8[%dma_start3A, %dma_start3A_11] : memref<1664x32xf32, #tpu.memory_space<vmem>> -> memref<128x32xf32, #tpu.memory_space<vmem>>
    %dma_start3A_13 = arith.constant 0 : i32
    %dma_start3A_14 = tpu.memref_slice %arg6[%dma_start3A_13] : memref<1664xi32, #tpu.memory_space<vmem>> -> memref<128xi32, #tpu.memory_space<vmem>>
    %dma_start3A_15 = arith.constant 0 : i32
    %dma_start3A_16 = arith.constant 0 : i32
    %dma_start3A_17 = tpu.memref_slice %arg3[%dma_start3A_15, %dma_start3A_16] : memref<2621440x32xf32, #tpu.memory_space<hbm>> -> memref<2621440x32xf32, #tpu.memory_space<hbm>>
    tpu.enqueue_indirect_dma source(%dma_start3A_17 : memref<2621440x32xf32, #tpu.memory_space<hbm>>) target(%dma_start3A_12 : memref<128x32xf32, #tpu.memory_space<vmem>>) offsets(%dma_start3A_14 : memref<128xi32, #tpu.memory_space<vmem>>) semaphore(%arg11 : memref<!tpu.dma_semaphore, #tpu.memory_space<semaphore_mem>>)
    %dma_start3A_18 = arith.constant 128 : i32
    %dma_start3A_19 = arith.constant 0 : i32
    %dma_start3A_20 = tpu.memref_slice %arg8[%dma_start3A_18, %dma_start3A_19] : memref<1664x32xf32, #tpu.memory_space<vmem>> -> memref<128x32xf32, #tpu.memory_space<vmem>>
    %dma_start3A_21 = arith.constant 128 : i32
    %dma_start3A_22 = tpu.memref_slice %arg6[%dma_start3A_21] : memref<1664xi32, #tpu.memory_space<vmem>> -> memref<128xi32, #tpu.memory_space<vmem>>
    %dma_start3A_23 = arith.constant 0 : i32
    %dma_start3A_24 = arith.constant 0 : i32
    %dma_start3A_25 = tpu.memref_slice %arg3[%dma_start3A_23, %dma_start3A_24] : memref<2621440x32xf32, #tpu.memory_space<hbm>> -> memref<2621440x32xf32, #tpu.memory_space<hbm>>
    tpu.enqueue_indirect_dma source(%dma_start3A_25 : memref<2621440x32xf32, #tpu.memory_space<hbm>>) target(%dma_start3A_20 : memref<128x32xf32, #tpu.memory_space<vmem>>) offsets(%dma_start3A_22 : memref<128xi32, #tpu.memory_space<vmem>>) semaphore(%arg11 : memref<!tpu.dma_semaphore, #tpu.memory_space<semaphore_mem>>)
    %dma_start3A_26 = arith.constant 256 : i32
    %dma_start3A_27 = arith.constant 0 : i32
    %dma_start3A_28 = tpu.memref_slice %arg8[%dma_start3A_26, %dma_start3A_27] : memref<1664x32xf32, #tpu.memory_space<vmem>> -> memref<128x32xf32, #tpu.memory_space<vmem>>
    %dma_start3A_29 = arith.constant 256 : i32
    %dma_start3A_30 = tpu.memref_slice %arg6[%dma_start3A_29] : memref<1664xi32, #tpu.memory_space<vmem>> -> memref<128xi32, #tpu.memory_space<vmem>>
    %dma_start3A_31 = arith.constant 0 : i32
    %dma_start3A_32 = arith.constant 0 : i32
    %dma_start3A_33 = tpu.memref_slice %arg3[%dma_start3A_31, %dma_start3A_32] : memref<2621440x32xf32, #tpu.memory_space<hbm>> -> memref<2621440x32xf32, #tpu.memory_space<hbm>>
    tpu.enqueue_indirect_dma source(%dma_start3A_33 : memref<2621440x32xf32, #tpu.memory_space<hbm>>) target(%dma_start3A_28 : memref<128x32xf32, #tpu.memory_space<vmem>>) offsets(%dma_start3A_30 : memref<128xi32, #tpu.memory_space<vmem>>) semaphore(%arg11 : memref<!tpu.dma_semaphore, #tpu.memory_space<semaphore_mem>>)
    %dma_start3A_34 = arith.constant 384 : i32
    %dma_start3A_35 = arith.constant 0 : i32
    %dma_start3A_36 = tpu.memref_slice %arg8[%dma_start3A_34, %dma_start3A_35] : memref<1664x32xf32, #tpu.memory_space<vmem>> -> memref<128x32xf32, #tpu.memory_space<vmem>>
    %dma_start3A_37 = arith.constant 384 : i32
    %dma_start3A_38 = tpu.memref_slice %arg6[%dma_start3A_37] : memref<1664xi32, #tpu.memory_space<vmem>> -> memref<128xi32, #tpu.memory_space<vmem>>
    %dma_start3A_39 = arith.constant 0 : i32
    %dma_start3A_40 = arith.constant 0 : i32
    %dma_start3A_41 = tpu.memref_slice %arg3[%dma_start3A_39, %dma_start3A_40] : memref<2621440x32xf32, #tpu.memory_space<hbm>> -> memref<2621440x32xf32, #tpu.memory_space<hbm>>
    tpu.enqueue_indirect_dma source(%dma_start3A_41 : memref<2621440x32xf32, #tpu.memory_space<hbm>>) target(%dma_start3A_36 : memref<128x32xf32, #tpu.memory_space<vmem>>) offsets(%dma_start3A_38 : memref<128xi32, #tpu.memory_space<vmem>>) semaphore(%arg11 : memref<!tpu.dma_semaphore, #tpu.memory_space<semaphore_mem>>)
    %dma_start3A_42 = arith.constant 512 : i32
    %dma_start3A_43 = arith.constant 0 : i32
    %dma_start3A_44 = tpu.memref_slice %arg8[%dma_start3A_42, %dma_start3A_43] : memref<1664x32xf32, #tpu.memory_space<vmem>> -> memref<128x32xf32, #tpu.memory_space<vmem>>
    %dma_start3A_45 = arith.constant 512 : i32
    %dma_start3A_46 = tpu.memref_slice %arg6[%dma_start3A_45] : memref<1664xi32, #tpu.memory_space<vmem>> -> memref<128xi32, #tpu.memory_space<vmem>>
    %dma_start3A_47 = arith.constant 0 : i32
    %dma_start3A_48 = arith.constant 0 : i32
    %dma_start3A_49 = tpu.memref_slice %arg3[%dma_start3A_47, %dma_start3A_48] : memref<2621440x32xf32, #tpu.memory_space<hbm>> -> memref<2621440x32xf32, #tpu.memory_space<hbm>>
    tpu.enqueue_indirect_dma source(%dma_start3A_49 : memref<2621440x32xf32, #tpu.memory_space<hbm>>) target(%dma_start3A_44 : memref<128x32xf32, #tpu.memory_space<vmem>>) offsets(%dma_start3A_46 : memref<128xi32, #tpu.memory_space<vmem>>) semaphore(%arg11 : memref<!tpu.dma_semaphore, #tpu.memory_space<semaphore_mem>>)
    %dma_start3A_50 = arith.constant 640 : i32
    %dma_start3A_51 = arith.constant 0 : i32
    %dma_start3A_52 = tpu.memref_slice %arg8[%dma_start3A_50, %dma_start3A_51] : memref<1664x32xf32, #tpu.memory_space<vmem>> -> memref<128x32xf32, #tpu.memory_space<vmem>>
    %dma_start3A_53 = arith.constant 640 : i32
    %dma_start3A_54 = tpu.memref_slice %arg6[%dma_start3A_53] : memref<1664xi32, #tpu.memory_space<vmem>> -> memref<128xi32, #tpu.memory_space<vmem>>
    %dma_start3A_55 = arith.constant 0 : i32
    %dma_start3A_56 = arith.constant 0 : i32
    %dma_start3A_57 = tpu.memref_slice %arg3[%dma_start3A_55, %dma_start3A_56] : memref<2621440x32xf32, #tpu.memory_space<hbm>> -> memref<2621440x32xf32, #tpu.memory_space<hbm>>
    tpu.enqueue_indirect_dma source(%dma_start3A_57 : memref<2621440x32xf32, #tpu.memory_space<hbm>>) target(%dma_start3A_52 : memref<128x32xf32, #tpu.memory_space<vmem>>) offsets(%dma_start3A_54 : memref<128xi32, #tpu.memory_space<vmem>>) semaphore(%arg11 : memref<!tpu.dma_semaphore, #tpu.memory_space<semaphore_mem>>)
    %dma_start3A_58 = arith.constant 768 : i32
    %dma_start3A_59 = arith.constant 0 : i32
    %dma_start3A_60 = tpu.memref_slice %arg8[%dma_start3A_58, %dma_start3A_59] : memref<1664x32xf32, #tpu.memory_space<vmem>> -> memref<128x32xf32, #tpu.memory_space<vmem>>
    %dma_start3A_61 = arith.constant 768 : i32
    %dma_start3A_62 = tpu.memref_slice %arg6[%dma_start3A_61] : memref<1664xi32, #tpu.memory_space<vmem>> -> memref<128xi32, #tpu.memory_space<vmem>>
    %dma_start3A_63 = arith.constant 0 : i32
    %dma_start3A_64 = arith.constant 0 : i32
    %dma_start3A_65 = tpu.memref_slice %arg3[%dma_start3A_63, %dma_start3A_64] : memref<2621440x32xf32, #tpu.memory_space<hbm>> -> memref<2621440x32xf32, #tpu.memory_space<hbm>>
    tpu.enqueue_indirect_dma source(%dma_start3A_65 : memref<2621440x32xf32, #tpu.memory_space<hbm>>) target(%dma_start3A_60 : memref<128x32xf32, #tpu.memory_space<vmem>>) offsets(%dma_start3A_62 : memref<128xi32, #tpu.memory_space<vmem>>) semaphore(%arg11 : memref<!tpu.dma_semaphore, #tpu.memory_space<semaphore_mem>>)
    %dma_start3A_66 = arith.constant 896 : i32
    %dma_start3A_67 = arith.constant 0 : i32
    %dma_start3A_68 = tpu.memref_slice %arg8[%dma_start3A_66, %dma_start3A_67] : memref<1664x32xf32, #tpu.memory_space<vmem>> -> memref<128x32xf32, #tpu.memory_space<vmem>>
    %dma_start3A_69 = arith.constant 896 : i32
    %dma_start3A_70 = tpu.memref_slice %arg6[%dma_start3A_69] : memref<1664xi32, #tpu.memory_space<vmem>> -> memref<128xi32, #tpu.memory_space<vmem>>
    %dma_start3A_71 = arith.constant 0 : i32
    %dma_start3A_72 = arith.constant 0 : i32
    %dma_start3A_73 = tpu.memref_slice %arg3[%dma_start3A_71, %dma_start3A_72] : memref<2621440x32xf32, #tpu.memory_space<hbm>> -> memref<2621440x32xf32, #tpu.memory_space<hbm>>
    tpu.enqueue_indirect_dma source(%dma_start3A_73 : memref<2621440x32xf32, #tpu.memory_space<hbm>>) target(%dma_start3A_68 : memref<128x32xf32, #tpu.memory_space<vmem>>) offsets(%dma_start3A_70 : memref<128xi32, #tpu.memory_space<vmem>>) semaphore(%arg11 : memref<!tpu.dma_semaphore, #tpu.memory_space<semaphore_mem>>)
    %dma_start3A_74 = arith.constant 1024 : i32
    %dma_start3A_75 = arith.constant 0 : i32
    %dma_start3A_76 = tpu.memref_slice %arg8[%dma_start3A_74, %dma_start3A_75] : memref<1664x32xf32, #tpu.memory_space<vmem>> -> memref<128x32xf32, #tpu.memory_space<vmem>>
    %dma_start3A_77 = arith.constant 1024 : i32
    %dma_start3A_78 = tpu.memref_slice %arg6[%dma_start3A_77] : memref<1664xi32, #tpu.memory_space<vmem>> -> memref<128xi32, #tpu.memory_space<vmem>>
    %dma_start3A_79 = arith.constant 0 : i32
    %dma_start3A_80 = arith.constant 0 : i32
    %dma_start3A_81 = tpu.memref_slice %arg3[%dma_start3A_79, %dma_start3A_80] : memref<2621440x32xf32, #tpu.memory_space<hbm>> -> memref<2621440x32xf32, #tpu.memory_space<hbm>>
    tpu.enqueue_indirect_dma source(%dma_start3A_81 : memref<2621440x32xf32, #tpu.memory_space<hbm>>) target(%dma_start3A_76 : memref<128x32xf32, #tpu.memory_space<vmem>>) offsets(%dma_start3A_78 : memref<128xi32, #tpu.memory_space<vmem>>) semaphore(%arg11 : memref<!tpu.dma_semaphore, #tpu.memory_space<semaphore_mem>>)
    %dma_start3A_82 = arith.constant 1152 : i32
    %dma_start3A_83 = arith.constant 0 : i32
    %dma_start3A_84 = tpu.memref_slice %arg8[%dma_start3A_82, %dma_start3A_83] : memref<1664x32xf32, #tpu.memory_space<vmem>> -> memref<128x32xf32, #tpu.memory_space<vmem>>
    %dma_start3A_85 = arith.constant 1152 : i32
    %dma_start3A_86 = tpu.memref_slice %arg6[%dma_start3A_85] : memref<1664xi32, #tpu.memory_space<vmem>> -> memref<128xi32, #tpu.memory_space<vmem>>
    %dma_start3A_87 = arith.constant 0 : i32
    %dma_start3A_88 = arith.constant 0 : i32
    %dma_start3A_89 = tpu.memref_slice %arg3[%dma_start3A_87, %dma_start3A_88] : memref<2621440x32xf32, #tpu.memory_space<hbm>> -> memref<2621440x32xf32, #tpu.memory_space<hbm>>
    tpu.enqueue_indirect_dma source(%dma_start3A_89 : memref<2621440x32xf32, #tpu.memory_space<hbm>>) target(%dma_start3A_84 : memref<128x32xf32, #tpu.memory_space<vmem>>) offsets(%dma_start3A_86 : memref<128xi32, #tpu.memory_space<vmem>>) semaphore(%arg11 : memref<!tpu.dma_semaphore, #tpu.memory_space<semaphore_mem>>)
    %dma_start3A_90 = arith.constant 1280 : i32
    %dma_start3A_91 = arith.constant 0 : i32
    %dma_start3A_92 = tpu.memref_slice %arg8[%dma_start3A_90, %dma_start3A_91] : memref<1664x32xf32, #tpu.memory_space<vmem>> -> memref<128x32xf32, #tpu.memory_space<vmem>>
    %dma_start3A_93 = arith.constant 1280 : i32
    %dma_start3A_94 = tpu.memref_slice %arg6[%dma_start3A_93] : memref<1664xi32, #tpu.memory_space<vmem>> -> memref<128xi32, #tpu.memory_space<vmem>>
    %dma_start3A_95 = arith.constant 0 : i32
    %dma_start3A_96 = arith.constant 0 : i32
    %dma_start3A_97 = tpu.memref_slice %arg3[%dma_start3A_95, %dma_start3A_96] : memref<2621440x32xf32, #tpu.memory_space<hbm>> -> memref<2621440x32xf32, #tpu.memory_space<hbm>>
    tpu.enqueue_indirect_dma source(%dma_start3A_97 : memref<2621440x32xf32, #tpu.memory_space<hbm>>) target(%dma_start3A_92 : memref<128x32xf32, #tpu.memory_space<vmem>>) offsets(%dma_start3A_94 : memref<128xi32, #tpu.memory_space<vmem>>) semaphore(%arg11 : memref<!tpu.dma_semaphore, #tpu.memory_space<semaphore_mem>>)
    %dma_start3A_98 = arith.constant 1408 : i32
    %dma_start3A_99 = arith.constant 0 : i32
    %dma_start3A_100 = tpu.memref_slice %arg8[%dma_start3A_98, %dma_start3A_99] : memref<1664x32xf32, #tpu.memory_space<vmem>> -> memref<128x32xf32, #tpu.memory_space<vmem>>
    %dma_start3A_101 = arith.constant 1408 : i32
    %dma_start3A_102 = tpu.memref_slice %arg6[%dma_start3A_101] : memref<1664xi32, #tpu.memory_space<vmem>> -> memref<128xi32, #tpu.memory_space<vmem>>
    %dma_start3A_103 = arith.constant 0 : i32
    %dma_start3A_104 = arith.constant 0 : i32
    %dma_start3A_105 = tpu.memref_slice %arg3[%dma_start3A_103, %dma_start3A_104] : memref<2621440x32xf32, #tpu.memory_space<hbm>> -> memref<2621440x32xf32, #tpu.memory_space<hbm>>
    tpu.enqueue_indirect_dma source(%dma_start3A_105 : memref<2621440x32xf32, #tpu.memory_space<hbm>>) target(%dma_start3A_100 : memref<128x32xf32, #tpu.memory_space<vmem>>) offsets(%dma_start3A_102 : memref<128xi32, #tpu.memory_space<vmem>>) semaphore(%arg11 : memref<!tpu.dma_semaphore, #tpu.memory_space<semaphore_mem>>)
    %dma_start3A_106 = arith.constant 1536 : i32
    %dma_start3A_107 = arith.constant 0 : i32
    %dma_start3A_108 = tpu.memref_slice %arg8[%dma_start3A_106, %dma_start3A_107] : memref<1664x32xf32, #tpu.memory_space<vmem>> -> memref<128x32xf32, #tpu.memory_space<vmem>>
    %dma_start3A_109 = arith.constant 1536 : i32
    %dma_start3A_110 = tpu.memref_slice %arg6[%dma_start3A_109] : memref<1664xi32, #tpu.memory_space<vmem>> -> memref<128xi32, #tpu.memory_space<vmem>>
    %dma_start3A_111 = arith.constant 0 : i32
    %dma_start3A_112 = arith.constant 0 : i32
    %dma_start3A_113 = tpu.memref_slice %arg3[%dma_start3A_111, %dma_start3A_112] : memref<2621440x32xf32, #tpu.memory_space<hbm>> -> memref<2621440x32xf32, #tpu.memory_space<hbm>>
    tpu.enqueue_indirect_dma source(%dma_start3A_113 : memref<2621440x32xf32, #tpu.memory_space<hbm>>) target(%dma_start3A_108 : memref<128x32xf32, #tpu.memory_space<vmem>>) offsets(%dma_start3A_110 : memref<128xi32, #tpu.memory_space<vmem>>) semaphore(%arg11 : memref<!tpu.dma_semaphore, #tpu.memory_space<semaphore_mem>>)
    %dma_wait3A = arith.constant 0 : i32
    %dma_wait3A_114 = arith.constant 0 : i32
    %dma_wait3A_115 = tpu.memref_slice %arg8[%dma_wait3A, %dma_wait3A_114] : memref<1664x32xf32, #tpu.memory_space<vmem>> -> memref<128x32xf32, #tpu.memory_space<vmem>>
    %dma_wait3A_116 = arith.constant 0 : i32
    %dma_wait3A_117 = tpu.memref_slice %arg6[%dma_wait3A_116] : memref<1664xi32, #tpu.memory_space<vmem>> -> memref<128xi32, #tpu.memory_space<vmem>>
    %dma_wait3A_118 = arith.constant 0 : i32
    %dma_wait3A_119 = arith.constant 0 : i32
    %dma_wait3A_120 = tpu.memref_slice %arg3[%dma_wait3A_118, %dma_wait3A_119] : memref<2621440x32xf32, #tpu.memory_space<hbm>> -> memref<2621440x32xf32, #tpu.memory_space<hbm>>
    tpu.wait_indirect_dma semaphore(%arg11 : memref<!tpu.dma_semaphore, #tpu.memory_space<semaphore_mem>>) src(%dma_wait3A_120 : memref<2621440x32xf32, #tpu.memory_space<hbm>>) dst(%dma_wait3A_115 : memref<128x32xf32, #tpu.memory_space<vmem>>)
    %dma_wait3A_121 = arith.constant 128 : i32
    %dma_wait3A_122 = arith.constant 0 : i32
    %dma_wait3A_123 = tpu.memref_slice %arg8[%dma_wait3A_121, %dma_wait3A_122] : memref<1664x32xf32, #tpu.memory_space<vmem>> -> memref<128x32xf32, #tpu.memory_space<vmem>>
    %dma_wait3A_124 = arith.constant 128 : i32
    %dma_wait3A_125 = tpu.memref_slice %arg6[%dma_wait3A_124] : memref<1664xi32, #tpu.memory_space<vmem>> -> memref<128xi32, #tpu.memory_space<vmem>>
    %dma_wait3A_126 = arith.constant 0 : i32
    %dma_wait3A_127 = arith.constant 0 : i32
    %dma_wait3A_128 = tpu.memref_slice %arg3[%dma_wait3A_126, %dma_wait3A_127] : memref<2621440x32xf32, #tpu.memory_space<hbm>> -> memref<2621440x32xf32, #tpu.memory_space<hbm>>
    tpu.wait_indirect_dma semaphore(%arg11 : memref<!tpu.dma_semaphore, #tpu.memory_space<semaphore_mem>>) src(%dma_wait3A_128 : memref<2621440x32xf32, #tpu.memory_space<hbm>>) dst(%dma_wait3A_123 : memref<128x32xf32, #tpu.memory_space<vmem>>)
    %dma_wait3A_129 = arith.constant 256 : i32
    %dma_wait3A_130 = arith.constant 0 : i32
    %dma_wait3A_131 = tpu.memref_slice %arg8[%dma_wait3A_129, %dma_wait3A_130] : memref<1664x32xf32, #tpu.memory_space<vmem>> -> memref<128x32xf32, #tpu.memory_space<vmem>>
    %dma_wait3A_132 = arith.constant 256 : i32
    %dma_wait3A_133 = tpu.memref_slice %arg6[%dma_wait3A_132] : memref<1664xi32, #tpu.memory_space<vmem>> -> memref<128xi32, #tpu.memory_space<vmem>>
    %dma_wait3A_134 = arith.constant 0 : i32
    %dma_wait3A_135 = arith.constant 0 : i32
    %dma_wait3A_136 = tpu.memref_slice %arg3[%dma_wait3A_134, %dma_wait3A_135] : memref<2621440x32xf32, #tpu.memory_space<hbm>> -> memref<2621440x32xf32, #tpu.memory_space<hbm>>
    tpu.wait_indirect_dma semaphore(%arg11 : memref<!tpu.dma_semaphore, #tpu.memory_space<semaphore_mem>>) src(%dma_wait3A_136 : memref<2621440x32xf32, #tpu.memory_space<hbm>>) dst(%dma_wait3A_131 : memref<128x32xf32, #tpu.memory_space<vmem>>)
    %dma_wait3A_137 = arith.constant 384 : i32
    %dma_wait3A_138 = arith.constant 0 : i32
    %dma_wait3A_139 = tpu.memref_slice %arg8[%dma_wait3A_137, %dma_wait3A_138] : memref<1664x32xf32, #tpu.memory_space<vmem>> -> memref<128x32xf32, #tpu.memory_space<vmem>>
    %dma_wait3A_140 = arith.constant 384 : i32
    %dma_wait3A_141 = tpu.memref_slice %arg6[%dma_wait3A_140] : memref<1664xi32, #tpu.memory_space<vmem>> -> memref<128xi32, #tpu.memory_space<vmem>>
    %dma_wait3A_142 = arith.constant 0 : i32
    %dma_wait3A_143 = arith.constant 0 : i32
    %dma_wait3A_144 = tpu.memref_slice %arg3[%dma_wait3A_142, %dma_wait3A_143] : memref<2621440x32xf32, #tpu.memory_space<hbm>> -> memref<2621440x32xf32, #tpu.memory_space<hbm>>
    tpu.wait_indirect_dma semaphore(%arg11 : memref<!tpu.dma_semaphore, #tpu.memory_space<semaphore_mem>>) src(%dma_wait3A_144 : memref<2621440x32xf32, #tpu.memory_space<hbm>>) dst(%dma_wait3A_139 : memref<128x32xf32, #tpu.memory_space<vmem>>)
    %dma_wait3A_145 = arith.constant 512 : i32
    %dma_wait3A_146 = arith.constant 0 : i32
    %dma_wait3A_147 = tpu.memref_slice %arg8[%dma_wait3A_145, %dma_wait3A_146] : memref<1664x32xf32, #tpu.memory_space<vmem>> -> memref<128x32xf32, #tpu.memory_space<vmem>>
    %dma_wait3A_148 = arith.constant 512 : i32
    %dma_wait3A_149 = tpu.memref_slice %arg6[%dma_wait3A_148] : memref<1664xi32, #tpu.memory_space<vmem>> -> memref<128xi32, #tpu.memory_space<vmem>>
    %dma_wait3A_150 = arith.constant 0 : i32
    %dma_wait3A_151 = arith.constant 0 : i32
    %dma_wait3A_152 = tpu.memref_slice %arg3[%dma_wait3A_150, %dma_wait3A_151] : memref<2621440x32xf32, #tpu.memory_space<hbm>> -> memref<2621440x32xf32, #tpu.memory_space<hbm>>
    tpu.wait_indirect_dma semaphore(%arg11 : memref<!tpu.dma_semaphore, #tpu.memory_space<semaphore_mem>>) src(%dma_wait3A_152 : memref<2621440x32xf32, #tpu.memory_space<hbm>>) dst(%dma_wait3A_147 : memref<128x32xf32, #tpu.memory_space<vmem>>)
    %dma_wait3A_153 = arith.constant 640 : i32
    %dma_wait3A_154 = arith.constant 0 : i32
    %dma_wait3A_155 = tpu.memref_slice %arg8[%dma_wait3A_153, %dma_wait3A_154] : memref<1664x32xf32, #tpu.memory_space<vmem>> -> memref<128x32xf32, #tpu.memory_space<vmem>>
    %dma_wait3A_156 = arith.constant 640 : i32
    %dma_wait3A_157 = tpu.memref_slice %arg6[%dma_wait3A_156] : memref<1664xi32, #tpu.memory_space<vmem>> -> memref<128xi32, #tpu.memory_space<vmem>>
    %dma_wait3A_158 = arith.constant 0 : i32
    %dma_wait3A_159 = arith.constant 0 : i32
    %dma_wait3A_160 = tpu.memref_slice %arg3[%dma_wait3A_158, %dma_wait3A_159] : memref<2621440x32xf32, #tpu.memory_space<hbm>> -> memref<2621440x32xf32, #tpu.memory_space<hbm>>
    tpu.wait_indirect_dma semaphore(%arg11 : memref<!tpu.dma_semaphore, #tpu.memory_space<semaphore_mem>>) src(%dma_wait3A_160 : memref<2621440x32xf32, #tpu.memory_space<hbm>>) dst(%dma_wait3A_155 : memref<128x32xf32, #tpu.memory_space<vmem>>)
    %dma_wait3A_161 = arith.constant 768 : i32
    %dma_wait3A_162 = arith.constant 0 : i32
    %dma_wait3A_163 = tpu.memref_slice %arg8[%dma_wait3A_161, %dma_wait3A_162] : memref<1664x32xf32, #tpu.memory_space<vmem>> -> memref<128x32xf32, #tpu.memory_space<vmem>>
    %dma_wait3A_164 = arith.constant 768 : i32
    %dma_wait3A_165 = tpu.memref_slice %arg6[%dma_wait3A_164] : memref<1664xi32, #tpu.memory_space<vmem>> -> memref<128xi32, #tpu.memory_space<vmem>>
    %dma_wait3A_166 = arith.constant 0 : i32
    %dma_wait3A_167 = arith.constant 0 : i32
    %dma_wait3A_168 = tpu.memref_slice %arg3[%dma_wait3A_166, %dma_wait3A_167] : memref<2621440x32xf32, #tpu.memory_space<hbm>> -> memref<2621440x32xf32, #tpu.memory_space<hbm>>
    tpu.wait_indirect_dma semaphore(%arg11 : memref<!tpu.dma_semaphore, #tpu.memory_space<semaphore_mem>>) src(%dma_wait3A_168 : memref<2621440x32xf32, #tpu.memory_space<hbm>>) dst(%dma_wait3A_163 : memref<128x32xf32, #tpu.memory_space<vmem>>)
    %dma_wait3A_169 = arith.constant 896 : i32
    %dma_wait3A_170 = arith.constant 0 : i32
    %dma_wait3A_171 = tpu.memref_slice %arg8[%dma_wait3A_169, %dma_wait3A_170] : memref<1664x32xf32, #tpu.memory_space<vmem>> -> memref<128x32xf32, #tpu.memory_space<vmem>>
    %dma_wait3A_172 = arith.constant 896 : i32
    %dma_wait3A_173 = tpu.memref_slice %arg6[%dma_wait3A_172] : memref<1664xi32, #tpu.memory_space<vmem>> -> memref<128xi32, #tpu.memory_space<vmem>>
    %dma_wait3A_174 = arith.constant 0 : i32
    %dma_wait3A_175 = arith.constant 0 : i32
    %dma_wait3A_176 = tpu.memref_slice %arg3[%dma_wait3A_174, %dma_wait3A_175] : memref<2621440x32xf32, #tpu.memory_space<hbm>> -> memref<2621440x32xf32, #tpu.memory_space<hbm>>
    tpu.wait_indirect_dma semaphore(%arg11 : memref<!tpu.dma_semaphore, #tpu.memory_space<semaphore_mem>>) src(%dma_wait3A_176 : memref<2621440x32xf32, #tpu.memory_space<hbm>>) dst(%dma_wait3A_171 : memref<128x32xf32, #tpu.memory_space<vmem>>)
    %dma_wait3A_177 = arith.constant 1024 : i32
    %dma_wait3A_178 = arith.constant 0 : i32
    %dma_wait3A_179 = tpu.memref_slice %arg8[%dma_wait3A_177, %dma_wait3A_178] : memref<1664x32xf32, #tpu.memory_space<vmem>> -> memref<128x32xf32, #tpu.memory_space<vmem>>
    %dma_wait3A_180 = arith.constant 1024 : i32
    %dma_wait3A_181 = tpu.memref_slice %arg6[%dma_wait3A_180] : memref<1664xi32, #tpu.memory_space<vmem>> -> memref<128xi32, #tpu.memory_space<vmem>>
    %dma_wait3A_182 = arith.constant 0 : i32
    %dma_wait3A_183 = arith.constant 0 : i32
    %dma_wait3A_184 = tpu.memref_slice %arg3[%dma_wait3A_182, %dma_wait3A_183] : memref<2621440x32xf32, #tpu.memory_space<hbm>> -> memref<2621440x32xf32, #tpu.memory_space<hbm>>
    tpu.wait_indirect_dma semaphore(%arg11 : memref<!tpu.dma_semaphore, #tpu.memory_space<semaphore_mem>>) src(%dma_wait3A_184 : memref<2621440x32xf32, #tpu.memory_space<hbm>>) dst(%dma_wait3A_179 : memref<128x32xf32, #tpu.memory_space<vmem>>)
    %dma_wait3A_185 = arith.constant 1152 : i32
    %dma_wait3A_186 = arith.constant 0 : i32
    %dma_wait3A_187 = tpu.memref_slice %arg8[%dma_wait3A_185, %dma_wait3A_186] : memref<1664x32xf32, #tpu.memory_space<vmem>> -> memref<128x32xf32, #tpu.memory_space<vmem>>
    %dma_wait3A_188 = arith.constant 1152 : i32
    %dma_wait3A_189 = tpu.memref_slice %arg6[%dma_wait3A_188] : memref<1664xi32, #tpu.memory_space<vmem>> -> memref<128xi32, #tpu.memory_space<vmem>>
    %dma_wait3A_190 = arith.constant 0 : i32
    %dma_wait3A_191 = arith.constant 0 : i32
    %dma_wait3A_192 = tpu.memref_slice %arg3[%dma_wait3A_190, %dma_wait3A_191] : memref<2621440x32xf32, #tpu.memory_space<hbm>> -> memref<2621440x32xf32, #tpu.memory_space<hbm>>
    tpu.wait_indirect_dma semaphore(%arg11 : memref<!tpu.dma_semaphore, #tpu.memory_space<semaphore_mem>>) src(%dma_wait3A_192 : memref<2621440x32xf32, #tpu.memory_space<hbm>>) dst(%dma_wait3A_187 : memref<128x32xf32, #tpu.memory_space<vmem>>)
    %dma_wait3A_193 = arith.constant 1280 : i32
    %dma_wait3A_194 = arith.constant 0 : i32
    %dma_wait3A_195 = tpu.memref_slice %arg8[%dma_wait3A_193, %dma_wait3A_194] : memref<1664x32xf32, #tpu.memory_space<vmem>> -> memref<128x32xf32, #tpu.memory_space<vmem>>
    %dma_wait3A_196 = arith.constant 1280 : i32
    %dma_wait3A_197 = tpu.memref_slice %arg6[%dma_wait3A_196] : memref<1664xi32, #tpu.memory_space<vmem>> -> memref<128xi32, #tpu.memory_space<vmem>>
    %dma_wait3A_198 = arith.constant 0 : i32
    %dma_wait3A_199 = arith.constant 0 : i32
    %dma_wait3A_200 = tpu.memref_slice %arg3[%dma_wait3A_198, %dma_wait3A_199] : memref<2621440x32xf32, #tpu.memory_space<hbm>> -> memref<2621440x32xf32, #tpu.memory_space<hbm>>
    tpu.wait_indirect_dma semaphore(%arg11 : memref<!tpu.dma_semaphore, #tpu.memory_space<semaphore_mem>>) src(%dma_wait3A_200 : memref<2621440x32xf32, #tpu.memory_space<hbm>>) dst(%dma_wait3A_195 : memref<128x32xf32, #tpu.memory_space<vmem>>)
    %dma_wait3A_201 = arith.constant 1408 : i32
    %dma_wait3A_202 = arith.constant 0 : i32
    %dma_wait3A_203 = tpu.memref_slice %arg8[%dma_wait3A_201, %dma_wait3A_202] : memref<1664x32xf32, #tpu.memory_space<vmem>> -> memref<128x32xf32, #tpu.memory_space<vmem>>
    %dma_wait3A_204 = arith.constant 1408 : i32
    %dma_wait3A_205 = tpu.memref_slice %arg6[%dma_wait3A_204] : memref<1664xi32, #tpu.memory_space<vmem>> -> memref<128xi32, #tpu.memory_space<vmem>>
    %dma_wait3A_206 = arith.constant 0 : i32
    %dma_wait3A_207 = arith.constant 0 : i32
    %dma_wait3A_208 = tpu.memref_slice %arg3[%dma_wait3A_206, %dma_wait3A_207] : memref<2621440x32xf32, #tpu.memory_space<hbm>> -> memref<2621440x32xf32, #tpu.memory_space<hbm>>
    tpu.wait_indirect_dma semaphore(%arg11 : memref<!tpu.dma_semaphore, #tpu.memory_space<semaphore_mem>>) src(%dma_wait3A_208 : memref<2621440x32xf32, #tpu.memory_space<hbm>>) dst(%dma_wait3A_203 : memref<128x32xf32, #tpu.memory_space<vmem>>)
    %dma_wait3A_209 = arith.constant 1536 : i32
    %dma_wait3A_210 = arith.constant 0 : i32
    %dma_wait3A_211 = tpu.memref_slice %arg8[%dma_wait3A_209, %dma_wait3A_210] : memref<1664x32xf32, #tpu.memory_space<vmem>> -> memref<128x32xf32, #tpu.memory_space<vmem>>
    %dma_wait3A_212 = arith.constant 1536 : i32
    %dma_wait3A_213 = tpu.memref_slice %arg6[%dma_wait3A_212] : memref<1664xi32, #tpu.memory_space<vmem>> -> memref<128xi32, #tpu.memory_space<vmem>>
    %dma_wait3A_214 = arith.constant 0 : i32
    %dma_wait3A_215 = arith.constant 0 : i32
    %dma_wait3A_216 = tpu.memref_slice %arg3[%dma_wait3A_214, %dma_wait3A_215] : memref<2621440x32xf32, #tpu.memory_space<hbm>> -> memref<2621440x32xf32, #tpu.memory_space<hbm>>
    tpu.wait_indirect_dma semaphore(%arg11 : memref<!tpu.dma_semaphore, #tpu.memory_space<semaphore_mem>>) src(%dma_wait3A_216 : memref<2621440x32xf32, #tpu.memory_space<hbm>>) dst(%dma_wait3A_211 : memref<128x32xf32, #tpu.memory_space<vmem>>)
    %dma_start3A_217 = arith.constant 0 : i32
    %dma_start3A_218 = tpu.memref_slice %arg5[%add3A_4, %dma_start3A_217] : memref<425984x32xf32, #tpu.memory_space<hbm>> -> memref<1664x32xf32, #tpu.memory_space<hbm>>
    %dma_start3A_219 = arith.constant 0 : i32
    %dma_start3A_220 = tpu.memref_slice %arg5[%add3A_4, %dma_start3A_219] : memref<425984x32xf32, #tpu.memory_space<hbm>> -> memref<1664x32xf32, #tpu.memory_space<hbm>>
    tpu.enqueue_dma source(%arg8 : memref<1664x32xf32, #tpu.memory_space<vmem>>) target(%dma_start3A_220 : memref<1664x32xf32, #tpu.memory_space<hbm>>) target_semaphore(%arg12 : memref<!tpu.dma_semaphore, #tpu.memory_space<semaphore_mem>>)
    %add3A_221 = arith.constant 1664 : i32
    %add3A_222 = arith.addi %mul3A_2, %add3A_221 : i32
    "tpu.region"() ({
      %run_scoped3A = tpu.sem_alloc : memref<!tpu.dma_semaphore, #tpu.memory_space<semaphore_mem>>
      %dma_start3A_1800 = tpu.memref_slice %arg2[%add3A_222] : memref<425984xi32, #tpu.memory_space<hbm>> -> memref<1664xi32, #tpu.memory_space<hbm>>
      %dma_start3A_1801 = tpu.memref_slice %arg2[%add3A_222] : memref<425984xi32, #tpu.memory_space<hbm>> -> memref<1664xi32, #tpu.memory_space<hbm>>
      tpu.enqueue_dma source(%dma_start3A_1801 : memref<1664xi32, #tpu.memory_space<hbm>>) target(%arg7 : memref<1664xi32, #tpu.memory_space<vmem>>) target_semaphore(%run_scoped3A : memref<!tpu.dma_semaphore, #tpu.memory_space<semaphore_mem>>)
      %dma_wait3A_1802 = tpu.memref_slice %arg2[%add3A_222] : memref<425984xi32, #tpu.memory_space<hbm>> -> memref<1664xi32, #tpu.memory_space<hbm>>
      %dma_wait3A_1803 = tpu.memref_slice %arg2[%add3A_222] : memref<425984xi32, #tpu.memory_space<hbm>> -> memref<1664xi32, #tpu.memory_space<hbm>>
      tpu.wait_dma2 semaphore(%run_scoped3A : memref<!tpu.dma_semaphore, #tpu.memory_space<semaphore_mem>>) src(%dma_wait3A_1803 : memref<1664xi32, #tpu.memory_space<hbm>>) dst(%arg7 : memref<1664xi32, #tpu.memory_space<vmem>>)
      tpu.yield
    }) : () -> ()
    %scan3A_223 = arith.constant 0 : i32
    %scan3A_224 = arith.constant 0 : i32
    %scan3A_225 = arith.constant 104 : i32
    %scan3A_226 = arith.addi %scan3A_224, %scan3A_225 : i32
    %scan3A_227 = arith.constant 1 : i32
    %scan3A_228 = scf.for %scan3A_1800 = %scan3A_224 to %scan3A_226 step %scan3A_227 iter_args(%scan3A_1801 = %scan3A_223) -> (i32)  : i32 {
      %mul3A_1802 = arith.constant 16 : i32
      %mul3A_1803 = arith.muli %scan3A_1800, %mul3A_1802 : i32
      %add3A_1804 = arith.addi %add3A_222, %mul3A_1803 : i32
      %rem3A = arith.constant 26 : i32
      %rem3A_1805 = arith.remsi %add3A_1804, %rem3A : i32
      %get3A = arith.index_cast %rem3A_1805 : i32 to index
      %get3A_1806 = tpu.vector_load %arg10[%get3A] {strides = array<i32>} : memref<64xi32, #tpu.memory_space<vmem>>, vector<16xi32>,
      %get3A_1807 = vector.shape_cast %get3A_1806 : vector<16xi32> to vector<16xi32>
      %mul3A_1808 = arith.constant 16 : i32
      %mul3A_1809 = arith.muli %scan3A_1800, %mul3A_1808 : i32
      %get3A_1810 = arith.index_cast %mul3A_1809 : i32 to index
      %get3A_1811 = tpu.vector_load %arg7[%get3A_1810] {strides = array<i32>} : memref<1664xi32, #tpu.memory_space<vmem>>, vector<16xi32>,
      %get3A_1812 = vector.shape_cast %get3A_1811 : vector<16xi32> to vector<16xi32>
      %add3A_1813 = arith.addi %get3A_1812, %get3A_1807 : vector<16xi32>
      %broadcast_in_dim3A = arith.constant 0 : i32
      %broadcast_in_dim3A_1814 = vector.broadcast %broadcast_in_dim3A : i32 to vector<16xi32>
      %ge3A = arith.constant 1310720 : i32
      %ge3A_1815 = vector.broadcast %ge3A : i32 to vector<16xi32>
      %ge3A_1816 = arith.cmpi sge, %add3A_1813, %ge3A_1815 : vector<16xi32>
      %add3A_1817 = arith.constant 2 : i32
      %add3A_1818 = vector.broadcast %add3A_1817 : i32 to vector<16xi32>
      %add3A_1819 = arith.addi %broadcast_in_dim3A_1814, %add3A_1818 : vector<16xi32>
      %select_n3A = arith.select %ge3A_1816, %add3A_1819, %broadcast_in_dim3A_1814 : vector<16xi1>, vector<16xi32>
      %mul3A_1820 = arith.constant 655360 : i32
      %mul3A_1821 = vector.broadcast %mul3A_1820 : i32 to vector<16xi32>
      %mul3A_1822 = arith.muli %select_n3A, %mul3A_1821 : vector<16xi32>
      %sub3A = arith.subi %add3A_1813, %mul3A_1822 : vector<16xi32>
      %ge3A_1823 = arith.constant 655360 : i32
      %ge3A_1824 = vector.broadcast %ge3A_1823 : i32 to vector<16xi32>
      %ge3A_1825 = arith.cmpi sge, %sub3A, %ge3A_1824 : vector<16xi32>
      %add3A_1826 = arith.constant 1 : i32
      %add3A_1827 = vector.broadcast %add3A_1826 : i32 to vector<16xi32>
      %add3A_1828 = arith.addi %broadcast_in_dim3A_1814, %add3A_1827 : vector<16xi32>
      %select_n3A_1829 = arith.select %ge3A_1825, %add3A_1828, %broadcast_in_dim3A_1814 : vector<16xi1>, vector<16xi32>
      %mul3A_1830 = arith.constant 655360 : i32
      %mul3A_1831 = vector.broadcast %mul3A_1830 : i32 to vector<16xi32>
      %mul3A_1832 = arith.muli %select_n3A_1829, %mul3A_1831 : vector<16xi32>
      %sub3A_1833 = arith.subi %sub3A, %mul3A_1832 : vector<16xi32>
      %mul3A_1834 = arith.constant 4 : i32
      %mul3A_1835 = vector.broadcast %mul3A_1834 : i32 to vector<16xi32>
      %mul3A_1836 = arith.muli %sub3A_1833, %mul3A_1835 : vector<16xi32>
      %add3A_1837 = arith.addi %mul3A_1836, %select_n3A : vector<16xi32>
      %add3A_1838 = arith.addi %add3A_1837, %select_n3A_1829 : vector<16xi32>
      %mul3A_1839 = arith.constant 16 : i32
      %mul3A_1840 = arith.muli %scan3A_1800, %mul3A_1839 : i32
      %swap3A = arith.index_cast %mul3A_1840 : i32 to index
      %swap3A_1841 = tpu.vector_load %arg7[%swap3A] {strides = array<i32>} : memref<1664xi32, #tpu.memory_space<vmem>>, vector<16xi32>,
      %swap3A_1842 = vector.shape_cast %swap3A_1841 : vector<16xi32> to vector<16xi32>
      %swap3A_1843 = vector.shape_cast %add3A_1838 : vector<16xi32> to vector<16xi32>
      tpu.vector_store %arg7[%swap3A], %swap3A_1843 {strides = array<i32>} : memref<1664xi32, #tpu.memory_space<vmem>>, vector<16xi32>,
      %scan3A_1844 = arith.constant 0 : i32
      scf.yield %scan3A_1844 : i32
    }
    %scan3A_229 = arith.constant 104 : i32
    %dma_start3A_230 = arith.constant 0 : i32
    %dma_start3A_231 = arith.constant 0 : i32
    %dma_start3A_232 = tpu.memref_slice %arg9[%dma_start3A_230, %dma_start3A_231] : memref<1664x32xf32, #tpu.memory_space<vmem>> -> memref<128x32xf32, #tpu.memory_space<vmem>>
    %dma_start3A_233 = arith.constant 0 : i32
    %dma_start3A_234 = tpu.memref_slice %arg7[%dma_start3A_233] : memref<1664xi32, #tpu.memory_space<vmem>> -> memref<128xi32, #tpu.memory_space<vmem>>
    %dma_start3A_235 = arith.constant 0 : i32
    %dma_start3A_236 = arith.constant 0 : i32
    %dma_start3A_237 = tpu.memref_slice %arg3[%dma_start3A_235, %dma_start3A_236] : memref<2621440x32xf32, #tpu.memory_space<hbm>> -> memref<2621440x32xf32, #tpu.memory_space<hbm>>
    tpu.enqueue_indirect_dma source(%dma_start3A_237 : memref<2621440x32xf32, #tpu.memory_space<hbm>>) target(%dma_start3A_232 : memref<128x32xf32, #tpu.memory_space<vmem>>) offsets(%dma_start3A_234 : memref<128xi32, #tpu.memory_space<vmem>>) semaphore(%arg11 : memref<!tpu.dma_semaphore, #tpu.memory_space<semaphore_mem>>)
    %dma_start3A_238 = arith.constant 128 : i32
    %dma_start3A_239 = arith.constant 0 : i32
    %dma_start3A_240 = tpu.memref_slice %arg9[%dma_start3A_238, %dma_start3A_239] : memref<1664x32xf32, #tpu.memory_space<vmem>> -> memref<128x32xf32, #tpu.memory_space<vmem>>
    %dma_start3A_241 = arith.constant 128 : i32
    %dma_start3A_242 = tpu.memref_slice %arg7[%dma_start3A_241] : memref<1664xi32, #tpu.memory_space<vmem>> -> memref<128xi32, #tpu.memory_space<vmem>>
    %dma_start3A_243 = arith.constant 0 : i32
    %dma_start3A_244 = arith.constant 0 : i32
    %dma_start3A_245 = tpu.memref_slice %arg3[%dma_start3A_243, %dma_start3A_244] : memref<2621440x32xf32, #tpu.memory_space<hbm>> -> memref<2621440x32xf32, #tpu.memory_space<hbm>>
    tpu.enqueue_indirect_dma source(%dma_start3A_245 : memref<2621440x32xf32, #tpu.memory_space<hbm>>) target(%dma_start3A_240 : memref<128x32xf32, #tpu.memory_space<vmem>>) offsets(%dma_start3A_242 : memref<128xi32, #tpu.memory_space<vmem>>) semaphore(%arg11 : memref<!tpu.dma_semaphore, #tpu.memory_space<semaphore_mem>>)
    %dma_start3A_246 = arith.constant 256 : i32
    %dma_start3A_247 = arith.constant 0 : i32
    %dma_start3A_248 = tpu.memref_slice %arg9[%dma_start3A_246, %dma_start3A_247] : memref<1664x32xf32, #tpu.memory_space<vmem>> -> memref<128x32xf32, #tpu.memory_space<vmem>>
    %dma_start3A_249 = arith.constant 256 : i32
    %dma_start3A_250 = tpu.memref_slice %arg7[%dma_start3A_249] : memref<1664xi32, #tpu.memory_space<vmem>> -> memref<128xi32, #tpu.memory_space<vmem>>
    %dma_start3A_251 = arith.constant 0 : i32
    %dma_start3A_252 = arith.constant 0 : i32
    %dma_start3A_253 = tpu.memref_slice %arg3[%dma_start3A_251, %dma_start3A_252] : memref<2621440x32xf32, #tpu.memory_space<hbm>> -> memref<2621440x32xf32, #tpu.memory_space<hbm>>
    tpu.enqueue_indirect_dma source(%dma_start3A_253 : memref<2621440x32xf32, #tpu.memory_space<hbm>>) target(%dma_start3A_248 : memref<128x32xf32, #tpu.memory_space<vmem>>) offsets(%dma_start3A_250 : memref<128xi32, #tpu.memory_space<vmem>>) semaphore(%arg11 : memref<!tpu.dma_semaphore, #tpu.memory_space<semaphore_mem>>)
    %dma_start3A_254 = arith.constant 384 : i32
    %dma_start3A_255 = arith.constant 0 : i32
    %dma_start3A_256 = tpu.memref_slice %arg9[%dma_start3A_254, %dma_start3A_255] : memref<1664x32xf32, #tpu.memory_space<vmem>> -> memref<128x32xf32, #tpu.memory_space<vmem>>
    %dma_start3A_257 = arith.constant 384 : i32
    %dma_start3A_258 = tpu.memref_slice %arg7[%dma_start3A_257] : memref<1664xi32, #tpu.memory_space<vmem>> -> memref<128xi32, #tpu.memory_space<vmem>>
    %dma_start3A_259 = arith.constant 0 : i32
    %dma_start3A_260 = arith.constant 0 : i32
    %dma_start3A_261 = tpu.memref_slice %arg3[%dma_start3A_259, %dma_start3A_260] : memref<2621440x32xf32, #tpu.memory_space<hbm>> -> memref<2621440x32xf32, #tpu.memory_space<hbm>>
    tpu.enqueue_indirect_dma source(%dma_start3A_261 : memref<2621440x32xf32, #tpu.memory_space<hbm>>) target(%dma_start3A_256 : memref<128x32xf32, #tpu.memory_space<vmem>>) offsets(%dma_start3A_258 : memref<128xi32, #tpu.memory_space<vmem>>) semaphore(%arg11 : memref<!tpu.dma_semaphore, #tpu.memory_space<semaphore_mem>>)
    %dma_start3A_262 = arith.constant 512 : i32
    %dma_start3A_263 = arith.constant 0 : i32
    %dma_start3A_264 = tpu.memref_slice %arg9[%dma_start3A_262, %dma_start3A_263] : memref<1664x32xf32, #tpu.memory_space<vmem>> -> memref<128x32xf32, #tpu.memory_space<vmem>>
    %dma_start3A_265 = arith.constant 512 : i32
    %dma_start3A_266 = tpu.memref_slice %arg7[%dma_start3A_265] : memref<1664xi32, #tpu.memory_space<vmem>> -> memref<128xi32, #tpu.memory_space<vmem>>
    %dma_start3A_267 = arith.constant 0 : i32
    %dma_start3A_268 = arith.constant 0 : i32
    %dma_start3A_269 = tpu.memref_slice %arg3[%dma_start3A_267, %dma_start3A_268] : memref<2621440x32xf32, #tpu.memory_space<hbm>> -> memref<2621440x32xf32, #tpu.memory_space<hbm>>
    tpu.enqueue_indirect_dma source(%dma_start3A_269 : memref<2621440x32xf32, #tpu.memory_space<hbm>>) target(%dma_start3A_264 : memref<128x32xf32, #tpu.memory_space<vmem>>) offsets(%dma_start3A_266 : memref<128xi32, #tpu.memory_space<vmem>>) semaphore(%arg11 : memref<!tpu.dma_semaphore, #tpu.memory_space<semaphore_mem>>)
    %dma_start3A_270 = arith.constant 640 : i32
    %dma_start3A_271 = arith.constant 0 : i32
    %dma_start3A_272 = tpu.memref_slice %arg9[%dma_start3A_270, %dma_start3A_271] : memref<1664x32xf32, #tpu.memory_space<vmem>> -> memref<128x32xf32, #tpu.memory_space<vmem>>
    %dma_start3A_273 = arith.constant 640 : i32
    %dma_start3A_274 = tpu.memref_slice %arg7[%dma_start3A_273] : memref<1664xi32, #tpu.memory_space<vmem>> -> memref<128xi32, #tpu.memory_space<vmem>>
    %dma_start3A_275 = arith.constant 0 : i32
    %dma_start3A_276 = arith.constant 0 : i32
    %dma_start3A_277 = tpu.memref_slice %arg3[%dma_start3A_275, %dma_start3A_276] : memref<2621440x32xf32, #tpu.memory_space<hbm>> -> memref<2621440x32xf32, #tpu.memory_space<hbm>>
    tpu.enqueue_indirect_dma source(%dma_start3A_277 : memref<2621440x32xf32, #tpu.memory_space<hbm>>) target(%dma_start3A_272 : memref<128x32xf32, #tpu.memory_space<vmem>>) offsets(%dma_start3A_274 : memref<128xi32, #tpu.memory_space<vmem>>) semaphore(%arg11 : memref<!tpu.dma_semaphore, #tpu.memory_space<semaphore_mem>>)
    %dma_start3A_278 = arith.constant 768 : i32
    %dma_start3A_279 = arith.constant 0 : i32
    %dma_start3A_280 = tpu.memref_slice %arg9[%dma_start3A_278, %dma_start3A_279] : memref<1664x32xf32, #tpu.memory_space<vmem>> -> memref<128x32xf32, #tpu.memory_space<vmem>>
    %dma_start3A_281 = arith.constant 768 : i32
    %dma_start3A_282 = tpu.memref_slice %arg7[%dma_start3A_281] : memref<1664xi32, #tpu.memory_space<vmem>> -> memref<128xi32, #tpu.memory_space<vmem>>
    %dma_start3A_283 = arith.constant 0 : i32
    %dma_start3A_284 = arith.constant 0 : i32
    %dma_start3A_285 = tpu.memref_slice %arg3[%dma_start3A_283, %dma_start3A_284] : memref<2621440x32xf32, #tpu.memory_space<hbm>> -> memref<2621440x32xf32, #tpu.memory_space<hbm>>
    tpu.enqueue_indirect_dma source(%dma_start3A_285 : memref<2621440x32xf32, #tpu.memory_space<hbm>>) target(%dma_start3A_280 : memref<128x32xf32, #tpu.memory_space<vmem>>) offsets(%dma_start3A_282 : memref<128xi32, #tpu.memory_space<vmem>>) semaphore(%arg11 : memref<!tpu.dma_semaphore, #tpu.memory_space<semaphore_mem>>)
    %dma_start3A_286 = arith.constant 896 : i32
    %dma_start3A_287 = arith.constant 0 : i32
    %dma_start3A_288 = tpu.memref_slice %arg9[%dma_start3A_286, %dma_start3A_287] : memref<1664x32xf32, #tpu.memory_space<vmem>> -> memref<128x32xf32, #tpu.memory_space<vmem>>
    %dma_start3A_289 = arith.constant 896 : i32
    %dma_start3A_290 = tpu.memref_slice %arg7[%dma_start3A_289] : memref<1664xi32, #tpu.memory_space<vmem>> -> memref<128xi32, #tpu.memory_space<vmem>>
    %dma_start3A_291 = arith.constant 0 : i32
    %dma_start3A_292 = arith.constant 0 : i32
    %dma_start3A_293 = tpu.memref_slice %arg3[%dma_start3A_291, %dma_start3A_292] : memref<2621440x32xf32, #tpu.memory_space<hbm>> -> memref<2621440x32xf32, #tpu.memory_space<hbm>>
    tpu.enqueue_indirect_dma source(%dma_start3A_293 : memref<2621440x32xf32, #tpu.memory_space<hbm>>) target(%dma_start3A_288 : memref<128x32xf32, #tpu.memory_space<vmem>>) offsets(%dma_start3A_290 : memref<128xi32, #tpu.memory_space<vmem>>) semaphore(%arg11 : memref<!tpu.dma_semaphore, #tpu.memory_space<semaphore_mem>>)
    %dma_start3A_294 = arith.constant 1024 : i32
    %dma_start3A_295 = arith.constant 0 : i32
    %dma_start3A_296 = tpu.memref_slice %arg9[%dma_start3A_294, %dma_start3A_295] : memref<1664x32xf32, #tpu.memory_space<vmem>> -> memref<128x32xf32, #tpu.memory_space<vmem>>
    %dma_start3A_297 = arith.constant 1024 : i32
    %dma_start3A_298 = tpu.memref_slice %arg7[%dma_start3A_297] : memref<1664xi32, #tpu.memory_space<vmem>> -> memref<128xi32, #tpu.memory_space<vmem>>
    %dma_start3A_299 = arith.constant 0 : i32
    %dma_start3A_300 = arith.constant 0 : i32
    %dma_start3A_301 = tpu.memref_slice %arg3[%dma_start3A_299, %dma_start3A_300] : memref<2621440x32xf32, #tpu.memory_space<hbm>> -> memref<2621440x32xf32, #tpu.memory_space<hbm>>
    tpu.enqueue_indirect_dma source(%dma_start3A_301 : memref<2621440x32xf32, #tpu.memory_space<hbm>>) target(%dma_start3A_296 : memref<128x32xf32, #tpu.memory_space<vmem>>) offsets(%dma_start3A_298 : memref<128xi32, #tpu.memory_space<vmem>>) semaphore(%arg11 : memref<!tpu.dma_semaphore, #tpu.memory_space<semaphore_mem>>)
    %dma_start3A_302 = arith.constant 1152 : i32
    %dma_start3A_303 = arith.constant 0 : i32
    %dma_start3A_304 = tpu.memref_slice %arg9[%dma_start3A_302, %dma_start3A_303] : memref<1664x32xf32, #tpu.memory_space<vmem>> -> memref<128x32xf32, #tpu.memory_space<vmem>>
    %dma_start3A_305 = arith.constant 1152 : i32
    %dma_start3A_306 = tpu.memref_slice %arg7[%dma_start3A_305] : memref<1664xi32, #tpu.memory_space<vmem>> -> memref<128xi32, #tpu.memory_space<vmem>>
    %dma_start3A_307 = arith.constant 0 : i32
    %dma_start3A_308 = arith.constant 0 : i32
    %dma_start3A_309 = tpu.memref_slice %arg3[%dma_start3A_307, %dma_start3A_308] : memref<2621440x32xf32, #tpu.memory_space<hbm>> -> memref<2621440x32xf32, #tpu.memory_space<hbm>>
    tpu.enqueue_indirect_dma source(%dma_start3A_309 : memref<2621440x32xf32, #tpu.memory_space<hbm>>) target(%dma_start3A_304 : memref<128x32xf32, #tpu.memory_space<vmem>>) offsets(%dma_start3A_306 : memref<128xi32, #tpu.memory_space<vmem>>) semaphore(%arg11 : memref<!tpu.dma_semaphore, #tpu.memory_space<semaphore_mem>>)
    %dma_start3A_310 = arith.constant 1280 : i32
    %dma_start3A_311 = arith.constant 0 : i32
    %dma_start3A_312 = tpu.memref_slice %arg9[%dma_start3A_310, %dma_start3A_311] : memref<1664x32xf32, #tpu.memory_space<vmem>> -> memref<128x32xf32, #tpu.memory_space<vmem>>
    %dma_start3A_313 = arith.constant 1280 : i32
    %dma_start3A_314 = tpu.memref_slice %arg7[%dma_start3A_313] : memref<1664xi32, #tpu.memory_space<vmem>> -> memref<128xi32, #tpu.memory_space<vmem>>
    %dma_start3A_315 = arith.constant 0 : i32
    %dma_start3A_316 = arith.constant 0 : i32
    %dma_start3A_317 = tpu.memref_slice %arg3[%dma_start3A_315, %dma_start3A_316] : memref<2621440x32xf32, #tpu.memory_space<hbm>> -> memref<2621440x32xf32, #tpu.memory_space<hbm>>
    tpu.enqueue_indirect_dma source(%dma_start3A_317 : memref<2621440x32xf32, #tpu.memory_space<hbm>>) target(%dma_start3A_312 : memref<128x32xf32, #tpu.memory_space<vmem>>) offsets(%dma_start3A_314 : memref<128xi32, #tpu.memory_space<vmem>>) semaphore(%arg11 : memref<!tpu.dma_semaphore, #tpu.memory_space<semaphore_mem>>)
    %dma_start3A_318 = arith.constant 1408 : i32
    %dma_start3A_319 = arith.constant 0 : i32
    %dma_start3A_320 = tpu.memref_slice %arg9[%dma_start3A_318, %dma_start3A_319] : memref<1664x32xf32, #tpu.memory_space<vmem>> -> memref<128x32xf32, #tpu.memory_space<vmem>>
    %dma_start3A_321 = arith.constant 1408 : i32
    %dma_start3A_322 = tpu.memref_slice %arg7[%dma_start3A_321] : memref<1664xi32, #tpu.memory_space<vmem>> -> memref<128xi32, #tpu.memory_space<vmem>>
    %dma_start3A_323 = arith.constant 0 : i32
    %dma_start3A_324 = arith.constant 0 : i32
    %dma_start3A_325 = tpu.memref_slice %arg3[%dma_start3A_323, %dma_start3A_324] : memref<2621440x32xf32, #tpu.memory_space<hbm>> -> memref<2621440x32xf32, #tpu.memory_space<hbm>>
    tpu.enqueue_indirect_dma source(%dma_start3A_325 : memref<2621440x32xf32, #tpu.memory_space<hbm>>) target(%dma_start3A_320 : memref<128x32xf32, #tpu.memory_space<vmem>>) offsets(%dma_start3A_322 : memref<128xi32, #tpu.memory_space<vmem>>) semaphore(%arg11 : memref<!tpu.dma_semaphore, #tpu.memory_space<semaphore_mem>>)
    %dma_start3A_326 = arith.constant 1536 : i32
    %dma_start3A_327 = arith.constant 0 : i32
    %dma_start3A_328 = tpu.memref_slice %arg9[%dma_start3A_326, %dma_start3A_327] : memref<1664x32xf32, #tpu.memory_space<vmem>> -> memref<128x32xf32, #tpu.memory_space<vmem>>
    %dma_start3A_329 = arith.constant 1536 : i32
    %dma_start3A_330 = tpu.memref_slice %arg7[%dma_start3A_329] : memref<1664xi32, #tpu.memory_space<vmem>> -> memref<128xi32, #tpu.memory_space<vmem>>
    %dma_start3A_331 = arith.constant 0 : i32
    %dma_start3A_332 = arith.constant 0 : i32
    %dma_start3A_333 = tpu.memref_slice %arg3[%dma_start3A_331, %dma_start3A_332] : memref<2621440x32xf32, #tpu.memory_space<hbm>> -> memref<2621440x32xf32, #tpu.memory_space<hbm>>
    tpu.enqueue_indirect_dma source(%dma_start3A_333 : memref<2621440x32xf32, #tpu.memory_space<hbm>>) target(%dma_start3A_328 : memref<128x32xf32, #tpu.memory_space<vmem>>) offsets(%dma_start3A_330 : memref<128xi32, #tpu.memory_space<vmem>>) semaphore(%arg11 : memref<!tpu.dma_semaphore, #tpu.memory_space<semaphore_mem>>)
    %dma_wait3A_334 = arith.constant 0 : i32
    %dma_wait3A_335 = arith.constant 0 : i32
    %dma_wait3A_336 = tpu.memref_slice %arg9[%dma_wait3A_334, %dma_wait3A_335] : memref<1664x32xf32, #tpu.memory_space<vmem>> -> memref<128x32xf32, #tpu.memory_space<vmem>>
    %dma_wait3A_337 = arith.constant 0 : i32
    %dma_wait3A_338 = tpu.memref_slice %arg7[%dma_wait3A_337] : memref<1664xi32, #tpu.memory_space<vmem>> -> memref<128xi32, #tpu.memory_space<vmem>>
    %dma_wait3A_339 = arith.constant 0 : i32
    %dma_wait3A_340 = arith.constant 0 : i32
    %dma_wait3A_341 = tpu.memref_slice %arg3[%dma_wait3A_339, %dma_wait3A_340] : memref<2621440x32xf32, #tpu.memory_space<hbm>> -> memref<2621440x32xf32, #tpu.memory_space<hbm>>
    tpu.wait_indirect_dma semaphore(%arg11 : memref<!tpu.dma_semaphore, #tpu.memory_space<semaphore_mem>>) src(%dma_wait3A_341 : memref<2621440x32xf32, #tpu.memory_space<hbm>>) dst(%dma_wait3A_336 : memref<128x32xf32, #tpu.memory_space<vmem>>)
    %dma_wait3A_342 = arith.constant 128 : i32
    %dma_wait3A_343 = arith.constant 0 : i32
    %dma_wait3A_344 = tpu.memref_slice %arg9[%dma_wait3A_342, %dma_wait3A_343] : memref<1664x32xf32, #tpu.memory_space<vmem>> -> memref<128x32xf32, #tpu.memory_space<vmem>>
    %dma_wait3A_345 = arith.constant 128 : i32
    %dma_wait3A_346 = tpu.memref_slice %arg7[%dma_wait3A_345] : memref<1664xi32, #tpu.memory_space<vmem>> -> memref<128xi32, #tpu.memory_space<vmem>>
    %dma_wait3A_347 = arith.constant 0 : i32
    %dma_wait3A_348 = arith.constant 0 : i32
    %dma_wait3A_349 = tpu.memref_slice %arg3[%dma_wait3A_347, %dma_wait3A_348] : memref<2621440x32xf32, #tpu.memory_space<hbm>> -> memref<2621440x32xf32, #tpu.memory_space<hbm>>
    tpu.wait_indirect_dma semaphore(%arg11 : memref<!tpu.dma_semaphore, #tpu.memory_space<semaphore_mem>>) src(%dma_wait3A_349 : memref<2621440x32xf32, #tpu.memory_space<hbm>>) dst(%dma_wait3A_344 : memref<128x32xf32, #tpu.memory_space<vmem>>)
    %dma_wait3A_350 = arith.constant 256 : i32
    %dma_wait3A_351 = arith.constant 0 : i32
    %dma_wait3A_352 = tpu.memref_slice %arg9[%dma_wait3A_350, %dma_wait3A_351] : memref<1664x32xf32, #tpu.memory_space<vmem>> -> memref<128x32xf32, #tpu.memory_space<vmem>>
    %dma_wait3A_353 = arith.constant 256 : i32
    %dma_wait3A_354 = tpu.memref_slice %arg7[%dma_wait3A_353] : memref<1664xi32, #tpu.memory_space<vmem>> -> memref<128xi32, #tpu.memory_space<vmem>>
    %dma_wait3A_355 = arith.constant 0 : i32
    %dma_wait3A_356 = arith.constant 0 : i32
    %dma_wait3A_357 = tpu.memref_slice %arg3[%dma_wait3A_355, %dma_wait3A_356] : memref<2621440x32xf32, #tpu.memory_space<hbm>> -> memref<2621440x32xf32, #tpu.memory_space<hbm>>
    tpu.wait_indirect_dma semaphore(%arg11 : memref<!tpu.dma_semaphore, #tpu.memory_space<semaphore_mem>>) src(%dma_wait3A_357 : memref<2621440x32xf32, #tpu.memory_space<hbm>>) dst(%dma_wait3A_352 : memref<128x32xf32, #tpu.memory_space<vmem>>)
    %dma_wait3A_358 = arith.constant 384 : i32
    %dma_wait3A_359 = arith.constant 0 : i32
    %dma_wait3A_360 = tpu.memref_slice %arg9[%dma_wait3A_358, %dma_wait3A_359] : memref<1664x32xf32, #tpu.memory_space<vmem>> -> memref<128x32xf32, #tpu.memory_space<vmem>>
    %dma_wait3A_361 = arith.constant 384 : i32
    %dma_wait3A_362 = tpu.memref_slice %arg7[%dma_wait3A_361] : memref<1664xi32, #tpu.memory_space<vmem>> -> memref<128xi32, #tpu.memory_space<vmem>>
    %dma_wait3A_363 = arith.constant 0 : i32
    %dma_wait3A_364 = arith.constant 0 : i32
    %dma_wait3A_365 = tpu.memref_slice %arg3[%dma_wait3A_363, %dma_wait3A_364] : memref<2621440x32xf32, #tpu.memory_space<hbm>> -> memref<2621440x32xf32, #tpu.memory_space<hbm>>
    tpu.wait_indirect_dma semaphore(%arg11 : memref<!tpu.dma_semaphore, #tpu.memory_space<semaphore_mem>>) src(%dma_wait3A_365 : memref<2621440x32xf32, #tpu.memory_space<hbm>>) dst(%dma_wait3A_360 : memref<128x32xf32, #tpu.memory_space<vmem>>)
    %dma_wait3A_366 = arith.constant 512 : i32
    %dma_wait3A_367 = arith.constant 0 : i32
    %dma_wait3A_368 = tpu.memref_slice %arg9[%dma_wait3A_366, %dma_wait3A_367] : memref<1664x32xf32, #tpu.memory_space<vmem>> -> memref<128x32xf32, #tpu.memory_space<vmem>>
    %dma_wait3A_369 = arith.constant 512 : i32
    %dma_wait3A_370 = tpu.memref_slice %arg7[%dma_wait3A_369] : memref<1664xi32, #tpu.memory_space<vmem>> -> memref<128xi32, #tpu.memory_space<vmem>>
    %dma_wait3A_371 = arith.constant 0 : i32
    %dma_wait3A_372 = arith.constant 0 : i32
    %dma_wait3A_373 = tpu.memref_slice %arg3[%dma_wait3A_371, %dma_wait3A_372] : memref<2621440x32xf32, #tpu.memory_space<hbm>> -> memref<2621440x32xf32, #tpu.memory_space<hbm>>
    tpu.wait_indirect_dma semaphore(%arg11 : memref<!tpu.dma_semaphore, #tpu.memory_space<semaphore_mem>>) src(%dma_wait3A_373 : memref<2621440x32xf32, #tpu.memory_space<hbm>>) dst(%dma_wait3A_368 : memref<128x32xf32, #tpu.memory_space<vmem>>)
    %dma_wait3A_374 = arith.constant 640 : i32
    %dma_wait3A_375 = arith.constant 0 : i32
    %dma_wait3A_376 = tpu.memref_slice %arg9[%dma_wait3A_374, %dma_wait3A_375] : memref<1664x32xf32, #tpu.memory_space<vmem>> -> memref<128x32xf32, #tpu.memory_space<vmem>>
    %dma_wait3A_377 = arith.constant 640 : i32
    %dma_wait3A_378 = tpu.memref_slice %arg7[%dma_wait3A_377] : memref<1664xi32, #tpu.memory_space<vmem>> -> memref<128xi32, #tpu.memory_space<vmem>>
    %dma_wait3A_379 = arith.constant 0 : i32
    %dma_wait3A_380 = arith.constant 0 : i32
    %dma_wait3A_381 = tpu.memref_slice %arg3[%dma_wait3A_379, %dma_wait3A_380] : memref<2621440x32xf32, #tpu.memory_space<hbm>> -> memref<2621440x32xf32, #tpu.memory_space<hbm>>
    tpu.wait_indirect_dma semaphore(%arg11 : memref<!tpu.dma_semaphore, #tpu.memory_space<semaphore_mem>>) src(%dma_wait3A_381 : memref<2621440x32xf32, #tpu.memory_space<hbm>>) dst(%dma_wait3A_376 : memref<128x32xf32, #tpu.memory_space<vmem>>)
    %dma_wait3A_382 = arith.constant 768 : i32
    %dma_wait3A_383 = arith.constant 0 : i32
    %dma_wait3A_384 = tpu.memref_slice %arg9[%dma_wait3A_382, %dma_wait3A_383] : memref<1664x32xf32, #tpu.memory_space<vmem>> -> memref<128x32xf32, #tpu.memory_space<vmem>>
    %dma_wait3A_385 = arith.constant 768 : i32
    %dma_wait3A_386 = tpu.memref_slice %arg7[%dma_wait3A_385] : memref<1664xi32, #tpu.memory_space<vmem>> -> memref<128xi32, #tpu.memory_space<vmem>>
    %dma_wait3A_387 = arith.constant 0 : i32
    %dma_wait3A_388 = arith.constant 0 : i32
    %dma_wait3A_389 = tpu.memref_slice %arg3[%dma_wait3A_387, %dma_wait3A_388] : memref<2621440x32xf32, #tpu.memory_space<hbm>> -> memref<2621440x32xf32, #tpu.memory_space<hbm>>
    tpu.wait_indirect_dma semaphore(%arg11 : memref<!tpu.dma_semaphore, #tpu.memory_space<semaphore_mem>>) src(%dma_wait3A_389 : memref<2621440x32xf32, #tpu.memory_space<hbm>>) dst(%dma_wait3A_384 : memref<128x32xf32, #tpu.memory_space<vmem>>)
    %dma_wait3A_390 = arith.constant 896 : i32
    %dma_wait3A_391 = arith.constant 0 : i32
    %dma_wait3A_392 = tpu.memref_slice %arg9[%dma_wait3A_390, %dma_wait3A_391] : memref<1664x32xf32, #tpu.memory_space<vmem>> -> memref<128x32xf32, #tpu.memory_space<vmem>>
    %dma_wait3A_393 = arith.constant 896 : i32
    %dma_wait3A_394 = tpu.memref_slice %arg7[%dma_wait3A_393] : memref<1664xi32, #tpu.memory_space<vmem>> -> memref<128xi32, #tpu.memory_space<vmem>>
    %dma_wait3A_395 = arith.constant 0 : i32
    %dma_wait3A_396 = arith.constant 0 : i32
    %dma_wait3A_397 = tpu.memref_slice %arg3[%dma_wait3A_395, %dma_wait3A_396] : memref<2621440x32xf32, #tpu.memory_space<hbm>> -> memref<2621440x32xf32, #tpu.memory_space<hbm>>
    tpu.wait_indirect_dma semaphore(%arg11 : memref<!tpu.dma_semaphore, #tpu.memory_space<semaphore_mem>>) src(%dma_wait3A_397 : memref<2621440x32xf32, #tpu.memory_space<hbm>>) dst(%dma_wait3A_392 : memref<128x32xf32, #tpu.memory_space<vmem>>)
    %dma_wait3A_398 = arith.constant 1024 : i32
    %dma_wait3A_399 = arith.constant 0 : i32
    %dma_wait3A_400 = tpu.memref_slice %arg9[%dma_wait3A_398, %dma_wait3A_399] : memref<1664x32xf32, #tpu.memory_space<vmem>> -> memref<128x32xf32, #tpu.memory_space<vmem>>
    %dma_wait3A_401 = arith.constant 1024 : i32
    %dma_wait3A_402 = tpu.memref_slice %arg7[%dma_wait3A_401] : memref<1664xi32, #tpu.memory_space<vmem>> -> memref<128xi32, #tpu.memory_space<vmem>>
    %dma_wait3A_403 = arith.constant 0 : i32
    %dma_wait3A_404 = arith.constant 0 : i32
    %dma_wait3A_405 = tpu.memref_slice %arg3[%dma_wait3A_403, %dma_wait3A_404] : memref<2621440x32xf32, #tpu.memory_space<hbm>> -> memref<2621440x32xf32, #tpu.memory_space<hbm>>
    tpu.wait_indirect_dma semaphore(%arg11 : memref<!tpu.dma_semaphore, #tpu.memory_space<semaphore_mem>>) src(%dma_wait3A_405 : memref<2621440x32xf32, #tpu.memory_space<hbm>>) dst(%dma_wait3A_400 : memref<128x32xf32, #tpu.memory_space<vmem>>)
    %dma_wait3A_406 = arith.constant 1152 : i32
    %dma_wait3A_407 = arith.constant 0 : i32
    %dma_wait3A_408 = tpu.memref_slice %arg9[%dma_wait3A_406, %dma_wait3A_407] : memref<1664x32xf32, #tpu.memory_space<vmem>> -> memref<128x32xf32, #tpu.memory_space<vmem>>
    %dma_wait3A_409 = arith.constant 1152 : i32
    %dma_wait3A_410 = tpu.memref_slice %arg7[%dma_wait3A_409] : memref<1664xi32, #tpu.memory_space<vmem>> -> memref<128xi32, #tpu.memory_space<vmem>>
    %dma_wait3A_411 = arith.constant 0 : i32
    %dma_wait3A_412 = arith.constant 0 : i32
    %dma_wait3A_413 = tpu.memref_slice %arg3[%dma_wait3A_411, %dma_wait3A_412] : memref<2621440x32xf32, #tpu.memory_space<hbm>> -> memref<2621440x32xf32, #tpu.memory_space<hbm>>
    tpu.wait_indirect_dma semaphore(%arg11 : memref<!tpu.dma_semaphore, #tpu.memory_space<semaphore_mem>>) src(%dma_wait3A_413 : memref<2621440x32xf32, #tpu.memory_space<hbm>>) dst(%dma_wait3A_408 : memref<128x32xf32, #tpu.memory_space<vmem>>)
    %dma_wait3A_414 = arith.constant 1280 : i32
    %dma_wait3A_415 = arith.constant 0 : i32
    %dma_wait3A_416 = tpu.memref_slice %arg9[%dma_wait3A_414, %dma_wait3A_415] : memref<1664x32xf32, #tpu.memory_space<vmem>> -> memref<128x32xf32, #tpu.memory_space<vmem>>
    %dma_wait3A_417 = arith.constant 1280 : i32
    %dma_wait3A_418 = tpu.memref_slice %arg7[%dma_wait3A_417] : memref<1664xi32, #tpu.memory_space<vmem>> -> memref<128xi32, #tpu.memory_space<vmem>>
    %dma_wait3A_419 = arith.constant 0 : i32
    %dma_wait3A_420 = arith.constant 0 : i32
    %dma_wait3A_421 = tpu.memref_slice %arg3[%dma_wait3A_419, %dma_wait3A_420] : memref<2621440x32xf32, #tpu.memory_space<hbm>> -> memref<2621440x32xf32, #tpu.memory_space<hbm>>
    tpu.wait_indirect_dma semaphore(%arg11 : memref<!tpu.dma_semaphore, #tpu.memory_space<semaphore_mem>>) src(%dma_wait3A_421 : memref<2621440x32xf32, #tpu.memory_space<hbm>>) dst(%dma_wait3A_416 : memref<128x32xf32, #tpu.memory_space<vmem>>)
    %dma_wait3A_422 = arith.constant 1408 : i32
    %dma_wait3A_423 = arith.constant 0 : i32
    %dma_wait3A_424 = tpu.memref_slice %arg9[%dma_wait3A_422, %dma_wait3A_423] : memref<1664x32xf32, #tpu.memory_space<vmem>> -> memref<128x32xf32, #tpu.memory_space<vmem>>
    %dma_wait3A_425 = arith.constant 1408 : i32
    %dma_wait3A_426 = tpu.memref_slice %arg7[%dma_wait3A_425] : memref<1664xi32, #tpu.memory_space<vmem>> -> memref<128xi32, #tpu.memory_space<vmem>>
    %dma_wait3A_427 = arith.constant 0 : i32
    %dma_wait3A_428 = arith.constant 0 : i32
    %dma_wait3A_429 = tpu.memref_slice %arg3[%dma_wait3A_427, %dma_wait3A_428] : memref<2621440x32xf32, #tpu.memory_space<hbm>> -> memref<2621440x32xf32, #tpu.memory_space<hbm>>
    tpu.wait_indirect_dma semaphore(%arg11 : memref<!tpu.dma_semaphore, #tpu.memory_space<semaphore_mem>>) src(%dma_wait3A_429 : memref<2621440x32xf32, #tpu.memory_space<hbm>>) dst(%dma_wait3A_424 : memref<128x32xf32, #tpu.memory_space<vmem>>)
    %dma_wait3A_430 = arith.constant 1536 : i32
    %dma_wait3A_431 = arith.constant 0 : i32
    %dma_wait3A_432 = tpu.memref_slice %arg9[%dma_wait3A_430, %dma_wait3A_431] : memref<1664x32xf32, #tpu.memory_space<vmem>> -> memref<128x32xf32, #tpu.memory_space<vmem>>
    %dma_wait3A_433 = arith.constant 1536 : i32
    %dma_wait3A_434 = tpu.memref_slice %arg7[%dma_wait3A_433] : memref<1664xi32, #tpu.memory_space<vmem>> -> memref<128xi32, #tpu.memory_space<vmem>>
    %dma_wait3A_435 = arith.constant 0 : i32
    %dma_wait3A_436 = arith.constant 0 : i32
    %dma_wait3A_437 = tpu.memref_slice %arg3[%dma_wait3A_435, %dma_wait3A_436] : memref<2621440x32xf32, #tpu.memory_space<hbm>> -> memref<2621440x32xf32, #tpu.memory_space<hbm>>
    tpu.wait_indirect_dma semaphore(%arg11 : memref<!tpu.dma_semaphore, #tpu.memory_space<semaphore_mem>>) src(%dma_wait3A_437 : memref<2621440x32xf32, #tpu.memory_space<hbm>>) dst(%dma_wait3A_432 : memref<128x32xf32, #tpu.memory_space<vmem>>)
    %dma_start3A_438 = arith.constant 0 : i32
    %dma_start3A_439 = tpu.memref_slice %arg5[%add3A_222, %dma_start3A_438] : memref<425984x32xf32, #tpu.memory_space<hbm>> -> memref<1664x32xf32, #tpu.memory_space<hbm>>
    %dma_start3A_440 = arith.constant 0 : i32
    %dma_start3A_441 = tpu.memref_slice %arg5[%add3A_222, %dma_start3A_440] : memref<425984x32xf32, #tpu.memory_space<hbm>> -> memref<1664x32xf32, #tpu.memory_space<hbm>>
    tpu.enqueue_dma source(%arg9 : memref<1664x32xf32, #tpu.memory_space<vmem>>) target(%dma_start3A_441 : memref<1664x32xf32, #tpu.memory_space<hbm>>) target_semaphore(%arg12 : memref<!tpu.dma_semaphore, #tpu.memory_space<semaphore_mem>>)
    %dma_wait3A_442 = arith.constant 0 : i32
    %dma_wait3A_443 = tpu.memref_slice %arg5[%add3A_4, %dma_wait3A_442] : memref<425984x32xf32, #tpu.memory_space<hbm>> -> memref<1664x32xf32, #tpu.memory_space<hbm>>
    %dma_wait3A_444 = arith.constant 0 : i32
    %dma_wait3A_445 = tpu.memref_slice %arg5[%add3A_4, %dma_wait3A_444] : memref<425984x32xf32, #tpu.memory_space<hbm>> -> memref<1664x32xf32, #tpu.memory_space<hbm>>
    tpu.wait_dma2 semaphore(%arg12 : memref<!tpu.dma_semaphore, #tpu.memory_space<semaphore_mem>>) src(%arg8 : memref<1664x32xf32, #tpu.memory_space<vmem>>) dst(%dma_wait3A_445 : memref<1664x32xf32, #tpu.memory_space<hbm>>)
    %add3A_446 = arith.constant 3328 : i32
    %add3A_447 = arith.addi %mul3A_2, %add3A_446 : i32
    "tpu.region"() ({
      %run_scoped3A = tpu.sem_alloc : memref<!tpu.dma_semaphore, #tpu.memory_space<semaphore_mem>>
      %dma_start3A_1800 = tpu.memref_slice %arg2[%add3A_447] : memref<425984xi32, #tpu.memory_space<hbm>> -> memref<1664xi32, #tpu.memory_space<hbm>>
      %dma_start3A_1801 = tpu.memref_slice %arg2[%add3A_447] : memref<425984xi32, #tpu.memory_space<hbm>> -> memref<1664xi32, #tpu.memory_space<hbm>>
      tpu.enqueue_dma source(%dma_start3A_1801 : memref<1664xi32, #tpu.memory_space<hbm>>) target(%arg6 : memref<1664xi32, #tpu.memory_space<vmem>>) target_semaphore(%run_scoped3A : memref<!tpu.dma_semaphore, #tpu.memory_space<semaphore_mem>>)
      %dma_wait3A_1802 = tpu.memref_slice %arg2[%add3A_447] : memref<425984xi32, #tpu.memory_space<hbm>> -> memref<1664xi32, #tpu.memory_space<hbm>>
      %dma_wait3A_1803 = tpu.memref_slice %arg2[%add3A_447] : memref<425984xi32, #tpu.memory_space<hbm>> -> memref<1664xi32, #tpu.memory_space<hbm>>
      tpu.wait_dma2 semaphore(%run_scoped3A : memref<!tpu.dma_semaphore, #tpu.memory_space<semaphore_mem>>) src(%dma_wait3A_1803 : memref<1664xi32, #tpu.memory_space<hbm>>) dst(%arg6 : memref<1664xi32, #tpu.memory_space<vmem>>)
      tpu.yield
    }) : () -> ()
    %scan3A_448 = arith.constant 0 : i32
    %scan3A_449 = arith.constant 0 : i32
    %scan3A_450 = arith.constant 104 : i32
    %scan3A_451 = arith.addi %scan3A_449, %scan3A_450 : i32
    %scan3A_452 = arith.constant 1 : i32
    %scan3A_453 = scf.for %scan3A_1800 = %scan3A_449 to %scan3A_451 step %scan3A_452 iter_args(%scan3A_1801 = %scan3A_448) -> (i32)  : i32 {
      %mul3A_1802 = arith.constant 16 : i32
      %mul3A_1803 = arith.muli %scan3A_1800, %mul3A_1802 : i32
      %add3A_1804 = arith.addi %add3A_447, %mul3A_1803 : i32
      %rem3A = arith.constant 26 : i32
      %rem3A_1805 = arith.remsi %add3A_1804, %rem3A : i32
      %get3A = arith.index_cast %rem3A_1805 : i32 to index
      %get3A_1806 = tpu.vector_load %arg10[%get3A] {strides = array<i32>} : memref<64xi32, #tpu.memory_space<vmem>>, vector<16xi32>,
      %get3A_1807 = vector.shape_cast %get3A_1806 : vector<16xi32> to vector<16xi32>
      %mul3A_1808 = arith.constant 16 : i32
      %mul3A_1809 = arith.muli %scan3A_1800, %mul3A_1808 : i32
      %get3A_1810 = arith.index_cast %mul3A_1809 : i32 to index
      %get3A_1811 = tpu.vector_load %arg6[%get3A_1810] {strides = array<i32>} : memref<1664xi32, #tpu.memory_space<vmem>>, vector<16xi32>,
      %get3A_1812 = vector.shape_cast %get3A_1811 : vector<16xi32> to vector<16xi32>
      %add3A_1813 = arith.addi %get3A_1812, %get3A_1807 : vector<16xi32>
      %broadcast_in_dim3A = arith.constant 0 : i32
      %broadcast_in_dim3A_1814 = vector.broadcast %broadcast_in_dim3A : i32 to vector<16xi32>
      %ge3A = arith.constant 1310720 : i32
      %ge3A_1815 = vector.broadcast %ge3A : i32 to vector<16xi32>
      %ge3A_1816 = arith.cmpi sge, %add3A_1813, %ge3A_1815 : vector<16xi32>
      %add3A_1817 = arith.constant 2 : i32
      %add3A_1818 = vector.broadcast %add3A_1817 : i32 to vector<16xi32>
      %add3A_1819 = arith.addi %broadcast_in_dim3A_1814, %add3A_1818 : vector<16xi32>
      %select_n3A = arith.select %ge3A_1816, %add3A_1819, %broadcast_in_dim3A_1814 : vector<16xi1>, vector<16xi32>
      %mul3A_1820 = arith.constant 655360 : i32
      %mul3A_1821 = vector.broadcast %mul3A_1820 : i32 to vector<16xi32>
      %mul3A_1822 = arith.muli %select_n3A, %mul3A_1821 : vector<16xi32>
      %sub3A = arith.subi %add3A_1813, %mul3A_1822 : vector<16xi32>
      %ge3A_1823 = arith.constant 655360 : i32
      %ge3A_1824 = vector.broadcast %ge3A_1823 : i32 to vector<16xi32>
      %ge3A_1825 = arith.cmpi sge, %sub3A, %ge3A_1824 : vector<16xi32>
      %add3A_1826 = arith.constant 1 : i32
      %add3A_1827 = vector.broadcast %add3A_1826 : i32 to vector<16xi32>
      %add3A_1828 = arith.addi %broadcast_in_dim3A_1814, %add3A_1827 : vector<16xi32>
      %select_n3A_1829 = arith.select %ge3A_1825, %add3A_1828, %broadcast_in_dim3A_1814 : vector<16xi1>, vector<16xi32>
      %mul3A_1830 = arith.constant 655360 : i32
      %mul3A_1831 = vector.broadcast %mul3A_1830 : i32 to vector<16xi32>
      %mul3A_1832 = arith.muli %select_n3A_1829, %mul3A_1831 : vector<16xi32>
      %sub3A_1833 = arith.subi %sub3A, %mul3A_1832 : vector<16xi32>
      %mul3A_1834 = arith.constant 4 : i32
      %mul3A_1835 = vector.broadcast %mul3A_1834 : i32 to vector<16xi32>
      %mul3A_1836 = arith.muli %sub3A_1833, %mul3A_1835 : vector<16xi32>
      %add3A_1837 = arith.addi %mul3A_1836, %select_n3A : vector<16xi32>
      %add3A_1838 = arith.addi %add3A_1837, %select_n3A_1829 : vector<16xi32>
      %mul3A_1839 = arith.constant 16 : i32
      %mul3A_1840 = arith.muli %scan3A_1800, %mul3A_1839 : i32
      %swap3A = arith.index_cast %mul3A_1840 : i32 to index
      %swap3A_1841 = tpu.vector_load %arg6[%swap3A] {strides = array<i32>} : memref<1664xi32, #tpu.memory_space<vmem>>, vector<16xi32>,
      %swap3A_1842 = vector.shape_cast %swap3A_1841 : vector<16xi32> to vector<16xi32>
      %swap3A_1843 = vector.shape_cast %add3A_1838 : vector<16xi32> to vector<16xi32>
      tpu.vector_store %arg6[%swap3A], %swap3A_1843 {strides = array<i32>} : memref<1664xi32, #tpu.memory_space<vmem>>, vector<16xi32>,
      %scan3A_1844 = arith.constant 0 : i32
      scf.yield %scan3A_1844 : i32
    }
    %scan3A_454 = arith.constant 104 : i32
    %dma_start3A_455 = arith.constant 0 : i32
    %dma_start3A_456 = arith.constant 0 : i32
    %dma_start3A_457 = tpu.memref_slice %arg8[%dma_start3A_455, %dma_start3A_456] : memref<1664x32xf32, #tpu.memory_space<vmem>> -> memref<128x32xf32, #tpu.memory_space<vmem>>
    %dma_start3A_458 = arith.constant 0 : i32
    %dma_start3A_459 = tpu.memref_slice %arg6[%dma_start3A_458] : memref<1664xi32, #tpu.memory_space<vmem>> -> memref<128xi32, #tpu.memory_space<vmem>>
    %dma_start3A_460 = arith.constant 0 : i32
    %dma_start3A_461 = arith.constant 0 : i32
    %dma_start3A_462 = tpu.memref_slice %arg3[%dma_start3A_460, %dma_start3A_461] : memref<2621440x32xf32, #tpu.memory_space<hbm>> -> memref<2621440x32xf32, #tpu.memory_space<hbm>>
    tpu.enqueue_indirect_dma source(%dma_start3A_462 : memref<2621440x32xf32, #tpu.memory_space<hbm>>) target(%dma_start3A_457 : memref<128x32xf32, #tpu.memory_space<vmem>>) offsets(%dma_start3A_459 : memref<128xi32, #tpu.memory_space<vmem>>) semaphore(%arg11 : memref<!tpu.dma_semaphore, #tpu.memory_space<semaphore_mem>>)
    %dma_start3A_463 = arith.constant 128 : i32
    %dma_start3A_464 = arith.constant 0 : i32
    %dma_start3A_465 = tpu.memref_slice %arg8[%dma_start3A_463, %dma_start3A_464] : memref<1664x32xf32, #tpu.memory_space<vmem>> -> memref<128x32xf32, #tpu.memory_space<vmem>>
    %dma_start3A_466 = arith.constant 128 : i32
    %dma_start3A_467 = tpu.memref_slice %arg6[%dma_start3A_466] : memref<1664xi32, #tpu.memory_space<vmem>> -> memref<128xi32, #tpu.memory_space<vmem>>
    %dma_start3A_468 = arith.constant 0 : i32
    %dma_start3A_469 = arith.constant 0 : i32
    %dma_start3A_470 = tpu.memref_slice %arg3[%dma_start3A_468, %dma_start3A_469] : memref<2621440x32xf32, #tpu.memory_space<hbm>> -> memref<2621440x32xf32, #tpu.memory_space<hbm>>
    tpu.enqueue_indirect_dma source(%dma_start3A_470 : memref<2621440x32xf32, #tpu.memory_space<hbm>>) target(%dma_start3A_465 : memref<128x32xf32, #tpu.memory_space<vmem>>) offsets(%dma_start3A_467 : memref<128xi32, #tpu.memory_space<vmem>>) semaphore(%arg11 : memref<!tpu.dma_semaphore, #tpu.memory_space<semaphore_mem>>)
    %dma_start3A_471 = arith.constant 256 : i32
    %dma_start3A_472 = arith.constant 0 : i32
    %dma_start3A_473 = tpu.memref_slice %arg8[%dma_start3A_471, %dma_start3A_472] : memref<1664x32xf32, #tpu.memory_space<vmem>> -> memref<128x32xf32, #tpu.memory_space<vmem>>
    %dma_start3A_474 = arith.constant 256 : i32
    %dma_start3A_475 = tpu.memref_slice %arg6[%dma_start3A_474] : memref<1664xi32, #tpu.memory_space<vmem>> -> memref<128xi32, #tpu.memory_space<vmem>>
    %dma_start3A_476 = arith.constant 0 : i32
    %dma_start3A_477 = arith.constant 0 : i32
    %dma_start3A_478 = tpu.memref_slice %arg3[%dma_start3A_476, %dma_start3A_477] : memref<2621440x32xf32, #tpu.memory_space<hbm>> -> memref<2621440x32xf32, #tpu.memory_space<hbm>>
    tpu.enqueue_indirect_dma source(%dma_start3A_478 : memref<2621440x32xf32, #tpu.memory_space<hbm>>) target(%dma_start3A_473 : memref<128x32xf32, #tpu.memory_space<vmem>>) offsets(%dma_start3A_475 : memref<128xi32, #tpu.memory_space<vmem>>) semaphore(%arg11 : memref<!tpu.dma_semaphore, #tpu.memory_space<semaphore_mem>>)
    %dma_start3A_479 = arith.constant 384 : i32
    %dma_start3A_480 = arith.constant 0 : i32
    %dma_start3A_481 = tpu.memref_slice %arg8[%dma_start3A_479, %dma_start3A_480] : memref<1664x32xf32, #tpu.memory_space<vmem>> -> memref<128x32xf32, #tpu.memory_space<vmem>>
    %dma_start3A_482 = arith.constant 384 : i32
    %dma_start3A_483 = tpu.memref_slice %arg6[%dma_start3A_482] : memref<1664xi32, #tpu.memory_space<vmem>> -> memref<128xi32, #tpu.memory_space<vmem>>
    %dma_start3A_484 = arith.constant 0 : i32
    %dma_start3A_485 = arith.constant 0 : i32
    %dma_start3A_486 = tpu.memref_slice %arg3[%dma_start3A_484, %dma_start3A_485] : memref<2621440x32xf32, #tpu.memory_space<hbm>> -> memref<2621440x32xf32, #tpu.memory_space<hbm>>
    tpu.enqueue_indirect_dma source(%dma_start3A_486 : memref<2621440x32xf32, #tpu.memory_space<hbm>>) target(%dma_start3A_481 : memref<128x32xf32, #tpu.memory_space<vmem>>) offsets(%dma_start3A_483 : memref<128xi32, #tpu.memory_space<vmem>>) semaphore(%arg11 : memref<!tpu.dma_semaphore, #tpu.memory_space<semaphore_mem>>)
    %dma_start3A_487 = arith.constant 512 : i32
    %dma_start3A_488 = arith.constant 0 : i32
    %dma_start3A_489 = tpu.memref_slice %arg8[%dma_start3A_487, %dma_start3A_488] : memref<1664x32xf32, #tpu.memory_space<vmem>> -> memref<128x32xf32, #tpu.memory_space<vmem>>
    %dma_start3A_490 = arith.constant 512 : i32
    %dma_start3A_491 = tpu.memref_slice %arg6[%dma_start3A_490] : memref<1664xi32, #tpu.memory_space<vmem>> -> memref<128xi32, #tpu.memory_space<vmem>>
    %dma_start3A_492 = arith.constant 0 : i32
    %dma_start3A_493 = arith.constant 0 : i32
    %dma_start3A_494 = tpu.memref_slice %arg3[%dma_start3A_492, %dma_start3A_493] : memref<2621440x32xf32, #tpu.memory_space<hbm>> -> memref<2621440x32xf32, #tpu.memory_space<hbm>>
    tpu.enqueue_indirect_dma source(%dma_start3A_494 : memref<2621440x32xf32, #tpu.memory_space<hbm>>) target(%dma_start3A_489 : memref<128x32xf32, #tpu.memory_space<vmem>>) offsets(%dma_start3A_491 : memref<128xi32, #tpu.memory_space<vmem>>) semaphore(%arg11 : memref<!tpu.dma_semaphore, #tpu.memory_space<semaphore_mem>>)
    %dma_start3A_495 = arith.constant 640 : i32
    %dma_start3A_496 = arith.constant 0 : i32
    %dma_start3A_497 = tpu.memref_slice %arg8[%dma_start3A_495, %dma_start3A_496] : memref<1664x32xf32, #tpu.memory_space<vmem>> -> memref<128x32xf32, #tpu.memory_space<vmem>>
    %dma_start3A_498 = arith.constant 640 : i32
    %dma_start3A_499 = tpu.memref_slice %arg6[%dma_start3A_498] : memref<1664xi32, #tpu.memory_space<vmem>> -> memref<128xi32, #tpu.memory_space<vmem>>
    %dma_start3A_500 = arith.constant 0 : i32
    %dma_start3A_501 = arith.constant 0 : i32
    %dma_start3A_502 = tpu.memref_slice %arg3[%dma_start3A_500, %dma_start3A_501] : memref<2621440x32xf32, #tpu.memory_space<hbm>> -> memref<2621440x32xf32, #tpu.memory_space<hbm>>
    tpu.enqueue_indirect_dma source(%dma_start3A_502 : memref<2621440x32xf32, #tpu.memory_space<hbm>>) target(%dma_start3A_497 : memref<128x32xf32, #tpu.memory_space<vmem>>) offsets(%dma_start3A_499 : memref<128xi32, #tpu.memory_space<vmem>>) semaphore(%arg11 : memref<!tpu.dma_semaphore, #tpu.memory_space<semaphore_mem>>)
    %dma_start3A_503 = arith.constant 768 : i32
    %dma_start3A_504 = arith.constant 0 : i32
    %dma_start3A_505 = tpu.memref_slice %arg8[%dma_start3A_503, %dma_start3A_504] : memref<1664x32xf32, #tpu.memory_space<vmem>> -> memref<128x32xf32, #tpu.memory_space<vmem>>
    %dma_start3A_506 = arith.constant 768 : i32
    %dma_start3A_507 = tpu.memref_slice %arg6[%dma_start3A_506] : memref<1664xi32, #tpu.memory_space<vmem>> -> memref<128xi32, #tpu.memory_space<vmem>>
    %dma_start3A_508 = arith.constant 0 : i32
    %dma_start3A_509 = arith.constant 0 : i32
    %dma_start3A_510 = tpu.memref_slice %arg3[%dma_start3A_508, %dma_start3A_509] : memref<2621440x32xf32, #tpu.memory_space<hbm>> -> memref<2621440x32xf32, #tpu.memory_space<hbm>>
    tpu.enqueue_indirect_dma source(%dma_start3A_510 : memref<2621440x32xf32, #tpu.memory_space<hbm>>) target(%dma_start3A_505 : memref<128x32xf32, #tpu.memory_space<vmem>>) offsets(%dma_start3A_507 : memref<128xi32, #tpu.memory_space<vmem>>) semaphore(%arg11 : memref<!tpu.dma_semaphore, #tpu.memory_space<semaphore_mem>>)
    %dma_start3A_511 = arith.constant 896 : i32
    %dma_start3A_512 = arith.constant 0 : i32
    %dma_start3A_513 = tpu.memref_slice %arg8[%dma_start3A_511, %dma_start3A_512] : memref<1664x32xf32, #tpu.memory_space<vmem>> -> memref<128x32xf32, #tpu.memory_space<vmem>>
    %dma_start3A_514 = arith.constant 896 : i32
    %dma_start3A_515 = tpu.memref_slice %arg6[%dma_start3A_514] : memref<1664xi32, #tpu.memory_space<vmem>> -> memref<128xi32, #tpu.memory_space<vmem>>
    %dma_start3A_516 = arith.constant 0 : i32
    %dma_start3A_517 = arith.constant 0 : i32
    %dma_start3A_518 = tpu.memref_slice %arg3[%dma_start3A_516, %dma_start3A_517] : memref<2621440x32xf32, #tpu.memory_space<hbm>> -> memref<2621440x32xf32, #tpu.memory_space<hbm>>
    tpu.enqueue_indirect_dma source(%dma_start3A_518 : memref<2621440x32xf32, #tpu.memory_space<hbm>>) target(%dma_start3A_513 : memref<128x32xf32, #tpu.memory_space<vmem>>) offsets(%dma_start3A_515 : memref<128xi32, #tpu.memory_space<vmem>>) semaphore(%arg11 : memref<!tpu.dma_semaphore, #tpu.memory_space<semaphore_mem>>)
    %dma_start3A_519 = arith.constant 1024 : i32
    %dma_start3A_520 = arith.constant 0 : i32
    %dma_start3A_521 = tpu.memref_slice %arg8[%dma_start3A_519, %dma_start3A_520] : memref<1664x32xf32, #tpu.memory_space<vmem>> -> memref<128x32xf32, #tpu.memory_space<vmem>>
    %dma_start3A_522 = arith.constant 1024 : i32
    %dma_start3A_523 = tpu.memref_slice %arg6[%dma_start3A_522] : memref<1664xi32, #tpu.memory_space<vmem>> -> memref<128xi32, #tpu.memory_space<vmem>>
    %dma_start3A_524 = arith.constant 0 : i32
    %dma_start3A_525 = arith.constant 0 : i32
    %dma_start3A_526 = tpu.memref_slice %arg3[%dma_start3A_524, %dma_start3A_525] : memref<2621440x32xf32, #tpu.memory_space<hbm>> -> memref<2621440x32xf32, #tpu.memory_space<hbm>>
    tpu.enqueue_indirect_dma source(%dma_start3A_526 : memref<2621440x32xf32, #tpu.memory_space<hbm>>) target(%dma_start3A_521 : memref<128x32xf32, #tpu.memory_space<vmem>>) offsets(%dma_start3A_523 : memref<128xi32, #tpu.memory_space<vmem>>) semaphore(%arg11 : memref<!tpu.dma_semaphore, #tpu.memory_space<semaphore_mem>>)
    %dma_start3A_527 = arith.constant 1152 : i32
    %dma_start3A_528 = arith.constant 0 : i32
    %dma_start3A_529 = tpu.memref_slice %arg8[%dma_start3A_527, %dma_start3A_528] : memref<1664x32xf32, #tpu.memory_space<vmem>> -> memref<128x32xf32, #tpu.memory_space<vmem>>
    %dma_start3A_530 = arith.constant 1152 : i32
    %dma_start3A_531 = tpu.memref_slice %arg6[%dma_start3A_530] : memref<1664xi32, #tpu.memory_space<vmem>> -> memref<128xi32, #tpu.memory_space<vmem>>
    %dma_start3A_532 = arith.constant 0 : i32
    %dma_start3A_533 = arith.constant 0 : i32
    %dma_start3A_534 = tpu.memref_slice %arg3[%dma_start3A_532, %dma_start3A_533] : memref<2621440x32xf32, #tpu.memory_space<hbm>> -> memref<2621440x32xf32, #tpu.memory_space<hbm>>
    tpu.enqueue_indirect_dma source(%dma_start3A_534 : memref<2621440x32xf32, #tpu.memory_space<hbm>>) target(%dma_start3A_529 : memref<128x32xf32, #tpu.memory_space<vmem>>) offsets(%dma_start3A_531 : memref<128xi32, #tpu.memory_space<vmem>>) semaphore(%arg11 : memref<!tpu.dma_semaphore, #tpu.memory_space<semaphore_mem>>)
    %dma_start3A_535 = arith.constant 1280 : i32
    %dma_start3A_536 = arith.constant 0 : i32
    %dma_start3A_537 = tpu.memref_slice %arg8[%dma_start3A_535, %dma_start3A_536] : memref<1664x32xf32, #tpu.memory_space<vmem>> -> memref<128x32xf32, #tpu.memory_space<vmem>>
    %dma_start3A_538 = arith.constant 1280 : i32
    %dma_start3A_539 = tpu.memref_slice %arg6[%dma_start3A_538] : memref<1664xi32, #tpu.memory_space<vmem>> -> memref<128xi32, #tpu.memory_space<vmem>>
    %dma_start3A_540 = arith.constant 0 : i32
    %dma_start3A_541 = arith.constant 0 : i32
    %dma_start3A_542 = tpu.memref_slice %arg3[%dma_start3A_540, %dma_start3A_541] : memref<2621440x32xf32, #tpu.memory_space<hbm>> -> memref<2621440x32xf32, #tpu.memory_space<hbm>>
    tpu.enqueue_indirect_dma source(%dma_start3A_542 : memref<2621440x32xf32, #tpu.memory_space<hbm>>) target(%dma_start3A_537 : memref<128x32xf32, #tpu.memory_space<vmem>>) offsets(%dma_start3A_539 : memref<128xi32, #tpu.memory_space<vmem>>) semaphore(%arg11 : memref<!tpu.dma_semaphore, #tpu.memory_space<semaphore_mem>>)
    %dma_start3A_543 = arith.constant 1408 : i32
    %dma_start3A_544 = arith.constant 0 : i32
    %dma_start3A_545 = tpu.memref_slice %arg8[%dma_start3A_543, %dma_start3A_544] : memref<1664x32xf32, #tpu.memory_space<vmem>> -> memref<128x32xf32, #tpu.memory_space<vmem>>
    %dma_start3A_546 = arith.constant 1408 : i32
    %dma_start3A_547 = tpu.memref_slice %arg6[%dma_start3A_546] : memref<1664xi32, #tpu.memory_space<vmem>> -> memref<128xi32, #tpu.memory_space<vmem>>
    %dma_start3A_548 = arith.constant 0 : i32
    %dma_start3A_549 = arith.constant 0 : i32
    %dma_start3A_550 = tpu.memref_slice %arg3[%dma_start3A_548, %dma_start3A_549] : memref<2621440x32xf32, #tpu.memory_space<hbm>> -> memref<2621440x32xf32, #tpu.memory_space<hbm>>
    tpu.enqueue_indirect_dma source(%dma_start3A_550 : memref<2621440x32xf32, #tpu.memory_space<hbm>>) target(%dma_start3A_545 : memref<128x32xf32, #tpu.memory_space<vmem>>) offsets(%dma_start3A_547 : memref<128xi32, #tpu.memory_space<vmem>>) semaphore(%arg11 : memref<!tpu.dma_semaphore, #tpu.memory_space<semaphore_mem>>)
    %dma_start3A_551 = arith.constant 1536 : i32
    %dma_start3A_552 = arith.constant 0 : i32
    %dma_start3A_553 = tpu.memref_slice %arg8[%dma_start3A_551, %dma_start3A_552] : memref<1664x32xf32, #tpu.memory_space<vmem>> -> memref<128x32xf32, #tpu.memory_space<vmem>>
    %dma_start3A_554 = arith.constant 1536 : i32
    %dma_start3A_555 = tpu.memref_slice %arg6[%dma_start3A_554] : memref<1664xi32, #tpu.memory_space<vmem>> -> memref<128xi32, #tpu.memory_space<vmem>>
    %dma_start3A_556 = arith.constant 0 : i32
    %dma_start3A_557 = arith.constant 0 : i32
    %dma_start3A_558 = tpu.memref_slice %arg3[%dma_start3A_556, %dma_start3A_557] : memref<2621440x32xf32, #tpu.memory_space<hbm>> -> memref<2621440x32xf32, #tpu.memory_space<hbm>>
    tpu.enqueue_indirect_dma source(%dma_start3A_558 : memref<2621440x32xf32, #tpu.memory_space<hbm>>) target(%dma_start3A_553 : memref<128x32xf32, #tpu.memory_space<vmem>>) offsets(%dma_start3A_555 : memref<128xi32, #tpu.memory_space<vmem>>) semaphore(%arg11 : memref<!tpu.dma_semaphore, #tpu.memory_space<semaphore_mem>>)
    %dma_wait3A_559 = arith.constant 0 : i32
    %dma_wait3A_560 = arith.constant 0 : i32
    %dma_wait3A_561 = tpu.memref_slice %arg8[%dma_wait3A_559, %dma_wait3A_560] : memref<1664x32xf32, #tpu.memory_space<vmem>> -> memref<128x32xf32, #tpu.memory_space<vmem>>
    %dma_wait3A_562 = arith.constant 0 : i32
    %dma_wait3A_563 = tpu.memref_slice %arg6[%dma_wait3A_562] : memref<1664xi32, #tpu.memory_space<vmem>> -> memref<128xi32, #tpu.memory_space<vmem>>
    %dma_wait3A_564 = arith.constant 0 : i32
    %dma_wait3A_565 = arith.constant 0 : i32
    %dma_wait3A_566 = tpu.memref_slice %arg3[%dma_wait3A_564, %dma_wait3A_565] : memref<2621440x32xf32, #tpu.memory_space<hbm>> -> memref<2621440x32xf32, #tpu.memory_space<hbm>>
    tpu.wait_indirect_dma semaphore(%arg11 : memref<!tpu.dma_semaphore, #tpu.memory_space<semaphore_mem>>) src(%dma_wait3A_566 : memref<2621440x32xf32, #tpu.memory_space<hbm>>) dst(%dma_wait3A_561 : memref<128x32xf32, #tpu.memory_space<vmem>>)
    %dma_wait3A_567 = arith.constant 128 : i32
    %dma_wait3A_568 = arith.constant 0 : i32
    %dma_wait3A_569 = tpu.memref_slice %arg8[%dma_wait3A_567, %dma_wait3A_568] : memref<1664x32xf32, #tpu.memory_space<vmem>> -> memref<128x32xf32, #tpu.memory_space<vmem>>
    %dma_wait3A_570 = arith.constant 128 : i32
    %dma_wait3A_571 = tpu.memref_slice %arg6[%dma_wait3A_570] : memref<1664xi32, #tpu.memory_space<vmem>> -> memref<128xi32, #tpu.memory_space<vmem>>
    %dma_wait3A_572 = arith.constant 0 : i32
    %dma_wait3A_573 = arith.constant 0 : i32
    %dma_wait3A_574 = tpu.memref_slice %arg3[%dma_wait3A_572, %dma_wait3A_573] : memref<2621440x32xf32, #tpu.memory_space<hbm>> -> memref<2621440x32xf32, #tpu.memory_space<hbm>>
    tpu.wait_indirect_dma semaphore(%arg11 : memref<!tpu.dma_semaphore, #tpu.memory_space<semaphore_mem>>) src(%dma_wait3A_574 : memref<2621440x32xf32, #tpu.memory_space<hbm>>) dst(%dma_wait3A_569 : memref<128x32xf32, #tpu.memory_space<vmem>>)
    %dma_wait3A_575 = arith.constant 256 : i32
    %dma_wait3A_576 = arith.constant 0 : i32
    %dma_wait3A_577 = tpu.memref_slice %arg8[%dma_wait3A_575, %dma_wait3A_576] : memref<1664x32xf32, #tpu.memory_space<vmem>> -> memref<128x32xf32, #tpu.memory_space<vmem>>
    %dma_wait3A_578 = arith.constant 256 : i32
    %dma_wait3A_579 = tpu.memref_slice %arg6[%dma_wait3A_578] : memref<1664xi32, #tpu.memory_space<vmem>> -> memref<128xi32, #tpu.memory_space<vmem>>
    %dma_wait3A_580 = arith.constant 0 : i32
    %dma_wait3A_581 = arith.constant 0 : i32
    %dma_wait3A_582 = tpu.memref_slice %arg3[%dma_wait3A_580, %dma_wait3A_581] : memref<2621440x32xf32, #tpu.memory_space<hbm>> -> memref<2621440x32xf32, #tpu.memory_space<hbm>>
    tpu.wait_indirect_dma semaphore(%arg11 : memref<!tpu.dma_semaphore, #tpu.memory_space<semaphore_mem>>) src(%dma_wait3A_582 : memref<2621440x32xf32, #tpu.memory_space<hbm>>) dst(%dma_wait3A_577 : memref<128x32xf32, #tpu.memory_space<vmem>>)
    %dma_wait3A_583 = arith.constant 384 : i32
    %dma_wait3A_584 = arith.constant 0 : i32
    %dma_wait3A_585 = tpu.memref_slice %arg8[%dma_wait3A_583, %dma_wait3A_584] : memref<1664x32xf32, #tpu.memory_space<vmem>> -> memref<128x32xf32, #tpu.memory_space<vmem>>
    %dma_wait3A_586 = arith.constant 384 : i32
    %dma_wait3A_587 = tpu.memref_slice %arg6[%dma_wait3A_586] : memref<1664xi32, #tpu.memory_space<vmem>> -> memref<128xi32, #tpu.memory_space<vmem>>
    %dma_wait3A_588 = arith.constant 0 : i32
    %dma_wait3A_589 = arith.constant 0 : i32
    %dma_wait3A_590 = tpu.memref_slice %arg3[%dma_wait3A_588, %dma_wait3A_589] : memref<2621440x32xf32, #tpu.memory_space<hbm>> -> memref<2621440x32xf32, #tpu.memory_space<hbm>>
    tpu.wait_indirect_dma semaphore(%arg11 : memref<!tpu.dma_semaphore, #tpu.memory_space<semaphore_mem>>) src(%dma_wait3A_590 : memref<2621440x32xf32, #tpu.memory_space<hbm>>) dst(%dma_wait3A_585 : memref<128x32xf32, #tpu.memory_space<vmem>>)
    %dma_wait3A_591 = arith.constant 512 : i32
    %dma_wait3A_592 = arith.constant 0 : i32
    %dma_wait3A_593 = tpu.memref_slice %arg8[%dma_wait3A_591, %dma_wait3A_592] : memref<1664x32xf32, #tpu.memory_space<vmem>> -> memref<128x32xf32, #tpu.memory_space<vmem>>
    %dma_wait3A_594 = arith.constant 512 : i32
    %dma_wait3A_595 = tpu.memref_slice %arg6[%dma_wait3A_594] : memref<1664xi32, #tpu.memory_space<vmem>> -> memref<128xi32, #tpu.memory_space<vmem>>
    %dma_wait3A_596 = arith.constant 0 : i32
    %dma_wait3A_597 = arith.constant 0 : i32
    %dma_wait3A_598 = tpu.memref_slice %arg3[%dma_wait3A_596, %dma_wait3A_597] : memref<2621440x32xf32, #tpu.memory_space<hbm>> -> memref<2621440x32xf32, #tpu.memory_space<hbm>>
    tpu.wait_indirect_dma semaphore(%arg11 : memref<!tpu.dma_semaphore, #tpu.memory_space<semaphore_mem>>) src(%dma_wait3A_598 : memref<2621440x32xf32, #tpu.memory_space<hbm>>) dst(%dma_wait3A_593 : memref<128x32xf32, #tpu.memory_space<vmem>>)
    %dma_wait3A_599 = arith.constant 640 : i32
    %dma_wait3A_600 = arith.constant 0 : i32
    %dma_wait3A_601 = tpu.memref_slice %arg8[%dma_wait3A_599, %dma_wait3A_600] : memref<1664x32xf32, #tpu.memory_space<vmem>> -> memref<128x32xf32, #tpu.memory_space<vmem>>
    %dma_wait3A_602 = arith.constant 640 : i32
    %dma_wait3A_603 = tpu.memref_slice %arg6[%dma_wait3A_602] : memref<1664xi32, #tpu.memory_space<vmem>> -> memref<128xi32, #tpu.memory_space<vmem>>
    %dma_wait3A_604 = arith.constant 0 : i32
    %dma_wait3A_605 = arith.constant 0 : i32
    %dma_wait3A_606 = tpu.memref_slice %arg3[%dma_wait3A_604, %dma_wait3A_605] : memref<2621440x32xf32, #tpu.memory_space<hbm>> -> memref<2621440x32xf32, #tpu.memory_space<hbm>>
    tpu.wait_indirect_dma semaphore(%arg11 : memref<!tpu.dma_semaphore, #tpu.memory_space<semaphore_mem>>) src(%dma_wait3A_606 : memref<2621440x32xf32, #tpu.memory_space<hbm>>) dst(%dma_wait3A_601 : memref<128x32xf32, #tpu.memory_space<vmem>>)
    %dma_wait3A_607 = arith.constant 768 : i32
    %dma_wait3A_608 = arith.constant 0 : i32
    %dma_wait3A_609 = tpu.memref_slice %arg8[%dma_wait3A_607, %dma_wait3A_608] : memref<1664x32xf32, #tpu.memory_space<vmem>> -> memref<128x32xf32, #tpu.memory_space<vmem>>
    %dma_wait3A_610 = arith.constant 768 : i32
    %dma_wait3A_611 = tpu.memref_slice %arg6[%dma_wait3A_610] : memref<1664xi32, #tpu.memory_space<vmem>> -> memref<128xi32, #tpu.memory_space<vmem>>
    %dma_wait3A_612 = arith.constant 0 : i32
    %dma_wait3A_613 = arith.constant 0 : i32
    %dma_wait3A_614 = tpu.memref_slice %arg3[%dma_wait3A_612, %dma_wait3A_613] : memref<2621440x32xf32, #tpu.memory_space<hbm>> -> memref<2621440x32xf32, #tpu.memory_space<hbm>>
    tpu.wait_indirect_dma semaphore(%arg11 : memref<!tpu.dma_semaphore, #tpu.memory_space<semaphore_mem>>) src(%dma_wait3A_614 : memref<2621440x32xf32, #tpu.memory_space<hbm>>) dst(%dma_wait3A_609 : memref<128x32xf32, #tpu.memory_space<vmem>>)
    %dma_wait3A_615 = arith.constant 896 : i32
    %dma_wait3A_616 = arith.constant 0 : i32
    %dma_wait3A_617 = tpu.memref_slice %arg8[%dma_wait3A_615, %dma_wait3A_616] : memref<1664x32xf32, #tpu.memory_space<vmem>> -> memref<128x32xf32, #tpu.memory_space<vmem>>
    %dma_wait3A_618 = arith.constant 896 : i32
    %dma_wait3A_619 = tpu.memref_slice %arg6[%dma_wait3A_618] : memref<1664xi32, #tpu.memory_space<vmem>> -> memref<128xi32, #tpu.memory_space<vmem>>
    %dma_wait3A_620 = arith.constant 0 : i32
    %dma_wait3A_621 = arith.constant 0 : i32
    %dma_wait3A_622 = tpu.memref_slice %arg3[%dma_wait3A_620, %dma_wait3A_621] : memref<2621440x32xf32, #tpu.memory_space<hbm>> -> memref<2621440x32xf32, #tpu.memory_space<hbm>>
    tpu.wait_indirect_dma semaphore(%arg11 : memref<!tpu.dma_semaphore, #tpu.memory_space<semaphore_mem>>) src(%dma_wait3A_622 : memref<2621440x32xf32, #tpu.memory_space<hbm>>) dst(%dma_wait3A_617 : memref<128x32xf32, #tpu.memory_space<vmem>>)
    %dma_wait3A_623 = arith.constant 1024 : i32
    %dma_wait3A_624 = arith.constant 0 : i32
    %dma_wait3A_625 = tpu.memref_slice %arg8[%dma_wait3A_623, %dma_wait3A_624] : memref<1664x32xf32, #tpu.memory_space<vmem>> -> memref<128x32xf32, #tpu.memory_space<vmem>>
    %dma_wait3A_626 = arith.constant 1024 : i32
    %dma_wait3A_627 = tpu.memref_slice %arg6[%dma_wait3A_626] : memref<1664xi32, #tpu.memory_space<vmem>> -> memref<128xi32, #tpu.memory_space<vmem>>
    %dma_wait3A_628 = arith.constant 0 : i32
    %dma_wait3A_629 = arith.constant 0 : i32
    %dma_wait3A_630 = tpu.memref_slice %arg3[%dma_wait3A_628, %dma_wait3A_629] : memref<2621440x32xf32, #tpu.memory_space<hbm>> -> memref<2621440x32xf32, #tpu.memory_space<hbm>>
    tpu.wait_indirect_dma semaphore(%arg11 : memref<!tpu.dma_semaphore, #tpu.memory_space<semaphore_mem>>) src(%dma_wait3A_630 : memref<2621440x32xf32, #tpu.memory_space<hbm>>) dst(%dma_wait3A_625 : memref<128x32xf32, #tpu.memory_space<vmem>>)
    %dma_wait3A_631 = arith.constant 1152 : i32
    %dma_wait3A_632 = arith.constant 0 : i32
    %dma_wait3A_633 = tpu.memref_slice %arg8[%dma_wait3A_631, %dma_wait3A_632] : memref<1664x32xf32, #tpu.memory_space<vmem>> -> memref<128x32xf32, #tpu.memory_space<vmem>>
    %dma_wait3A_634 = arith.constant 1152 : i32
    %dma_wait3A_635 = tpu.memref_slice %arg6[%dma_wait3A_634] : memref<1664xi32, #tpu.memory_space<vmem>> -> memref<128xi32, #tpu.memory_space<vmem>>
    %dma_wait3A_636 = arith.constant 0 : i32
    %dma_wait3A_637 = arith.constant 0 : i32
    %dma_wait3A_638 = tpu.memref_slice %arg3[%dma_wait3A_636, %dma_wait3A_637] : memref<2621440x32xf32, #tpu.memory_space<hbm>> -> memref<2621440x32xf32, #tpu.memory_space<hbm>>
    tpu.wait_indirect_dma semaphore(%arg11 : memref<!tpu.dma_semaphore, #tpu.memory_space<semaphore_mem>>) src(%dma_wait3A_638 : memref<2621440x32xf32, #tpu.memory_space<hbm>>) dst(%dma_wait3A_633 : memref<128x32xf32, #tpu.memory_space<vmem>>)
    %dma_wait3A_639 = arith.constant 1280 : i32
    %dma_wait3A_640 = arith.constant 0 : i32
    %dma_wait3A_641 = tpu.memref_slice %arg8[%dma_wait3A_639, %dma_wait3A_640] : memref<1664x32xf32, #tpu.memory_space<vmem>> -> memref<128x32xf32, #tpu.memory_space<vmem>>
    %dma_wait3A_642 = arith.constant 1280 : i32
    %dma_wait3A_643 = tpu.memref_slice %arg6[%dma_wait3A_642] : memref<1664xi32, #tpu.memory_space<vmem>> -> memref<128xi32, #tpu.memory_space<vmem>>
    %dma_wait3A_644 = arith.constant 0 : i32
    %dma_wait3A_645 = arith.constant 0 : i32
    %dma_wait3A_646 = tpu.memref_slice %arg3[%dma_wait3A_644, %dma_wait3A_645] : memref<2621440x32xf32, #tpu.memory_space<hbm>> -> memref<2621440x32xf32, #tpu.memory_space<hbm>>
    tpu.wait_indirect_dma semaphore(%arg11 : memref<!tpu.dma_semaphore, #tpu.memory_space<semaphore_mem>>) src(%dma_wait3A_646 : memref<2621440x32xf32, #tpu.memory_space<hbm>>) dst(%dma_wait3A_641 : memref<128x32xf32, #tpu.memory_space<vmem>>)
    %dma_wait3A_647 = arith.constant 1408 : i32
    %dma_wait3A_648 = arith.constant 0 : i32
    %dma_wait3A_649 = tpu.memref_slice %arg8[%dma_wait3A_647, %dma_wait3A_648] : memref<1664x32xf32, #tpu.memory_space<vmem>> -> memref<128x32xf32, #tpu.memory_space<vmem>>
    %dma_wait3A_650 = arith.constant 1408 : i32
    %dma_wait3A_651 = tpu.memref_slice %arg6[%dma_wait3A_650] : memref<1664xi32, #tpu.memory_space<vmem>> -> memref<128xi32, #tpu.memory_space<vmem>>
    %dma_wait3A_652 = arith.constant 0 : i32
    %dma_wait3A_653 = arith.constant 0 : i32
    %dma_wait3A_654 = tpu.memref_slice %arg3[%dma_wait3A_652, %dma_wait3A_653] : memref<2621440x32xf32, #tpu.memory_space<hbm>> -> memref<2621440x32xf32, #tpu.memory_space<hbm>>
    tpu.wait_indirect_dma semaphore(%arg11 : memref<!tpu.dma_semaphore, #tpu.memory_space<semaphore_mem>>) src(%dma_wait3A_654 : memref<2621440x32xf32, #tpu.memory_space<hbm>>) dst(%dma_wait3A_649 : memref<128x32xf32, #tpu.memory_space<vmem>>)
    %dma_wait3A_655 = arith.constant 1536 : i32
    %dma_wait3A_656 = arith.constant 0 : i32
    %dma_wait3A_657 = tpu.memref_slice %arg8[%dma_wait3A_655, %dma_wait3A_656] : memref<1664x32xf32, #tpu.memory_space<vmem>> -> memref<128x32xf32, #tpu.memory_space<vmem>>
    %dma_wait3A_658 = arith.constant 1536 : i32
    %dma_wait3A_659 = tpu.memref_slice %arg6[%dma_wait3A_658] : memref<1664xi32, #tpu.memory_space<vmem>> -> memref<128xi32, #tpu.memory_space<vmem>>
    %dma_wait3A_660 = arith.constant 0 : i32
    %dma_wait3A_661 = arith.constant 0 : i32
    %dma_wait3A_662 = tpu.memref_slice %arg3[%dma_wait3A_660, %dma_wait3A_661] : memref<2621440x32xf32, #tpu.memory_space<hbm>> -> memref<2621440x32xf32, #tpu.memory_space<hbm>>
    tpu.wait_indirect_dma semaphore(%arg11 : memref<!tpu.dma_semaphore, #tpu.memory_space<semaphore_mem>>) src(%dma_wait3A_662 : memref<2621440x32xf32, #tpu.memory_space<hbm>>) dst(%dma_wait3A_657 : memref<128x32xf32, #tpu.memory_space<vmem>>)
    %dma_start3A_663 = arith.constant 0 : i32
    %dma_start3A_664 = tpu.memref_slice %arg5[%add3A_447, %dma_start3A_663] : memref<425984x32xf32, #tpu.memory_space<hbm>> -> memref<1664x32xf32, #tpu.memory_space<hbm>>
    %dma_start3A_665 = arith.constant 0 : i32
    %dma_start3A_666 = tpu.memref_slice %arg5[%add3A_447, %dma_start3A_665] : memref<425984x32xf32, #tpu.memory_space<hbm>> -> memref<1664x32xf32, #tpu.memory_space<hbm>>
    tpu.enqueue_dma source(%arg8 : memref<1664x32xf32, #tpu.memory_space<vmem>>) target(%dma_start3A_666 : memref<1664x32xf32, #tpu.memory_space<hbm>>) target_semaphore(%arg12 : memref<!tpu.dma_semaphore, #tpu.memory_space<semaphore_mem>>)
    %dma_wait3A_667 = arith.constant 0 : i32
    %dma_wait3A_668 = tpu.memref_slice %arg5[%add3A_222, %dma_wait3A_667] : memref<425984x32xf32, #tpu.memory_space<hbm>> -> memref<1664x32xf32, #tpu.memory_space<hbm>>
    %dma_wait3A_669 = arith.constant 0 : i32
    %dma_wait3A_670 = tpu.memref_slice %arg5[%add3A_222, %dma_wait3A_669] : memref<425984x32xf32, #tpu.memory_space<hbm>> -> memref<1664x32xf32, #tpu.memory_space<hbm>>
    tpu.wait_dma2 semaphore(%arg12 : memref<!tpu.dma_semaphore, #tpu.memory_space<semaphore_mem>>) src(%arg9 : memref<1664x32xf32, #tpu.memory_space<vmem>>) dst(%dma_wait3A_670 : memref<1664x32xf32, #tpu.memory_space<hbm>>)
    %add3A_671 = arith.constant 4992 : i32
    %add3A_672 = arith.addi %mul3A_2, %add3A_671 : i32
    "tpu.region"() ({
      %run_scoped3A = tpu.sem_alloc : memref<!tpu.dma_semaphore, #tpu.memory_space<semaphore_mem>>
      %dma_start3A_1800 = tpu.memref_slice %arg2[%add3A_672] : memref<425984xi32, #tpu.memory_space<hbm>> -> memref<1664xi32, #tpu.memory_space<hbm>>
      %dma_start3A_1801 = tpu.memref_slice %arg2[%add3A_672] : memref<425984xi32, #tpu.memory_space<hbm>> -> memref<1664xi32, #tpu.memory_space<hbm>>
      tpu.enqueue_dma source(%dma_start3A_1801 : memref<1664xi32, #tpu.memory_space<hbm>>) target(%arg7 : memref<1664xi32, #tpu.memory_space<vmem>>) target_semaphore(%run_scoped3A : memref<!tpu.dma_semaphore, #tpu.memory_space<semaphore_mem>>)
      %dma_wait3A_1802 = tpu.memref_slice %arg2[%add3A_672] : memref<425984xi32, #tpu.memory_space<hbm>> -> memref<1664xi32, #tpu.memory_space<hbm>>
      %dma_wait3A_1803 = tpu.memref_slice %arg2[%add3A_672] : memref<425984xi32, #tpu.memory_space<hbm>> -> memref<1664xi32, #tpu.memory_space<hbm>>
      tpu.wait_dma2 semaphore(%run_scoped3A : memref<!tpu.dma_semaphore, #tpu.memory_space<semaphore_mem>>) src(%dma_wait3A_1803 : memref<1664xi32, #tpu.memory_space<hbm>>) dst(%arg7 : memref<1664xi32, #tpu.memory_space<vmem>>)
      tpu.yield
    }) : () -> ()
    %scan3A_673 = arith.constant 0 : i32
    %scan3A_674 = arith.constant 0 : i32
    %scan3A_675 = arith.constant 104 : i32
    %scan3A_676 = arith.addi %scan3A_674, %scan3A_675 : i32
    %scan3A_677 = arith.constant 1 : i32
    %scan3A_678 = scf.for %scan3A_1800 = %scan3A_674 to %scan3A_676 step %scan3A_677 iter_args(%scan3A_1801 = %scan3A_673) -> (i32)  : i32 {
      %mul3A_1802 = arith.constant 16 : i32
      %mul3A_1803 = arith.muli %scan3A_1800, %mul3A_1802 : i32
      %add3A_1804 = arith.addi %add3A_672, %mul3A_1803 : i32
      %rem3A = arith.constant 26 : i32
      %rem3A_1805 = arith.remsi %add3A_1804, %rem3A : i32
      %get3A = arith.index_cast %rem3A_1805 : i32 to index
      %get3A_1806 = tpu.vector_load %arg10[%get3A] {strides = array<i32>} : memref<64xi32, #tpu.memory_space<vmem>>, vector<16xi32>,
      %get3A_1807 = vector.shape_cast %get3A_1806 : vector<16xi32> to vector<16xi32>
      %mul3A_1808 = arith.constant 16 : i32
      %mul3A_1809 = arith.muli %scan3A_1800, %mul3A_1808 : i32
      %get3A_1810 = arith.index_cast %mul3A_1809 : i32 to index
      %get3A_1811 = tpu.vector_load %arg7[%get3A_1810] {strides = array<i32>} : memref<1664xi32, #tpu.memory_space<vmem>>, vector<16xi32>,
      %get3A_1812 = vector.shape_cast %get3A_1811 : vector<16xi32> to vector<16xi32>
      %add3A_1813 = arith.addi %get3A_1812, %get3A_1807 : vector<16xi32>
      %broadcast_in_dim3A = arith.constant 0 : i32
      %broadcast_in_dim3A_1814 = vector.broadcast %broadcast_in_dim3A : i32 to vector<16xi32>
      %ge3A = arith.constant 1310720 : i32
      %ge3A_1815 = vector.broadcast %ge3A : i32 to vector<16xi32>
      %ge3A_1816 = arith.cmpi sge, %add3A_1813, %ge3A_1815 : vector<16xi32>
      %add3A_1817 = arith.constant 2 : i32
      %add3A_1818 = vector.broadcast %add3A_1817 : i32 to vector<16xi32>
      %add3A_1819 = arith.addi %broadcast_in_dim3A_1814, %add3A_1818 : vector<16xi32>
      %select_n3A = arith.select %ge3A_1816, %add3A_1819, %broadcast_in_dim3A_1814 : vector<16xi1>, vector<16xi32>
      %mul3A_1820 = arith.constant 655360 : i32
      %mul3A_1821 = vector.broadcast %mul3A_1820 : i32 to vector<16xi32>
      %mul3A_1822 = arith.muli %select_n3A, %mul3A_1821 : vector<16xi32>
      %sub3A = arith.subi %add3A_1813, %mul3A_1822 : vector<16xi32>
      %ge3A_1823 = arith.constant 655360 : i32
      %ge3A_1824 = vector.broadcast %ge3A_1823 : i32 to vector<16xi32>
      %ge3A_1825 = arith.cmpi sge, %sub3A, %ge3A_1824 : vector<16xi32>
      %add3A_1826 = arith.constant 1 : i32
      %add3A_1827 = vector.broadcast %add3A_1826 : i32 to vector<16xi32>
      %add3A_1828 = arith.addi %broadcast_in_dim3A_1814, %add3A_1827 : vector<16xi32>
      %select_n3A_1829 = arith.select %ge3A_1825, %add3A_1828, %broadcast_in_dim3A_1814 : vector<16xi1>, vector<16xi32>
      %mul3A_1830 = arith.constant 655360 : i32
      %mul3A_1831 = vector.broadcast %mul3A_1830 : i32 to vector<16xi32>
      %mul3A_1832 = arith.muli %select_n3A_1829, %mul3A_1831 : vector<16xi32>
      %sub3A_1833 = arith.subi %sub3A, %mul3A_1832 : vector<16xi32>
      %mul3A_1834 = arith.constant 4 : i32
      %mul3A_1835 = vector.broadcast %mul3A_1834 : i32 to vector<16xi32>
      %mul3A_1836 = arith.muli %sub3A_1833, %mul3A_1835 : vector<16xi32>
      %add3A_1837 = arith.addi %mul3A_1836, %select_n3A : vector<16xi32>
      %add3A_1838 = arith.addi %add3A_1837, %select_n3A_1829 : vector<16xi32>
      %mul3A_1839 = arith.constant 16 : i32
      %mul3A_1840 = arith.muli %scan3A_1800, %mul3A_1839 : i32
      %swap3A = arith.index_cast %mul3A_1840 : i32 to index
      %swap3A_1841 = tpu.vector_load %arg7[%swap3A] {strides = array<i32>} : memref<1664xi32, #tpu.memory_space<vmem>>, vector<16xi32>,
      %swap3A_1842 = vector.shape_cast %swap3A_1841 : vector<16xi32> to vector<16xi32>
      %swap3A_1843 = vector.shape_cast %add3A_1838 : vector<16xi32> to vector<16xi32>
      tpu.vector_store %arg7[%swap3A], %swap3A_1843 {strides = array<i32>} : memref<1664xi32, #tpu.memory_space<vmem>>, vector<16xi32>,
      %scan3A_1844 = arith.constant 0 : i32
      scf.yield %scan3A_1844 : i32
    }
    %scan3A_679 = arith.constant 104 : i32
    %dma_start3A_680 = arith.constant 0 : i32
    %dma_start3A_681 = arith.constant 0 : i32
    %dma_start3A_682 = tpu.memref_slice %arg9[%dma_start3A_680, %dma_start3A_681] : memref<1664x32xf32, #tpu.memory_space<vmem>> -> memref<128x32xf32, #tpu.memory_space<vmem>>
    %dma_start3A_683 = arith.constant 0 : i32
    %dma_start3A_684 = tpu.memref_slice %arg7[%dma_start3A_683] : memref<1664xi32, #tpu.memory_space<vmem>> -> memref<128xi32, #tpu.memory_space<vmem>>
    %dma_start3A_685 = arith.constant 0 : i32
    %dma_start3A_686 = arith.constant 0 : i32
    %dma_start3A_687 = tpu.memref_slice %arg3[%dma_start3A_685, %dma_start3A_686] : memref<2621440x32xf32, #tpu.memory_space<hbm>> -> memref<2621440x32xf32, #tpu.memory_space<hbm>>
    tpu.enqueue_indirect_dma source(%dma_start3A_687 : memref<2621440x32xf32, #tpu.memory_space<hbm>>) target(%dma_start3A_682 : memref<128x32xf32, #tpu.memory_space<vmem>>) offsets(%dma_start3A_684 : memref<128xi32, #tpu.memory_space<vmem>>) semaphore(%arg11 : memref<!tpu.dma_semaphore, #tpu.memory_space<semaphore_mem>>)
    %dma_start3A_688 = arith.constant 128 : i32
    %dma_start3A_689 = arith.constant 0 : i32
    %dma_start3A_690 = tpu.memref_slice %arg9[%dma_start3A_688, %dma_start3A_689] : memref<1664x32xf32, #tpu.memory_space<vmem>> -> memref<128x32xf32, #tpu.memory_space<vmem>>
    %dma_start3A_691 = arith.constant 128 : i32
    %dma_start3A_692 = tpu.memref_slice %arg7[%dma_start3A_691] : memref<1664xi32, #tpu.memory_space<vmem>> -> memref<128xi32, #tpu.memory_space<vmem>>
    %dma_start3A_693 = arith.constant 0 : i32
    %dma_start3A_694 = arith.constant 0 : i32
    %dma_start3A_695 = tpu.memref_slice %arg3[%dma_start3A_693, %dma_start3A_694] : memref<2621440x32xf32, #tpu.memory_space<hbm>> -> memref<2621440x32xf32, #tpu.memory_space<hbm>>
    tpu.enqueue_indirect_dma source(%dma_start3A_695 : memref<2621440x32xf32, #tpu.memory_space<hbm>>) target(%dma_start3A_690 : memref<128x32xf32, #tpu.memory_space<vmem>>) offsets(%dma_start3A_692 : memref<128xi32, #tpu.memory_space<vmem>>) semaphore(%arg11 : memref<!tpu.dma_semaphore, #tpu.memory_space<semaphore_mem>>)
    %dma_start3A_696 = arith.constant 256 : i32
    %dma_start3A_697 = arith.constant 0 : i32
    %dma_start3A_698 = tpu.memref_slice %arg9[%dma_start3A_696, %dma_start3A_697] : memref<1664x32xf32, #tpu.memory_space<vmem>> -> memref<128x32xf32, #tpu.memory_space<vmem>>
    %dma_start3A_699 = arith.constant 256 : i32
    %dma_start3A_700 = tpu.memref_slice %arg7[%dma_start3A_699] : memref<1664xi32, #tpu.memory_space<vmem>> -> memref<128xi32, #tpu.memory_space<vmem>>
    %dma_start3A_701 = arith.constant 0 : i32
    %dma_start3A_702 = arith.constant 0 : i32
    %dma_start3A_703 = tpu.memref_slice %arg3[%dma_start3A_701, %dma_start3A_702] : memref<2621440x32xf32, #tpu.memory_space<hbm>> -> memref<2621440x32xf32, #tpu.memory_space<hbm>>
    tpu.enqueue_indirect_dma source(%dma_start3A_703 : memref<2621440x32xf32, #tpu.memory_space<hbm>>) target(%dma_start3A_698 : memref<128x32xf32, #tpu.memory_space<vmem>>) offsets(%dma_start3A_700 : memref<128xi32, #tpu.memory_space<vmem>>) semaphore(%arg11 : memref<!tpu.dma_semaphore, #tpu.memory_space<semaphore_mem>>)
    %dma_start3A_704 = arith.constant 384 : i32
    %dma_start3A_705 = arith.constant 0 : i32
    %dma_start3A_706 = tpu.memref_slice %arg9[%dma_start3A_704, %dma_start3A_705] : memref<1664x32xf32, #tpu.memory_space<vmem>> -> memref<128x32xf32, #tpu.memory_space<vmem>>
    %dma_start3A_707 = arith.constant 384 : i32
    %dma_start3A_708 = tpu.memref_slice %arg7[%dma_start3A_707] : memref<1664xi32, #tpu.memory_space<vmem>> -> memref<128xi32, #tpu.memory_space<vmem>>
    %dma_start3A_709 = arith.constant 0 : i32
    %dma_start3A_710 = arith.constant 0 : i32
    %dma_start3A_711 = tpu.memref_slice %arg3[%dma_start3A_709, %dma_start3A_710] : memref<2621440x32xf32, #tpu.memory_space<hbm>> -> memref<2621440x32xf32, #tpu.memory_space<hbm>>
    tpu.enqueue_indirect_dma source(%dma_start3A_711 : memref<2621440x32xf32, #tpu.memory_space<hbm>>) target(%dma_start3A_706 : memref<128x32xf32, #tpu.memory_space<vmem>>) offsets(%dma_start3A_708 : memref<128xi32, #tpu.memory_space<vmem>>) semaphore(%arg11 : memref<!tpu.dma_semaphore, #tpu.memory_space<semaphore_mem>>)
    %dma_start3A_712 = arith.constant 512 : i32
    %dma_start3A_713 = arith.constant 0 : i32
    %dma_start3A_714 = tpu.memref_slice %arg9[%dma_start3A_712, %dma_start3A_713] : memref<1664x32xf32, #tpu.memory_space<vmem>> -> memref<128x32xf32, #tpu.memory_space<vmem>>
    %dma_start3A_715 = arith.constant 512 : i32
    %dma_start3A_716 = tpu.memref_slice %arg7[%dma_start3A_715] : memref<1664xi32, #tpu.memory_space<vmem>> -> memref<128xi32, #tpu.memory_space<vmem>>
    %dma_start3A_717 = arith.constant 0 : i32
    %dma_start3A_718 = arith.constant 0 : i32
    %dma_start3A_719 = tpu.memref_slice %arg3[%dma_start3A_717, %dma_start3A_718] : memref<2621440x32xf32, #tpu.memory_space<hbm>> -> memref<2621440x32xf32, #tpu.memory_space<hbm>>
    tpu.enqueue_indirect_dma source(%dma_start3A_719 : memref<2621440x32xf32, #tpu.memory_space<hbm>>) target(%dma_start3A_714 : memref<128x32xf32, #tpu.memory_space<vmem>>) offsets(%dma_start3A_716 : memref<128xi32, #tpu.memory_space<vmem>>) semaphore(%arg11 : memref<!tpu.dma_semaphore, #tpu.memory_space<semaphore_mem>>)
    %dma_start3A_720 = arith.constant 640 : i32
    %dma_start3A_721 = arith.constant 0 : i32
    %dma_start3A_722 = tpu.memref_slice %arg9[%dma_start3A_720, %dma_start3A_721] : memref<1664x32xf32, #tpu.memory_space<vmem>> -> memref<128x32xf32, #tpu.memory_space<vmem>>
    %dma_start3A_723 = arith.constant 640 : i32
    %dma_start3A_724 = tpu.memref_slice %arg7[%dma_start3A_723] : memref<1664xi32, #tpu.memory_space<vmem>> -> memref<128xi32, #tpu.memory_space<vmem>>
    %dma_start3A_725 = arith.constant 0 : i32
    %dma_start3A_726 = arith.constant 0 : i32
    %dma_start3A_727 = tpu.memref_slice %arg3[%dma_start3A_725, %dma_start3A_726] : memref<2621440x32xf32, #tpu.memory_space<hbm>> -> memref<2621440x32xf32, #tpu.memory_space<hbm>>
    tpu.enqueue_indirect_dma source(%dma_start3A_727 : memref<2621440x32xf32, #tpu.memory_space<hbm>>) target(%dma_start3A_722 : memref<128x32xf32, #tpu.memory_space<vmem>>) offsets(%dma_start3A_724 : memref<128xi32, #tpu.memory_space<vmem>>) semaphore(%arg11 : memref<!tpu.dma_semaphore, #tpu.memory_space<semaphore_mem>>)
    %dma_start3A_728 = arith.constant 768 : i32
    %dma_start3A_729 = arith.constant 0 : i32
    %dma_start3A_730 = tpu.memref_slice %arg9[%dma_start3A_728, %dma_start3A_729] : memref<1664x32xf32, #tpu.memory_space<vmem>> -> memref<128x32xf32, #tpu.memory_space<vmem>>
    %dma_start3A_731 = arith.constant 768 : i32
    %dma_start3A_732 = tpu.memref_slice %arg7[%dma_start3A_731] : memref<1664xi32, #tpu.memory_space<vmem>> -> memref<128xi32, #tpu.memory_space<vmem>>
    %dma_start3A_733 = arith.constant 0 : i32
    %dma_start3A_734 = arith.constant 0 : i32
    %dma_start3A_735 = tpu.memref_slice %arg3[%dma_start3A_733, %dma_start3A_734] : memref<2621440x32xf32, #tpu.memory_space<hbm>> -> memref<2621440x32xf32, #tpu.memory_space<hbm>>
    tpu.enqueue_indirect_dma source(%dma_start3A_735 : memref<2621440x32xf32, #tpu.memory_space<hbm>>) target(%dma_start3A_730 : memref<128x32xf32, #tpu.memory_space<vmem>>) offsets(%dma_start3A_732 : memref<128xi32, #tpu.memory_space<vmem>>) semaphore(%arg11 : memref<!tpu.dma_semaphore, #tpu.memory_space<semaphore_mem>>)
    %dma_start3A_736 = arith.constant 896 : i32
    %dma_start3A_737 = arith.constant 0 : i32
    %dma_start3A_738 = tpu.memref_slice %arg9[%dma_start3A_736, %dma_start3A_737] : memref<1664x32xf32, #tpu.memory_space<vmem>> -> memref<128x32xf32, #tpu.memory_space<vmem>>
    %dma_start3A_739 = arith.constant 896 : i32
    %dma_start3A_740 = tpu.memref_slice %arg7[%dma_start3A_739] : memref<1664xi32, #tpu.memory_space<vmem>> -> memref<128xi32, #tpu.memory_space<vmem>>
    %dma_start3A_741 = arith.constant 0 : i32
    %dma_start3A_742 = arith.constant 0 : i32
    %dma_start3A_743 = tpu.memref_slice %arg3[%dma_start3A_741, %dma_start3A_742] : memref<2621440x32xf32, #tpu.memory_space<hbm>> -> memref<2621440x32xf32, #tpu.memory_space<hbm>>
    tpu.enqueue_indirect_dma source(%dma_start3A_743 : memref<2621440x32xf32, #tpu.memory_space<hbm>>) target(%dma_start3A_738 : memref<128x32xf32, #tpu.memory_space<vmem>>) offsets(%dma_start3A_740 : memref<128xi32, #tpu.memory_space<vmem>>) semaphore(%arg11 : memref<!tpu.dma_semaphore, #tpu.memory_space<semaphore_mem>>)
    %dma_start3A_744 = arith.constant 1024 : i32
    %dma_start3A_745 = arith.constant 0 : i32
    %dma_start3A_746 = tpu.memref_slice %arg9[%dma_start3A_744, %dma_start3A_745] : memref<1664x32xf32, #tpu.memory_space<vmem>> -> memref<128x32xf32, #tpu.memory_space<vmem>>
    %dma_start3A_747 = arith.constant 1024 : i32
    %dma_start3A_748 = tpu.memref_slice %arg7[%dma_start3A_747] : memref<1664xi32, #tpu.memory_space<vmem>> -> memref<128xi32, #tpu.memory_space<vmem>>
    %dma_start3A_749 = arith.constant 0 : i32
    %dma_start3A_750 = arith.constant 0 : i32
    %dma_start3A_751 = tpu.memref_slice %arg3[%dma_start3A_749, %dma_start3A_750] : memref<2621440x32xf32, #tpu.memory_space<hbm>> -> memref<2621440x32xf32, #tpu.memory_space<hbm>>
    tpu.enqueue_indirect_dma source(%dma_start3A_751 : memref<2621440x32xf32, #tpu.memory_space<hbm>>) target(%dma_start3A_746 : memref<128x32xf32, #tpu.memory_space<vmem>>) offsets(%dma_start3A_748 : memref<128xi32, #tpu.memory_space<vmem>>) semaphore(%arg11 : memref<!tpu.dma_semaphore, #tpu.memory_space<semaphore_mem>>)
    %dma_start3A_752 = arith.constant 1152 : i32
    %dma_start3A_753 = arith.constant 0 : i32
    %dma_start3A_754 = tpu.memref_slice %arg9[%dma_start3A_752, %dma_start3A_753] : memref<1664x32xf32, #tpu.memory_space<vmem>> -> memref<128x32xf32, #tpu.memory_space<vmem>>
    %dma_start3A_755 = arith.constant 1152 : i32
    %dma_start3A_756 = tpu.memref_slice %arg7[%dma_start3A_755] : memref<1664xi32, #tpu.memory_space<vmem>> -> memref<128xi32, #tpu.memory_space<vmem>>
    %dma_start3A_757 = arith.constant 0 : i32
    %dma_start3A_758 = arith.constant 0 : i32
    %dma_start3A_759 = tpu.memref_slice %arg3[%dma_start3A_757, %dma_start3A_758] : memref<2621440x32xf32, #tpu.memory_space<hbm>> -> memref<2621440x32xf32, #tpu.memory_space<hbm>>
    tpu.enqueue_indirect_dma source(%dma_start3A_759 : memref<2621440x32xf32, #tpu.memory_space<hbm>>) target(%dma_start3A_754 : memref<128x32xf32, #tpu.memory_space<vmem>>) offsets(%dma_start3A_756 : memref<128xi32, #tpu.memory_space<vmem>>) semaphore(%arg11 : memref<!tpu.dma_semaphore, #tpu.memory_space<semaphore_mem>>)
    %dma_start3A_760 = arith.constant 1280 : i32
    %dma_start3A_761 = arith.constant 0 : i32
    %dma_start3A_762 = tpu.memref_slice %arg9[%dma_start3A_760, %dma_start3A_761] : memref<1664x32xf32, #tpu.memory_space<vmem>> -> memref<128x32xf32, #tpu.memory_space<vmem>>
    %dma_start3A_763 = arith.constant 1280 : i32
    %dma_start3A_764 = tpu.memref_slice %arg7[%dma_start3A_763] : memref<1664xi32, #tpu.memory_space<vmem>> -> memref<128xi32, #tpu.memory_space<vmem>>
    %dma_start3A_765 = arith.constant 0 : i32
    %dma_start3A_766 = arith.constant 0 : i32
    %dma_start3A_767 = tpu.memref_slice %arg3[%dma_start3A_765, %dma_start3A_766] : memref<2621440x32xf32, #tpu.memory_space<hbm>> -> memref<2621440x32xf32, #tpu.memory_space<hbm>>
    tpu.enqueue_indirect_dma source(%dma_start3A_767 : memref<2621440x32xf32, #tpu.memory_space<hbm>>) target(%dma_start3A_762 : memref<128x32xf32, #tpu.memory_space<vmem>>) offsets(%dma_start3A_764 : memref<128xi32, #tpu.memory_space<vmem>>) semaphore(%arg11 : memref<!tpu.dma_semaphore, #tpu.memory_space<semaphore_mem>>)
    %dma_start3A_768 = arith.constant 1408 : i32
    %dma_start3A_769 = arith.constant 0 : i32
    %dma_start3A_770 = tpu.memref_slice %arg9[%dma_start3A_768, %dma_start3A_769] : memref<1664x32xf32, #tpu.memory_space<vmem>> -> memref<128x32xf32, #tpu.memory_space<vmem>>
    %dma_start3A_771 = arith.constant 1408 : i32
    %dma_start3A_772 = tpu.memref_slice %arg7[%dma_start3A_771] : memref<1664xi32, #tpu.memory_space<vmem>> -> memref<128xi32, #tpu.memory_space<vmem>>
    %dma_start3A_773 = arith.constant 0 : i32
    %dma_start3A_774 = arith.constant 0 : i32
    %dma_start3A_775 = tpu.memref_slice %arg3[%dma_start3A_773, %dma_start3A_774] : memref<2621440x32xf32, #tpu.memory_space<hbm>> -> memref<2621440x32xf32, #tpu.memory_space<hbm>>
    tpu.enqueue_indirect_dma source(%dma_start3A_775 : memref<2621440x32xf32, #tpu.memory_space<hbm>>) target(%dma_start3A_770 : memref<128x32xf32, #tpu.memory_space<vmem>>) offsets(%dma_start3A_772 : memref<128xi32, #tpu.memory_space<vmem>>) semaphore(%arg11 : memref<!tpu.dma_semaphore, #tpu.memory_space<semaphore_mem>>)
    %dma_start3A_776 = arith.constant 1536 : i32
    %dma_start3A_777 = arith.constant 0 : i32
    %dma_start3A_778 = tpu.memref_slice %arg9[%dma_start3A_776, %dma_start3A_777] : memref<1664x32xf32, #tpu.memory_space<vmem>> -> memref<128x32xf32, #tpu.memory_space<vmem>>
    %dma_start3A_779 = arith.constant 1536 : i32
    %dma_start3A_780 = tpu.memref_slice %arg7[%dma_start3A_779] : memref<1664xi32, #tpu.memory_space<vmem>> -> memref<128xi32, #tpu.memory_space<vmem>>
    %dma_start3A_781 = arith.constant 0 : i32
    %dma_start3A_782 = arith.constant 0 : i32
    %dma_start3A_783 = tpu.memref_slice %arg3[%dma_start3A_781, %dma_start3A_782] : memref<2621440x32xf32, #tpu.memory_space<hbm>> -> memref<2621440x32xf32, #tpu.memory_space<hbm>>
    tpu.enqueue_indirect_dma source(%dma_start3A_783 : memref<2621440x32xf32, #tpu.memory_space<hbm>>) target(%dma_start3A_778 : memref<128x32xf32, #tpu.memory_space<vmem>>) offsets(%dma_start3A_780 : memref<128xi32, #tpu.memory_space<vmem>>) semaphore(%arg11 : memref<!tpu.dma_semaphore, #tpu.memory_space<semaphore_mem>>)
    %dma_wait3A_784 = arith.constant 0 : i32
    %dma_wait3A_785 = arith.constant 0 : i32
    %dma_wait3A_786 = tpu.memref_slice %arg9[%dma_wait3A_784, %dma_wait3A_785] : memref<1664x32xf32, #tpu.memory_space<vmem>> -> memref<128x32xf32, #tpu.memory_space<vmem>>
    %dma_wait3A_787 = arith.constant 0 : i32
    %dma_wait3A_788 = tpu.memref_slice %arg7[%dma_wait3A_787] : memref<1664xi32, #tpu.memory_space<vmem>> -> memref<128xi32, #tpu.memory_space<vmem>>
    %dma_wait3A_789 = arith.constant 0 : i32
    %dma_wait3A_790 = arith.constant 0 : i32
    %dma_wait3A_791 = tpu.memref_slice %arg3[%dma_wait3A_789, %dma_wait3A_790] : memref<2621440x32xf32, #tpu.memory_space<hbm>> -> memref<2621440x32xf32, #tpu.memory_space<hbm>>
    tpu.wait_indirect_dma semaphore(%arg11 : memref<!tpu.dma_semaphore, #tpu.memory_space<semaphore_mem>>) src(%dma_wait3A_791 : memref<2621440x32xf32, #tpu.memory_space<hbm>>) dst(%dma_wait3A_786 : memref<128x32xf32, #tpu.memory_space<vmem>>)
    %dma_wait3A_792 = arith.constant 128 : i32
    %dma_wait3A_793 = arith.constant 0 : i32
    %dma_wait3A_794 = tpu.memref_slice %arg9[%dma_wait3A_792, %dma_wait3A_793] : memref<1664x32xf32, #tpu.memory_space<vmem>> -> memref<128x32xf32, #tpu.memory_space<vmem>>
    %dma_wait3A_795 = arith.constant 128 : i32
    %dma_wait3A_796 = tpu.memref_slice %arg7[%dma_wait3A_795] : memref<1664xi32, #tpu.memory_space<vmem>> -> memref<128xi32, #tpu.memory_space<vmem>>
    %dma_wait3A_797 = arith.constant 0 : i32
    %dma_wait3A_798 = arith.constant 0 : i32
    %dma_wait3A_799 = tpu.memref_slice %arg3[%dma_wait3A_797, %dma_wait3A_798] : memref<2621440x32xf32, #tpu.memory_space<hbm>> -> memref<2621440x32xf32, #tpu.memory_space<hbm>>
    tpu.wait_indirect_dma semaphore(%arg11 : memref<!tpu.dma_semaphore, #tpu.memory_space<semaphore_mem>>) src(%dma_wait3A_799 : memref<2621440x32xf32, #tpu.memory_space<hbm>>) dst(%dma_wait3A_794 : memref<128x32xf32, #tpu.memory_space<vmem>>)
    %dma_wait3A_800 = arith.constant 256 : i32
    %dma_wait3A_801 = arith.constant 0 : i32
    %dma_wait3A_802 = tpu.memref_slice %arg9[%dma_wait3A_800, %dma_wait3A_801] : memref<1664x32xf32, #tpu.memory_space<vmem>> -> memref<128x32xf32, #tpu.memory_space<vmem>>
    %dma_wait3A_803 = arith.constant 256 : i32
    %dma_wait3A_804 = tpu.memref_slice %arg7[%dma_wait3A_803] : memref<1664xi32, #tpu.memory_space<vmem>> -> memref<128xi32, #tpu.memory_space<vmem>>
    %dma_wait3A_805 = arith.constant 0 : i32
    %dma_wait3A_806 = arith.constant 0 : i32
    %dma_wait3A_807 = tpu.memref_slice %arg3[%dma_wait3A_805, %dma_wait3A_806] : memref<2621440x32xf32, #tpu.memory_space<hbm>> -> memref<2621440x32xf32, #tpu.memory_space<hbm>>
    tpu.wait_indirect_dma semaphore(%arg11 : memref<!tpu.dma_semaphore, #tpu.memory_space<semaphore_mem>>) src(%dma_wait3A_807 : memref<2621440x32xf32, #tpu.memory_space<hbm>>) dst(%dma_wait3A_802 : memref<128x32xf32, #tpu.memory_space<vmem>>)
    %dma_wait3A_808 = arith.constant 384 : i32
    %dma_wait3A_809 = arith.constant 0 : i32
    %dma_wait3A_810 = tpu.memref_slice %arg9[%dma_wait3A_808, %dma_wait3A_809] : memref<1664x32xf32, #tpu.memory_space<vmem>> -> memref<128x32xf32, #tpu.memory_space<vmem>>
    %dma_wait3A_811 = arith.constant 384 : i32
    %dma_wait3A_812 = tpu.memref_slice %arg7[%dma_wait3A_811] : memref<1664xi32, #tpu.memory_space<vmem>> -> memref<128xi32, #tpu.memory_space<vmem>>
    %dma_wait3A_813 = arith.constant 0 : i32
    %dma_wait3A_814 = arith.constant 0 : i32
    %dma_wait3A_815 = tpu.memref_slice %arg3[%dma_wait3A_813, %dma_wait3A_814] : memref<2621440x32xf32, #tpu.memory_space<hbm>> -> memref<2621440x32xf32, #tpu.memory_space<hbm>>
    tpu.wait_indirect_dma semaphore(%arg11 : memref<!tpu.dma_semaphore, #tpu.memory_space<semaphore_mem>>) src(%dma_wait3A_815 : memref<2621440x32xf32, #tpu.memory_space<hbm>>) dst(%dma_wait3A_810 : memref<128x32xf32, #tpu.memory_space<vmem>>)
    %dma_wait3A_816 = arith.constant 512 : i32
    %dma_wait3A_817 = arith.constant 0 : i32
    %dma_wait3A_818 = tpu.memref_slice %arg9[%dma_wait3A_816, %dma_wait3A_817] : memref<1664x32xf32, #tpu.memory_space<vmem>> -> memref<128x32xf32, #tpu.memory_space<vmem>>
    %dma_wait3A_819 = arith.constant 512 : i32
    %dma_wait3A_820 = tpu.memref_slice %arg7[%dma_wait3A_819] : memref<1664xi32, #tpu.memory_space<vmem>> -> memref<128xi32, #tpu.memory_space<vmem>>
    %dma_wait3A_821 = arith.constant 0 : i32
    %dma_wait3A_822 = arith.constant 0 : i32
    %dma_wait3A_823 = tpu.memref_slice %arg3[%dma_wait3A_821, %dma_wait3A_822] : memref<2621440x32xf32, #tpu.memory_space<hbm>> -> memref<2621440x32xf32, #tpu.memory_space<hbm>>
    tpu.wait_indirect_dma semaphore(%arg11 : memref<!tpu.dma_semaphore, #tpu.memory_space<semaphore_mem>>) src(%dma_wait3A_823 : memref<2621440x32xf32, #tpu.memory_space<hbm>>) dst(%dma_wait3A_818 : memref<128x32xf32, #tpu.memory_space<vmem>>)
    %dma_wait3A_824 = arith.constant 640 : i32
    %dma_wait3A_825 = arith.constant 0 : i32
    %dma_wait3A_826 = tpu.memref_slice %arg9[%dma_wait3A_824, %dma_wait3A_825] : memref<1664x32xf32, #tpu.memory_space<vmem>> -> memref<128x32xf32, #tpu.memory_space<vmem>>
    %dma_wait3A_827 = arith.constant 640 : i32
    %dma_wait3A_828 = tpu.memref_slice %arg7[%dma_wait3A_827] : memref<1664xi32, #tpu.memory_space<vmem>> -> memref<128xi32, #tpu.memory_space<vmem>>
    %dma_wait3A_829 = arith.constant 0 : i32
    %dma_wait3A_830 = arith.constant 0 : i32
    %dma_wait3A_831 = tpu.memref_slice %arg3[%dma_wait3A_829, %dma_wait3A_830] : memref<2621440x32xf32, #tpu.memory_space<hbm>> -> memref<2621440x32xf32, #tpu.memory_space<hbm>>
    tpu.wait_indirect_dma semaphore(%arg11 : memref<!tpu.dma_semaphore, #tpu.memory_space<semaphore_mem>>) src(%dma_wait3A_831 : memref<2621440x32xf32, #tpu.memory_space<hbm>>) dst(%dma_wait3A_826 : memref<128x32xf32, #tpu.memory_space<vmem>>)
    %dma_wait3A_832 = arith.constant 768 : i32
    %dma_wait3A_833 = arith.constant 0 : i32
    %dma_wait3A_834 = tpu.memref_slice %arg9[%dma_wait3A_832, %dma_wait3A_833] : memref<1664x32xf32, #tpu.memory_space<vmem>> -> memref<128x32xf32, #tpu.memory_space<vmem>>
    %dma_wait3A_835 = arith.constant 768 : i32
    %dma_wait3A_836 = tpu.memref_slice %arg7[%dma_wait3A_835] : memref<1664xi32, #tpu.memory_space<vmem>> -> memref<128xi32, #tpu.memory_space<vmem>>
    %dma_wait3A_837 = arith.constant 0 : i32
    %dma_wait3A_838 = arith.constant 0 : i32
    %dma_wait3A_839 = tpu.memref_slice %arg3[%dma_wait3A_837, %dma_wait3A_838] : memref<2621440x32xf32, #tpu.memory_space<hbm>> -> memref<2621440x32xf32, #tpu.memory_space<hbm>>
    tpu.wait_indirect_dma semaphore(%arg11 : memref<!tpu.dma_semaphore, #tpu.memory_space<semaphore_mem>>) src(%dma_wait3A_839 : memref<2621440x32xf32, #tpu.memory_space<hbm>>) dst(%dma_wait3A_834 : memref<128x32xf32, #tpu.memory_space<vmem>>)
    %dma_wait3A_840 = arith.constant 896 : i32
    %dma_wait3A_841 = arith.constant 0 : i32
    %dma_wait3A_842 = tpu.memref_slice %arg9[%dma_wait3A_840, %dma_wait3A_841] : memref<1664x32xf32, #tpu.memory_space<vmem>> -> memref<128x32xf32, #tpu.memory_space<vmem>>
    %dma_wait3A_843 = arith.constant 896 : i32
    %dma_wait3A_844 = tpu.memref_slice %arg7[%dma_wait3A_843] : memref<1664xi32, #tpu.memory_space<vmem>> -> memref<128xi32, #tpu.memory_space<vmem>>
    %dma_wait3A_845 = arith.constant 0 : i32
    %dma_wait3A_846 = arith.constant 0 : i32
    %dma_wait3A_847 = tpu.memref_slice %arg3[%dma_wait3A_845, %dma_wait3A_846] : memref<2621440x32xf32, #tpu.memory_space<hbm>> -> memref<2621440x32xf32, #tpu.memory_space<hbm>>
    tpu.wait_indirect_dma semaphore(%arg11 : memref<!tpu.dma_semaphore, #tpu.memory_space<semaphore_mem>>) src(%dma_wait3A_847 : memref<2621440x32xf32, #tpu.memory_space<hbm>>) dst(%dma_wait3A_842 : memref<128x32xf32, #tpu.memory_space<vmem>>)
    %dma_wait3A_848 = arith.constant 1024 : i32
    %dma_wait3A_849 = arith.constant 0 : i32
    %dma_wait3A_850 = tpu.memref_slice %arg9[%dma_wait3A_848, %dma_wait3A_849] : memref<1664x32xf32, #tpu.memory_space<vmem>> -> memref<128x32xf32, #tpu.memory_space<vmem>>
    %dma_wait3A_851 = arith.constant 1024 : i32
    %dma_wait3A_852 = tpu.memref_slice %arg7[%dma_wait3A_851] : memref<1664xi32, #tpu.memory_space<vmem>> -> memref<128xi32, #tpu.memory_space<vmem>>
    %dma_wait3A_853 = arith.constant 0 : i32
    %dma_wait3A_854 = arith.constant 0 : i32
    %dma_wait3A_855 = tpu.memref_slice %arg3[%dma_wait3A_853, %dma_wait3A_854] : memref<2621440x32xf32, #tpu.memory_space<hbm>> -> memref<2621440x32xf32, #tpu.memory_space<hbm>>
    tpu.wait_indirect_dma semaphore(%arg11 : memref<!tpu.dma_semaphore, #tpu.memory_space<semaphore_mem>>) src(%dma_wait3A_855 : memref<2621440x32xf32, #tpu.memory_space<hbm>>) dst(%dma_wait3A_850 : memref<128x32xf32, #tpu.memory_space<vmem>>)
    %dma_wait3A_856 = arith.constant 1152 : i32
    %dma_wait3A_857 = arith.constant 0 : i32
    %dma_wait3A_858 = tpu.memref_slice %arg9[%dma_wait3A_856, %dma_wait3A_857] : memref<1664x32xf32, #tpu.memory_space<vmem>> -> memref<128x32xf32, #tpu.memory_space<vmem>>
    %dma_wait3A_859 = arith.constant 1152 : i32
    %dma_wait3A_860 = tpu.memref_slice %arg7[%dma_wait3A_859] : memref<1664xi32, #tpu.memory_space<vmem>> -> memref<128xi32, #tpu.memory_space<vmem>>
    %dma_wait3A_861 = arith.constant 0 : i32
    %dma_wait3A_862 = arith.constant 0 : i32
    %dma_wait3A_863 = tpu.memref_slice %arg3[%dma_wait3A_861, %dma_wait3A_862] : memref<2621440x32xf32, #tpu.memory_space<hbm>> -> memref<2621440x32xf32, #tpu.memory_space<hbm>>
    tpu.wait_indirect_dma semaphore(%arg11 : memref<!tpu.dma_semaphore, #tpu.memory_space<semaphore_mem>>) src(%dma_wait3A_863 : memref<2621440x32xf32, #tpu.memory_space<hbm>>) dst(%dma_wait3A_858 : memref<128x32xf32, #tpu.memory_space<vmem>>)
    %dma_wait3A_864 = arith.constant 1280 : i32
    %dma_wait3A_865 = arith.constant 0 : i32
    %dma_wait3A_866 = tpu.memref_slice %arg9[%dma_wait3A_864, %dma_wait3A_865] : memref<1664x32xf32, #tpu.memory_space<vmem>> -> memref<128x32xf32, #tpu.memory_space<vmem>>
    %dma_wait3A_867 = arith.constant 1280 : i32
    %dma_wait3A_868 = tpu.memref_slice %arg7[%dma_wait3A_867] : memref<1664xi32, #tpu.memory_space<vmem>> -> memref<128xi32, #tpu.memory_space<vmem>>
    %dma_wait3A_869 = arith.constant 0 : i32
    %dma_wait3A_870 = arith.constant 0 : i32
    %dma_wait3A_871 = tpu.memref_slice %arg3[%dma_wait3A_869, %dma_wait3A_870] : memref<2621440x32xf32, #tpu.memory_space<hbm>> -> memref<2621440x32xf32, #tpu.memory_space<hbm>>
    tpu.wait_indirect_dma semaphore(%arg11 : memref<!tpu.dma_semaphore, #tpu.memory_space<semaphore_mem>>) src(%dma_wait3A_871 : memref<2621440x32xf32, #tpu.memory_space<hbm>>) dst(%dma_wait3A_866 : memref<128x32xf32, #tpu.memory_space<vmem>>)
    %dma_wait3A_872 = arith.constant 1408 : i32
    %dma_wait3A_873 = arith.constant 0 : i32
    %dma_wait3A_874 = tpu.memref_slice %arg9[%dma_wait3A_872, %dma_wait3A_873] : memref<1664x32xf32, #tpu.memory_space<vmem>> -> memref<128x32xf32, #tpu.memory_space<vmem>>
    %dma_wait3A_875 = arith.constant 1408 : i32
    %dma_wait3A_876 = tpu.memref_slice %arg7[%dma_wait3A_875] : memref<1664xi32, #tpu.memory_space<vmem>> -> memref<128xi32, #tpu.memory_space<vmem>>
    %dma_wait3A_877 = arith.constant 0 : i32
    %dma_wait3A_878 = arith.constant 0 : i32
    %dma_wait3A_879 = tpu.memref_slice %arg3[%dma_wait3A_877, %dma_wait3A_878] : memref<2621440x32xf32, #tpu.memory_space<hbm>> -> memref<2621440x32xf32, #tpu.memory_space<hbm>>
    tpu.wait_indirect_dma semaphore(%arg11 : memref<!tpu.dma_semaphore, #tpu.memory_space<semaphore_mem>>) src(%dma_wait3A_879 : memref<2621440x32xf32, #tpu.memory_space<hbm>>) dst(%dma_wait3A_874 : memref<128x32xf32, #tpu.memory_space<vmem>>)
    %dma_wait3A_880 = arith.constant 1536 : i32
    %dma_wait3A_881 = arith.constant 0 : i32
    %dma_wait3A_882 = tpu.memref_slice %arg9[%dma_wait3A_880, %dma_wait3A_881] : memref<1664x32xf32, #tpu.memory_space<vmem>> -> memref<128x32xf32, #tpu.memory_space<vmem>>
    %dma_wait3A_883 = arith.constant 1536 : i32
    %dma_wait3A_884 = tpu.memref_slice %arg7[%dma_wait3A_883] : memref<1664xi32, #tpu.memory_space<vmem>> -> memref<128xi32, #tpu.memory_space<vmem>>
    %dma_wait3A_885 = arith.constant 0 : i32
    %dma_wait3A_886 = arith.constant 0 : i32
    %dma_wait3A_887 = tpu.memref_slice %arg3[%dma_wait3A_885, %dma_wait3A_886] : memref<2621440x32xf32, #tpu.memory_space<hbm>> -> memref<2621440x32xf32, #tpu.memory_space<hbm>>
    tpu.wait_indirect_dma semaphore(%arg11 : memref<!tpu.dma_semaphore, #tpu.memory_space<semaphore_mem>>) src(%dma_wait3A_887 : memref<2621440x32xf32, #tpu.memory_space<hbm>>) dst(%dma_wait3A_882 : memref<128x32xf32, #tpu.memory_space<vmem>>)
    %dma_start3A_888 = arith.constant 0 : i32
    %dma_start3A_889 = tpu.memref_slice %arg5[%add3A_672, %dma_start3A_888] : memref<425984x32xf32, #tpu.memory_space<hbm>> -> memref<1664x32xf32, #tpu.memory_space<hbm>>
    %dma_start3A_890 = arith.constant 0 : i32
    %dma_start3A_891 = tpu.memref_slice %arg5[%add3A_672, %dma_start3A_890] : memref<425984x32xf32, #tpu.memory_space<hbm>> -> memref<1664x32xf32, #tpu.memory_space<hbm>>
    tpu.enqueue_dma source(%arg9 : memref<1664x32xf32, #tpu.memory_space<vmem>>) target(%dma_start3A_891 : memref<1664x32xf32, #tpu.memory_space<hbm>>) target_semaphore(%arg12 : memref<!tpu.dma_semaphore, #tpu.memory_space<semaphore_mem>>)
    %dma_wait3A_892 = arith.constant 0 : i32
    %dma_wait3A_893 = tpu.memref_slice %arg5[%add3A_447, %dma_wait3A_892] : memref<425984x32xf32, #tpu.memory_space<hbm>> -> memref<1664x32xf32, #tpu.memory_space<hbm>>
    %dma_wait3A_894 = arith.constant 0 : i32
    %dma_wait3A_895 = tpu.memref_slice %arg5[%add3A_447, %dma_wait3A_894] : memref<425984x32xf32, #tpu.memory_space<hbm>> -> memref<1664x32xf32, #tpu.memory_space<hbm>>
    tpu.wait_dma2 semaphore(%arg12 : memref<!tpu.dma_semaphore, #tpu.memory_space<semaphore_mem>>) src(%arg8 : memref<1664x32xf32, #tpu.memory_space<vmem>>) dst(%dma_wait3A_895 : memref<1664x32xf32, #tpu.memory_space<hbm>>)
    %add3A_896 = arith.constant 6656 : i32
    %add3A_897 = arith.addi %mul3A_2, %add3A_896 : i32
    "tpu.region"() ({
      %run_scoped3A = tpu.sem_alloc : memref<!tpu.dma_semaphore, #tpu.memory_space<semaphore_mem>>
      %dma_start3A_1800 = tpu.memref_slice %arg2[%add3A_897] : memref<425984xi32, #tpu.memory_space<hbm>> -> memref<1664xi32, #tpu.memory_space<hbm>>
      %dma_start3A_1801 = tpu.memref_slice %arg2[%add3A_897] : memref<425984xi32, #tpu.memory_space<hbm>> -> memref<1664xi32, #tpu.memory_space<hbm>>
      tpu.enqueue_dma source(%dma_start3A_1801 : memref<1664xi32, #tpu.memory_space<hbm>>) target(%arg6 : memref<1664xi32, #tpu.memory_space<vmem>>) target_semaphore(%run_scoped3A : memref<!tpu.dma_semaphore, #tpu.memory_space<semaphore_mem>>)
      %dma_wait3A_1802 = tpu.memref_slice %arg2[%add3A_897] : memref<425984xi32, #tpu.memory_space<hbm>> -> memref<1664xi32, #tpu.memory_space<hbm>>
      %dma_wait3A_1803 = tpu.memref_slice %arg2[%add3A_897] : memref<425984xi32, #tpu.memory_space<hbm>> -> memref<1664xi32, #tpu.memory_space<hbm>>
      tpu.wait_dma2 semaphore(%run_scoped3A : memref<!tpu.dma_semaphore, #tpu.memory_space<semaphore_mem>>) src(%dma_wait3A_1803 : memref<1664xi32, #tpu.memory_space<hbm>>) dst(%arg6 : memref<1664xi32, #tpu.memory_space<vmem>>)
      tpu.yield
    }) : () -> ()
    %scan3A_898 = arith.constant 0 : i32
    %scan3A_899 = arith.constant 0 : i32
    %scan3A_900 = arith.constant 104 : i32
    %scan3A_901 = arith.addi %scan3A_899, %scan3A_900 : i32
    %scan3A_902 = arith.constant 1 : i32
    %scan3A_903 = scf.for %scan3A_1800 = %scan3A_899 to %scan3A_901 step %scan3A_902 iter_args(%scan3A_1801 = %scan3A_898) -> (i32)  : i32 {
      %mul3A_1802 = arith.constant 16 : i32
      %mul3A_1803 = arith.muli %scan3A_1800, %mul3A_1802 : i32
      %add3A_1804 = arith.addi %add3A_897, %mul3A_1803 : i32
      %rem3A = arith.constant 26 : i32
      %rem3A_1805 = arith.remsi %add3A_1804, %rem3A : i32
      %get3A = arith.index_cast %rem3A_1805 : i32 to index
      %get3A_1806 = tpu.vector_load %arg10[%get3A] {strides = array<i32>} : memref<64xi32, #tpu.memory_space<vmem>>, vector<16xi32>,
      %get3A_1807 = vector.shape_cast %get3A_1806 : vector<16xi32> to vector<16xi32>
      %mul3A_1808 = arith.constant 16 : i32
      %mul3A_1809 = arith.muli %scan3A_1800, %mul3A_1808 : i32
      %get3A_1810 = arith.index_cast %mul3A_1809 : i32 to index
      %get3A_1811 = tpu.vector_load %arg6[%get3A_1810] {strides = array<i32>} : memref<1664xi32, #tpu.memory_space<vmem>>, vector<16xi32>,
      %get3A_1812 = vector.shape_cast %get3A_1811 : vector<16xi32> to vector<16xi32>
      %add3A_1813 = arith.addi %get3A_1812, %get3A_1807 : vector<16xi32>
      %broadcast_in_dim3A = arith.constant 0 : i32
      %broadcast_in_dim3A_1814 = vector.broadcast %broadcast_in_dim3A : i32 to vector<16xi32>
      %ge3A = arith.constant 1310720 : i32
      %ge3A_1815 = vector.broadcast %ge3A : i32 to vector<16xi32>
      %ge3A_1816 = arith.cmpi sge, %add3A_1813, %ge3A_1815 : vector<16xi32>
      %add3A_1817 = arith.constant 2 : i32
      %add3A_1818 = vector.broadcast %add3A_1817 : i32 to vector<16xi32>
      %add3A_1819 = arith.addi %broadcast_in_dim3A_1814, %add3A_1818 : vector<16xi32>
      %select_n3A = arith.select %ge3A_1816, %add3A_1819, %broadcast_in_dim3A_1814 : vector<16xi1>, vector<16xi32>
      %mul3A_1820 = arith.constant 655360 : i32
      %mul3A_1821 = vector.broadcast %mul3A_1820 : i32 to vector<16xi32>
      %mul3A_1822 = arith.muli %select_n3A, %mul3A_1821 : vector<16xi32>
      %sub3A = arith.subi %add3A_1813, %mul3A_1822 : vector<16xi32>
      %ge3A_1823 = arith.constant 655360 : i32
      %ge3A_1824 = vector.broadcast %ge3A_1823 : i32 to vector<16xi32>
      %ge3A_1825 = arith.cmpi sge, %sub3A, %ge3A_1824 : vector<16xi32>
      %add3A_1826 = arith.constant 1 : i32
      %add3A_1827 = vector.broadcast %add3A_1826 : i32 to vector<16xi32>
      %add3A_1828 = arith.addi %broadcast_in_dim3A_1814, %add3A_1827 : vector<16xi32>
      %select_n3A_1829 = arith.select %ge3A_1825, %add3A_1828, %broadcast_in_dim3A_1814 : vector<16xi1>, vector<16xi32>
      %mul3A_1830 = arith.constant 655360 : i32
      %mul3A_1831 = vector.broadcast %mul3A_1830 : i32 to vector<16xi32>
      %mul3A_1832 = arith.muli %select_n3A_1829, %mul3A_1831 : vector<16xi32>
      %sub3A_1833 = arith.subi %sub3A, %mul3A_1832 : vector<16xi32>
      %mul3A_1834 = arith.constant 4 : i32
      %mul3A_1835 = vector.broadcast %mul3A_1834 : i32 to vector<16xi32>
      %mul3A_1836 = arith.muli %sub3A_1833, %mul3A_1835 : vector<16xi32>
      %add3A_1837 = arith.addi %mul3A_1836, %select_n3A : vector<16xi32>
      %add3A_1838 = arith.addi %add3A_1837, %select_n3A_1829 : vector<16xi32>
      %mul3A_1839 = arith.constant 16 : i32
      %mul3A_1840 = arith.muli %scan3A_1800, %mul3A_1839 : i32
      %swap3A = arith.index_cast %mul3A_1840 : i32 to index
      %swap3A_1841 = tpu.vector_load %arg6[%swap3A] {strides = array<i32>} : memref<1664xi32, #tpu.memory_space<vmem>>, vector<16xi32>,
      %swap3A_1842 = vector.shape_cast %swap3A_1841 : vector<16xi32> to vector<16xi32>
      %swap3A_1843 = vector.shape_cast %add3A_1838 : vector<16xi32> to vector<16xi32>
      tpu.vector_store %arg6[%swap3A], %swap3A_1843 {strides = array<i32>} : memref<1664xi32, #tpu.memory_space<vmem>>, vector<16xi32>,
      %scan3A_1844 = arith.constant 0 : i32
      scf.yield %scan3A_1844 : i32
    }
    %scan3A_904 = arith.constant 104 : i32
    %dma_start3A_905 = arith.constant 0 : i32
    %dma_start3A_906 = arith.constant 0 : i32
    %dma_start3A_907 = tpu.memref_slice %arg8[%dma_start3A_905, %dma_start3A_906] : memref<1664x32xf32, #tpu.memory_space<vmem>> -> memref<128x32xf32, #tpu.memory_space<vmem>>
    %dma_start3A_908 = arith.constant 0 : i32
    %dma_start3A_909 = tpu.memref_slice %arg6[%dma_start3A_908] : memref<1664xi32, #tpu.memory_space<vmem>> -> memref<128xi32, #tpu.memory_space<vmem>>
    %dma_start3A_910 = arith.constant 0 : i32
    %dma_start3A_911 = arith.constant 0 : i32
    %dma_start3A_912 = tpu.memref_slice %arg3[%dma_start3A_910, %dma_start3A_911] : memref<2621440x32xf32, #tpu.memory_space<hbm>> -> memref<2621440x32xf32, #tpu.memory_space<hbm>>
    tpu.enqueue_indirect_dma source(%dma_start3A_912 : memref<2621440x32xf32, #tpu.memory_space<hbm>>) target(%dma_start3A_907 : memref<128x32xf32, #tpu.memory_space<vmem>>) offsets(%dma_start3A_909 : memref<128xi32, #tpu.memory_space<vmem>>) semaphore(%arg11 : memref<!tpu.dma_semaphore, #tpu.memory_space<semaphore_mem>>)
    %dma_start3A_913 = arith.constant 128 : i32
    %dma_start3A_914 = arith.constant 0 : i32
    %dma_start3A_915 = tpu.memref_slice %arg8[%dma_start3A_913, %dma_start3A_914] : memref<1664x32xf32, #tpu.memory_space<vmem>> -> memref<128x32xf32, #tpu.memory_space<vmem>>
    %dma_start3A_916 = arith.constant 128 : i32
    %dma_start3A_917 = tpu.memref_slice %arg6[%dma_start3A_916] : memref<1664xi32, #tpu.memory_space<vmem>> -> memref<128xi32, #tpu.memory_space<vmem>>
    %dma_start3A_918 = arith.constant 0 : i32
    %dma_start3A_919 = arith.constant 0 : i32
    %dma_start3A_920 = tpu.memref_slice %arg3[%dma_start3A_918, %dma_start3A_919] : memref<2621440x32xf32, #tpu.memory_space<hbm>> -> memref<2621440x32xf32, #tpu.memory_space<hbm>>
    tpu.enqueue_indirect_dma source(%dma_start3A_920 : memref<2621440x32xf32, #tpu.memory_space<hbm>>) target(%dma_start3A_915 : memref<128x32xf32, #tpu.memory_space<vmem>>) offsets(%dma_start3A_917 : memref<128xi32, #tpu.memory_space<vmem>>) semaphore(%arg11 : memref<!tpu.dma_semaphore, #tpu.memory_space<semaphore_mem>>)
    %dma_start3A_921 = arith.constant 256 : i32
    %dma_start3A_922 = arith.constant 0 : i32
    %dma_start3A_923 = tpu.memref_slice %arg8[%dma_start3A_921, %dma_start3A_922] : memref<1664x32xf32, #tpu.memory_space<vmem>> -> memref<128x32xf32, #tpu.memory_space<vmem>>
    %dma_start3A_924 = arith.constant 256 : i32
    %dma_start3A_925 = tpu.memref_slice %arg6[%dma_start3A_924] : memref<1664xi32, #tpu.memory_space<vmem>> -> memref<128xi32, #tpu.memory_space<vmem>>
    %dma_start3A_926 = arith.constant 0 : i32
    %dma_start3A_927 = arith.constant 0 : i32
    %dma_start3A_928 = tpu.memref_slice %arg3[%dma_start3A_926, %dma_start3A_927] : memref<2621440x32xf32, #tpu.memory_space<hbm>> -> memref<2621440x32xf32, #tpu.memory_space<hbm>>
    tpu.enqueue_indirect_dma source(%dma_start3A_928 : memref<2621440x32xf32, #tpu.memory_space<hbm>>) target(%dma_start3A_923 : memref<128x32xf32, #tpu.memory_space<vmem>>) offsets(%dma_start3A_925 : memref<128xi32, #tpu.memory_space<vmem>>) semaphore(%arg11 : memref<!tpu.dma_semaphore, #tpu.memory_space<semaphore_mem>>)
    %dma_start3A_929 = arith.constant 384 : i32
    %dma_start3A_930 = arith.constant 0 : i32
    %dma_start3A_931 = tpu.memref_slice %arg8[%dma_start3A_929, %dma_start3A_930] : memref<1664x32xf32, #tpu.memory_space<vmem>> -> memref<128x32xf32, #tpu.memory_space<vmem>>
    %dma_start3A_932 = arith.constant 384 : i32
    %dma_start3A_933 = tpu.memref_slice %arg6[%dma_start3A_932] : memref<1664xi32, #tpu.memory_space<vmem>> -> memref<128xi32, #tpu.memory_space<vmem>>
    %dma_start3A_934 = arith.constant 0 : i32
    %dma_start3A_935 = arith.constant 0 : i32
    %dma_start3A_936 = tpu.memref_slice %arg3[%dma_start3A_934, %dma_start3A_935] : memref<2621440x32xf32, #tpu.memory_space<hbm>> -> memref<2621440x32xf32, #tpu.memory_space<hbm>>
    tpu.enqueue_indirect_dma source(%dma_start3A_936 : memref<2621440x32xf32, #tpu.memory_space<hbm>>) target(%dma_start3A_931 : memref<128x32xf32, #tpu.memory_space<vmem>>) offsets(%dma_start3A_933 : memref<128xi32, #tpu.memory_space<vmem>>) semaphore(%arg11 : memref<!tpu.dma_semaphore, #tpu.memory_space<semaphore_mem>>)
    %dma_start3A_937 = arith.constant 512 : i32
    %dma_start3A_938 = arith.constant 0 : i32
    %dma_start3A_939 = tpu.memref_slice %arg8[%dma_start3A_937, %dma_start3A_938] : memref<1664x32xf32, #tpu.memory_space<vmem>> -> memref<128x32xf32, #tpu.memory_space<vmem>>
    %dma_start3A_940 = arith.constant 512 : i32
    %dma_start3A_941 = tpu.memref_slice %arg6[%dma_start3A_940] : memref<1664xi32, #tpu.memory_space<vmem>> -> memref<128xi32, #tpu.memory_space<vmem>>
    %dma_start3A_942 = arith.constant 0 : i32
    %dma_start3A_943 = arith.constant 0 : i32
    %dma_start3A_944 = tpu.memref_slice %arg3[%dma_start3A_942, %dma_start3A_943] : memref<2621440x32xf32, #tpu.memory_space<hbm>> -> memref<2621440x32xf32, #tpu.memory_space<hbm>>
    tpu.enqueue_indirect_dma source(%dma_start3A_944 : memref<2621440x32xf32, #tpu.memory_space<hbm>>) target(%dma_start3A_939 : memref<128x32xf32, #tpu.memory_space<vmem>>) offsets(%dma_start3A_941 : memref<128xi32, #tpu.memory_space<vmem>>) semaphore(%arg11 : memref<!tpu.dma_semaphore, #tpu.memory_space<semaphore_mem>>)
    %dma_start3A_945 = arith.constant 640 : i32
    %dma_start3A_946 = arith.constant 0 : i32
    %dma_start3A_947 = tpu.memref_slice %arg8[%dma_start3A_945, %dma_start3A_946] : memref<1664x32xf32, #tpu.memory_space<vmem>> -> memref<128x32xf32, #tpu.memory_space<vmem>>
    %dma_start3A_948 = arith.constant 640 : i32
    %dma_start3A_949 = tpu.memref_slice %arg6[%dma_start3A_948] : memref<1664xi32, #tpu.memory_space<vmem>> -> memref<128xi32, #tpu.memory_space<vmem>>
    %dma_start3A_950 = arith.constant 0 : i32
    %dma_start3A_951 = arith.constant 0 : i32
    %dma_start3A_952 = tpu.memref_slice %arg3[%dma_start3A_950, %dma_start3A_951] : memref<2621440x32xf32, #tpu.memory_space<hbm>> -> memref<2621440x32xf32, #tpu.memory_space<hbm>>
    tpu.enqueue_indirect_dma source(%dma_start3A_952 : memref<2621440x32xf32, #tpu.memory_space<hbm>>) target(%dma_start3A_947 : memref<128x32xf32, #tpu.memory_space<vmem>>) offsets(%dma_start3A_949 : memref<128xi32, #tpu.memory_space<vmem>>) semaphore(%arg11 : memref<!tpu.dma_semaphore, #tpu.memory_space<semaphore_mem>>)
    %dma_start3A_953 = arith.constant 768 : i32
    %dma_start3A_954 = arith.constant 0 : i32
    %dma_start3A_955 = tpu.memref_slice %arg8[%dma_start3A_953, %dma_start3A_954] : memref<1664x32xf32, #tpu.memory_space<vmem>> -> memref<128x32xf32, #tpu.memory_space<vmem>>
    %dma_start3A_956 = arith.constant 768 : i32
    %dma_start3A_957 = tpu.memref_slice %arg6[%dma_start3A_956] : memref<1664xi32, #tpu.memory_space<vmem>> -> memref<128xi32, #tpu.memory_space<vmem>>
    %dma_start3A_958 = arith.constant 0 : i32
    %dma_start3A_959 = arith.constant 0 : i32
    %dma_start3A_960 = tpu.memref_slice %arg3[%dma_start3A_958, %dma_start3A_959] : memref<2621440x32xf32, #tpu.memory_space<hbm>> -> memref<2621440x32xf32, #tpu.memory_space<hbm>>
    tpu.enqueue_indirect_dma source(%dma_start3A_960 : memref<2621440x32xf32, #tpu.memory_space<hbm>>) target(%dma_start3A_955 : memref<128x32xf32, #tpu.memory_space<vmem>>) offsets(%dma_start3A_957 : memref<128xi32, #tpu.memory_space<vmem>>) semaphore(%arg11 : memref<!tpu.dma_semaphore, #tpu.memory_space<semaphore_mem>>)
    %dma_start3A_961 = arith.constant 896 : i32
    %dma_start3A_962 = arith.constant 0 : i32
    %dma_start3A_963 = tpu.memref_slice %arg8[%dma_start3A_961, %dma_start3A_962] : memref<1664x32xf32, #tpu.memory_space<vmem>> -> memref<128x32xf32, #tpu.memory_space<vmem>>
    %dma_start3A_964 = arith.constant 896 : i32
    %dma_start3A_965 = tpu.memref_slice %arg6[%dma_start3A_964] : memref<1664xi32, #tpu.memory_space<vmem>> -> memref<128xi32, #tpu.memory_space<vmem>>
    %dma_start3A_966 = arith.constant 0 : i32
    %dma_start3A_967 = arith.constant 0 : i32
    %dma_start3A_968 = tpu.memref_slice %arg3[%dma_start3A_966, %dma_start3A_967] : memref<2621440x32xf32, #tpu.memory_space<hbm>> -> memref<2621440x32xf32, #tpu.memory_space<hbm>>
    tpu.enqueue_indirect_dma source(%dma_start3A_968 : memref<2621440x32xf32, #tpu.memory_space<hbm>>) target(%dma_start3A_963 : memref<128x32xf32, #tpu.memory_space<vmem>>) offsets(%dma_start3A_965 : memref<128xi32, #tpu.memory_space<vmem>>) semaphore(%arg11 : memref<!tpu.dma_semaphore, #tpu.memory_space<semaphore_mem>>)
    %dma_start3A_969 = arith.constant 1024 : i32
    %dma_start3A_970 = arith.constant 0 : i32
    %dma_start3A_971 = tpu.memref_slice %arg8[%dma_start3A_969, %dma_start3A_970] : memref<1664x32xf32, #tpu.memory_space<vmem>> -> memref<128x32xf32, #tpu.memory_space<vmem>>
    %dma_start3A_972 = arith.constant 1024 : i32
    %dma_start3A_973 = tpu.memref_slice %arg6[%dma_start3A_972] : memref<1664xi32, #tpu.memory_space<vmem>> -> memref<128xi32, #tpu.memory_space<vmem>>
    %dma_start3A_974 = arith.constant 0 : i32
    %dma_start3A_975 = arith.constant 0 : i32
    %dma_start3A_976 = tpu.memref_slice %arg3[%dma_start3A_974, %dma_start3A_975] : memref<2621440x32xf32, #tpu.memory_space<hbm>> -> memref<2621440x32xf32, #tpu.memory_space<hbm>>
    tpu.enqueue_indirect_dma source(%dma_start3A_976 : memref<2621440x32xf32, #tpu.memory_space<hbm>>) target(%dma_start3A_971 : memref<128x32xf32, #tpu.memory_space<vmem>>) offsets(%dma_start3A_973 : memref<128xi32, #tpu.memory_space<vmem>>) semaphore(%arg11 : memref<!tpu.dma_semaphore, #tpu.memory_space<semaphore_mem>>)
    %dma_start3A_977 = arith.constant 1152 : i32
    %dma_start3A_978 = arith.constant 0 : i32
    %dma_start3A_979 = tpu.memref_slice %arg8[%dma_start3A_977, %dma_start3A_978] : memref<1664x32xf32, #tpu.memory_space<vmem>> -> memref<128x32xf32, #tpu.memory_space<vmem>>
    %dma_start3A_980 = arith.constant 1152 : i32
    %dma_start3A_981 = tpu.memref_slice %arg6[%dma_start3A_980] : memref<1664xi32, #tpu.memory_space<vmem>> -> memref<128xi32, #tpu.memory_space<vmem>>
    %dma_start3A_982 = arith.constant 0 : i32
    %dma_start3A_983 = arith.constant 0 : i32
    %dma_start3A_984 = tpu.memref_slice %arg3[%dma_start3A_982, %dma_start3A_983] : memref<2621440x32xf32, #tpu.memory_space<hbm>> -> memref<2621440x32xf32, #tpu.memory_space<hbm>>
    tpu.enqueue_indirect_dma source(%dma_start3A_984 : memref<2621440x32xf32, #tpu.memory_space<hbm>>) target(%dma_start3A_979 : memref<128x32xf32, #tpu.memory_space<vmem>>) offsets(%dma_start3A_981 : memref<128xi32, #tpu.memory_space<vmem>>) semaphore(%arg11 : memref<!tpu.dma_semaphore, #tpu.memory_space<semaphore_mem>>)
    %dma_start3A_985 = arith.constant 1280 : i32
    %dma_start3A_986 = arith.constant 0 : i32
    %dma_start3A_987 = tpu.memref_slice %arg8[%dma_start3A_985, %dma_start3A_986] : memref<1664x32xf32, #tpu.memory_space<vmem>> -> memref<128x32xf32, #tpu.memory_space<vmem>>
    %dma_start3A_988 = arith.constant 1280 : i32
    %dma_start3A_989 = tpu.memref_slice %arg6[%dma_start3A_988] : memref<1664xi32, #tpu.memory_space<vmem>> -> memref<128xi32, #tpu.memory_space<vmem>>
    %dma_start3A_990 = arith.constant 0 : i32
    %dma_start3A_991 = arith.constant 0 : i32
    %dma_start3A_992 = tpu.memref_slice %arg3[%dma_start3A_990, %dma_start3A_991] : memref<2621440x32xf32, #tpu.memory_space<hbm>> -> memref<2621440x32xf32, #tpu.memory_space<hbm>>
    tpu.enqueue_indirect_dma source(%dma_start3A_992 : memref<2621440x32xf32, #tpu.memory_space<hbm>>) target(%dma_start3A_987 : memref<128x32xf32, #tpu.memory_space<vmem>>) offsets(%dma_start3A_989 : memref<128xi32, #tpu.memory_space<vmem>>) semaphore(%arg11 : memref<!tpu.dma_semaphore, #tpu.memory_space<semaphore_mem>>)
    %dma_start3A_993 = arith.constant 1408 : i32
    %dma_start3A_994 = arith.constant 0 : i32
    %dma_start3A_995 = tpu.memref_slice %arg8[%dma_start3A_993, %dma_start3A_994] : memref<1664x32xf32, #tpu.memory_space<vmem>> -> memref<128x32xf32, #tpu.memory_space<vmem>>
    %dma_start3A_996 = arith.constant 1408 : i32
    %dma_start3A_997 = tpu.memref_slice %arg6[%dma_start3A_996] : memref<1664xi32, #tpu.memory_space<vmem>> -> memref<128xi32, #tpu.memory_space<vmem>>
    %dma_start3A_998 = arith.constant 0 : i32
    %dma_start3A_999 = arith.constant 0 : i32
    %dma_start3A_1000 = tpu.memref_slice %arg3[%dma_start3A_998, %dma_start3A_999] : memref<2621440x32xf32, #tpu.memory_space<hbm>> -> memref<2621440x32xf32, #tpu.memory_space<hbm>>
    tpu.enqueue_indirect_dma source(%dma_start3A_1000 : memref<2621440x32xf32, #tpu.memory_space<hbm>>) target(%dma_start3A_995 : memref<128x32xf32, #tpu.memory_space<vmem>>) offsets(%dma_start3A_997 : memref<128xi32, #tpu.memory_space<vmem>>) semaphore(%arg11 : memref<!tpu.dma_semaphore, #tpu.memory_space<semaphore_mem>>)
    %dma_start3A_1001 = arith.constant 1536 : i32
    %dma_start3A_1002 = arith.constant 0 : i32
    %dma_start3A_1003 = tpu.memref_slice %arg8[%dma_start3A_1001, %dma_start3A_1002] : memref<1664x32xf32, #tpu.memory_space<vmem>> -> memref<128x32xf32, #tpu.memory_space<vmem>>
    %dma_start3A_1004 = arith.constant 1536 : i32
    %dma_start3A_1005 = tpu.memref_slice %arg6[%dma_start3A_1004] : memref<1664xi32, #tpu.memory_space<vmem>> -> memref<128xi32, #tpu.memory_space<vmem>>
    %dma_start3A_1006 = arith.constant 0 : i32
    %dma_start3A_1007 = arith.constant 0 : i32
    %dma_start3A_1008 = tpu.memref_slice %arg3[%dma_start3A_1006, %dma_start3A_1007] : memref<2621440x32xf32, #tpu.memory_space<hbm>> -> memref<2621440x32xf32, #tpu.memory_space<hbm>>
    tpu.enqueue_indirect_dma source(%dma_start3A_1008 : memref<2621440x32xf32, #tpu.memory_space<hbm>>) target(%dma_start3A_1003 : memref<128x32xf32, #tpu.memory_space<vmem>>) offsets(%dma_start3A_1005 : memref<128xi32, #tpu.memory_space<vmem>>) semaphore(%arg11 : memref<!tpu.dma_semaphore, #tpu.memory_space<semaphore_mem>>)
    %dma_wait3A_1009 = arith.constant 0 : i32
    %dma_wait3A_1010 = arith.constant 0 : i32
    %dma_wait3A_1011 = tpu.memref_slice %arg8[%dma_wait3A_1009, %dma_wait3A_1010] : memref<1664x32xf32, #tpu.memory_space<vmem>> -> memref<128x32xf32, #tpu.memory_space<vmem>>
    %dma_wait3A_1012 = arith.constant 0 : i32
    %dma_wait3A_1013 = tpu.memref_slice %arg6[%dma_wait3A_1012] : memref<1664xi32, #tpu.memory_space<vmem>> -> memref<128xi32, #tpu.memory_space<vmem>>
    %dma_wait3A_1014 = arith.constant 0 : i32
    %dma_wait3A_1015 = arith.constant 0 : i32
    %dma_wait3A_1016 = tpu.memref_slice %arg3[%dma_wait3A_1014, %dma_wait3A_1015] : memref<2621440x32xf32, #tpu.memory_space<hbm>> -> memref<2621440x32xf32, #tpu.memory_space<hbm>>
    tpu.wait_indirect_dma semaphore(%arg11 : memref<!tpu.dma_semaphore, #tpu.memory_space<semaphore_mem>>) src(%dma_wait3A_1016 : memref<2621440x32xf32, #tpu.memory_space<hbm>>) dst(%dma_wait3A_1011 : memref<128x32xf32, #tpu.memory_space<vmem>>)
    %dma_wait3A_1017 = arith.constant 128 : i32
    %dma_wait3A_1018 = arith.constant 0 : i32
    %dma_wait3A_1019 = tpu.memref_slice %arg8[%dma_wait3A_1017, %dma_wait3A_1018] : memref<1664x32xf32, #tpu.memory_space<vmem>> -> memref<128x32xf32, #tpu.memory_space<vmem>>
    %dma_wait3A_1020 = arith.constant 128 : i32
    %dma_wait3A_1021 = tpu.memref_slice %arg6[%dma_wait3A_1020] : memref<1664xi32, #tpu.memory_space<vmem>> -> memref<128xi32, #tpu.memory_space<vmem>>
    %dma_wait3A_1022 = arith.constant 0 : i32
    %dma_wait3A_1023 = arith.constant 0 : i32
    %dma_wait3A_1024 = tpu.memref_slice %arg3[%dma_wait3A_1022, %dma_wait3A_1023] : memref<2621440x32xf32, #tpu.memory_space<hbm>> -> memref<2621440x32xf32, #tpu.memory_space<hbm>>
    tpu.wait_indirect_dma semaphore(%arg11 : memref<!tpu.dma_semaphore, #tpu.memory_space<semaphore_mem>>) src(%dma_wait3A_1024 : memref<2621440x32xf32, #tpu.memory_space<hbm>>) dst(%dma_wait3A_1019 : memref<128x32xf32, #tpu.memory_space<vmem>>)
    %dma_wait3A_1025 = arith.constant 256 : i32
    %dma_wait3A_1026 = arith.constant 0 : i32
    %dma_wait3A_1027 = tpu.memref_slice %arg8[%dma_wait3A_1025, %dma_wait3A_1026] : memref<1664x32xf32, #tpu.memory_space<vmem>> -> memref<128x32xf32, #tpu.memory_space<vmem>>
    %dma_wait3A_1028 = arith.constant 256 : i32
    %dma_wait3A_1029 = tpu.memref_slice %arg6[%dma_wait3A_1028] : memref<1664xi32, #tpu.memory_space<vmem>> -> memref<128xi32, #tpu.memory_space<vmem>>
    %dma_wait3A_1030 = arith.constant 0 : i32
    %dma_wait3A_1031 = arith.constant 0 : i32
    %dma_wait3A_1032 = tpu.memref_slice %arg3[%dma_wait3A_1030, %dma_wait3A_1031] : memref<2621440x32xf32, #tpu.memory_space<hbm>> -> memref<2621440x32xf32, #tpu.memory_space<hbm>>
    tpu.wait_indirect_dma semaphore(%arg11 : memref<!tpu.dma_semaphore, #tpu.memory_space<semaphore_mem>>) src(%dma_wait3A_1032 : memref<2621440x32xf32, #tpu.memory_space<hbm>>) dst(%dma_wait3A_1027 : memref<128x32xf32, #tpu.memory_space<vmem>>)
    %dma_wait3A_1033 = arith.constant 384 : i32
    %dma_wait3A_1034 = arith.constant 0 : i32
    %dma_wait3A_1035 = tpu.memref_slice %arg8[%dma_wait3A_1033, %dma_wait3A_1034] : memref<1664x32xf32, #tpu.memory_space<vmem>> -> memref<128x32xf32, #tpu.memory_space<vmem>>
    %dma_wait3A_1036 = arith.constant 384 : i32
    %dma_wait3A_1037 = tpu.memref_slice %arg6[%dma_wait3A_1036] : memref<1664xi32, #tpu.memory_space<vmem>> -> memref<128xi32, #tpu.memory_space<vmem>>
    %dma_wait3A_1038 = arith.constant 0 : i32
    %dma_wait3A_1039 = arith.constant 0 : i32
    %dma_wait3A_1040 = tpu.memref_slice %arg3[%dma_wait3A_1038, %dma_wait3A_1039] : memref<2621440x32xf32, #tpu.memory_space<hbm>> -> memref<2621440x32xf32, #tpu.memory_space<hbm>>
    tpu.wait_indirect_dma semaphore(%arg11 : memref<!tpu.dma_semaphore, #tpu.memory_space<semaphore_mem>>) src(%dma_wait3A_1040 : memref<2621440x32xf32, #tpu.memory_space<hbm>>) dst(%dma_wait3A_1035 : memref<128x32xf32, #tpu.memory_space<vmem>>)
    %dma_wait3A_1041 = arith.constant 512 : i32
    %dma_wait3A_1042 = arith.constant 0 : i32
    %dma_wait3A_1043 = tpu.memref_slice %arg8[%dma_wait3A_1041, %dma_wait3A_1042] : memref<1664x32xf32, #tpu.memory_space<vmem>> -> memref<128x32xf32, #tpu.memory_space<vmem>>
    %dma_wait3A_1044 = arith.constant 512 : i32
    %dma_wait3A_1045 = tpu.memref_slice %arg6[%dma_wait3A_1044] : memref<1664xi32, #tpu.memory_space<vmem>> -> memref<128xi32, #tpu.memory_space<vmem>>
    %dma_wait3A_1046 = arith.constant 0 : i32
    %dma_wait3A_1047 = arith.constant 0 : i32
    %dma_wait3A_1048 = tpu.memref_slice %arg3[%dma_wait3A_1046, %dma_wait3A_1047] : memref<2621440x32xf32, #tpu.memory_space<hbm>> -> memref<2621440x32xf32, #tpu.memory_space<hbm>>
    tpu.wait_indirect_dma semaphore(%arg11 : memref<!tpu.dma_semaphore, #tpu.memory_space<semaphore_mem>>) src(%dma_wait3A_1048 : memref<2621440x32xf32, #tpu.memory_space<hbm>>) dst(%dma_wait3A_1043 : memref<128x32xf32, #tpu.memory_space<vmem>>)
    %dma_wait3A_1049 = arith.constant 640 : i32
    %dma_wait3A_1050 = arith.constant 0 : i32
    %dma_wait3A_1051 = tpu.memref_slice %arg8[%dma_wait3A_1049, %dma_wait3A_1050] : memref<1664x32xf32, #tpu.memory_space<vmem>> -> memref<128x32xf32, #tpu.memory_space<vmem>>
    %dma_wait3A_1052 = arith.constant 640 : i32
    %dma_wait3A_1053 = tpu.memref_slice %arg6[%dma_wait3A_1052] : memref<1664xi32, #tpu.memory_space<vmem>> -> memref<128xi32, #tpu.memory_space<vmem>>
    %dma_wait3A_1054 = arith.constant 0 : i32
    %dma_wait3A_1055 = arith.constant 0 : i32
    %dma_wait3A_1056 = tpu.memref_slice %arg3[%dma_wait3A_1054, %dma_wait3A_1055] : memref<2621440x32xf32, #tpu.memory_space<hbm>> -> memref<2621440x32xf32, #tpu.memory_space<hbm>>
    tpu.wait_indirect_dma semaphore(%arg11 : memref<!tpu.dma_semaphore, #tpu.memory_space<semaphore_mem>>) src(%dma_wait3A_1056 : memref<2621440x32xf32, #tpu.memory_space<hbm>>) dst(%dma_wait3A_1051 : memref<128x32xf32, #tpu.memory_space<vmem>>)
    %dma_wait3A_1057 = arith.constant 768 : i32
    %dma_wait3A_1058 = arith.constant 0 : i32
    %dma_wait3A_1059 = tpu.memref_slice %arg8[%dma_wait3A_1057, %dma_wait3A_1058] : memref<1664x32xf32, #tpu.memory_space<vmem>> -> memref<128x32xf32, #tpu.memory_space<vmem>>
    %dma_wait3A_1060 = arith.constant 768 : i32
    %dma_wait3A_1061 = tpu.memref_slice %arg6[%dma_wait3A_1060] : memref<1664xi32, #tpu.memory_space<vmem>> -> memref<128xi32, #tpu.memory_space<vmem>>
    %dma_wait3A_1062 = arith.constant 0 : i32
    %dma_wait3A_1063 = arith.constant 0 : i32
    %dma_wait3A_1064 = tpu.memref_slice %arg3[%dma_wait3A_1062, %dma_wait3A_1063] : memref<2621440x32xf32, #tpu.memory_space<hbm>> -> memref<2621440x32xf32, #tpu.memory_space<hbm>>
    tpu.wait_indirect_dma semaphore(%arg11 : memref<!tpu.dma_semaphore, #tpu.memory_space<semaphore_mem>>) src(%dma_wait3A_1064 : memref<2621440x32xf32, #tpu.memory_space<hbm>>) dst(%dma_wait3A_1059 : memref<128x32xf32, #tpu.memory_space<vmem>>)
    %dma_wait3A_1065 = arith.constant 896 : i32
    %dma_wait3A_1066 = arith.constant 0 : i32
    %dma_wait3A_1067 = tpu.memref_slice %arg8[%dma_wait3A_1065, %dma_wait3A_1066] : memref<1664x32xf32, #tpu.memory_space<vmem>> -> memref<128x32xf32, #tpu.memory_space<vmem>>
    %dma_wait3A_1068 = arith.constant 896 : i32
    %dma_wait3A_1069 = tpu.memref_slice %arg6[%dma_wait3A_1068] : memref<1664xi32, #tpu.memory_space<vmem>> -> memref<128xi32, #tpu.memory_space<vmem>>
    %dma_wait3A_1070 = arith.constant 0 : i32
    %dma_wait3A_1071 = arith.constant 0 : i32
    %dma_wait3A_1072 = tpu.memref_slice %arg3[%dma_wait3A_1070, %dma_wait3A_1071] : memref<2621440x32xf32, #tpu.memory_space<hbm>> -> memref<2621440x32xf32, #tpu.memory_space<hbm>>
    tpu.wait_indirect_dma semaphore(%arg11 : memref<!tpu.dma_semaphore, #tpu.memory_space<semaphore_mem>>) src(%dma_wait3A_1072 : memref<2621440x32xf32, #tpu.memory_space<hbm>>) dst(%dma_wait3A_1067 : memref<128x32xf32, #tpu.memory_space<vmem>>)
    %dma_wait3A_1073 = arith.constant 1024 : i32
    %dma_wait3A_1074 = arith.constant 0 : i32
    %dma_wait3A_1075 = tpu.memref_slice %arg8[%dma_wait3A_1073, %dma_wait3A_1074] : memref<1664x32xf32, #tpu.memory_space<vmem>> -> memref<128x32xf32, #tpu.memory_space<vmem>>
    %dma_wait3A_1076 = arith.constant 1024 : i32
    %dma_wait3A_1077 = tpu.memref_slice %arg6[%dma_wait3A_1076] : memref<1664xi32, #tpu.memory_space<vmem>> -> memref<128xi32, #tpu.memory_space<vmem>>
    %dma_wait3A_1078 = arith.constant 0 : i32
    %dma_wait3A_1079 = arith.constant 0 : i32
    %dma_wait3A_1080 = tpu.memref_slice %arg3[%dma_wait3A_1078, %dma_wait3A_1079] : memref<2621440x32xf32, #tpu.memory_space<hbm>> -> memref<2621440x32xf32, #tpu.memory_space<hbm>>
    tpu.wait_indirect_dma semaphore(%arg11 : memref<!tpu.dma_semaphore, #tpu.memory_space<semaphore_mem>>) src(%dma_wait3A_1080 : memref<2621440x32xf32, #tpu.memory_space<hbm>>) dst(%dma_wait3A_1075 : memref<128x32xf32, #tpu.memory_space<vmem>>)
    %dma_wait3A_1081 = arith.constant 1152 : i32
    %dma_wait3A_1082 = arith.constant 0 : i32
    %dma_wait3A_1083 = tpu.memref_slice %arg8[%dma_wait3A_1081, %dma_wait3A_1082] : memref<1664x32xf32, #tpu.memory_space<vmem>> -> memref<128x32xf32, #tpu.memory_space<vmem>>
    %dma_wait3A_1084 = arith.constant 1152 : i32
    %dma_wait3A_1085 = tpu.memref_slice %arg6[%dma_wait3A_1084] : memref<1664xi32, #tpu.memory_space<vmem>> -> memref<128xi32, #tpu.memory_space<vmem>>
    %dma_wait3A_1086 = arith.constant 0 : i32
    %dma_wait3A_1087 = arith.constant 0 : i32
    %dma_wait3A_1088 = tpu.memref_slice %arg3[%dma_wait3A_1086, %dma_wait3A_1087] : memref<2621440x32xf32, #tpu.memory_space<hbm>> -> memref<2621440x32xf32, #tpu.memory_space<hbm>>
    tpu.wait_indirect_dma semaphore(%arg11 : memref<!tpu.dma_semaphore, #tpu.memory_space<semaphore_mem>>) src(%dma_wait3A_1088 : memref<2621440x32xf32, #tpu.memory_space<hbm>>) dst(%dma_wait3A_1083 : memref<128x32xf32, #tpu.memory_space<vmem>>)
    %dma_wait3A_1089 = arith.constant 1280 : i32
    %dma_wait3A_1090 = arith.constant 0 : i32
    %dma_wait3A_1091 = tpu.memref_slice %arg8[%dma_wait3A_1089, %dma_wait3A_1090] : memref<1664x32xf32, #tpu.memory_space<vmem>> -> memref<128x32xf32, #tpu.memory_space<vmem>>
    %dma_wait3A_1092 = arith.constant 1280 : i32
    %dma_wait3A_1093 = tpu.memref_slice %arg6[%dma_wait3A_1092] : memref<1664xi32, #tpu.memory_space<vmem>> -> memref<128xi32, #tpu.memory_space<vmem>>
    %dma_wait3A_1094 = arith.constant 0 : i32
    %dma_wait3A_1095 = arith.constant 0 : i32
    %dma_wait3A_1096 = tpu.memref_slice %arg3[%dma_wait3A_1094, %dma_wait3A_1095] : memref<2621440x32xf32, #tpu.memory_space<hbm>> -> memref<2621440x32xf32, #tpu.memory_space<hbm>>
    tpu.wait_indirect_dma semaphore(%arg11 : memref<!tpu.dma_semaphore, #tpu.memory_space<semaphore_mem>>) src(%dma_wait3A_1096 : memref<2621440x32xf32, #tpu.memory_space<hbm>>) dst(%dma_wait3A_1091 : memref<128x32xf32, #tpu.memory_space<vmem>>)
    %dma_wait3A_1097 = arith.constant 1408 : i32
    %dma_wait3A_1098 = arith.constant 0 : i32
    %dma_wait3A_1099 = tpu.memref_slice %arg8[%dma_wait3A_1097, %dma_wait3A_1098] : memref<1664x32xf32, #tpu.memory_space<vmem>> -> memref<128x32xf32, #tpu.memory_space<vmem>>
    %dma_wait3A_1100 = arith.constant 1408 : i32
    %dma_wait3A_1101 = tpu.memref_slice %arg6[%dma_wait3A_1100] : memref<1664xi32, #tpu.memory_space<vmem>> -> memref<128xi32, #tpu.memory_space<vmem>>
    %dma_wait3A_1102 = arith.constant 0 : i32
    %dma_wait3A_1103 = arith.constant 0 : i32
    %dma_wait3A_1104 = tpu.memref_slice %arg3[%dma_wait3A_1102, %dma_wait3A_1103] : memref<2621440x32xf32, #tpu.memory_space<hbm>> -> memref<2621440x32xf32, #tpu.memory_space<hbm>>
    tpu.wait_indirect_dma semaphore(%arg11 : memref<!tpu.dma_semaphore, #tpu.memory_space<semaphore_mem>>) src(%dma_wait3A_1104 : memref<2621440x32xf32, #tpu.memory_space<hbm>>) dst(%dma_wait3A_1099 : memref<128x32xf32, #tpu.memory_space<vmem>>)
    %dma_wait3A_1105 = arith.constant 1536 : i32
    %dma_wait3A_1106 = arith.constant 0 : i32
    %dma_wait3A_1107 = tpu.memref_slice %arg8[%dma_wait3A_1105, %dma_wait3A_1106] : memref<1664x32xf32, #tpu.memory_space<vmem>> -> memref<128x32xf32, #tpu.memory_space<vmem>>
    %dma_wait3A_1108 = arith.constant 1536 : i32
    %dma_wait3A_1109 = tpu.memref_slice %arg6[%dma_wait3A_1108] : memref<1664xi32, #tpu.memory_space<vmem>> -> memref<128xi32, #tpu.memory_space<vmem>>
    %dma_wait3A_1110 = arith.constant 0 : i32
    %dma_wait3A_1111 = arith.constant 0 : i32
    %dma_wait3A_1112 = tpu.memref_slice %arg3[%dma_wait3A_1110, %dma_wait3A_1111] : memref<2621440x32xf32, #tpu.memory_space<hbm>> -> memref<2621440x32xf32, #tpu.memory_space<hbm>>
    tpu.wait_indirect_dma semaphore(%arg11 : memref<!tpu.dma_semaphore, #tpu.memory_space<semaphore_mem>>) src(%dma_wait3A_1112 : memref<2621440x32xf32, #tpu.memory_space<hbm>>) dst(%dma_wait3A_1107 : memref<128x32xf32, #tpu.memory_space<vmem>>)
    %dma_start3A_1113 = arith.constant 0 : i32
    %dma_start3A_1114 = tpu.memref_slice %arg5[%add3A_897, %dma_start3A_1113] : memref<425984x32xf32, #tpu.memory_space<hbm>> -> memref<1664x32xf32, #tpu.memory_space<hbm>>
    %dma_start3A_1115 = arith.constant 0 : i32
    %dma_start3A_1116 = tpu.memref_slice %arg5[%add3A_897, %dma_start3A_1115] : memref<425984x32xf32, #tpu.memory_space<hbm>> -> memref<1664x32xf32, #tpu.memory_space<hbm>>
    tpu.enqueue_dma source(%arg8 : memref<1664x32xf32, #tpu.memory_space<vmem>>) target(%dma_start3A_1116 : memref<1664x32xf32, #tpu.memory_space<hbm>>) target_semaphore(%arg12 : memref<!tpu.dma_semaphore, #tpu.memory_space<semaphore_mem>>)
    %dma_wait3A_1117 = arith.constant 0 : i32
    %dma_wait3A_1118 = tpu.memref_slice %arg5[%add3A_672, %dma_wait3A_1117] : memref<425984x32xf32, #tpu.memory_space<hbm>> -> memref<1664x32xf32, #tpu.memory_space<hbm>>
    %dma_wait3A_1119 = arith.constant 0 : i32
    %dma_wait3A_1120 = tpu.memref_slice %arg5[%add3A_672, %dma_wait3A_1119] : memref<425984x32xf32, #tpu.memory_space<hbm>> -> memref<1664x32xf32, #tpu.memory_space<hbm>>
    tpu.wait_dma2 semaphore(%arg12 : memref<!tpu.dma_semaphore, #tpu.memory_space<semaphore_mem>>) src(%arg9 : memref<1664x32xf32, #tpu.memory_space<vmem>>) dst(%dma_wait3A_1120 : memref<1664x32xf32, #tpu.memory_space<hbm>>)
    %add3A_1121 = arith.constant 8320 : i32
    %add3A_1122 = arith.addi %mul3A_2, %add3A_1121 : i32
    "tpu.region"() ({
      %run_scoped3A = tpu.sem_alloc : memref<!tpu.dma_semaphore, #tpu.memory_space<semaphore_mem>>
      %dma_start3A_1800 = tpu.memref_slice %arg2[%add3A_1122] : memref<425984xi32, #tpu.memory_space<hbm>> -> memref<1664xi32, #tpu.memory_space<hbm>>
      %dma_start3A_1801 = tpu.memref_slice %arg2[%add3A_1122] : memref<425984xi32, #tpu.memory_space<hbm>> -> memref<1664xi32, #tpu.memory_space<hbm>>
      tpu.enqueue_dma source(%dma_start3A_1801 : memref<1664xi32, #tpu.memory_space<hbm>>) target(%arg7 : memref<1664xi32, #tpu.memory_space<vmem>>) target_semaphore(%run_scoped3A : memref<!tpu.dma_semaphore, #tpu.memory_space<semaphore_mem>>)
      %dma_wait3A_1802 = tpu.memref_slice %arg2[%add3A_1122] : memref<425984xi32, #tpu.memory_space<hbm>> -> memref<1664xi32, #tpu.memory_space<hbm>>
      %dma_wait3A_1803 = tpu.memref_slice %arg2[%add3A_1122] : memref<425984xi32, #tpu.memory_space<hbm>> -> memref<1664xi32, #tpu.memory_space<hbm>>
      tpu.wait_dma2 semaphore(%run_scoped3A : memref<!tpu.dma_semaphore, #tpu.memory_space<semaphore_mem>>) src(%dma_wait3A_1803 : memref<1664xi32, #tpu.memory_space<hbm>>) dst(%arg7 : memref<1664xi32, #tpu.memory_space<vmem>>)
      tpu.yield
    }) : () -> ()
    %scan3A_1123 = arith.constant 0 : i32
    %scan3A_1124 = arith.constant 0 : i32
    %scan3A_1125 = arith.constant 104 : i32
    %scan3A_1126 = arith.addi %scan3A_1124, %scan3A_1125 : i32
    %scan3A_1127 = arith.constant 1 : i32
    %scan3A_1128 = scf.for %scan3A_1800 = %scan3A_1124 to %scan3A_1126 step %scan3A_1127 iter_args(%scan3A_1801 = %scan3A_1123) -> (i32)  : i32 {
      %mul3A_1802 = arith.constant 16 : i32
      %mul3A_1803 = arith.muli %scan3A_1800, %mul3A_1802 : i32
      %add3A_1804 = arith.addi %add3A_1122, %mul3A_1803 : i32
      %rem3A = arith.constant 26 : i32
      %rem3A_1805 = arith.remsi %add3A_1804, %rem3A : i32
      %get3A = arith.index_cast %rem3A_1805 : i32 to index
      %get3A_1806 = tpu.vector_load %arg10[%get3A] {strides = array<i32>} : memref<64xi32, #tpu.memory_space<vmem>>, vector<16xi32>,
      %get3A_1807 = vector.shape_cast %get3A_1806 : vector<16xi32> to vector<16xi32>
      %mul3A_1808 = arith.constant 16 : i32
      %mul3A_1809 = arith.muli %scan3A_1800, %mul3A_1808 : i32
      %get3A_1810 = arith.index_cast %mul3A_1809 : i32 to index
      %get3A_1811 = tpu.vector_load %arg7[%get3A_1810] {strides = array<i32>} : memref<1664xi32, #tpu.memory_space<vmem>>, vector<16xi32>,
      %get3A_1812 = vector.shape_cast %get3A_1811 : vector<16xi32> to vector<16xi32>
      %add3A_1813 = arith.addi %get3A_1812, %get3A_1807 : vector<16xi32>
      %broadcast_in_dim3A = arith.constant 0 : i32
      %broadcast_in_dim3A_1814 = vector.broadcast %broadcast_in_dim3A : i32 to vector<16xi32>
      %ge3A = arith.constant 1310720 : i32
      %ge3A_1815 = vector.broadcast %ge3A : i32 to vector<16xi32>
      %ge3A_1816 = arith.cmpi sge, %add3A_1813, %ge3A_1815 : vector<16xi32>
      %add3A_1817 = arith.constant 2 : i32
      %add3A_1818 = vector.broadcast %add3A_1817 : i32 to vector<16xi32>
      %add3A_1819 = arith.addi %broadcast_in_dim3A_1814, %add3A_1818 : vector<16xi32>
      %select_n3A = arith.select %ge3A_1816, %add3A_1819, %broadcast_in_dim3A_1814 : vector<16xi1>, vector<16xi32>
      %mul3A_1820 = arith.constant 655360 : i32
      %mul3A_1821 = vector.broadcast %mul3A_1820 : i32 to vector<16xi32>
      %mul3A_1822 = arith.muli %select_n3A, %mul3A_1821 : vector<16xi32>
      %sub3A = arith.subi %add3A_1813, %mul3A_1822 : vector<16xi32>
      %ge3A_1823 = arith.constant 655360 : i32
      %ge3A_1824 = vector.broadcast %ge3A_1823 : i32 to vector<16xi32>
      %ge3A_1825 = arith.cmpi sge, %sub3A, %ge3A_1824 : vector<16xi32>
      %add3A_1826 = arith.constant 1 : i32
      %add3A_1827 = vector.broadcast %add3A_1826 : i32 to vector<16xi32>
      %add3A_1828 = arith.addi %broadcast_in_dim3A_1814, %add3A_1827 : vector<16xi32>
      %select_n3A_1829 = arith.select %ge3A_1825, %add3A_1828, %broadcast_in_dim3A_1814 : vector<16xi1>, vector<16xi32>
      %mul3A_1830 = arith.constant 655360 : i32
      %mul3A_1831 = vector.broadcast %mul3A_1830 : i32 to vector<16xi32>
      %mul3A_1832 = arith.muli %select_n3A_1829, %mul3A_1831 : vector<16xi32>
      %sub3A_1833 = arith.subi %sub3A, %mul3A_1832 : vector<16xi32>
      %mul3A_1834 = arith.constant 4 : i32
      %mul3A_1835 = vector.broadcast %mul3A_1834 : i32 to vector<16xi32>
      %mul3A_1836 = arith.muli %sub3A_1833, %mul3A_1835 : vector<16xi32>
      %add3A_1837 = arith.addi %mul3A_1836, %select_n3A : vector<16xi32>
      %add3A_1838 = arith.addi %add3A_1837, %select_n3A_1829 : vector<16xi32>
      %mul3A_1839 = arith.constant 16 : i32
      %mul3A_1840 = arith.muli %scan3A_1800, %mul3A_1839 : i32
      %swap3A = arith.index_cast %mul3A_1840 : i32 to index
      %swap3A_1841 = tpu.vector_load %arg7[%swap3A] {strides = array<i32>} : memref<1664xi32, #tpu.memory_space<vmem>>, vector<16xi32>,
      %swap3A_1842 = vector.shape_cast %swap3A_1841 : vector<16xi32> to vector<16xi32>
      %swap3A_1843 = vector.shape_cast %add3A_1838 : vector<16xi32> to vector<16xi32>
      tpu.vector_store %arg7[%swap3A], %swap3A_1843 {strides = array<i32>} : memref<1664xi32, #tpu.memory_space<vmem>>, vector<16xi32>,
      %scan3A_1844 = arith.constant 0 : i32
      scf.yield %scan3A_1844 : i32
    }
    %scan3A_1129 = arith.constant 104 : i32
    %dma_start3A_1130 = arith.constant 0 : i32
    %dma_start3A_1131 = arith.constant 0 : i32
    %dma_start3A_1132 = tpu.memref_slice %arg9[%dma_start3A_1130, %dma_start3A_1131] : memref<1664x32xf32, #tpu.memory_space<vmem>> -> memref<128x32xf32, #tpu.memory_space<vmem>>
    %dma_start3A_1133 = arith.constant 0 : i32
    %dma_start3A_1134 = tpu.memref_slice %arg7[%dma_start3A_1133] : memref<1664xi32, #tpu.memory_space<vmem>> -> memref<128xi32, #tpu.memory_space<vmem>>
    %dma_start3A_1135 = arith.constant 0 : i32
    %dma_start3A_1136 = arith.constant 0 : i32
    %dma_start3A_1137 = tpu.memref_slice %arg3[%dma_start3A_1135, %dma_start3A_1136] : memref<2621440x32xf32, #tpu.memory_space<hbm>> -> memref<2621440x32xf32, #tpu.memory_space<hbm>>
    tpu.enqueue_indirect_dma source(%dma_start3A_1137 : memref<2621440x32xf32, #tpu.memory_space<hbm>>) target(%dma_start3A_1132 : memref<128x32xf32, #tpu.memory_space<vmem>>) offsets(%dma_start3A_1134 : memref<128xi32, #tpu.memory_space<vmem>>) semaphore(%arg11 : memref<!tpu.dma_semaphore, #tpu.memory_space<semaphore_mem>>)
    %dma_start3A_1138 = arith.constant 128 : i32
    %dma_start3A_1139 = arith.constant 0 : i32
    %dma_start3A_1140 = tpu.memref_slice %arg9[%dma_start3A_1138, %dma_start3A_1139] : memref<1664x32xf32, #tpu.memory_space<vmem>> -> memref<128x32xf32, #tpu.memory_space<vmem>>
    %dma_start3A_1141 = arith.constant 128 : i32
    %dma_start3A_1142 = tpu.memref_slice %arg7[%dma_start3A_1141] : memref<1664xi32, #tpu.memory_space<vmem>> -> memref<128xi32, #tpu.memory_space<vmem>>
    %dma_start3A_1143 = arith.constant 0 : i32
    %dma_start3A_1144 = arith.constant 0 : i32
    %dma_start3A_1145 = tpu.memref_slice %arg3[%dma_start3A_1143, %dma_start3A_1144] : memref<2621440x32xf32, #tpu.memory_space<hbm>> -> memref<2621440x32xf32, #tpu.memory_space<hbm>>
    tpu.enqueue_indirect_dma source(%dma_start3A_1145 : memref<2621440x32xf32, #tpu.memory_space<hbm>>) target(%dma_start3A_1140 : memref<128x32xf32, #tpu.memory_space<vmem>>) offsets(%dma_start3A_1142 : memref<128xi32, #tpu.memory_space<vmem>>) semaphore(%arg11 : memref<!tpu.dma_semaphore, #tpu.memory_space<semaphore_mem>>)
    %dma_start3A_1146 = arith.constant 256 : i32
    %dma_start3A_1147 = arith.constant 0 : i32
    %dma_start3A_1148 = tpu.memref_slice %arg9[%dma_start3A_1146, %dma_start3A_1147] : memref<1664x32xf32, #tpu.memory_space<vmem>> -> memref<128x32xf32, #tpu.memory_space<vmem>>
    %dma_start3A_1149 = arith.constant 256 : i32
    %dma_start3A_1150 = tpu.memref_slice %arg7[%dma_start3A_1149] : memref<1664xi32, #tpu.memory_space<vmem>> -> memref<128xi32, #tpu.memory_space<vmem>>
    %dma_start3A_1151 = arith.constant 0 : i32
    %dma_start3A_1152 = arith.constant 0 : i32
    %dma_start3A_1153 = tpu.memref_slice %arg3[%dma_start3A_1151, %dma_start3A_1152] : memref<2621440x32xf32, #tpu.memory_space<hbm>> -> memref<2621440x32xf32, #tpu.memory_space<hbm>>
    tpu.enqueue_indirect_dma source(%dma_start3A_1153 : memref<2621440x32xf32, #tpu.memory_space<hbm>>) target(%dma_start3A_1148 : memref<128x32xf32, #tpu.memory_space<vmem>>) offsets(%dma_start3A_1150 : memref<128xi32, #tpu.memory_space<vmem>>) semaphore(%arg11 : memref<!tpu.dma_semaphore, #tpu.memory_space<semaphore_mem>>)
    %dma_start3A_1154 = arith.constant 384 : i32
    %dma_start3A_1155 = arith.constant 0 : i32
    %dma_start3A_1156 = tpu.memref_slice %arg9[%dma_start3A_1154, %dma_start3A_1155] : memref<1664x32xf32, #tpu.memory_space<vmem>> -> memref<128x32xf32, #tpu.memory_space<vmem>>
    %dma_start3A_1157 = arith.constant 384 : i32
    %dma_start3A_1158 = tpu.memref_slice %arg7[%dma_start3A_1157] : memref<1664xi32, #tpu.memory_space<vmem>> -> memref<128xi32, #tpu.memory_space<vmem>>
    %dma_start3A_1159 = arith.constant 0 : i32
    %dma_start3A_1160 = arith.constant 0 : i32
    %dma_start3A_1161 = tpu.memref_slice %arg3[%dma_start3A_1159, %dma_start3A_1160] : memref<2621440x32xf32, #tpu.memory_space<hbm>> -> memref<2621440x32xf32, #tpu.memory_space<hbm>>
    tpu.enqueue_indirect_dma source(%dma_start3A_1161 : memref<2621440x32xf32, #tpu.memory_space<hbm>>) target(%dma_start3A_1156 : memref<128x32xf32, #tpu.memory_space<vmem>>) offsets(%dma_start3A_1158 : memref<128xi32, #tpu.memory_space<vmem>>) semaphore(%arg11 : memref<!tpu.dma_semaphore, #tpu.memory_space<semaphore_mem>>)
    %dma_start3A_1162 = arith.constant 512 : i32
    %dma_start3A_1163 = arith.constant 0 : i32
    %dma_start3A_1164 = tpu.memref_slice %arg9[%dma_start3A_1162, %dma_start3A_1163] : memref<1664x32xf32, #tpu.memory_space<vmem>> -> memref<128x32xf32, #tpu.memory_space<vmem>>
    %dma_start3A_1165 = arith.constant 512 : i32
    %dma_start3A_1166 = tpu.memref_slice %arg7[%dma_start3A_1165] : memref<1664xi32, #tpu.memory_space<vmem>> -> memref<128xi32, #tpu.memory_space<vmem>>
    %dma_start3A_1167 = arith.constant 0 : i32
    %dma_start3A_1168 = arith.constant 0 : i32
    %dma_start3A_1169 = tpu.memref_slice %arg3[%dma_start3A_1167, %dma_start3A_1168] : memref<2621440x32xf32, #tpu.memory_space<hbm>> -> memref<2621440x32xf32, #tpu.memory_space<hbm>>
    tpu.enqueue_indirect_dma source(%dma_start3A_1169 : memref<2621440x32xf32, #tpu.memory_space<hbm>>) target(%dma_start3A_1164 : memref<128x32xf32, #tpu.memory_space<vmem>>) offsets(%dma_start3A_1166 : memref<128xi32, #tpu.memory_space<vmem>>) semaphore(%arg11 : memref<!tpu.dma_semaphore, #tpu.memory_space<semaphore_mem>>)
    %dma_start3A_1170 = arith.constant 640 : i32
    %dma_start3A_1171 = arith.constant 0 : i32
    %dma_start3A_1172 = tpu.memref_slice %arg9[%dma_start3A_1170, %dma_start3A_1171] : memref<1664x32xf32, #tpu.memory_space<vmem>> -> memref<128x32xf32, #tpu.memory_space<vmem>>
    %dma_start3A_1173 = arith.constant 640 : i32
    %dma_start3A_1174 = tpu.memref_slice %arg7[%dma_start3A_1173] : memref<1664xi32, #tpu.memory_space<vmem>> -> memref<128xi32, #tpu.memory_space<vmem>>
    %dma_start3A_1175 = arith.constant 0 : i32
    %dma_start3A_1176 = arith.constant 0 : i32
    %dma_start3A_1177 = tpu.memref_slice %arg3[%dma_start3A_1175, %dma_start3A_1176] : memref<2621440x32xf32, #tpu.memory_space<hbm>> -> memref<2621440x32xf32, #tpu.memory_space<hbm>>
    tpu.enqueue_indirect_dma source(%dma_start3A_1177 : memref<2621440x32xf32, #tpu.memory_space<hbm>>) target(%dma_start3A_1172 : memref<128x32xf32, #tpu.memory_space<vmem>>) offsets(%dma_start3A_1174 : memref<128xi32, #tpu.memory_space<vmem>>) semaphore(%arg11 : memref<!tpu.dma_semaphore, #tpu.memory_space<semaphore_mem>>)
    %dma_start3A_1178 = arith.constant 768 : i32
    %dma_start3A_1179 = arith.constant 0 : i32
    %dma_start3A_1180 = tpu.memref_slice %arg9[%dma_start3A_1178, %dma_start3A_1179] : memref<1664x32xf32, #tpu.memory_space<vmem>> -> memref<128x32xf32, #tpu.memory_space<vmem>>
    %dma_start3A_1181 = arith.constant 768 : i32
    %dma_start3A_1182 = tpu.memref_slice %arg7[%dma_start3A_1181] : memref<1664xi32, #tpu.memory_space<vmem>> -> memref<128xi32, #tpu.memory_space<vmem>>
    %dma_start3A_1183 = arith.constant 0 : i32
    %dma_start3A_1184 = arith.constant 0 : i32
    %dma_start3A_1185 = tpu.memref_slice %arg3[%dma_start3A_1183, %dma_start3A_1184] : memref<2621440x32xf32, #tpu.memory_space<hbm>> -> memref<2621440x32xf32, #tpu.memory_space<hbm>>
    tpu.enqueue_indirect_dma source(%dma_start3A_1185 : memref<2621440x32xf32, #tpu.memory_space<hbm>>) target(%dma_start3A_1180 : memref<128x32xf32, #tpu.memory_space<vmem>>) offsets(%dma_start3A_1182 : memref<128xi32, #tpu.memory_space<vmem>>) semaphore(%arg11 : memref<!tpu.dma_semaphore, #tpu.memory_space<semaphore_mem>>)
    %dma_start3A_1186 = arith.constant 896 : i32
    %dma_start3A_1187 = arith.constant 0 : i32
    %dma_start3A_1188 = tpu.memref_slice %arg9[%dma_start3A_1186, %dma_start3A_1187] : memref<1664x32xf32, #tpu.memory_space<vmem>> -> memref<128x32xf32, #tpu.memory_space<vmem>>
    %dma_start3A_1189 = arith.constant 896 : i32
    %dma_start3A_1190 = tpu.memref_slice %arg7[%dma_start3A_1189] : memref<1664xi32, #tpu.memory_space<vmem>> -> memref<128xi32, #tpu.memory_space<vmem>>
    %dma_start3A_1191 = arith.constant 0 : i32
    %dma_start3A_1192 = arith.constant 0 : i32
    %dma_start3A_1193 = tpu.memref_slice %arg3[%dma_start3A_1191, %dma_start3A_1192] : memref<2621440x32xf32, #tpu.memory_space<hbm>> -> memref<2621440x32xf32, #tpu.memory_space<hbm>>
    tpu.enqueue_indirect_dma source(%dma_start3A_1193 : memref<2621440x32xf32, #tpu.memory_space<hbm>>) target(%dma_start3A_1188 : memref<128x32xf32, #tpu.memory_space<vmem>>) offsets(%dma_start3A_1190 : memref<128xi32, #tpu.memory_space<vmem>>) semaphore(%arg11 : memref<!tpu.dma_semaphore, #tpu.memory_space<semaphore_mem>>)
    %dma_start3A_1194 = arith.constant 1024 : i32
    %dma_start3A_1195 = arith.constant 0 : i32
    %dma_start3A_1196 = tpu.memref_slice %arg9[%dma_start3A_1194, %dma_start3A_1195] : memref<1664x32xf32, #tpu.memory_space<vmem>> -> memref<128x32xf32, #tpu.memory_space<vmem>>
    %dma_start3A_1197 = arith.constant 1024 : i32
    %dma_start3A_1198 = tpu.memref_slice %arg7[%dma_start3A_1197] : memref<1664xi32, #tpu.memory_space<vmem>> -> memref<128xi32, #tpu.memory_space<vmem>>
    %dma_start3A_1199 = arith.constant 0 : i32
    %dma_start3A_1200 = arith.constant 0 : i32
    %dma_start3A_1201 = tpu.memref_slice %arg3[%dma_start3A_1199, %dma_start3A_1200] : memref<2621440x32xf32, #tpu.memory_space<hbm>> -> memref<2621440x32xf32, #tpu.memory_space<hbm>>
    tpu.enqueue_indirect_dma source(%dma_start3A_1201 : memref<2621440x32xf32, #tpu.memory_space<hbm>>) target(%dma_start3A_1196 : memref<128x32xf32, #tpu.memory_space<vmem>>) offsets(%dma_start3A_1198 : memref<128xi32, #tpu.memory_space<vmem>>) semaphore(%arg11 : memref<!tpu.dma_semaphore, #tpu.memory_space<semaphore_mem>>)
    %dma_start3A_1202 = arith.constant 1152 : i32
    %dma_start3A_1203 = arith.constant 0 : i32
    %dma_start3A_1204 = tpu.memref_slice %arg9[%dma_start3A_1202, %dma_start3A_1203] : memref<1664x32xf32, #tpu.memory_space<vmem>> -> memref<128x32xf32, #tpu.memory_space<vmem>>
    %dma_start3A_1205 = arith.constant 1152 : i32
    %dma_start3A_1206 = tpu.memref_slice %arg7[%dma_start3A_1205] : memref<1664xi32, #tpu.memory_space<vmem>> -> memref<128xi32, #tpu.memory_space<vmem>>
    %dma_start3A_1207 = arith.constant 0 : i32
    %dma_start3A_1208 = arith.constant 0 : i32
    %dma_start3A_1209 = tpu.memref_slice %arg3[%dma_start3A_1207, %dma_start3A_1208] : memref<2621440x32xf32, #tpu.memory_space<hbm>> -> memref<2621440x32xf32, #tpu.memory_space<hbm>>
    tpu.enqueue_indirect_dma source(%dma_start3A_1209 : memref<2621440x32xf32, #tpu.memory_space<hbm>>) target(%dma_start3A_1204 : memref<128x32xf32, #tpu.memory_space<vmem>>) offsets(%dma_start3A_1206 : memref<128xi32, #tpu.memory_space<vmem>>) semaphore(%arg11 : memref<!tpu.dma_semaphore, #tpu.memory_space<semaphore_mem>>)
    %dma_start3A_1210 = arith.constant 1280 : i32
    %dma_start3A_1211 = arith.constant 0 : i32
    %dma_start3A_1212 = tpu.memref_slice %arg9[%dma_start3A_1210, %dma_start3A_1211] : memref<1664x32xf32, #tpu.memory_space<vmem>> -> memref<128x32xf32, #tpu.memory_space<vmem>>
    %dma_start3A_1213 = arith.constant 1280 : i32
    %dma_start3A_1214 = tpu.memref_slice %arg7[%dma_start3A_1213] : memref<1664xi32, #tpu.memory_space<vmem>> -> memref<128xi32, #tpu.memory_space<vmem>>
    %dma_start3A_1215 = arith.constant 0 : i32
    %dma_start3A_1216 = arith.constant 0 : i32
    %dma_start3A_1217 = tpu.memref_slice %arg3[%dma_start3A_1215, %dma_start3A_1216] : memref<2621440x32xf32, #tpu.memory_space<hbm>> -> memref<2621440x32xf32, #tpu.memory_space<hbm>>
    tpu.enqueue_indirect_dma source(%dma_start3A_1217 : memref<2621440x32xf32, #tpu.memory_space<hbm>>) target(%dma_start3A_1212 : memref<128x32xf32, #tpu.memory_space<vmem>>) offsets(%dma_start3A_1214 : memref<128xi32, #tpu.memory_space<vmem>>) semaphore(%arg11 : memref<!tpu.dma_semaphore, #tpu.memory_space<semaphore_mem>>)
    %dma_start3A_1218 = arith.constant 1408 : i32
    %dma_start3A_1219 = arith.constant 0 : i32
    %dma_start3A_1220 = tpu.memref_slice %arg9[%dma_start3A_1218, %dma_start3A_1219] : memref<1664x32xf32, #tpu.memory_space<vmem>> -> memref<128x32xf32, #tpu.memory_space<vmem>>
    %dma_start3A_1221 = arith.constant 1408 : i32
    %dma_start3A_1222 = tpu.memref_slice %arg7[%dma_start3A_1221] : memref<1664xi32, #tpu.memory_space<vmem>> -> memref<128xi32, #tpu.memory_space<vmem>>
    %dma_start3A_1223 = arith.constant 0 : i32
    %dma_start3A_1224 = arith.constant 0 : i32
    %dma_start3A_1225 = tpu.memref_slice %arg3[%dma_start3A_1223, %dma_start3A_1224] : memref<2621440x32xf32, #tpu.memory_space<hbm>> -> memref<2621440x32xf32, #tpu.memory_space<hbm>>
    tpu.enqueue_indirect_dma source(%dma_start3A_1225 : memref<2621440x32xf32, #tpu.memory_space<hbm>>) target(%dma_start3A_1220 : memref<128x32xf32, #tpu.memory_space<vmem>>) offsets(%dma_start3A_1222 : memref<128xi32, #tpu.memory_space<vmem>>) semaphore(%arg11 : memref<!tpu.dma_semaphore, #tpu.memory_space<semaphore_mem>>)
    %dma_start3A_1226 = arith.constant 1536 : i32
    %dma_start3A_1227 = arith.constant 0 : i32
    %dma_start3A_1228 = tpu.memref_slice %arg9[%dma_start3A_1226, %dma_start3A_1227] : memref<1664x32xf32, #tpu.memory_space<vmem>> -> memref<128x32xf32, #tpu.memory_space<vmem>>
    %dma_start3A_1229 = arith.constant 1536 : i32
    %dma_start3A_1230 = tpu.memref_slice %arg7[%dma_start3A_1229] : memref<1664xi32, #tpu.memory_space<vmem>> -> memref<128xi32, #tpu.memory_space<vmem>>
    %dma_start3A_1231 = arith.constant 0 : i32
    %dma_start3A_1232 = arith.constant 0 : i32
    %dma_start3A_1233 = tpu.memref_slice %arg3[%dma_start3A_1231, %dma_start3A_1232] : memref<2621440x32xf32, #tpu.memory_space<hbm>> -> memref<2621440x32xf32, #tpu.memory_space<hbm>>
    tpu.enqueue_indirect_dma source(%dma_start3A_1233 : memref<2621440x32xf32, #tpu.memory_space<hbm>>) target(%dma_start3A_1228 : memref<128x32xf32, #tpu.memory_space<vmem>>) offsets(%dma_start3A_1230 : memref<128xi32, #tpu.memory_space<vmem>>) semaphore(%arg11 : memref<!tpu.dma_semaphore, #tpu.memory_space<semaphore_mem>>)
    %dma_wait3A_1234 = arith.constant 0 : i32
    %dma_wait3A_1235 = arith.constant 0 : i32
    %dma_wait3A_1236 = tpu.memref_slice %arg9[%dma_wait3A_1234, %dma_wait3A_1235] : memref<1664x32xf32, #tpu.memory_space<vmem>> -> memref<128x32xf32, #tpu.memory_space<vmem>>
    %dma_wait3A_1237 = arith.constant 0 : i32
    %dma_wait3A_1238 = tpu.memref_slice %arg7[%dma_wait3A_1237] : memref<1664xi32, #tpu.memory_space<vmem>> -> memref<128xi32, #tpu.memory_space<vmem>>
    %dma_wait3A_1239 = arith.constant 0 : i32
    %dma_wait3A_1240 = arith.constant 0 : i32
    %dma_wait3A_1241 = tpu.memref_slice %arg3[%dma_wait3A_1239, %dma_wait3A_1240] : memref<2621440x32xf32, #tpu.memory_space<hbm>> -> memref<2621440x32xf32, #tpu.memory_space<hbm>>
    tpu.wait_indirect_dma semaphore(%arg11 : memref<!tpu.dma_semaphore, #tpu.memory_space<semaphore_mem>>) src(%dma_wait3A_1241 : memref<2621440x32xf32, #tpu.memory_space<hbm>>) dst(%dma_wait3A_1236 : memref<128x32xf32, #tpu.memory_space<vmem>>)
    %dma_wait3A_1242 = arith.constant 128 : i32
    %dma_wait3A_1243 = arith.constant 0 : i32
    %dma_wait3A_1244 = tpu.memref_slice %arg9[%dma_wait3A_1242, %dma_wait3A_1243] : memref<1664x32xf32, #tpu.memory_space<vmem>> -> memref<128x32xf32, #tpu.memory_space<vmem>>
    %dma_wait3A_1245 = arith.constant 128 : i32
    %dma_wait3A_1246 = tpu.memref_slice %arg7[%dma_wait3A_1245] : memref<1664xi32, #tpu.memory_space<vmem>> -> memref<128xi32, #tpu.memory_space<vmem>>
    %dma_wait3A_1247 = arith.constant 0 : i32
    %dma_wait3A_1248 = arith.constant 0 : i32
    %dma_wait3A_1249 = tpu.memref_slice %arg3[%dma_wait3A_1247, %dma_wait3A_1248] : memref<2621440x32xf32, #tpu.memory_space<hbm>> -> memref<2621440x32xf32, #tpu.memory_space<hbm>>
    tpu.wait_indirect_dma semaphore(%arg11 : memref<!tpu.dma_semaphore, #tpu.memory_space<semaphore_mem>>) src(%dma_wait3A_1249 : memref<2621440x32xf32, #tpu.memory_space<hbm>>) dst(%dma_wait3A_1244 : memref<128x32xf32, #tpu.memory_space<vmem>>)
    %dma_wait3A_1250 = arith.constant 256 : i32
    %dma_wait3A_1251 = arith.constant 0 : i32
    %dma_wait3A_1252 = tpu.memref_slice %arg9[%dma_wait3A_1250, %dma_wait3A_1251] : memref<1664x32xf32, #tpu.memory_space<vmem>> -> memref<128x32xf32, #tpu.memory_space<vmem>>
    %dma_wait3A_1253 = arith.constant 256 : i32
    %dma_wait3A_1254 = tpu.memref_slice %arg7[%dma_wait3A_1253] : memref<1664xi32, #tpu.memory_space<vmem>> -> memref<128xi32, #tpu.memory_space<vmem>>
    %dma_wait3A_1255 = arith.constant 0 : i32
    %dma_wait3A_1256 = arith.constant 0 : i32
    %dma_wait3A_1257 = tpu.memref_slice %arg3[%dma_wait3A_1255, %dma_wait3A_1256] : memref<2621440x32xf32, #tpu.memory_space<hbm>> -> memref<2621440x32xf32, #tpu.memory_space<hbm>>
    tpu.wait_indirect_dma semaphore(%arg11 : memref<!tpu.dma_semaphore, #tpu.memory_space<semaphore_mem>>) src(%dma_wait3A_1257 : memref<2621440x32xf32, #tpu.memory_space<hbm>>) dst(%dma_wait3A_1252 : memref<128x32xf32, #tpu.memory_space<vmem>>)
    %dma_wait3A_1258 = arith.constant 384 : i32
    %dma_wait3A_1259 = arith.constant 0 : i32
    %dma_wait3A_1260 = tpu.memref_slice %arg9[%dma_wait3A_1258, %dma_wait3A_1259] : memref<1664x32xf32, #tpu.memory_space<vmem>> -> memref<128x32xf32, #tpu.memory_space<vmem>>
    %dma_wait3A_1261 = arith.constant 384 : i32
    %dma_wait3A_1262 = tpu.memref_slice %arg7[%dma_wait3A_1261] : memref<1664xi32, #tpu.memory_space<vmem>> -> memref<128xi32, #tpu.memory_space<vmem>>
    %dma_wait3A_1263 = arith.constant 0 : i32
    %dma_wait3A_1264 = arith.constant 0 : i32
    %dma_wait3A_1265 = tpu.memref_slice %arg3[%dma_wait3A_1263, %dma_wait3A_1264] : memref<2621440x32xf32, #tpu.memory_space<hbm>> -> memref<2621440x32xf32, #tpu.memory_space<hbm>>
    tpu.wait_indirect_dma semaphore(%arg11 : memref<!tpu.dma_semaphore, #tpu.memory_space<semaphore_mem>>) src(%dma_wait3A_1265 : memref<2621440x32xf32, #tpu.memory_space<hbm>>) dst(%dma_wait3A_1260 : memref<128x32xf32, #tpu.memory_space<vmem>>)
    %dma_wait3A_1266 = arith.constant 512 : i32
    %dma_wait3A_1267 = arith.constant 0 : i32
    %dma_wait3A_1268 = tpu.memref_slice %arg9[%dma_wait3A_1266, %dma_wait3A_1267] : memref<1664x32xf32, #tpu.memory_space<vmem>> -> memref<128x32xf32, #tpu.memory_space<vmem>>
    %dma_wait3A_1269 = arith.constant 512 : i32
    %dma_wait3A_1270 = tpu.memref_slice %arg7[%dma_wait3A_1269] : memref<1664xi32, #tpu.memory_space<vmem>> -> memref<128xi32, #tpu.memory_space<vmem>>
    %dma_wait3A_1271 = arith.constant 0 : i32
    %dma_wait3A_1272 = arith.constant 0 : i32
    %dma_wait3A_1273 = tpu.memref_slice %arg3[%dma_wait3A_1271, %dma_wait3A_1272] : memref<2621440x32xf32, #tpu.memory_space<hbm>> -> memref<2621440x32xf32, #tpu.memory_space<hbm>>
    tpu.wait_indirect_dma semaphore(%arg11 : memref<!tpu.dma_semaphore, #tpu.memory_space<semaphore_mem>>) src(%dma_wait3A_1273 : memref<2621440x32xf32, #tpu.memory_space<hbm>>) dst(%dma_wait3A_1268 : memref<128x32xf32, #tpu.memory_space<vmem>>)
    %dma_wait3A_1274 = arith.constant 640 : i32
    %dma_wait3A_1275 = arith.constant 0 : i32
    %dma_wait3A_1276 = tpu.memref_slice %arg9[%dma_wait3A_1274, %dma_wait3A_1275] : memref<1664x32xf32, #tpu.memory_space<vmem>> -> memref<128x32xf32, #tpu.memory_space<vmem>>
    %dma_wait3A_1277 = arith.constant 640 : i32
    %dma_wait3A_1278 = tpu.memref_slice %arg7[%dma_wait3A_1277] : memref<1664xi32, #tpu.memory_space<vmem>> -> memref<128xi32, #tpu.memory_space<vmem>>
    %dma_wait3A_1279 = arith.constant 0 : i32
    %dma_wait3A_1280 = arith.constant 0 : i32
    %dma_wait3A_1281 = tpu.memref_slice %arg3[%dma_wait3A_1279, %dma_wait3A_1280] : memref<2621440x32xf32, #tpu.memory_space<hbm>> -> memref<2621440x32xf32, #tpu.memory_space<hbm>>
    tpu.wait_indirect_dma semaphore(%arg11 : memref<!tpu.dma_semaphore, #tpu.memory_space<semaphore_mem>>) src(%dma_wait3A_1281 : memref<2621440x32xf32, #tpu.memory_space<hbm>>) dst(%dma_wait3A_1276 : memref<128x32xf32, #tpu.memory_space<vmem>>)
    %dma_wait3A_1282 = arith.constant 768 : i32
    %dma_wait3A_1283 = arith.constant 0 : i32
    %dma_wait3A_1284 = tpu.memref_slice %arg9[%dma_wait3A_1282, %dma_wait3A_1283] : memref<1664x32xf32, #tpu.memory_space<vmem>> -> memref<128x32xf32, #tpu.memory_space<vmem>>
    %dma_wait3A_1285 = arith.constant 768 : i32
    %dma_wait3A_1286 = tpu.memref_slice %arg7[%dma_wait3A_1285] : memref<1664xi32, #tpu.memory_space<vmem>> -> memref<128xi32, #tpu.memory_space<vmem>>
    %dma_wait3A_1287 = arith.constant 0 : i32
    %dma_wait3A_1288 = arith.constant 0 : i32
    %dma_wait3A_1289 = tpu.memref_slice %arg3[%dma_wait3A_1287, %dma_wait3A_1288] : memref<2621440x32xf32, #tpu.memory_space<hbm>> -> memref<2621440x32xf32, #tpu.memory_space<hbm>>
    tpu.wait_indirect_dma semaphore(%arg11 : memref<!tpu.dma_semaphore, #tpu.memory_space<semaphore_mem>>) src(%dma_wait3A_1289 : memref<2621440x32xf32, #tpu.memory_space<hbm>>) dst(%dma_wait3A_1284 : memref<128x32xf32, #tpu.memory_space<vmem>>)
    %dma_wait3A_1290 = arith.constant 896 : i32
    %dma_wait3A_1291 = arith.constant 0 : i32
    %dma_wait3A_1292 = tpu.memref_slice %arg9[%dma_wait3A_1290, %dma_wait3A_1291] : memref<1664x32xf32, #tpu.memory_space<vmem>> -> memref<128x32xf32, #tpu.memory_space<vmem>>
    %dma_wait3A_1293 = arith.constant 896 : i32
    %dma_wait3A_1294 = tpu.memref_slice %arg7[%dma_wait3A_1293] : memref<1664xi32, #tpu.memory_space<vmem>> -> memref<128xi32, #tpu.memory_space<vmem>>
    %dma_wait3A_1295 = arith.constant 0 : i32
    %dma_wait3A_1296 = arith.constant 0 : i32
    %dma_wait3A_1297 = tpu.memref_slice %arg3[%dma_wait3A_1295, %dma_wait3A_1296] : memref<2621440x32xf32, #tpu.memory_space<hbm>> -> memref<2621440x32xf32, #tpu.memory_space<hbm>>
    tpu.wait_indirect_dma semaphore(%arg11 : memref<!tpu.dma_semaphore, #tpu.memory_space<semaphore_mem>>) src(%dma_wait3A_1297 : memref<2621440x32xf32, #tpu.memory_space<hbm>>) dst(%dma_wait3A_1292 : memref<128x32xf32, #tpu.memory_space<vmem>>)
    %dma_wait3A_1298 = arith.constant 1024 : i32
    %dma_wait3A_1299 = arith.constant 0 : i32
    %dma_wait3A_1300 = tpu.memref_slice %arg9[%dma_wait3A_1298, %dma_wait3A_1299] : memref<1664x32xf32, #tpu.memory_space<vmem>> -> memref<128x32xf32, #tpu.memory_space<vmem>>
    %dma_wait3A_1301 = arith.constant 1024 : i32
    %dma_wait3A_1302 = tpu.memref_slice %arg7[%dma_wait3A_1301] : memref<1664xi32, #tpu.memory_space<vmem>> -> memref<128xi32, #tpu.memory_space<vmem>>
    %dma_wait3A_1303 = arith.constant 0 : i32
    %dma_wait3A_1304 = arith.constant 0 : i32
    %dma_wait3A_1305 = tpu.memref_slice %arg3[%dma_wait3A_1303, %dma_wait3A_1304] : memref<2621440x32xf32, #tpu.memory_space<hbm>> -> memref<2621440x32xf32, #tpu.memory_space<hbm>>
    tpu.wait_indirect_dma semaphore(%arg11 : memref<!tpu.dma_semaphore, #tpu.memory_space<semaphore_mem>>) src(%dma_wait3A_1305 : memref<2621440x32xf32, #tpu.memory_space<hbm>>) dst(%dma_wait3A_1300 : memref<128x32xf32, #tpu.memory_space<vmem>>)
    %dma_wait3A_1306 = arith.constant 1152 : i32
    %dma_wait3A_1307 = arith.constant 0 : i32
    %dma_wait3A_1308 = tpu.memref_slice %arg9[%dma_wait3A_1306, %dma_wait3A_1307] : memref<1664x32xf32, #tpu.memory_space<vmem>> -> memref<128x32xf32, #tpu.memory_space<vmem>>
    %dma_wait3A_1309 = arith.constant 1152 : i32
    %dma_wait3A_1310 = tpu.memref_slice %arg7[%dma_wait3A_1309] : memref<1664xi32, #tpu.memory_space<vmem>> -> memref<128xi32, #tpu.memory_space<vmem>>
    %dma_wait3A_1311 = arith.constant 0 : i32
    %dma_wait3A_1312 = arith.constant 0 : i32
    %dma_wait3A_1313 = tpu.memref_slice %arg3[%dma_wait3A_1311, %dma_wait3A_1312] : memref<2621440x32xf32, #tpu.memory_space<hbm>> -> memref<2621440x32xf32, #tpu.memory_space<hbm>>
    tpu.wait_indirect_dma semaphore(%arg11 : memref<!tpu.dma_semaphore, #tpu.memory_space<semaphore_mem>>) src(%dma_wait3A_1313 : memref<2621440x32xf32, #tpu.memory_space<hbm>>) dst(%dma_wait3A_1308 : memref<128x32xf32, #tpu.memory_space<vmem>>)
    %dma_wait3A_1314 = arith.constant 1280 : i32
    %dma_wait3A_1315 = arith.constant 0 : i32
    %dma_wait3A_1316 = tpu.memref_slice %arg9[%dma_wait3A_1314, %dma_wait3A_1315] : memref<1664x32xf32, #tpu.memory_space<vmem>> -> memref<128x32xf32, #tpu.memory_space<vmem>>
    %dma_wait3A_1317 = arith.constant 1280 : i32
    %dma_wait3A_1318 = tpu.memref_slice %arg7[%dma_wait3A_1317] : memref<1664xi32, #tpu.memory_space<vmem>> -> memref<128xi32, #tpu.memory_space<vmem>>
    %dma_wait3A_1319 = arith.constant 0 : i32
    %dma_wait3A_1320 = arith.constant 0 : i32
    %dma_wait3A_1321 = tpu.memref_slice %arg3[%dma_wait3A_1319, %dma_wait3A_1320] : memref<2621440x32xf32, #tpu.memory_space<hbm>> -> memref<2621440x32xf32, #tpu.memory_space<hbm>>
    tpu.wait_indirect_dma semaphore(%arg11 : memref<!tpu.dma_semaphore, #tpu.memory_space<semaphore_mem>>) src(%dma_wait3A_1321 : memref<2621440x32xf32, #tpu.memory_space<hbm>>) dst(%dma_wait3A_1316 : memref<128x32xf32, #tpu.memory_space<vmem>>)
    %dma_wait3A_1322 = arith.constant 1408 : i32
    %dma_wait3A_1323 = arith.constant 0 : i32
    %dma_wait3A_1324 = tpu.memref_slice %arg9[%dma_wait3A_1322, %dma_wait3A_1323] : memref<1664x32xf32, #tpu.memory_space<vmem>> -> memref<128x32xf32, #tpu.memory_space<vmem>>
    %dma_wait3A_1325 = arith.constant 1408 : i32
    %dma_wait3A_1326 = tpu.memref_slice %arg7[%dma_wait3A_1325] : memref<1664xi32, #tpu.memory_space<vmem>> -> memref<128xi32, #tpu.memory_space<vmem>>
    %dma_wait3A_1327 = arith.constant 0 : i32
    %dma_wait3A_1328 = arith.constant 0 : i32
    %dma_wait3A_1329 = tpu.memref_slice %arg3[%dma_wait3A_1327, %dma_wait3A_1328] : memref<2621440x32xf32, #tpu.memory_space<hbm>> -> memref<2621440x32xf32, #tpu.memory_space<hbm>>
    tpu.wait_indirect_dma semaphore(%arg11 : memref<!tpu.dma_semaphore, #tpu.memory_space<semaphore_mem>>) src(%dma_wait3A_1329 : memref<2621440x32xf32, #tpu.memory_space<hbm>>) dst(%dma_wait3A_1324 : memref<128x32xf32, #tpu.memory_space<vmem>>)
    %dma_wait3A_1330 = arith.constant 1536 : i32
    %dma_wait3A_1331 = arith.constant 0 : i32
    %dma_wait3A_1332 = tpu.memref_slice %arg9[%dma_wait3A_1330, %dma_wait3A_1331] : memref<1664x32xf32, #tpu.memory_space<vmem>> -> memref<128x32xf32, #tpu.memory_space<vmem>>
    %dma_wait3A_1333 = arith.constant 1536 : i32
    %dma_wait3A_1334 = tpu.memref_slice %arg7[%dma_wait3A_1333] : memref<1664xi32, #tpu.memory_space<vmem>> -> memref<128xi32, #tpu.memory_space<vmem>>
    %dma_wait3A_1335 = arith.constant 0 : i32
    %dma_wait3A_1336 = arith.constant 0 : i32
    %dma_wait3A_1337 = tpu.memref_slice %arg3[%dma_wait3A_1335, %dma_wait3A_1336] : memref<2621440x32xf32, #tpu.memory_space<hbm>> -> memref<2621440x32xf32, #tpu.memory_space<hbm>>
    tpu.wait_indirect_dma semaphore(%arg11 : memref<!tpu.dma_semaphore, #tpu.memory_space<semaphore_mem>>) src(%dma_wait3A_1337 : memref<2621440x32xf32, #tpu.memory_space<hbm>>) dst(%dma_wait3A_1332 : memref<128x32xf32, #tpu.memory_space<vmem>>)
    %dma_start3A_1338 = arith.constant 0 : i32
    %dma_start3A_1339 = tpu.memref_slice %arg5[%add3A_1122, %dma_start3A_1338] : memref<425984x32xf32, #tpu.memory_space<hbm>> -> memref<1664x32xf32, #tpu.memory_space<hbm>>
    %dma_start3A_1340 = arith.constant 0 : i32
    %dma_start3A_1341 = tpu.memref_slice %arg5[%add3A_1122, %dma_start3A_1340] : memref<425984x32xf32, #tpu.memory_space<hbm>> -> memref<1664x32xf32, #tpu.memory_space<hbm>>
    tpu.enqueue_dma source(%arg9 : memref<1664x32xf32, #tpu.memory_space<vmem>>) target(%dma_start3A_1341 : memref<1664x32xf32, #tpu.memory_space<hbm>>) target_semaphore(%arg12 : memref<!tpu.dma_semaphore, #tpu.memory_space<semaphore_mem>>)
    %dma_wait3A_1342 = arith.constant 0 : i32
    %dma_wait3A_1343 = tpu.memref_slice %arg5[%add3A_897, %dma_wait3A_1342] : memref<425984x32xf32, #tpu.memory_space<hbm>> -> memref<1664x32xf32, #tpu.memory_space<hbm>>
    %dma_wait3A_1344 = arith.constant 0 : i32
    %dma_wait3A_1345 = tpu.memref_slice %arg5[%add3A_897, %dma_wait3A_1344] : memref<425984x32xf32, #tpu.memory_space<hbm>> -> memref<1664x32xf32, #tpu.memory_space<hbm>>
    tpu.wait_dma2 semaphore(%arg12 : memref<!tpu.dma_semaphore, #tpu.memory_space<semaphore_mem>>) src(%arg8 : memref<1664x32xf32, #tpu.memory_space<vmem>>) dst(%dma_wait3A_1345 : memref<1664x32xf32, #tpu.memory_space<hbm>>)
    %add3A_1346 = arith.constant 9984 : i32
    %add3A_1347 = arith.addi %mul3A_2, %add3A_1346 : i32
    "tpu.region"() ({
      %run_scoped3A = tpu.sem_alloc : memref<!tpu.dma_semaphore, #tpu.memory_space<semaphore_mem>>
      %dma_start3A_1800 = tpu.memref_slice %arg2[%add3A_1347] : memref<425984xi32, #tpu.memory_space<hbm>> -> memref<1664xi32, #tpu.memory_space<hbm>>
      %dma_start3A_1801 = tpu.memref_slice %arg2[%add3A_1347] : memref<425984xi32, #tpu.memory_space<hbm>> -> memref<1664xi32, #tpu.memory_space<hbm>>
      tpu.enqueue_dma source(%dma_start3A_1801 : memref<1664xi32, #tpu.memory_space<hbm>>) target(%arg6 : memref<1664xi32, #tpu.memory_space<vmem>>) target_semaphore(%run_scoped3A : memref<!tpu.dma_semaphore, #tpu.memory_space<semaphore_mem>>)
      %dma_wait3A_1802 = tpu.memref_slice %arg2[%add3A_1347] : memref<425984xi32, #tpu.memory_space<hbm>> -> memref<1664xi32, #tpu.memory_space<hbm>>
      %dma_wait3A_1803 = tpu.memref_slice %arg2[%add3A_1347] : memref<425984xi32, #tpu.memory_space<hbm>> -> memref<1664xi32, #tpu.memory_space<hbm>>
      tpu.wait_dma2 semaphore(%run_scoped3A : memref<!tpu.dma_semaphore, #tpu.memory_space<semaphore_mem>>) src(%dma_wait3A_1803 : memref<1664xi32, #tpu.memory_space<hbm>>) dst(%arg6 : memref<1664xi32, #tpu.memory_space<vmem>>)
      tpu.yield
    }) : () -> ()
    %scan3A_1348 = arith.constant 0 : i32
    %scan3A_1349 = arith.constant 0 : i32
    %scan3A_1350 = arith.constant 104 : i32
    %scan3A_1351 = arith.addi %scan3A_1349, %scan3A_1350 : i32
    %scan3A_1352 = arith.constant 1 : i32
    %scan3A_1353 = scf.for %scan3A_1800 = %scan3A_1349 to %scan3A_1351 step %scan3A_1352 iter_args(%scan3A_1801 = %scan3A_1348) -> (i32)  : i32 {
      %mul3A_1802 = arith.constant 16 : i32
      %mul3A_1803 = arith.muli %scan3A_1800, %mul3A_1802 : i32
      %add3A_1804 = arith.addi %add3A_1347, %mul3A_1803 : i32
      %rem3A = arith.constant 26 : i32
      %rem3A_1805 = arith.remsi %add3A_1804, %rem3A : i32
      %get3A = arith.index_cast %rem3A_1805 : i32 to index
      %get3A_1806 = tpu.vector_load %arg10[%get3A] {strides = array<i32>} : memref<64xi32, #tpu.memory_space<vmem>>, vector<16xi32>,
      %get3A_1807 = vector.shape_cast %get3A_1806 : vector<16xi32> to vector<16xi32>
      %mul3A_1808 = arith.constant 16 : i32
      %mul3A_1809 = arith.muli %scan3A_1800, %mul3A_1808 : i32
      %get3A_1810 = arith.index_cast %mul3A_1809 : i32 to index
      %get3A_1811 = tpu.vector_load %arg6[%get3A_1810] {strides = array<i32>} : memref<1664xi32, #tpu.memory_space<vmem>>, vector<16xi32>,
      %get3A_1812 = vector.shape_cast %get3A_1811 : vector<16xi32> to vector<16xi32>
      %add3A_1813 = arith.addi %get3A_1812, %get3A_1807 : vector<16xi32>
      %broadcast_in_dim3A = arith.constant 0 : i32
      %broadcast_in_dim3A_1814 = vector.broadcast %broadcast_in_dim3A : i32 to vector<16xi32>
      %ge3A = arith.constant 1310720 : i32
      %ge3A_1815 = vector.broadcast %ge3A : i32 to vector<16xi32>
      %ge3A_1816 = arith.cmpi sge, %add3A_1813, %ge3A_1815 : vector<16xi32>
      %add3A_1817 = arith.constant 2 : i32
      %add3A_1818 = vector.broadcast %add3A_1817 : i32 to vector<16xi32>
      %add3A_1819 = arith.addi %broadcast_in_dim3A_1814, %add3A_1818 : vector<16xi32>
      %select_n3A = arith.select %ge3A_1816, %add3A_1819, %broadcast_in_dim3A_1814 : vector<16xi1>, vector<16xi32>
      %mul3A_1820 = arith.constant 655360 : i32
      %mul3A_1821 = vector.broadcast %mul3A_1820 : i32 to vector<16xi32>
      %mul3A_1822 = arith.muli %select_n3A, %mul3A_1821 : vector<16xi32>
      %sub3A = arith.subi %add3A_1813, %mul3A_1822 : vector<16xi32>
      %ge3A_1823 = arith.constant 655360 : i32
      %ge3A_1824 = vector.broadcast %ge3A_1823 : i32 to vector<16xi32>
      %ge3A_1825 = arith.cmpi sge, %sub3A, %ge3A_1824 : vector<16xi32>
      %add3A_1826 = arith.constant 1 : i32
      %add3A_1827 = vector.broadcast %add3A_1826 : i32 to vector<16xi32>
      %add3A_1828 = arith.addi %broadcast_in_dim3A_1814, %add3A_1827 : vector<16xi32>
      %select_n3A_1829 = arith.select %ge3A_1825, %add3A_1828, %broadcast_in_dim3A_1814 : vector<16xi1>, vector<16xi32>
      %mul3A_1830 = arith.constant 655360 : i32
      %mul3A_1831 = vector.broadcast %mul3A_1830 : i32 to vector<16xi32>
      %mul3A_1832 = arith.muli %select_n3A_1829, %mul3A_1831 : vector<16xi32>
      %sub3A_1833 = arith.subi %sub3A, %mul3A_1832 : vector<16xi32>
      %mul3A_1834 = arith.constant 4 : i32
      %mul3A_1835 = vector.broadcast %mul3A_1834 : i32 to vector<16xi32>
      %mul3A_1836 = arith.muli %sub3A_1833, %mul3A_1835 : vector<16xi32>
      %add3A_1837 = arith.addi %mul3A_1836, %select_n3A : vector<16xi32>
      %add3A_1838 = arith.addi %add3A_1837, %select_n3A_1829 : vector<16xi32>
      %mul3A_1839 = arith.constant 16 : i32
      %mul3A_1840 = arith.muli %scan3A_1800, %mul3A_1839 : i32
      %swap3A = arith.index_cast %mul3A_1840 : i32 to index
      %swap3A_1841 = tpu.vector_load %arg6[%swap3A] {strides = array<i32>} : memref<1664xi32, #tpu.memory_space<vmem>>, vector<16xi32>,
      %swap3A_1842 = vector.shape_cast %swap3A_1841 : vector<16xi32> to vector<16xi32>
      %swap3A_1843 = vector.shape_cast %add3A_1838 : vector<16xi32> to vector<16xi32>
      tpu.vector_store %arg6[%swap3A], %swap3A_1843 {strides = array<i32>} : memref<1664xi32, #tpu.memory_space<vmem>>, vector<16xi32>,
      %scan3A_1844 = arith.constant 0 : i32
      scf.yield %scan3A_1844 : i32
    }
    %scan3A_1354 = arith.constant 104 : i32
    %dma_start3A_1355 = arith.constant 0 : i32
    %dma_start3A_1356 = arith.constant 0 : i32
    %dma_start3A_1357 = tpu.memref_slice %arg8[%dma_start3A_1355, %dma_start3A_1356] : memref<1664x32xf32, #tpu.memory_space<vmem>> -> memref<128x32xf32, #tpu.memory_space<vmem>>
    %dma_start3A_1358 = arith.constant 0 : i32
    %dma_start3A_1359 = tpu.memref_slice %arg6[%dma_start3A_1358] : memref<1664xi32, #tpu.memory_space<vmem>> -> memref<128xi32, #tpu.memory_space<vmem>>
    %dma_start3A_1360 = arith.constant 0 : i32
    %dma_start3A_1361 = arith.constant 0 : i32
    %dma_start3A_1362 = tpu.memref_slice %arg3[%dma_start3A_1360, %dma_start3A_1361] : memref<2621440x32xf32, #tpu.memory_space<hbm>> -> memref<2621440x32xf32, #tpu.memory_space<hbm>>
    tpu.enqueue_indirect_dma source(%dma_start3A_1362 : memref<2621440x32xf32, #tpu.memory_space<hbm>>) target(%dma_start3A_1357 : memref<128x32xf32, #tpu.memory_space<vmem>>) offsets(%dma_start3A_1359 : memref<128xi32, #tpu.memory_space<vmem>>) semaphore(%arg11 : memref<!tpu.dma_semaphore, #tpu.memory_space<semaphore_mem>>)
    %dma_start3A_1363 = arith.constant 128 : i32
    %dma_start3A_1364 = arith.constant 0 : i32
    %dma_start3A_1365 = tpu.memref_slice %arg8[%dma_start3A_1363, %dma_start3A_1364] : memref<1664x32xf32, #tpu.memory_space<vmem>> -> memref<128x32xf32, #tpu.memory_space<vmem>>
    %dma_start3A_1366 = arith.constant 128 : i32
    %dma_start3A_1367 = tpu.memref_slice %arg6[%dma_start3A_1366] : memref<1664xi32, #tpu.memory_space<vmem>> -> memref<128xi32, #tpu.memory_space<vmem>>
    %dma_start3A_1368 = arith.constant 0 : i32
    %dma_start3A_1369 = arith.constant 0 : i32
    %dma_start3A_1370 = tpu.memref_slice %arg3[%dma_start3A_1368, %dma_start3A_1369] : memref<2621440x32xf32, #tpu.memory_space<hbm>> -> memref<2621440x32xf32, #tpu.memory_space<hbm>>
    tpu.enqueue_indirect_dma source(%dma_start3A_1370 : memref<2621440x32xf32, #tpu.memory_space<hbm>>) target(%dma_start3A_1365 : memref<128x32xf32, #tpu.memory_space<vmem>>) offsets(%dma_start3A_1367 : memref<128xi32, #tpu.memory_space<vmem>>) semaphore(%arg11 : memref<!tpu.dma_semaphore, #tpu.memory_space<semaphore_mem>>)
    %dma_start3A_1371 = arith.constant 256 : i32
    %dma_start3A_1372 = arith.constant 0 : i32
    %dma_start3A_1373 = tpu.memref_slice %arg8[%dma_start3A_1371, %dma_start3A_1372] : memref<1664x32xf32, #tpu.memory_space<vmem>> -> memref<128x32xf32, #tpu.memory_space<vmem>>
    %dma_start3A_1374 = arith.constant 256 : i32
    %dma_start3A_1375 = tpu.memref_slice %arg6[%dma_start3A_1374] : memref<1664xi32, #tpu.memory_space<vmem>> -> memref<128xi32, #tpu.memory_space<vmem>>
    %dma_start3A_1376 = arith.constant 0 : i32
    %dma_start3A_1377 = arith.constant 0 : i32
    %dma_start3A_1378 = tpu.memref_slice %arg3[%dma_start3A_1376, %dma_start3A_1377] : memref<2621440x32xf32, #tpu.memory_space<hbm>> -> memref<2621440x32xf32, #tpu.memory_space<hbm>>
    tpu.enqueue_indirect_dma source(%dma_start3A_1378 : memref<2621440x32xf32, #tpu.memory_space<hbm>>) target(%dma_start3A_1373 : memref<128x32xf32, #tpu.memory_space<vmem>>) offsets(%dma_start3A_1375 : memref<128xi32, #tpu.memory_space<vmem>>) semaphore(%arg11 : memref<!tpu.dma_semaphore, #tpu.memory_space<semaphore_mem>>)
    %dma_start3A_1379 = arith.constant 384 : i32
    %dma_start3A_1380 = arith.constant 0 : i32
    %dma_start3A_1381 = tpu.memref_slice %arg8[%dma_start3A_1379, %dma_start3A_1380] : memref<1664x32xf32, #tpu.memory_space<vmem>> -> memref<128x32xf32, #tpu.memory_space<vmem>>
    %dma_start3A_1382 = arith.constant 384 : i32
    %dma_start3A_1383 = tpu.memref_slice %arg6[%dma_start3A_1382] : memref<1664xi32, #tpu.memory_space<vmem>> -> memref<128xi32, #tpu.memory_space<vmem>>
    %dma_start3A_1384 = arith.constant 0 : i32
    %dma_start3A_1385 = arith.constant 0 : i32
    %dma_start3A_1386 = tpu.memref_slice %arg3[%dma_start3A_1384, %dma_start3A_1385] : memref<2621440x32xf32, #tpu.memory_space<hbm>> -> memref<2621440x32xf32, #tpu.memory_space<hbm>>
    tpu.enqueue_indirect_dma source(%dma_start3A_1386 : memref<2621440x32xf32, #tpu.memory_space<hbm>>) target(%dma_start3A_1381 : memref<128x32xf32, #tpu.memory_space<vmem>>) offsets(%dma_start3A_1383 : memref<128xi32, #tpu.memory_space<vmem>>) semaphore(%arg11 : memref<!tpu.dma_semaphore, #tpu.memory_space<semaphore_mem>>)
    %dma_start3A_1387 = arith.constant 512 : i32
    %dma_start3A_1388 = arith.constant 0 : i32
    %dma_start3A_1389 = tpu.memref_slice %arg8[%dma_start3A_1387, %dma_start3A_1388] : memref<1664x32xf32, #tpu.memory_space<vmem>> -> memref<128x32xf32, #tpu.memory_space<vmem>>
    %dma_start3A_1390 = arith.constant 512 : i32
    %dma_start3A_1391 = tpu.memref_slice %arg6[%dma_start3A_1390] : memref<1664xi32, #tpu.memory_space<vmem>> -> memref<128xi32, #tpu.memory_space<vmem>>
    %dma_start3A_1392 = arith.constant 0 : i32
    %dma_start3A_1393 = arith.constant 0 : i32
    %dma_start3A_1394 = tpu.memref_slice %arg3[%dma_start3A_1392, %dma_start3A_1393] : memref<2621440x32xf32, #tpu.memory_space<hbm>> -> memref<2621440x32xf32, #tpu.memory_space<hbm>>
    tpu.enqueue_indirect_dma source(%dma_start3A_1394 : memref<2621440x32xf32, #tpu.memory_space<hbm>>) target(%dma_start3A_1389 : memref<128x32xf32, #tpu.memory_space<vmem>>) offsets(%dma_start3A_1391 : memref<128xi32, #tpu.memory_space<vmem>>) semaphore(%arg11 : memref<!tpu.dma_semaphore, #tpu.memory_space<semaphore_mem>>)
    %dma_start3A_1395 = arith.constant 640 : i32
    %dma_start3A_1396 = arith.constant 0 : i32
    %dma_start3A_1397 = tpu.memref_slice %arg8[%dma_start3A_1395, %dma_start3A_1396] : memref<1664x32xf32, #tpu.memory_space<vmem>> -> memref<128x32xf32, #tpu.memory_space<vmem>>
    %dma_start3A_1398 = arith.constant 640 : i32
    %dma_start3A_1399 = tpu.memref_slice %arg6[%dma_start3A_1398] : memref<1664xi32, #tpu.memory_space<vmem>> -> memref<128xi32, #tpu.memory_space<vmem>>
    %dma_start3A_1400 = arith.constant 0 : i32
    %dma_start3A_1401 = arith.constant 0 : i32
    %dma_start3A_1402 = tpu.memref_slice %arg3[%dma_start3A_1400, %dma_start3A_1401] : memref<2621440x32xf32, #tpu.memory_space<hbm>> -> memref<2621440x32xf32, #tpu.memory_space<hbm>>
    tpu.enqueue_indirect_dma source(%dma_start3A_1402 : memref<2621440x32xf32, #tpu.memory_space<hbm>>) target(%dma_start3A_1397 : memref<128x32xf32, #tpu.memory_space<vmem>>) offsets(%dma_start3A_1399 : memref<128xi32, #tpu.memory_space<vmem>>) semaphore(%arg11 : memref<!tpu.dma_semaphore, #tpu.memory_space<semaphore_mem>>)
    %dma_start3A_1403 = arith.constant 768 : i32
    %dma_start3A_1404 = arith.constant 0 : i32
    %dma_start3A_1405 = tpu.memref_slice %arg8[%dma_start3A_1403, %dma_start3A_1404] : memref<1664x32xf32, #tpu.memory_space<vmem>> -> memref<128x32xf32, #tpu.memory_space<vmem>>
    %dma_start3A_1406 = arith.constant 768 : i32
    %dma_start3A_1407 = tpu.memref_slice %arg6[%dma_start3A_1406] : memref<1664xi32, #tpu.memory_space<vmem>> -> memref<128xi32, #tpu.memory_space<vmem>>
    %dma_start3A_1408 = arith.constant 0 : i32
    %dma_start3A_1409 = arith.constant 0 : i32
    %dma_start3A_1410 = tpu.memref_slice %arg3[%dma_start3A_1408, %dma_start3A_1409] : memref<2621440x32xf32, #tpu.memory_space<hbm>> -> memref<2621440x32xf32, #tpu.memory_space<hbm>>
    tpu.enqueue_indirect_dma source(%dma_start3A_1410 : memref<2621440x32xf32, #tpu.memory_space<hbm>>) target(%dma_start3A_1405 : memref<128x32xf32, #tpu.memory_space<vmem>>) offsets(%dma_start3A_1407 : memref<128xi32, #tpu.memory_space<vmem>>) semaphore(%arg11 : memref<!tpu.dma_semaphore, #tpu.memory_space<semaphore_mem>>)
    %dma_start3A_1411 = arith.constant 896 : i32
    %dma_start3A_1412 = arith.constant 0 : i32
    %dma_start3A_1413 = tpu.memref_slice %arg8[%dma_start3A_1411, %dma_start3A_1412] : memref<1664x32xf32, #tpu.memory_space<vmem>> -> memref<128x32xf32, #tpu.memory_space<vmem>>
    %dma_start3A_1414 = arith.constant 896 : i32
    %dma_start3A_1415 = tpu.memref_slice %arg6[%dma_start3A_1414] : memref<1664xi32, #tpu.memory_space<vmem>> -> memref<128xi32, #tpu.memory_space<vmem>>
    %dma_start3A_1416 = arith.constant 0 : i32
    %dma_start3A_1417 = arith.constant 0 : i32
    %dma_start3A_1418 = tpu.memref_slice %arg3[%dma_start3A_1416, %dma_start3A_1417] : memref<2621440x32xf32, #tpu.memory_space<hbm>> -> memref<2621440x32xf32, #tpu.memory_space<hbm>>
    tpu.enqueue_indirect_dma source(%dma_start3A_1418 : memref<2621440x32xf32, #tpu.memory_space<hbm>>) target(%dma_start3A_1413 : memref<128x32xf32, #tpu.memory_space<vmem>>) offsets(%dma_start3A_1415 : memref<128xi32, #tpu.memory_space<vmem>>) semaphore(%arg11 : memref<!tpu.dma_semaphore, #tpu.memory_space<semaphore_mem>>)
    %dma_start3A_1419 = arith.constant 1024 : i32
    %dma_start3A_1420 = arith.constant 0 : i32
    %dma_start3A_1421 = tpu.memref_slice %arg8[%dma_start3A_1419, %dma_start3A_1420] : memref<1664x32xf32, #tpu.memory_space<vmem>> -> memref<128x32xf32, #tpu.memory_space<vmem>>
    %dma_start3A_1422 = arith.constant 1024 : i32
    %dma_start3A_1423 = tpu.memref_slice %arg6[%dma_start3A_1422] : memref<1664xi32, #tpu.memory_space<vmem>> -> memref<128xi32, #tpu.memory_space<vmem>>
    %dma_start3A_1424 = arith.constant 0 : i32
    %dma_start3A_1425 = arith.constant 0 : i32
    %dma_start3A_1426 = tpu.memref_slice %arg3[%dma_start3A_1424, %dma_start3A_1425] : memref<2621440x32xf32, #tpu.memory_space<hbm>> -> memref<2621440x32xf32, #tpu.memory_space<hbm>>
    tpu.enqueue_indirect_dma source(%dma_start3A_1426 : memref<2621440x32xf32, #tpu.memory_space<hbm>>) target(%dma_start3A_1421 : memref<128x32xf32, #tpu.memory_space<vmem>>) offsets(%dma_start3A_1423 : memref<128xi32, #tpu.memory_space<vmem>>) semaphore(%arg11 : memref<!tpu.dma_semaphore, #tpu.memory_space<semaphore_mem>>)
    %dma_start3A_1427 = arith.constant 1152 : i32
    %dma_start3A_1428 = arith.constant 0 : i32
    %dma_start3A_1429 = tpu.memref_slice %arg8[%dma_start3A_1427, %dma_start3A_1428] : memref<1664x32xf32, #tpu.memory_space<vmem>> -> memref<128x32xf32, #tpu.memory_space<vmem>>
    %dma_start3A_1430 = arith.constant 1152 : i32
    %dma_start3A_1431 = tpu.memref_slice %arg6[%dma_start3A_1430] : memref<1664xi32, #tpu.memory_space<vmem>> -> memref<128xi32, #tpu.memory_space<vmem>>
    %dma_start3A_1432 = arith.constant 0 : i32
    %dma_start3A_1433 = arith.constant 0 : i32
    %dma_start3A_1434 = tpu.memref_slice %arg3[%dma_start3A_1432, %dma_start3A_1433] : memref<2621440x32xf32, #tpu.memory_space<hbm>> -> memref<2621440x32xf32, #tpu.memory_space<hbm>>
    tpu.enqueue_indirect_dma source(%dma_start3A_1434 : memref<2621440x32xf32, #tpu.memory_space<hbm>>) target(%dma_start3A_1429 : memref<128x32xf32, #tpu.memory_space<vmem>>) offsets(%dma_start3A_1431 : memref<128xi32, #tpu.memory_space<vmem>>) semaphore(%arg11 : memref<!tpu.dma_semaphore, #tpu.memory_space<semaphore_mem>>)
    %dma_start3A_1435 = arith.constant 1280 : i32
    %dma_start3A_1436 = arith.constant 0 : i32
    %dma_start3A_1437 = tpu.memref_slice %arg8[%dma_start3A_1435, %dma_start3A_1436] : memref<1664x32xf32, #tpu.memory_space<vmem>> -> memref<128x32xf32, #tpu.memory_space<vmem>>
    %dma_start3A_1438 = arith.constant 1280 : i32
    %dma_start3A_1439 = tpu.memref_slice %arg6[%dma_start3A_1438] : memref<1664xi32, #tpu.memory_space<vmem>> -> memref<128xi32, #tpu.memory_space<vmem>>
    %dma_start3A_1440 = arith.constant 0 : i32
    %dma_start3A_1441 = arith.constant 0 : i32
    %dma_start3A_1442 = tpu.memref_slice %arg3[%dma_start3A_1440, %dma_start3A_1441] : memref<2621440x32xf32, #tpu.memory_space<hbm>> -> memref<2621440x32xf32, #tpu.memory_space<hbm>>
    tpu.enqueue_indirect_dma source(%dma_start3A_1442 : memref<2621440x32xf32, #tpu.memory_space<hbm>>) target(%dma_start3A_1437 : memref<128x32xf32, #tpu.memory_space<vmem>>) offsets(%dma_start3A_1439 : memref<128xi32, #tpu.memory_space<vmem>>) semaphore(%arg11 : memref<!tpu.dma_semaphore, #tpu.memory_space<semaphore_mem>>)
    %dma_start3A_1443 = arith.constant 1408 : i32
    %dma_start3A_1444 = arith.constant 0 : i32
    %dma_start3A_1445 = tpu.memref_slice %arg8[%dma_start3A_1443, %dma_start3A_1444] : memref<1664x32xf32, #tpu.memory_space<vmem>> -> memref<128x32xf32, #tpu.memory_space<vmem>>
    %dma_start3A_1446 = arith.constant 1408 : i32
    %dma_start3A_1447 = tpu.memref_slice %arg6[%dma_start3A_1446] : memref<1664xi32, #tpu.memory_space<vmem>> -> memref<128xi32, #tpu.memory_space<vmem>>
    %dma_start3A_1448 = arith.constant 0 : i32
    %dma_start3A_1449 = arith.constant 0 : i32
    %dma_start3A_1450 = tpu.memref_slice %arg3[%dma_start3A_1448, %dma_start3A_1449] : memref<2621440x32xf32, #tpu.memory_space<hbm>> -> memref<2621440x32xf32, #tpu.memory_space<hbm>>
    tpu.enqueue_indirect_dma source(%dma_start3A_1450 : memref<2621440x32xf32, #tpu.memory_space<hbm>>) target(%dma_start3A_1445 : memref<128x32xf32, #tpu.memory_space<vmem>>) offsets(%dma_start3A_1447 : memref<128xi32, #tpu.memory_space<vmem>>) semaphore(%arg11 : memref<!tpu.dma_semaphore, #tpu.memory_space<semaphore_mem>>)
    %dma_start3A_1451 = arith.constant 1536 : i32
    %dma_start3A_1452 = arith.constant 0 : i32
    %dma_start3A_1453 = tpu.memref_slice %arg8[%dma_start3A_1451, %dma_start3A_1452] : memref<1664x32xf32, #tpu.memory_space<vmem>> -> memref<128x32xf32, #tpu.memory_space<vmem>>
    %dma_start3A_1454 = arith.constant 1536 : i32
    %dma_start3A_1455 = tpu.memref_slice %arg6[%dma_start3A_1454] : memref<1664xi32, #tpu.memory_space<vmem>> -> memref<128xi32, #tpu.memory_space<vmem>>
    %dma_start3A_1456 = arith.constant 0 : i32
    %dma_start3A_1457 = arith.constant 0 : i32
    %dma_start3A_1458 = tpu.memref_slice %arg3[%dma_start3A_1456, %dma_start3A_1457] : memref<2621440x32xf32, #tpu.memory_space<hbm>> -> memref<2621440x32xf32, #tpu.memory_space<hbm>>
    tpu.enqueue_indirect_dma source(%dma_start3A_1458 : memref<2621440x32xf32, #tpu.memory_space<hbm>>) target(%dma_start3A_1453 : memref<128x32xf32, #tpu.memory_space<vmem>>) offsets(%dma_start3A_1455 : memref<128xi32, #tpu.memory_space<vmem>>) semaphore(%arg11 : memref<!tpu.dma_semaphore, #tpu.memory_space<semaphore_mem>>)
    %dma_wait3A_1459 = arith.constant 0 : i32
    %dma_wait3A_1460 = arith.constant 0 : i32
    %dma_wait3A_1461 = tpu.memref_slice %arg8[%dma_wait3A_1459, %dma_wait3A_1460] : memref<1664x32xf32, #tpu.memory_space<vmem>> -> memref<128x32xf32, #tpu.memory_space<vmem>>
    %dma_wait3A_1462 = arith.constant 0 : i32
    %dma_wait3A_1463 = tpu.memref_slice %arg6[%dma_wait3A_1462] : memref<1664xi32, #tpu.memory_space<vmem>> -> memref<128xi32, #tpu.memory_space<vmem>>
    %dma_wait3A_1464 = arith.constant 0 : i32
    %dma_wait3A_1465 = arith.constant 0 : i32
    %dma_wait3A_1466 = tpu.memref_slice %arg3[%dma_wait3A_1464, %dma_wait3A_1465] : memref<2621440x32xf32, #tpu.memory_space<hbm>> -> memref<2621440x32xf32, #tpu.memory_space<hbm>>
    tpu.wait_indirect_dma semaphore(%arg11 : memref<!tpu.dma_semaphore, #tpu.memory_space<semaphore_mem>>) src(%dma_wait3A_1466 : memref<2621440x32xf32, #tpu.memory_space<hbm>>) dst(%dma_wait3A_1461 : memref<128x32xf32, #tpu.memory_space<vmem>>)
    %dma_wait3A_1467 = arith.constant 128 : i32
    %dma_wait3A_1468 = arith.constant 0 : i32
    %dma_wait3A_1469 = tpu.memref_slice %arg8[%dma_wait3A_1467, %dma_wait3A_1468] : memref<1664x32xf32, #tpu.memory_space<vmem>> -> memref<128x32xf32, #tpu.memory_space<vmem>>
    %dma_wait3A_1470 = arith.constant 128 : i32
    %dma_wait3A_1471 = tpu.memref_slice %arg6[%dma_wait3A_1470] : memref<1664xi32, #tpu.memory_space<vmem>> -> memref<128xi32, #tpu.memory_space<vmem>>
    %dma_wait3A_1472 = arith.constant 0 : i32
    %dma_wait3A_1473 = arith.constant 0 : i32
    %dma_wait3A_1474 = tpu.memref_slice %arg3[%dma_wait3A_1472, %dma_wait3A_1473] : memref<2621440x32xf32, #tpu.memory_space<hbm>> -> memref<2621440x32xf32, #tpu.memory_space<hbm>>
    tpu.wait_indirect_dma semaphore(%arg11 : memref<!tpu.dma_semaphore, #tpu.memory_space<semaphore_mem>>) src(%dma_wait3A_1474 : memref<2621440x32xf32, #tpu.memory_space<hbm>>) dst(%dma_wait3A_1469 : memref<128x32xf32, #tpu.memory_space<vmem>>)
    %dma_wait3A_1475 = arith.constant 256 : i32
    %dma_wait3A_1476 = arith.constant 0 : i32
    %dma_wait3A_1477 = tpu.memref_slice %arg8[%dma_wait3A_1475, %dma_wait3A_1476] : memref<1664x32xf32, #tpu.memory_space<vmem>> -> memref<128x32xf32, #tpu.memory_space<vmem>>
    %dma_wait3A_1478 = arith.constant 256 : i32
    %dma_wait3A_1479 = tpu.memref_slice %arg6[%dma_wait3A_1478] : memref<1664xi32, #tpu.memory_space<vmem>> -> memref<128xi32, #tpu.memory_space<vmem>>
    %dma_wait3A_1480 = arith.constant 0 : i32
    %dma_wait3A_1481 = arith.constant 0 : i32
    %dma_wait3A_1482 = tpu.memref_slice %arg3[%dma_wait3A_1480, %dma_wait3A_1481] : memref<2621440x32xf32, #tpu.memory_space<hbm>> -> memref<2621440x32xf32, #tpu.memory_space<hbm>>
    tpu.wait_indirect_dma semaphore(%arg11 : memref<!tpu.dma_semaphore, #tpu.memory_space<semaphore_mem>>) src(%dma_wait3A_1482 : memref<2621440x32xf32, #tpu.memory_space<hbm>>) dst(%dma_wait3A_1477 : memref<128x32xf32, #tpu.memory_space<vmem>>)
    %dma_wait3A_1483 = arith.constant 384 : i32
    %dma_wait3A_1484 = arith.constant 0 : i32
    %dma_wait3A_1485 = tpu.memref_slice %arg8[%dma_wait3A_1483, %dma_wait3A_1484] : memref<1664x32xf32, #tpu.memory_space<vmem>> -> memref<128x32xf32, #tpu.memory_space<vmem>>
    %dma_wait3A_1486 = arith.constant 384 : i32
    %dma_wait3A_1487 = tpu.memref_slice %arg6[%dma_wait3A_1486] : memref<1664xi32, #tpu.memory_space<vmem>> -> memref<128xi32, #tpu.memory_space<vmem>>
    %dma_wait3A_1488 = arith.constant 0 : i32
    %dma_wait3A_1489 = arith.constant 0 : i32
    %dma_wait3A_1490 = tpu.memref_slice %arg3[%dma_wait3A_1488, %dma_wait3A_1489] : memref<2621440x32xf32, #tpu.memory_space<hbm>> -> memref<2621440x32xf32, #tpu.memory_space<hbm>>
    tpu.wait_indirect_dma semaphore(%arg11 : memref<!tpu.dma_semaphore, #tpu.memory_space<semaphore_mem>>) src(%dma_wait3A_1490 : memref<2621440x32xf32, #tpu.memory_space<hbm>>) dst(%dma_wait3A_1485 : memref<128x32xf32, #tpu.memory_space<vmem>>)
    %dma_wait3A_1491 = arith.constant 512 : i32
    %dma_wait3A_1492 = arith.constant 0 : i32
    %dma_wait3A_1493 = tpu.memref_slice %arg8[%dma_wait3A_1491, %dma_wait3A_1492] : memref<1664x32xf32, #tpu.memory_space<vmem>> -> memref<128x32xf32, #tpu.memory_space<vmem>>
    %dma_wait3A_1494 = arith.constant 512 : i32
    %dma_wait3A_1495 = tpu.memref_slice %arg6[%dma_wait3A_1494] : memref<1664xi32, #tpu.memory_space<vmem>> -> memref<128xi32, #tpu.memory_space<vmem>>
    %dma_wait3A_1496 = arith.constant 0 : i32
    %dma_wait3A_1497 = arith.constant 0 : i32
    %dma_wait3A_1498 = tpu.memref_slice %arg3[%dma_wait3A_1496, %dma_wait3A_1497] : memref<2621440x32xf32, #tpu.memory_space<hbm>> -> memref<2621440x32xf32, #tpu.memory_space<hbm>>
    tpu.wait_indirect_dma semaphore(%arg11 : memref<!tpu.dma_semaphore, #tpu.memory_space<semaphore_mem>>) src(%dma_wait3A_1498 : memref<2621440x32xf32, #tpu.memory_space<hbm>>) dst(%dma_wait3A_1493 : memref<128x32xf32, #tpu.memory_space<vmem>>)
    %dma_wait3A_1499 = arith.constant 640 : i32
    %dma_wait3A_1500 = arith.constant 0 : i32
    %dma_wait3A_1501 = tpu.memref_slice %arg8[%dma_wait3A_1499, %dma_wait3A_1500] : memref<1664x32xf32, #tpu.memory_space<vmem>> -> memref<128x32xf32, #tpu.memory_space<vmem>>
    %dma_wait3A_1502 = arith.constant 640 : i32
    %dma_wait3A_1503 = tpu.memref_slice %arg6[%dma_wait3A_1502] : memref<1664xi32, #tpu.memory_space<vmem>> -> memref<128xi32, #tpu.memory_space<vmem>>
    %dma_wait3A_1504 = arith.constant 0 : i32
    %dma_wait3A_1505 = arith.constant 0 : i32
    %dma_wait3A_1506 = tpu.memref_slice %arg3[%dma_wait3A_1504, %dma_wait3A_1505] : memref<2621440x32xf32, #tpu.memory_space<hbm>> -> memref<2621440x32xf32, #tpu.memory_space<hbm>>
    tpu.wait_indirect_dma semaphore(%arg11 : memref<!tpu.dma_semaphore, #tpu.memory_space<semaphore_mem>>) src(%dma_wait3A_1506 : memref<2621440x32xf32, #tpu.memory_space<hbm>>) dst(%dma_wait3A_1501 : memref<128x32xf32, #tpu.memory_space<vmem>>)
    %dma_wait3A_1507 = arith.constant 768 : i32
    %dma_wait3A_1508 = arith.constant 0 : i32
    %dma_wait3A_1509 = tpu.memref_slice %arg8[%dma_wait3A_1507, %dma_wait3A_1508] : memref<1664x32xf32, #tpu.memory_space<vmem>> -> memref<128x32xf32, #tpu.memory_space<vmem>>
    %dma_wait3A_1510 = arith.constant 768 : i32
    %dma_wait3A_1511 = tpu.memref_slice %arg6[%dma_wait3A_1510] : memref<1664xi32, #tpu.memory_space<vmem>> -> memref<128xi32, #tpu.memory_space<vmem>>
    %dma_wait3A_1512 = arith.constant 0 : i32
    %dma_wait3A_1513 = arith.constant 0 : i32
    %dma_wait3A_1514 = tpu.memref_slice %arg3[%dma_wait3A_1512, %dma_wait3A_1513] : memref<2621440x32xf32, #tpu.memory_space<hbm>> -> memref<2621440x32xf32, #tpu.memory_space<hbm>>
    tpu.wait_indirect_dma semaphore(%arg11 : memref<!tpu.dma_semaphore, #tpu.memory_space<semaphore_mem>>) src(%dma_wait3A_1514 : memref<2621440x32xf32, #tpu.memory_space<hbm>>) dst(%dma_wait3A_1509 : memref<128x32xf32, #tpu.memory_space<vmem>>)
    %dma_wait3A_1515 = arith.constant 896 : i32
    %dma_wait3A_1516 = arith.constant 0 : i32
    %dma_wait3A_1517 = tpu.memref_slice %arg8[%dma_wait3A_1515, %dma_wait3A_1516] : memref<1664x32xf32, #tpu.memory_space<vmem>> -> memref<128x32xf32, #tpu.memory_space<vmem>>
    %dma_wait3A_1518 = arith.constant 896 : i32
    %dma_wait3A_1519 = tpu.memref_slice %arg6[%dma_wait3A_1518] : memref<1664xi32, #tpu.memory_space<vmem>> -> memref<128xi32, #tpu.memory_space<vmem>>
    %dma_wait3A_1520 = arith.constant 0 : i32
    %dma_wait3A_1521 = arith.constant 0 : i32
    %dma_wait3A_1522 = tpu.memref_slice %arg3[%dma_wait3A_1520, %dma_wait3A_1521] : memref<2621440x32xf32, #tpu.memory_space<hbm>> -> memref<2621440x32xf32, #tpu.memory_space<hbm>>
    tpu.wait_indirect_dma semaphore(%arg11 : memref<!tpu.dma_semaphore, #tpu.memory_space<semaphore_mem>>) src(%dma_wait3A_1522 : memref<2621440x32xf32, #tpu.memory_space<hbm>>) dst(%dma_wait3A_1517 : memref<128x32xf32, #tpu.memory_space<vmem>>)
    %dma_wait3A_1523 = arith.constant 1024 : i32
    %dma_wait3A_1524 = arith.constant 0 : i32
    %dma_wait3A_1525 = tpu.memref_slice %arg8[%dma_wait3A_1523, %dma_wait3A_1524] : memref<1664x32xf32, #tpu.memory_space<vmem>> -> memref<128x32xf32, #tpu.memory_space<vmem>>
    %dma_wait3A_1526 = arith.constant 1024 : i32
    %dma_wait3A_1527 = tpu.memref_slice %arg6[%dma_wait3A_1526] : memref<1664xi32, #tpu.memory_space<vmem>> -> memref<128xi32, #tpu.memory_space<vmem>>
    %dma_wait3A_1528 = arith.constant 0 : i32
    %dma_wait3A_1529 = arith.constant 0 : i32
    %dma_wait3A_1530 = tpu.memref_slice %arg3[%dma_wait3A_1528, %dma_wait3A_1529] : memref<2621440x32xf32, #tpu.memory_space<hbm>> -> memref<2621440x32xf32, #tpu.memory_space<hbm>>
    tpu.wait_indirect_dma semaphore(%arg11 : memref<!tpu.dma_semaphore, #tpu.memory_space<semaphore_mem>>) src(%dma_wait3A_1530 : memref<2621440x32xf32, #tpu.memory_space<hbm>>) dst(%dma_wait3A_1525 : memref<128x32xf32, #tpu.memory_space<vmem>>)
    %dma_wait3A_1531 = arith.constant 1152 : i32
    %dma_wait3A_1532 = arith.constant 0 : i32
    %dma_wait3A_1533 = tpu.memref_slice %arg8[%dma_wait3A_1531, %dma_wait3A_1532] : memref<1664x32xf32, #tpu.memory_space<vmem>> -> memref<128x32xf32, #tpu.memory_space<vmem>>
    %dma_wait3A_1534 = arith.constant 1152 : i32
    %dma_wait3A_1535 = tpu.memref_slice %arg6[%dma_wait3A_1534] : memref<1664xi32, #tpu.memory_space<vmem>> -> memref<128xi32, #tpu.memory_space<vmem>>
    %dma_wait3A_1536 = arith.constant 0 : i32
    %dma_wait3A_1537 = arith.constant 0 : i32
    %dma_wait3A_1538 = tpu.memref_slice %arg3[%dma_wait3A_1536, %dma_wait3A_1537] : memref<2621440x32xf32, #tpu.memory_space<hbm>> -> memref<2621440x32xf32, #tpu.memory_space<hbm>>
    tpu.wait_indirect_dma semaphore(%arg11 : memref<!tpu.dma_semaphore, #tpu.memory_space<semaphore_mem>>) src(%dma_wait3A_1538 : memref<2621440x32xf32, #tpu.memory_space<hbm>>) dst(%dma_wait3A_1533 : memref<128x32xf32, #tpu.memory_space<vmem>>)
    %dma_wait3A_1539 = arith.constant 1280 : i32
    %dma_wait3A_1540 = arith.constant 0 : i32
    %dma_wait3A_1541 = tpu.memref_slice %arg8[%dma_wait3A_1539, %dma_wait3A_1540] : memref<1664x32xf32, #tpu.memory_space<vmem>> -> memref<128x32xf32, #tpu.memory_space<vmem>>
    %dma_wait3A_1542 = arith.constant 1280 : i32
    %dma_wait3A_1543 = tpu.memref_slice %arg6[%dma_wait3A_1542] : memref<1664xi32, #tpu.memory_space<vmem>> -> memref<128xi32, #tpu.memory_space<vmem>>
    %dma_wait3A_1544 = arith.constant 0 : i32
    %dma_wait3A_1545 = arith.constant 0 : i32
    %dma_wait3A_1546 = tpu.memref_slice %arg3[%dma_wait3A_1544, %dma_wait3A_1545] : memref<2621440x32xf32, #tpu.memory_space<hbm>> -> memref<2621440x32xf32, #tpu.memory_space<hbm>>
    tpu.wait_indirect_dma semaphore(%arg11 : memref<!tpu.dma_semaphore, #tpu.memory_space<semaphore_mem>>) src(%dma_wait3A_1546 : memref<2621440x32xf32, #tpu.memory_space<hbm>>) dst(%dma_wait3A_1541 : memref<128x32xf32, #tpu.memory_space<vmem>>)
    %dma_wait3A_1547 = arith.constant 1408 : i32
    %dma_wait3A_1548 = arith.constant 0 : i32
    %dma_wait3A_1549 = tpu.memref_slice %arg8[%dma_wait3A_1547, %dma_wait3A_1548] : memref<1664x32xf32, #tpu.memory_space<vmem>> -> memref<128x32xf32, #tpu.memory_space<vmem>>
    %dma_wait3A_1550 = arith.constant 1408 : i32
    %dma_wait3A_1551 = tpu.memref_slice %arg6[%dma_wait3A_1550] : memref<1664xi32, #tpu.memory_space<vmem>> -> memref<128xi32, #tpu.memory_space<vmem>>
    %dma_wait3A_1552 = arith.constant 0 : i32
    %dma_wait3A_1553 = arith.constant 0 : i32
    %dma_wait3A_1554 = tpu.memref_slice %arg3[%dma_wait3A_1552, %dma_wait3A_1553] : memref<2621440x32xf32, #tpu.memory_space<hbm>> -> memref<2621440x32xf32, #tpu.memory_space<hbm>>
    tpu.wait_indirect_dma semaphore(%arg11 : memref<!tpu.dma_semaphore, #tpu.memory_space<semaphore_mem>>) src(%dma_wait3A_1554 : memref<2621440x32xf32, #tpu.memory_space<hbm>>) dst(%dma_wait3A_1549 : memref<128x32xf32, #tpu.memory_space<vmem>>)
    %dma_wait3A_1555 = arith.constant 1536 : i32
    %dma_wait3A_1556 = arith.constant 0 : i32
    %dma_wait3A_1557 = tpu.memref_slice %arg8[%dma_wait3A_1555, %dma_wait3A_1556] : memref<1664x32xf32, #tpu.memory_space<vmem>> -> memref<128x32xf32, #tpu.memory_space<vmem>>
    %dma_wait3A_1558 = arith.constant 1536 : i32
    %dma_wait3A_1559 = tpu.memref_slice %arg6[%dma_wait3A_1558] : memref<1664xi32, #tpu.memory_space<vmem>> -> memref<128xi32, #tpu.memory_space<vmem>>
    %dma_wait3A_1560 = arith.constant 0 : i32
    %dma_wait3A_1561 = arith.constant 0 : i32
    %dma_wait3A_1562 = tpu.memref_slice %arg3[%dma_wait3A_1560, %dma_wait3A_1561] : memref<2621440x32xf32, #tpu.memory_space<hbm>> -> memref<2621440x32xf32, #tpu.memory_space<hbm>>
    tpu.wait_indirect_dma semaphore(%arg11 : memref<!tpu.dma_semaphore, #tpu.memory_space<semaphore_mem>>) src(%dma_wait3A_1562 : memref<2621440x32xf32, #tpu.memory_space<hbm>>) dst(%dma_wait3A_1557 : memref<128x32xf32, #tpu.memory_space<vmem>>)
    %dma_start3A_1563 = arith.constant 0 : i32
    %dma_start3A_1564 = tpu.memref_slice %arg5[%add3A_1347, %dma_start3A_1563] : memref<425984x32xf32, #tpu.memory_space<hbm>> -> memref<1664x32xf32, #tpu.memory_space<hbm>>
    %dma_start3A_1565 = arith.constant 0 : i32
    %dma_start3A_1566 = tpu.memref_slice %arg5[%add3A_1347, %dma_start3A_1565] : memref<425984x32xf32, #tpu.memory_space<hbm>> -> memref<1664x32xf32, #tpu.memory_space<hbm>>
    tpu.enqueue_dma source(%arg8 : memref<1664x32xf32, #tpu.memory_space<vmem>>) target(%dma_start3A_1566 : memref<1664x32xf32, #tpu.memory_space<hbm>>) target_semaphore(%arg12 : memref<!tpu.dma_semaphore, #tpu.memory_space<semaphore_mem>>)
    %dma_wait3A_1567 = arith.constant 0 : i32
    %dma_wait3A_1568 = tpu.memref_slice %arg5[%add3A_1122, %dma_wait3A_1567] : memref<425984x32xf32, #tpu.memory_space<hbm>> -> memref<1664x32xf32, #tpu.memory_space<hbm>>
    %dma_wait3A_1569 = arith.constant 0 : i32
    %dma_wait3A_1570 = tpu.memref_slice %arg5[%add3A_1122, %dma_wait3A_1569] : memref<425984x32xf32, #tpu.memory_space<hbm>> -> memref<1664x32xf32, #tpu.memory_space<hbm>>
    tpu.wait_dma2 semaphore(%arg12 : memref<!tpu.dma_semaphore, #tpu.memory_space<semaphore_mem>>) src(%arg9 : memref<1664x32xf32, #tpu.memory_space<vmem>>) dst(%dma_wait3A_1570 : memref<1664x32xf32, #tpu.memory_space<hbm>>)
    %add3A_1571 = arith.constant 11648 : i32
    %add3A_1572 = arith.addi %mul3A_2, %add3A_1571 : i32
    "tpu.region"() ({
      %run_scoped3A = tpu.sem_alloc : memref<!tpu.dma_semaphore, #tpu.memory_space<semaphore_mem>>
      %dma_start3A_1800 = tpu.memref_slice %arg2[%add3A_1572] : memref<425984xi32, #tpu.memory_space<hbm>> -> memref<1664xi32, #tpu.memory_space<hbm>>
      %dma_start3A_1801 = tpu.memref_slice %arg2[%add3A_1572] : memref<425984xi32, #tpu.memory_space<hbm>> -> memref<1664xi32, #tpu.memory_space<hbm>>
      tpu.enqueue_dma source(%dma_start3A_1801 : memref<1664xi32, #tpu.memory_space<hbm>>) target(%arg7 : memref<1664xi32, #tpu.memory_space<vmem>>) target_semaphore(%run_scoped3A : memref<!tpu.dma_semaphore, #tpu.memory_space<semaphore_mem>>)
      %dma_wait3A_1802 = tpu.memref_slice %arg2[%add3A_1572] : memref<425984xi32, #tpu.memory_space<hbm>> -> memref<1664xi32, #tpu.memory_space<hbm>>
      %dma_wait3A_1803 = tpu.memref_slice %arg2[%add3A_1572] : memref<425984xi32, #tpu.memory_space<hbm>> -> memref<1664xi32, #tpu.memory_space<hbm>>
      tpu.wait_dma2 semaphore(%run_scoped3A : memref<!tpu.dma_semaphore, #tpu.memory_space<semaphore_mem>>) src(%dma_wait3A_1803 : memref<1664xi32, #tpu.memory_space<hbm>>) dst(%arg7 : memref<1664xi32, #tpu.memory_space<vmem>>)
      tpu.yield
    }) : () -> ()
    %scan3A_1573 = arith.constant 0 : i32
    %scan3A_1574 = arith.constant 0 : i32
    %scan3A_1575 = arith.constant 104 : i32
    %scan3A_1576 = arith.addi %scan3A_1574, %scan3A_1575 : i32
    %scan3A_1577 = arith.constant 1 : i32
    %scan3A_1578 = scf.for %scan3A_1800 = %scan3A_1574 to %scan3A_1576 step %scan3A_1577 iter_args(%scan3A_1801 = %scan3A_1573) -> (i32)  : i32 {
      %mul3A_1802 = arith.constant 16 : i32
      %mul3A_1803 = arith.muli %scan3A_1800, %mul3A_1802 : i32
      %add3A_1804 = arith.addi %add3A_1572, %mul3A_1803 : i32
      %rem3A = arith.constant 26 : i32
      %rem3A_1805 = arith.remsi %add3A_1804, %rem3A : i32
      %get3A = arith.index_cast %rem3A_1805 : i32 to index
      %get3A_1806 = tpu.vector_load %arg10[%get3A] {strides = array<i32>} : memref<64xi32, #tpu.memory_space<vmem>>, vector<16xi32>,
      %get3A_1807 = vector.shape_cast %get3A_1806 : vector<16xi32> to vector<16xi32>
      %mul3A_1808 = arith.constant 16 : i32
      %mul3A_1809 = arith.muli %scan3A_1800, %mul3A_1808 : i32
      %get3A_1810 = arith.index_cast %mul3A_1809 : i32 to index
      %get3A_1811 = tpu.vector_load %arg7[%get3A_1810] {strides = array<i32>} : memref<1664xi32, #tpu.memory_space<vmem>>, vector<16xi32>,
      %get3A_1812 = vector.shape_cast %get3A_1811 : vector<16xi32> to vector<16xi32>
      %add3A_1813 = arith.addi %get3A_1812, %get3A_1807 : vector<16xi32>
      %broadcast_in_dim3A = arith.constant 0 : i32
      %broadcast_in_dim3A_1814 = vector.broadcast %broadcast_in_dim3A : i32 to vector<16xi32>
      %ge3A = arith.constant 1310720 : i32
      %ge3A_1815 = vector.broadcast %ge3A : i32 to vector<16xi32>
      %ge3A_1816 = arith.cmpi sge, %add3A_1813, %ge3A_1815 : vector<16xi32>
      %add3A_1817 = arith.constant 2 : i32
      %add3A_1818 = vector.broadcast %add3A_1817 : i32 to vector<16xi32>
      %add3A_1819 = arith.addi %broadcast_in_dim3A_1814, %add3A_1818 : vector<16xi32>
      %select_n3A = arith.select %ge3A_1816, %add3A_1819, %broadcast_in_dim3A_1814 : vector<16xi1>, vector<16xi32>
      %mul3A_1820 = arith.constant 655360 : i32
      %mul3A_1821 = vector.broadcast %mul3A_1820 : i32 to vector<16xi32>
      %mul3A_1822 = arith.muli %select_n3A, %mul3A_1821 : vector<16xi32>
      %sub3A = arith.subi %add3A_1813, %mul3A_1822 : vector<16xi32>
      %ge3A_1823 = arith.constant 655360 : i32
      %ge3A_1824 = vector.broadcast %ge3A_1823 : i32 to vector<16xi32>
      %ge3A_1825 = arith.cmpi sge, %sub3A, %ge3A_1824 : vector<16xi32>
      %add3A_1826 = arith.constant 1 : i32
      %add3A_1827 = vector.broadcast %add3A_1826 : i32 to vector<16xi32>
      %add3A_1828 = arith.addi %broadcast_in_dim3A_1814, %add3A_1827 : vector<16xi32>
      %select_n3A_1829 = arith.select %ge3A_1825, %add3A_1828, %broadcast_in_dim3A_1814 : vector<16xi1>, vector<16xi32>
      %mul3A_1830 = arith.constant 655360 : i32
      %mul3A_1831 = vector.broadcast %mul3A_1830 : i32 to vector<16xi32>
      %mul3A_1832 = arith.muli %select_n3A_1829, %mul3A_1831 : vector<16xi32>
      %sub3A_1833 = arith.subi %sub3A, %mul3A_1832 : vector<16xi32>
      %mul3A_1834 = arith.constant 4 : i32
      %mul3A_1835 = vector.broadcast %mul3A_1834 : i32 to vector<16xi32>
      %mul3A_1836 = arith.muli %sub3A_1833, %mul3A_1835 : vector<16xi32>
      %add3A_1837 = arith.addi %mul3A_1836, %select_n3A : vector<16xi32>
      %add3A_1838 = arith.addi %add3A_1837, %select_n3A_1829 : vector<16xi32>
      %mul3A_1839 = arith.constant 16 : i32
      %mul3A_1840 = arith.muli %scan3A_1800, %mul3A_1839 : i32
      %swap3A = arith.index_cast %mul3A_1840 : i32 to index
      %swap3A_1841 = tpu.vector_load %arg7[%swap3A] {strides = array<i32>} : memref<1664xi32, #tpu.memory_space<vmem>>, vector<16xi32>,
      %swap3A_1842 = vector.shape_cast %swap3A_1841 : vector<16xi32> to vector<16xi32>
      %swap3A_1843 = vector.shape_cast %add3A_1838 : vector<16xi32> to vector<16xi32>
      tpu.vector_store %arg7[%swap3A], %swap3A_1843 {strides = array<i32>} : memref<1664xi32, #tpu.memory_space<vmem>>, vector<16xi32>,
      %scan3A_1844 = arith.constant 0 : i32
      scf.yield %scan3A_1844 : i32
    }
    %scan3A_1579 = arith.constant 104 : i32
    %dma_start3A_1580 = arith.constant 0 : i32
    %dma_start3A_1581 = arith.constant 0 : i32
    %dma_start3A_1582 = tpu.memref_slice %arg9[%dma_start3A_1580, %dma_start3A_1581] : memref<1664x32xf32, #tpu.memory_space<vmem>> -> memref<128x32xf32, #tpu.memory_space<vmem>>
    %dma_start3A_1583 = arith.constant 0 : i32
    %dma_start3A_1584 = tpu.memref_slice %arg7[%dma_start3A_1583] : memref<1664xi32, #tpu.memory_space<vmem>> -> memref<128xi32, #tpu.memory_space<vmem>>
    %dma_start3A_1585 = arith.constant 0 : i32
    %dma_start3A_1586 = arith.constant 0 : i32
    %dma_start3A_1587 = tpu.memref_slice %arg3[%dma_start3A_1585, %dma_start3A_1586] : memref<2621440x32xf32, #tpu.memory_space<hbm>> -> memref<2621440x32xf32, #tpu.memory_space<hbm>>
    tpu.enqueue_indirect_dma source(%dma_start3A_1587 : memref<2621440x32xf32, #tpu.memory_space<hbm>>) target(%dma_start3A_1582 : memref<128x32xf32, #tpu.memory_space<vmem>>) offsets(%dma_start3A_1584 : memref<128xi32, #tpu.memory_space<vmem>>) semaphore(%arg11 : memref<!tpu.dma_semaphore, #tpu.memory_space<semaphore_mem>>)
    %dma_start3A_1588 = arith.constant 128 : i32
    %dma_start3A_1589 = arith.constant 0 : i32
    %dma_start3A_1590 = tpu.memref_slice %arg9[%dma_start3A_1588, %dma_start3A_1589] : memref<1664x32xf32, #tpu.memory_space<vmem>> -> memref<128x32xf32, #tpu.memory_space<vmem>>
    %dma_start3A_1591 = arith.constant 128 : i32
    %dma_start3A_1592 = tpu.memref_slice %arg7[%dma_start3A_1591] : memref<1664xi32, #tpu.memory_space<vmem>> -> memref<128xi32, #tpu.memory_space<vmem>>
    %dma_start3A_1593 = arith.constant 0 : i32
    %dma_start3A_1594 = arith.constant 0 : i32
    %dma_start3A_1595 = tpu.memref_slice %arg3[%dma_start3A_1593, %dma_start3A_1594] : memref<2621440x32xf32, #tpu.memory_space<hbm>> -> memref<2621440x32xf32, #tpu.memory_space<hbm>>
    tpu.enqueue_indirect_dma source(%dma_start3A_1595 : memref<2621440x32xf32, #tpu.memory_space<hbm>>) target(%dma_start3A_1590 : memref<128x32xf32, #tpu.memory_space<vmem>>) offsets(%dma_start3A_1592 : memref<128xi32, #tpu.memory_space<vmem>>) semaphore(%arg11 : memref<!tpu.dma_semaphore, #tpu.memory_space<semaphore_mem>>)
    %dma_start3A_1596 = arith.constant 256 : i32
    %dma_start3A_1597 = arith.constant 0 : i32
    %dma_start3A_1598 = tpu.memref_slice %arg9[%dma_start3A_1596, %dma_start3A_1597] : memref<1664x32xf32, #tpu.memory_space<vmem>> -> memref<128x32xf32, #tpu.memory_space<vmem>>
    %dma_start3A_1599 = arith.constant 256 : i32
    %dma_start3A_1600 = tpu.memref_slice %arg7[%dma_start3A_1599] : memref<1664xi32, #tpu.memory_space<vmem>> -> memref<128xi32, #tpu.memory_space<vmem>>
    %dma_start3A_1601 = arith.constant 0 : i32
    %dma_start3A_1602 = arith.constant 0 : i32
    %dma_start3A_1603 = tpu.memref_slice %arg3[%dma_start3A_1601, %dma_start3A_1602] : memref<2621440x32xf32, #tpu.memory_space<hbm>> -> memref<2621440x32xf32, #tpu.memory_space<hbm>>
    tpu.enqueue_indirect_dma source(%dma_start3A_1603 : memref<2621440x32xf32, #tpu.memory_space<hbm>>) target(%dma_start3A_1598 : memref<128x32xf32, #tpu.memory_space<vmem>>) offsets(%dma_start3A_1600 : memref<128xi32, #tpu.memory_space<vmem>>) semaphore(%arg11 : memref<!tpu.dma_semaphore, #tpu.memory_space<semaphore_mem>>)
    %dma_start3A_1604 = arith.constant 384 : i32
    %dma_start3A_1605 = arith.constant 0 : i32
    %dma_start3A_1606 = tpu.memref_slice %arg9[%dma_start3A_1604, %dma_start3A_1605] : memref<1664x32xf32, #tpu.memory_space<vmem>> -> memref<128x32xf32, #tpu.memory_space<vmem>>
    %dma_start3A_1607 = arith.constant 384 : i32
    %dma_start3A_1608 = tpu.memref_slice %arg7[%dma_start3A_1607] : memref<1664xi32, #tpu.memory_space<vmem>> -> memref<128xi32, #tpu.memory_space<vmem>>
    %dma_start3A_1609 = arith.constant 0 : i32
    %dma_start3A_1610 = arith.constant 0 : i32
    %dma_start3A_1611 = tpu.memref_slice %arg3[%dma_start3A_1609, %dma_start3A_1610] : memref<2621440x32xf32, #tpu.memory_space<hbm>> -> memref<2621440x32xf32, #tpu.memory_space<hbm>>
    tpu.enqueue_indirect_dma source(%dma_start3A_1611 : memref<2621440x32xf32, #tpu.memory_space<hbm>>) target(%dma_start3A_1606 : memref<128x32xf32, #tpu.memory_space<vmem>>) offsets(%dma_start3A_1608 : memref<128xi32, #tpu.memory_space<vmem>>) semaphore(%arg11 : memref<!tpu.dma_semaphore, #tpu.memory_space<semaphore_mem>>)
    %dma_start3A_1612 = arith.constant 512 : i32
    %dma_start3A_1613 = arith.constant 0 : i32
    %dma_start3A_1614 = tpu.memref_slice %arg9[%dma_start3A_1612, %dma_start3A_1613] : memref<1664x32xf32, #tpu.memory_space<vmem>> -> memref<128x32xf32, #tpu.memory_space<vmem>>
    %dma_start3A_1615 = arith.constant 512 : i32
    %dma_start3A_1616 = tpu.memref_slice %arg7[%dma_start3A_1615] : memref<1664xi32, #tpu.memory_space<vmem>> -> memref<128xi32, #tpu.memory_space<vmem>>
    %dma_start3A_1617 = arith.constant 0 : i32
    %dma_start3A_1618 = arith.constant 0 : i32
    %dma_start3A_1619 = tpu.memref_slice %arg3[%dma_start3A_1617, %dma_start3A_1618] : memref<2621440x32xf32, #tpu.memory_space<hbm>> -> memref<2621440x32xf32, #tpu.memory_space<hbm>>
    tpu.enqueue_indirect_dma source(%dma_start3A_1619 : memref<2621440x32xf32, #tpu.memory_space<hbm>>) target(%dma_start3A_1614 : memref<128x32xf32, #tpu.memory_space<vmem>>) offsets(%dma_start3A_1616 : memref<128xi32, #tpu.memory_space<vmem>>) semaphore(%arg11 : memref<!tpu.dma_semaphore, #tpu.memory_space<semaphore_mem>>)
    %dma_start3A_1620 = arith.constant 640 : i32
    %dma_start3A_1621 = arith.constant 0 : i32
    %dma_start3A_1622 = tpu.memref_slice %arg9[%dma_start3A_1620, %dma_start3A_1621] : memref<1664x32xf32, #tpu.memory_space<vmem>> -> memref<128x32xf32, #tpu.memory_space<vmem>>
    %dma_start3A_1623 = arith.constant 640 : i32
    %dma_start3A_1624 = tpu.memref_slice %arg7[%dma_start3A_1623] : memref<1664xi32, #tpu.memory_space<vmem>> -> memref<128xi32, #tpu.memory_space<vmem>>
    %dma_start3A_1625 = arith.constant 0 : i32
    %dma_start3A_1626 = arith.constant 0 : i32
    %dma_start3A_1627 = tpu.memref_slice %arg3[%dma_start3A_1625, %dma_start3A_1626] : memref<2621440x32xf32, #tpu.memory_space<hbm>> -> memref<2621440x32xf32, #tpu.memory_space<hbm>>
    tpu.enqueue_indirect_dma source(%dma_start3A_1627 : memref<2621440x32xf32, #tpu.memory_space<hbm>>) target(%dma_start3A_1622 : memref<128x32xf32, #tpu.memory_space<vmem>>) offsets(%dma_start3A_1624 : memref<128xi32, #tpu.memory_space<vmem>>) semaphore(%arg11 : memref<!tpu.dma_semaphore, #tpu.memory_space<semaphore_mem>>)
    %dma_start3A_1628 = arith.constant 768 : i32
    %dma_start3A_1629 = arith.constant 0 : i32
    %dma_start3A_1630 = tpu.memref_slice %arg9[%dma_start3A_1628, %dma_start3A_1629] : memref<1664x32xf32, #tpu.memory_space<vmem>> -> memref<128x32xf32, #tpu.memory_space<vmem>>
    %dma_start3A_1631 = arith.constant 768 : i32
    %dma_start3A_1632 = tpu.memref_slice %arg7[%dma_start3A_1631] : memref<1664xi32, #tpu.memory_space<vmem>> -> memref<128xi32, #tpu.memory_space<vmem>>
    %dma_start3A_1633 = arith.constant 0 : i32
    %dma_start3A_1634 = arith.constant 0 : i32
    %dma_start3A_1635 = tpu.memref_slice %arg3[%dma_start3A_1633, %dma_start3A_1634] : memref<2621440x32xf32, #tpu.memory_space<hbm>> -> memref<2621440x32xf32, #tpu.memory_space<hbm>>
    tpu.enqueue_indirect_dma source(%dma_start3A_1635 : memref<2621440x32xf32, #tpu.memory_space<hbm>>) target(%dma_start3A_1630 : memref<128x32xf32, #tpu.memory_space<vmem>>) offsets(%dma_start3A_1632 : memref<128xi32, #tpu.memory_space<vmem>>) semaphore(%arg11 : memref<!tpu.dma_semaphore, #tpu.memory_space<semaphore_mem>>)
    %dma_start3A_1636 = arith.constant 896 : i32
    %dma_start3A_1637 = arith.constant 0 : i32
    %dma_start3A_1638 = tpu.memref_slice %arg9[%dma_start3A_1636, %dma_start3A_1637] : memref<1664x32xf32, #tpu.memory_space<vmem>> -> memref<128x32xf32, #tpu.memory_space<vmem>>
    %dma_start3A_1639 = arith.constant 896 : i32
    %dma_start3A_1640 = tpu.memref_slice %arg7[%dma_start3A_1639] : memref<1664xi32, #tpu.memory_space<vmem>> -> memref<128xi32, #tpu.memory_space<vmem>>
    %dma_start3A_1641 = arith.constant 0 : i32
    %dma_start3A_1642 = arith.constant 0 : i32
    %dma_start3A_1643 = tpu.memref_slice %arg3[%dma_start3A_1641, %dma_start3A_1642] : memref<2621440x32xf32, #tpu.memory_space<hbm>> -> memref<2621440x32xf32, #tpu.memory_space<hbm>>
    tpu.enqueue_indirect_dma source(%dma_start3A_1643 : memref<2621440x32xf32, #tpu.memory_space<hbm>>) target(%dma_start3A_1638 : memref<128x32xf32, #tpu.memory_space<vmem>>) offsets(%dma_start3A_1640 : memref<128xi32, #tpu.memory_space<vmem>>) semaphore(%arg11 : memref<!tpu.dma_semaphore, #tpu.memory_space<semaphore_mem>>)
    %dma_start3A_1644 = arith.constant 1024 : i32
    %dma_start3A_1645 = arith.constant 0 : i32
    %dma_start3A_1646 = tpu.memref_slice %arg9[%dma_start3A_1644, %dma_start3A_1645] : memref<1664x32xf32, #tpu.memory_space<vmem>> -> memref<128x32xf32, #tpu.memory_space<vmem>>
    %dma_start3A_1647 = arith.constant 1024 : i32
    %dma_start3A_1648 = tpu.memref_slice %arg7[%dma_start3A_1647] : memref<1664xi32, #tpu.memory_space<vmem>> -> memref<128xi32, #tpu.memory_space<vmem>>
    %dma_start3A_1649 = arith.constant 0 : i32
    %dma_start3A_1650 = arith.constant 0 : i32
    %dma_start3A_1651 = tpu.memref_slice %arg3[%dma_start3A_1649, %dma_start3A_1650] : memref<2621440x32xf32, #tpu.memory_space<hbm>> -> memref<2621440x32xf32, #tpu.memory_space<hbm>>
    tpu.enqueue_indirect_dma source(%dma_start3A_1651 : memref<2621440x32xf32, #tpu.memory_space<hbm>>) target(%dma_start3A_1646 : memref<128x32xf32, #tpu.memory_space<vmem>>) offsets(%dma_start3A_1648 : memref<128xi32, #tpu.memory_space<vmem>>) semaphore(%arg11 : memref<!tpu.dma_semaphore, #tpu.memory_space<semaphore_mem>>)
    %dma_start3A_1652 = arith.constant 1152 : i32
    %dma_start3A_1653 = arith.constant 0 : i32
    %dma_start3A_1654 = tpu.memref_slice %arg9[%dma_start3A_1652, %dma_start3A_1653] : memref<1664x32xf32, #tpu.memory_space<vmem>> -> memref<128x32xf32, #tpu.memory_space<vmem>>
    %dma_start3A_1655 = arith.constant 1152 : i32
    %dma_start3A_1656 = tpu.memref_slice %arg7[%dma_start3A_1655] : memref<1664xi32, #tpu.memory_space<vmem>> -> memref<128xi32, #tpu.memory_space<vmem>>
    %dma_start3A_1657 = arith.constant 0 : i32
    %dma_start3A_1658 = arith.constant 0 : i32
    %dma_start3A_1659 = tpu.memref_slice %arg3[%dma_start3A_1657, %dma_start3A_1658] : memref<2621440x32xf32, #tpu.memory_space<hbm>> -> memref<2621440x32xf32, #tpu.memory_space<hbm>>
    tpu.enqueue_indirect_dma source(%dma_start3A_1659 : memref<2621440x32xf32, #tpu.memory_space<hbm>>) target(%dma_start3A_1654 : memref<128x32xf32, #tpu.memory_space<vmem>>) offsets(%dma_start3A_1656 : memref<128xi32, #tpu.memory_space<vmem>>) semaphore(%arg11 : memref<!tpu.dma_semaphore, #tpu.memory_space<semaphore_mem>>)
    %dma_start3A_1660 = arith.constant 1280 : i32
    %dma_start3A_1661 = arith.constant 0 : i32
    %dma_start3A_1662 = tpu.memref_slice %arg9[%dma_start3A_1660, %dma_start3A_1661] : memref<1664x32xf32, #tpu.memory_space<vmem>> -> memref<128x32xf32, #tpu.memory_space<vmem>>
    %dma_start3A_1663 = arith.constant 1280 : i32
    %dma_start3A_1664 = tpu.memref_slice %arg7[%dma_start3A_1663] : memref<1664xi32, #tpu.memory_space<vmem>> -> memref<128xi32, #tpu.memory_space<vmem>>
    %dma_start3A_1665 = arith.constant 0 : i32
    %dma_start3A_1666 = arith.constant 0 : i32
    %dma_start3A_1667 = tpu.memref_slice %arg3[%dma_start3A_1665, %dma_start3A_1666] : memref<2621440x32xf32, #tpu.memory_space<hbm>> -> memref<2621440x32xf32, #tpu.memory_space<hbm>>
    tpu.enqueue_indirect_dma source(%dma_start3A_1667 : memref<2621440x32xf32, #tpu.memory_space<hbm>>) target(%dma_start3A_1662 : memref<128x32xf32, #tpu.memory_space<vmem>>) offsets(%dma_start3A_1664 : memref<128xi32, #tpu.memory_space<vmem>>) semaphore(%arg11 : memref<!tpu.dma_semaphore, #tpu.memory_space<semaphore_mem>>)
    %dma_start3A_1668 = arith.constant 1408 : i32
    %dma_start3A_1669 = arith.constant 0 : i32
    %dma_start3A_1670 = tpu.memref_slice %arg9[%dma_start3A_1668, %dma_start3A_1669] : memref<1664x32xf32, #tpu.memory_space<vmem>> -> memref<128x32xf32, #tpu.memory_space<vmem>>
    %dma_start3A_1671 = arith.constant 1408 : i32
    %dma_start3A_1672 = tpu.memref_slice %arg7[%dma_start3A_1671] : memref<1664xi32, #tpu.memory_space<vmem>> -> memref<128xi32, #tpu.memory_space<vmem>>
    %dma_start3A_1673 = arith.constant 0 : i32
    %dma_start3A_1674 = arith.constant 0 : i32
    %dma_start3A_1675 = tpu.memref_slice %arg3[%dma_start3A_1673, %dma_start3A_1674] : memref<2621440x32xf32, #tpu.memory_space<hbm>> -> memref<2621440x32xf32, #tpu.memory_space<hbm>>
    tpu.enqueue_indirect_dma source(%dma_start3A_1675 : memref<2621440x32xf32, #tpu.memory_space<hbm>>) target(%dma_start3A_1670 : memref<128x32xf32, #tpu.memory_space<vmem>>) offsets(%dma_start3A_1672 : memref<128xi32, #tpu.memory_space<vmem>>) semaphore(%arg11 : memref<!tpu.dma_semaphore, #tpu.memory_space<semaphore_mem>>)
    %dma_start3A_1676 = arith.constant 1536 : i32
    %dma_start3A_1677 = arith.constant 0 : i32
    %dma_start3A_1678 = tpu.memref_slice %arg9[%dma_start3A_1676, %dma_start3A_1677] : memref<1664x32xf32, #tpu.memory_space<vmem>> -> memref<128x32xf32, #tpu.memory_space<vmem>>
    %dma_start3A_1679 = arith.constant 1536 : i32
    %dma_start3A_1680 = tpu.memref_slice %arg7[%dma_start3A_1679] : memref<1664xi32, #tpu.memory_space<vmem>> -> memref<128xi32, #tpu.memory_space<vmem>>
    %dma_start3A_1681 = arith.constant 0 : i32
    %dma_start3A_1682 = arith.constant 0 : i32
    %dma_start3A_1683 = tpu.memref_slice %arg3[%dma_start3A_1681, %dma_start3A_1682] : memref<2621440x32xf32, #tpu.memory_space<hbm>> -> memref<2621440x32xf32, #tpu.memory_space<hbm>>
    tpu.enqueue_indirect_dma source(%dma_start3A_1683 : memref<2621440x32xf32, #tpu.memory_space<hbm>>) target(%dma_start3A_1678 : memref<128x32xf32, #tpu.memory_space<vmem>>) offsets(%dma_start3A_1680 : memref<128xi32, #tpu.memory_space<vmem>>) semaphore(%arg11 : memref<!tpu.dma_semaphore, #tpu.memory_space<semaphore_mem>>)
    %dma_wait3A_1684 = arith.constant 0 : i32
    %dma_wait3A_1685 = arith.constant 0 : i32
    %dma_wait3A_1686 = tpu.memref_slice %arg9[%dma_wait3A_1684, %dma_wait3A_1685] : memref<1664x32xf32, #tpu.memory_space<vmem>> -> memref<128x32xf32, #tpu.memory_space<vmem>>
    %dma_wait3A_1687 = arith.constant 0 : i32
    %dma_wait3A_1688 = tpu.memref_slice %arg7[%dma_wait3A_1687] : memref<1664xi32, #tpu.memory_space<vmem>> -> memref<128xi32, #tpu.memory_space<vmem>>
    %dma_wait3A_1689 = arith.constant 0 : i32
    %dma_wait3A_1690 = arith.constant 0 : i32
    %dma_wait3A_1691 = tpu.memref_slice %arg3[%dma_wait3A_1689, %dma_wait3A_1690] : memref<2621440x32xf32, #tpu.memory_space<hbm>> -> memref<2621440x32xf32, #tpu.memory_space<hbm>>
    tpu.wait_indirect_dma semaphore(%arg11 : memref<!tpu.dma_semaphore, #tpu.memory_space<semaphore_mem>>) src(%dma_wait3A_1691 : memref<2621440x32xf32, #tpu.memory_space<hbm>>) dst(%dma_wait3A_1686 : memref<128x32xf32, #tpu.memory_space<vmem>>)
    %dma_wait3A_1692 = arith.constant 128 : i32
    %dma_wait3A_1693 = arith.constant 0 : i32
    %dma_wait3A_1694 = tpu.memref_slice %arg9[%dma_wait3A_1692, %dma_wait3A_1693] : memref<1664x32xf32, #tpu.memory_space<vmem>> -> memref<128x32xf32, #tpu.memory_space<vmem>>
    %dma_wait3A_1695 = arith.constant 128 : i32
    %dma_wait3A_1696 = tpu.memref_slice %arg7[%dma_wait3A_1695] : memref<1664xi32, #tpu.memory_space<vmem>> -> memref<128xi32, #tpu.memory_space<vmem>>
    %dma_wait3A_1697 = arith.constant 0 : i32
    %dma_wait3A_1698 = arith.constant 0 : i32
    %dma_wait3A_1699 = tpu.memref_slice %arg3[%dma_wait3A_1697, %dma_wait3A_1698] : memref<2621440x32xf32, #tpu.memory_space<hbm>> -> memref<2621440x32xf32, #tpu.memory_space<hbm>>
    tpu.wait_indirect_dma semaphore(%arg11 : memref<!tpu.dma_semaphore, #tpu.memory_space<semaphore_mem>>) src(%dma_wait3A_1699 : memref<2621440x32xf32, #tpu.memory_space<hbm>>) dst(%dma_wait3A_1694 : memref<128x32xf32, #tpu.memory_space<vmem>>)
    %dma_wait3A_1700 = arith.constant 256 : i32
    %dma_wait3A_1701 = arith.constant 0 : i32
    %dma_wait3A_1702 = tpu.memref_slice %arg9[%dma_wait3A_1700, %dma_wait3A_1701] : memref<1664x32xf32, #tpu.memory_space<vmem>> -> memref<128x32xf32, #tpu.memory_space<vmem>>
    %dma_wait3A_1703 = arith.constant 256 : i32
    %dma_wait3A_1704 = tpu.memref_slice %arg7[%dma_wait3A_1703] : memref<1664xi32, #tpu.memory_space<vmem>> -> memref<128xi32, #tpu.memory_space<vmem>>
    %dma_wait3A_1705 = arith.constant 0 : i32
    %dma_wait3A_1706 = arith.constant 0 : i32
    %dma_wait3A_1707 = tpu.memref_slice %arg3[%dma_wait3A_1705, %dma_wait3A_1706] : memref<2621440x32xf32, #tpu.memory_space<hbm>> -> memref<2621440x32xf32, #tpu.memory_space<hbm>>
    tpu.wait_indirect_dma semaphore(%arg11 : memref<!tpu.dma_semaphore, #tpu.memory_space<semaphore_mem>>) src(%dma_wait3A_1707 : memref<2621440x32xf32, #tpu.memory_space<hbm>>) dst(%dma_wait3A_1702 : memref<128x32xf32, #tpu.memory_space<vmem>>)
    %dma_wait3A_1708 = arith.constant 384 : i32
    %dma_wait3A_1709 = arith.constant 0 : i32
    %dma_wait3A_1710 = tpu.memref_slice %arg9[%dma_wait3A_1708, %dma_wait3A_1709] : memref<1664x32xf32, #tpu.memory_space<vmem>> -> memref<128x32xf32, #tpu.memory_space<vmem>>
    %dma_wait3A_1711 = arith.constant 384 : i32
    %dma_wait3A_1712 = tpu.memref_slice %arg7[%dma_wait3A_1711] : memref<1664xi32, #tpu.memory_space<vmem>> -> memref<128xi32, #tpu.memory_space<vmem>>
    %dma_wait3A_1713 = arith.constant 0 : i32
    %dma_wait3A_1714 = arith.constant 0 : i32
    %dma_wait3A_1715 = tpu.memref_slice %arg3[%dma_wait3A_1713, %dma_wait3A_1714] : memref<2621440x32xf32, #tpu.memory_space<hbm>> -> memref<2621440x32xf32, #tpu.memory_space<hbm>>
    tpu.wait_indirect_dma semaphore(%arg11 : memref<!tpu.dma_semaphore, #tpu.memory_space<semaphore_mem>>) src(%dma_wait3A_1715 : memref<2621440x32xf32, #tpu.memory_space<hbm>>) dst(%dma_wait3A_1710 : memref<128x32xf32, #tpu.memory_space<vmem>>)
    %dma_wait3A_1716 = arith.constant 512 : i32
    %dma_wait3A_1717 = arith.constant 0 : i32
    %dma_wait3A_1718 = tpu.memref_slice %arg9[%dma_wait3A_1716, %dma_wait3A_1717] : memref<1664x32xf32, #tpu.memory_space<vmem>> -> memref<128x32xf32, #tpu.memory_space<vmem>>
    %dma_wait3A_1719 = arith.constant 512 : i32
    %dma_wait3A_1720 = tpu.memref_slice %arg7[%dma_wait3A_1719] : memref<1664xi32, #tpu.memory_space<vmem>> -> memref<128xi32, #tpu.memory_space<vmem>>
    %dma_wait3A_1721 = arith.constant 0 : i32
    %dma_wait3A_1722 = arith.constant 0 : i32
    %dma_wait3A_1723 = tpu.memref_slice %arg3[%dma_wait3A_1721, %dma_wait3A_1722] : memref<2621440x32xf32, #tpu.memory_space<hbm>> -> memref<2621440x32xf32, #tpu.memory_space<hbm>>
    tpu.wait_indirect_dma semaphore(%arg11 : memref<!tpu.dma_semaphore, #tpu.memory_space<semaphore_mem>>) src(%dma_wait3A_1723 : memref<2621440x32xf32, #tpu.memory_space<hbm>>) dst(%dma_wait3A_1718 : memref<128x32xf32, #tpu.memory_space<vmem>>)
    %dma_wait3A_1724 = arith.constant 640 : i32
    %dma_wait3A_1725 = arith.constant 0 : i32
    %dma_wait3A_1726 = tpu.memref_slice %arg9[%dma_wait3A_1724, %dma_wait3A_1725] : memref<1664x32xf32, #tpu.memory_space<vmem>> -> memref<128x32xf32, #tpu.memory_space<vmem>>
    %dma_wait3A_1727 = arith.constant 640 : i32
    %dma_wait3A_1728 = tpu.memref_slice %arg7[%dma_wait3A_1727] : memref<1664xi32, #tpu.memory_space<vmem>> -> memref<128xi32, #tpu.memory_space<vmem>>
    %dma_wait3A_1729 = arith.constant 0 : i32
    %dma_wait3A_1730 = arith.constant 0 : i32
    %dma_wait3A_1731 = tpu.memref_slice %arg3[%dma_wait3A_1729, %dma_wait3A_1730] : memref<2621440x32xf32, #tpu.memory_space<hbm>> -> memref<2621440x32xf32, #tpu.memory_space<hbm>>
    tpu.wait_indirect_dma semaphore(%arg11 : memref<!tpu.dma_semaphore, #tpu.memory_space<semaphore_mem>>) src(%dma_wait3A_1731 : memref<2621440x32xf32, #tpu.memory_space<hbm>>) dst(%dma_wait3A_1726 : memref<128x32xf32, #tpu.memory_space<vmem>>)
    %dma_wait3A_1732 = arith.constant 768 : i32
    %dma_wait3A_1733 = arith.constant 0 : i32
    %dma_wait3A_1734 = tpu.memref_slice %arg9[%dma_wait3A_1732, %dma_wait3A_1733] : memref<1664x32xf32, #tpu.memory_space<vmem>> -> memref<128x32xf32, #tpu.memory_space<vmem>>
    %dma_wait3A_1735 = arith.constant 768 : i32
    %dma_wait3A_1736 = tpu.memref_slice %arg7[%dma_wait3A_1735] : memref<1664xi32, #tpu.memory_space<vmem>> -> memref<128xi32, #tpu.memory_space<vmem>>
    %dma_wait3A_1737 = arith.constant 0 : i32
    %dma_wait3A_1738 = arith.constant 0 : i32
    %dma_wait3A_1739 = tpu.memref_slice %arg3[%dma_wait3A_1737, %dma_wait3A_1738] : memref<2621440x32xf32, #tpu.memory_space<hbm>> -> memref<2621440x32xf32, #tpu.memory_space<hbm>>
    tpu.wait_indirect_dma semaphore(%arg11 : memref<!tpu.dma_semaphore, #tpu.memory_space<semaphore_mem>>) src(%dma_wait3A_1739 : memref<2621440x32xf32, #tpu.memory_space<hbm>>) dst(%dma_wait3A_1734 : memref<128x32xf32, #tpu.memory_space<vmem>>)
    %dma_wait3A_1740 = arith.constant 896 : i32
    %dma_wait3A_1741 = arith.constant 0 : i32
    %dma_wait3A_1742 = tpu.memref_slice %arg9[%dma_wait3A_1740, %dma_wait3A_1741] : memref<1664x32xf32, #tpu.memory_space<vmem>> -> memref<128x32xf32, #tpu.memory_space<vmem>>
    %dma_wait3A_1743 = arith.constant 896 : i32
    %dma_wait3A_1744 = tpu.memref_slice %arg7[%dma_wait3A_1743] : memref<1664xi32, #tpu.memory_space<vmem>> -> memref<128xi32, #tpu.memory_space<vmem>>
    %dma_wait3A_1745 = arith.constant 0 : i32
    %dma_wait3A_1746 = arith.constant 0 : i32
    %dma_wait3A_1747 = tpu.memref_slice %arg3[%dma_wait3A_1745, %dma_wait3A_1746] : memref<2621440x32xf32, #tpu.memory_space<hbm>> -> memref<2621440x32xf32, #tpu.memory_space<hbm>>
    tpu.wait_indirect_dma semaphore(%arg11 : memref<!tpu.dma_semaphore, #tpu.memory_space<semaphore_mem>>) src(%dma_wait3A_1747 : memref<2621440x32xf32, #tpu.memory_space<hbm>>) dst(%dma_wait3A_1742 : memref<128x32xf32, #tpu.memory_space<vmem>>)
    %dma_wait3A_1748 = arith.constant 1024 : i32
    %dma_wait3A_1749 = arith.constant 0 : i32
    %dma_wait3A_1750 = tpu.memref_slice %arg9[%dma_wait3A_1748, %dma_wait3A_1749] : memref<1664x32xf32, #tpu.memory_space<vmem>> -> memref<128x32xf32, #tpu.memory_space<vmem>>
    %dma_wait3A_1751 = arith.constant 1024 : i32
    %dma_wait3A_1752 = tpu.memref_slice %arg7[%dma_wait3A_1751] : memref<1664xi32, #tpu.memory_space<vmem>> -> memref<128xi32, #tpu.memory_space<vmem>>
    %dma_wait3A_1753 = arith.constant 0 : i32
    %dma_wait3A_1754 = arith.constant 0 : i32
    %dma_wait3A_1755 = tpu.memref_slice %arg3[%dma_wait3A_1753, %dma_wait3A_1754] : memref<2621440x32xf32, #tpu.memory_space<hbm>> -> memref<2621440x32xf32, #tpu.memory_space<hbm>>
    tpu.wait_indirect_dma semaphore(%arg11 : memref<!tpu.dma_semaphore, #tpu.memory_space<semaphore_mem>>) src(%dma_wait3A_1755 : memref<2621440x32xf32, #tpu.memory_space<hbm>>) dst(%dma_wait3A_1750 : memref<128x32xf32, #tpu.memory_space<vmem>>)
    %dma_wait3A_1756 = arith.constant 1152 : i32
    %dma_wait3A_1757 = arith.constant 0 : i32
    %dma_wait3A_1758 = tpu.memref_slice %arg9[%dma_wait3A_1756, %dma_wait3A_1757] : memref<1664x32xf32, #tpu.memory_space<vmem>> -> memref<128x32xf32, #tpu.memory_space<vmem>>
    %dma_wait3A_1759 = arith.constant 1152 : i32
    %dma_wait3A_1760 = tpu.memref_slice %arg7[%dma_wait3A_1759] : memref<1664xi32, #tpu.memory_space<vmem>> -> memref<128xi32, #tpu.memory_space<vmem>>
    %dma_wait3A_1761 = arith.constant 0 : i32
    %dma_wait3A_1762 = arith.constant 0 : i32
    %dma_wait3A_1763 = tpu.memref_slice %arg3[%dma_wait3A_1761, %dma_wait3A_1762] : memref<2621440x32xf32, #tpu.memory_space<hbm>> -> memref<2621440x32xf32, #tpu.memory_space<hbm>>
    tpu.wait_indirect_dma semaphore(%arg11 : memref<!tpu.dma_semaphore, #tpu.memory_space<semaphore_mem>>) src(%dma_wait3A_1763 : memref<2621440x32xf32, #tpu.memory_space<hbm>>) dst(%dma_wait3A_1758 : memref<128x32xf32, #tpu.memory_space<vmem>>)
    %dma_wait3A_1764 = arith.constant 1280 : i32
    %dma_wait3A_1765 = arith.constant 0 : i32
    %dma_wait3A_1766 = tpu.memref_slice %arg9[%dma_wait3A_1764, %dma_wait3A_1765] : memref<1664x32xf32, #tpu.memory_space<vmem>> -> memref<128x32xf32, #tpu.memory_space<vmem>>
    %dma_wait3A_1767 = arith.constant 1280 : i32
    %dma_wait3A_1768 = tpu.memref_slice %arg7[%dma_wait3A_1767] : memref<1664xi32, #tpu.memory_space<vmem>> -> memref<128xi32, #tpu.memory_space<vmem>>
    %dma_wait3A_1769 = arith.constant 0 : i32
    %dma_wait3A_1770 = arith.constant 0 : i32
    %dma_wait3A_1771 = tpu.memref_slice %arg3[%dma_wait3A_1769, %dma_wait3A_1770] : memref<2621440x32xf32, #tpu.memory_space<hbm>> -> memref<2621440x32xf32, #tpu.memory_space<hbm>>
    tpu.wait_indirect_dma semaphore(%arg11 : memref<!tpu.dma_semaphore, #tpu.memory_space<semaphore_mem>>) src(%dma_wait3A_1771 : memref<2621440x32xf32, #tpu.memory_space<hbm>>) dst(%dma_wait3A_1766 : memref<128x32xf32, #tpu.memory_space<vmem>>)
    %dma_wait3A_1772 = arith.constant 1408 : i32
    %dma_wait3A_1773 = arith.constant 0 : i32
    %dma_wait3A_1774 = tpu.memref_slice %arg9[%dma_wait3A_1772, %dma_wait3A_1773] : memref<1664x32xf32, #tpu.memory_space<vmem>> -> memref<128x32xf32, #tpu.memory_space<vmem>>
    %dma_wait3A_1775 = arith.constant 1408 : i32
    %dma_wait3A_1776 = tpu.memref_slice %arg7[%dma_wait3A_1775] : memref<1664xi32, #tpu.memory_space<vmem>> -> memref<128xi32, #tpu.memory_space<vmem>>
    %dma_wait3A_1777 = arith.constant 0 : i32
    %dma_wait3A_1778 = arith.constant 0 : i32
    %dma_wait3A_1779 = tpu.memref_slice %arg3[%dma_wait3A_1777, %dma_wait3A_1778] : memref<2621440x32xf32, #tpu.memory_space<hbm>> -> memref<2621440x32xf32, #tpu.memory_space<hbm>>
    tpu.wait_indirect_dma semaphore(%arg11 : memref<!tpu.dma_semaphore, #tpu.memory_space<semaphore_mem>>) src(%dma_wait3A_1779 : memref<2621440x32xf32, #tpu.memory_space<hbm>>) dst(%dma_wait3A_1774 : memref<128x32xf32, #tpu.memory_space<vmem>>)
    %dma_wait3A_1780 = arith.constant 1536 : i32
    %dma_wait3A_1781 = arith.constant 0 : i32
    %dma_wait3A_1782 = tpu.memref_slice %arg9[%dma_wait3A_1780, %dma_wait3A_1781] : memref<1664x32xf32, #tpu.memory_space<vmem>> -> memref<128x32xf32, #tpu.memory_space<vmem>>
    %dma_wait3A_1783 = arith.constant 1536 : i32
    %dma_wait3A_1784 = tpu.memref_slice %arg7[%dma_wait3A_1783] : memref<1664xi32, #tpu.memory_space<vmem>> -> memref<128xi32, #tpu.memory_space<vmem>>
    %dma_wait3A_1785 = arith.constant 0 : i32
    %dma_wait3A_1786 = arith.constant 0 : i32
    %dma_wait3A_1787 = tpu.memref_slice %arg3[%dma_wait3A_1785, %dma_wait3A_1786] : memref<2621440x32xf32, #tpu.memory_space<hbm>> -> memref<2621440x32xf32, #tpu.memory_space<hbm>>
    tpu.wait_indirect_dma semaphore(%arg11 : memref<!tpu.dma_semaphore, #tpu.memory_space<semaphore_mem>>) src(%dma_wait3A_1787 : memref<2621440x32xf32, #tpu.memory_space<hbm>>) dst(%dma_wait3A_1782 : memref<128x32xf32, #tpu.memory_space<vmem>>)
    %dma_start3A_1788 = arith.constant 0 : i32
    %dma_start3A_1789 = tpu.memref_slice %arg5[%add3A_1572, %dma_start3A_1788] : memref<425984x32xf32, #tpu.memory_space<hbm>> -> memref<1664x32xf32, #tpu.memory_space<hbm>>
    %dma_start3A_1790 = arith.constant 0 : i32
    %dma_start3A_1791 = tpu.memref_slice %arg5[%add3A_1572, %dma_start3A_1790] : memref<425984x32xf32, #tpu.memory_space<hbm>> -> memref<1664x32xf32, #tpu.memory_space<hbm>>
    tpu.enqueue_dma source(%arg9 : memref<1664x32xf32, #tpu.memory_space<vmem>>) target(%dma_start3A_1791 : memref<1664x32xf32, #tpu.memory_space<hbm>>) target_semaphore(%arg12 : memref<!tpu.dma_semaphore, #tpu.memory_space<semaphore_mem>>)
    %dma_wait3A_1792 = arith.constant 0 : i32
    %dma_wait3A_1793 = tpu.memref_slice %arg5[%add3A_1347, %dma_wait3A_1792] : memref<425984x32xf32, #tpu.memory_space<hbm>> -> memref<1664x32xf32, #tpu.memory_space<hbm>>
    %dma_wait3A_1794 = arith.constant 0 : i32
    %dma_wait3A_1795 = tpu.memref_slice %arg5[%add3A_1347, %dma_wait3A_1794] : memref<425984x32xf32, #tpu.memory_space<hbm>> -> memref<1664x32xf32, #tpu.memory_space<hbm>>
    tpu.wait_dma2 semaphore(%arg12 : memref<!tpu.dma_semaphore, #tpu.memory_space<semaphore_mem>>) src(%arg8 : memref<1664x32xf32, #tpu.memory_space<vmem>>) dst(%dma_wait3A_1795 : memref<1664x32xf32, #tpu.memory_space<hbm>>)
    %dma_wait3A_1796 = arith.constant 0 : i32
    %dma_wait3A_1797 = tpu.memref_slice %arg5[%add3A_1572, %dma_wait3A_1796] : memref<425984x32xf32, #tpu.memory_space<hbm>> -> memref<1664x32xf32, #tpu.memory_space<hbm>>
    %dma_wait3A_1798 = arith.constant 0 : i32
    %dma_wait3A_1799 = tpu.memref_slice %arg5[%add3A_1572, %dma_wait3A_1798] : memref<425984x32xf32, #tpu.memory_space<hbm>> -> memref<1664x32xf32, #tpu.memory_space<hbm>>
    tpu.wait_dma2 semaphore(%arg12 : memref<!tpu.dma_semaphore, #tpu.memory_space<semaphore_mem>>) src(%arg9 : memref<1664x32xf32, #tpu.memory_space<vmem>>) dst(%dma_wait3A_1799 : memref<1664x32xf32, #tpu.memory_space<hbm>>)
    return
  }
}

module attributes {stable_mosaic.version = 14 : i64} {
  func.func @_transpose_body(%arg0: i32, %arg1: memref<32x5120xf32, #tpu.memory_space<vmem>>, %arg2: memref<32x5120xf32, #tpu.memory_space<vmem>>, %arg3: memref<32x5120xf32, #tpu.memory_space<vmem>>, %arg4: memref<32x5120xf32, #tpu.memory_space<vmem>>, %arg5: memref<5120x128xf32, #tpu.memory_space<vmem>>) attributes {dimension_semantics = [#tpu.dimension_semantics<arbitrary>], iteration_bounds = array<i64: 128>, scalar_prefetch = 0 : i64, scratch_operands = 0 : i64, tpu.core_type = #tpu.core_type<tc>, window_params = [{transform_indices = @transform_0, window_bounds = array<i64: 32, 5120>}, {transform_indices = @transform_1, window_bounds = array<i64: 32, 5120>}, {transform_indices = @transform_2, window_bounds = array<i64: 32, 5120>}, {transform_indices = @transform_3, window_bounds = array<i64: 32, 5120>}, {transform_indices = @transform_4, window_bounds = array<i64: 5120, 128>}]} {
    %get3A = arith.constant 0 : index
    %get3A_0 = arith.constant 0 : index
    %get3A_1 = vector.load %arg1[%get3A, %get3A_0] : memref<32x5120xf32, #tpu.memory_space<vmem>>, vector<32x5120xf32>
    %get3A_2 = arith.constant 0 : index
    %get3A_3 = arith.constant 0 : index
    %get3A_4 = vector.load %arg2[%get3A_2, %get3A_3] : memref<32x5120xf32, #tpu.memory_space<vmem>>, vector<32x5120xf32>
    %get3A_5 = arith.constant 0 : index
    %get3A_6 = arith.constant 0 : index
    %get3A_7 = vector.load %arg3[%get3A_5, %get3A_6] : memref<32x5120xf32, #tpu.memory_space<vmem>>, vector<32x5120xf32>
    %get3A_8 = arith.constant 0 : index
    %get3A_9 = arith.constant 0 : index
    %get3A_10 = vector.load %arg4[%get3A_8, %get3A_9] : memref<32x5120xf32, #tpu.memory_space<vmem>>, vector<32x5120xf32>
    %concatenate3A = tpu.concatenate %get3A_1, %get3A_4, %get3A_7, %get3A_10 in 0 : vector<32x5120xf32>, vector<32x5120xf32>, vector<32x5120xf32>, vector<32x5120xf32> -> vector<128x5120xf32>
    %iota3A = tpu.iota {dimensions = array<i32: 0>} : vector<128x128xi32>
    %iota3A_11 = tpu.iota {dimensions = array<i32: 1>} : vector<128x128xi32>
    %add3A = arith.constant 0 : i32
    %add3A_12 = vector.broadcast %add3A : i32 to vector<128x128xi32>
    %add3A_13 = arith.addi %iota3A, %add3A_12 : vector<128x128xi32>
    %eq3A = arith.cmpi eq, %add3A_13, %iota3A_11 : vector<128x128xi32>
    %convert_element_type3A = arith.extui %eq3A : vector<128x128xi1> to vector<128x128xi32>
    %convert_element_type3A_14 = arith.sitofp %convert_element_type3A : vector<128x128xi32> to vector<128x128xf32>
    %convert_element_type3A_15 = arith.truncf %convert_element_type3A_14 : vector<128x128xf32> to vector<128x128xbf16>
    %convert_element_type3A_16 = arith.truncf %concatenate3A : vector<128x5120xf32> to vector<128x5120xbf16>
    %convert_element_type3A_17 = arith.extf %convert_element_type3A_16 : vector<128x5120xbf16> to vector<128x5120xf32>
    %sub3A = arith.subf %concatenate3A, %convert_element_type3A_17 : vector<128x5120xf32>
    %convert_element_type3A_18 = arith.truncf %sub3A : vector<128x5120xf32> to vector<128x5120xbf16>
    %dot_general3A = arith.constant dense<0.000000e+00> : vector<5120x128xf32>
    %dot_general3A_19 = tpu.matmul %convert_element_type3A_16, %convert_element_type3A_15, %dot_general3A {dimension_numbers = #tpu.dot_dimension_numbers<[0], [0], [1], [1], [0, 1, 1, 1], [], []>, transpose_lhs_hint = true} : vector<128x5120xbf16>, vector<128x128xbf16>, vector<5120x128xf32> -> vector<5120x128xf32>
    %dot_general3A_20 = arith.constant dense<0.000000e+00> : vector<5120x128xf32>
    %dot_general3A_21 = tpu.matmul %convert_element_type3A_18, %convert_element_type3A_15, %dot_general3A_20 {dimension_numbers = #tpu.dot_dimension_numbers<[0], [0], [1], [1], [0, 1, 1, 1], [], []>, transpose_lhs_hint = true} : vector<128x5120xbf16>, vector<128x128xbf16>, vector<5120x128xf32> -> vector<5120x128xf32>
    %add3A_22 = arith.addf %dot_general3A_19, %dot_general3A_21 : vector<5120x128xf32>
    %swap3A = arith.constant 0 : index
    %swap3A_23 = arith.constant 0 : index
    %swap3A_24 = vector.load %arg5[%swap3A, %swap3A_23] : memref<5120x128xf32, #tpu.memory_space<vmem>>, vector<5120x128xf32>
    tpu.vector_store %arg5[%swap3A, %swap3A_23], %add3A_22 {strides = array<i32>} : memref<5120x128xf32, #tpu.memory_space<vmem>>, vector<5120x128xf32>,
    return
  }
  func.func @transform_0(%arg0: i32) -> (i32, i32) {
    %add3A = arith.constant 0 : i32
    %add3A_0 = arith.addi %add3A, %arg0 : i32
    %min3A = arith.constant 507 : i32
    %min3A_1 = arith.minsi %add3A_0, %min3A : i32
    %c0_i32 = arith.constant 0 : i32
    %c0_i32_2 = arith.constant 0 : i32
    return %c0_i32, %min3A_1 : i32, i32
  }
  func.func @transform_1(%arg0: i32) -> (i32, i32) {
    %add3A = arith.constant 128 : i32
    %add3A_0 = arith.addi %add3A, %arg0 : i32
    %min3A = arith.constant 507 : i32
    %min3A_1 = arith.minsi %add3A_0, %min3A : i32
    %c0_i32 = arith.constant 0 : i32
    %c0_i32_2 = arith.constant 0 : i32
    return %c0_i32, %min3A_1 : i32, i32
  }
  func.func @transform_2(%arg0: i32) -> (i32, i32) {
    %add3A = arith.constant 256 : i32
    %add3A_0 = arith.addi %add3A, %arg0 : i32
    %min3A = arith.constant 507 : i32
    %min3A_1 = arith.minsi %add3A_0, %min3A : i32
    %c0_i32 = arith.constant 0 : i32
    %c0_i32_2 = arith.constant 0 : i32
    return %c0_i32, %min3A_1 : i32, i32
  }
  func.func @transform_3(%arg0: i32) -> (i32, i32) {
    %add3A = arith.constant 384 : i32
    %add3A_0 = arith.addi %add3A, %arg0 : i32
    %min3A = arith.constant 507 : i32
    %min3A_1 = arith.minsi %add3A_0, %min3A : i32
    %c0_i32 = arith.constant 0 : i32
    %c0_i32_2 = arith.constant 0 : i32
    return %c0_i32, %min3A_1 : i32, i32
  }
  func.func @transform_4(%arg0: i32) -> (i32, i32) {
    %c0_i32 = arith.constant 0 : i32
    %c0_i32_0 = arith.constant 0 : i32
    return %arg0, %c0_i32 : i32, i32
  }
}

</mosaic_0001>

<sc_bundles>
// kernel: kernel.4.cloned.1.call-start
scs
__scs_entry_jumppad:
0x0: {  	(pc) =	sbr.rel $0x88, $3  }
0x1: {  	(tag) =	ssettag $0x0;
	lr =	simm.s32 $0x1  }
0x2: {  	[smem:$0x3F9E] =	sst lr;
	_ =	strace $0xD0000000  }
0x3: {  	_ = 	snop  }
0x4: {  	_ = 	snop  }
0x5: {  	_ = 	snop  }
0x6: {  	_ = 	snop  }
0x7: {  	_ = 	snop  }
__scs_overlays_trampoline_lowered:
0x8: {  	[smem:$0x3FAD] =	sst s0  }
0x9: {  	[smem:$0x3FAE] =	sst s1  }
0xa: {  	[smem:$0x3FAF] =	sst s2  }
0xb: {  	[smem:$0x3FB0] =	sst s3  }
0xc: {  	[smem:$0x3FB1] =	sst s4  }
0xd: {  	[smem:$0x3FB2] =	sst s5  }
0xe: {  	[smem:$0x3FB3] =	sst s6  }
0xf: {  	[smem:$0x3FB4] =	sst s7  }
0x10: {  	[smem:$0x3FB5] =	sst s8  }
0x11: {  	[smem:$0x3FB6] =	sst s9;
	s0 =	simm.s32 @!p0 $0x0  }
0x12: {  	s1 =	sld [smem:$0x3F9C];
	s0 =	simm.s32 @p0 $0x1  }
0x13: {  	[smem:$0x3FB7] =	sst s0;
	s0 =	simm.s32 @!p1 $0x0  }
0x14: {  	s2 =	sld [smem:$0x3F9B];
	s0 =	simm.s32 @p1 $0x1  }
0x15: {  	[smem:$0x3FB8] =	sst s0;
	s0 =	simm.s32 @!p2 $0x0  }
0x16: {  	s3 =	sld [smem:$0x3FDB];
	s0 =	simm.s32 @p2 $0x1  }
0x17: {  	s4 =	simm.s32 $0x1BF5;
	[smem:$0x3FBA] =	sst s0  }
0x18: {  	s0 =	sld [smem:$0x3F9D];
	_ =	swait.ge [sflag:s4], $0x0  }
0x19: {  	s7 =	sld [smem:$0x3F9E]  }
0x1a: {  	s8 =	sadd.s32 $0xFFFFE003, lr  }
0x1b: {  	s9 =	sadd.s32 $0xFFFFFEF7, lr;
	s5 =	simm.s32 $0xFFFFFFFF;
	p2 =	slt.u32 s8, $0xFFFFF086  }
0x1c: {  	p1 =	slt.u32 s9, $0xF7A;
	s5 =	simm.s32 @!p2 $0x0  }
0x1d: {  	s5 =	simm.s32 @p1 $0x1;
	p0 =	seq.s32 s7, s2  }
0x1e: {  	s7 =	smul.u32 @!p0 $0xF7A, s2;
	p2 =	seq.s32 @!p0 s5, $0x0  }
0x1f: {  	s9 =	smul.u32 $0xF7A, s1;
	s8 =	simm.s32 @!p0 $0x1BF5;
	p2 =	por !p2, p0  }
0x20: {  	[sflag:s8] =	ssyncset.s32 @!p0 $0xFFFFF086;
	s6 =	sadd.s32 @!p0 s3, s7;
	s7 =	simm.s32 @!p0 $0x108  }
0x21: {  	s3 =	sadd.s32 s3, s9;
	s6 =	sadd.s32 @!p0 $0x88, s6;
	s7 =	simm.s32 @p2 $0x1082  }
0x22: {  	[simem:s7], [sflag:s8] =	dma.local @!p0 [hbm:s6], $0xF7A  }
0x23: {  	s9 =	sor.u32 $0xD0000000, s2;
	s6 =	simm.s32 $0x108;
	_ =	swait.ge @!p0 [sflag:s8], $0x0  }
0x24: {  	s3 =	sadd.s32 $0x88, s3;
	s6 =	simm.s32 @!p1 $0x1082;
	[sflag:s4] =	ssyncset.s32 $0xFFFFF086  }
0x25: {  	[simem:s6], [sflag:s4] =	dma.local [hbm:s3], $0xF7A  }
0x26: {  	[smem:$0x3F9E] =	sst s1;
	(tag) =	ssettag s2;
	_ =	strace s9  }
0x27: {  	s1 =	sld [smem:$0x3FAE]  }
0x28: {  	s2 =	sld [smem:$0x3FAF]  }
0x29: {  	s4 =	sld [smem:$0x3FB1]  }
0x2a: {  	p0 =	seq.s32 s5, $0x0;
	s5 =	sld [smem:$0x3FB2]  }
0x2b: {  	s6 =	sld [smem:$0x3FB3]  }
0x2c: {  	s7 =	sld [smem:$0x3FB4]  }
0x2d: {  	s3 =	simm.s32 $0x108;
	s8 =	sld [smem:$0x3FB5]  }
0x2e: {  	s3 =	simm.s32 @!p0 $0x1082;
	s9 =	sld [smem:$0x3FB6]  }
0x2f: {  	lr =	sadd.s32 s0, s3;
	s0 =	sld [smem:$0x3FAD]  }
0x30: {  	s3 =	sld [smem:$0x3FB0]  }
0x31: {  	[smem:$0x3FB9] =	sst s10  }
0x32: {  	s10 =	sld [smem:$0x3FB7];
	_ =	sdelay $0x3  }
0x33: {  	p0 =	seq.s32 s10, $0x1;
	s10 =	sld [smem:$0x3FB9];
	_ =	sdelay $0x3  }
0x34: {  	[smem:$0x3FB9] =	sst s10  }
0x35: {  	s10 =	sld [smem:$0x3FB8];
	_ =	sdelay $0x3  }
0x36: {  	p1 =	seq.s32 s10, $0x1;
	s10 =	sld [smem:$0x3FB9];
	_ =	sdelay $0x3  }
0x37: {  	[smem:$0x3FB9] =	sst s10  }
0x38: {  	s10 =	sld [smem:$0x3FBA]  }
0x39: {  	_ = 	snop;
	(pc) =	sbr.ind lr, $3  }
0x3a: {  	_ = 	snop  }
0x3b: {  	_ = 	snop  }
0x3c: {  	p2 =	seq.s32 s10, $0x1;
	s10 =	sld [smem:$0x3FB9]  }
0x3d: {  	_ =	shalt  }
0x3e: {  	_ =	shalt  }
0x3f: {  	_ =	shalt  }
0x40: {  	_ =	shalt  }
0x41: {  	_ =	shalt  }
0x42: {  	_ =	shalt  }
0x43: {  	_ =	shalt  }
0x44: {  	_ =	shalt  }
0x45: {  	_ =	shalt  }
0x46: {  	_ =	shalt  }
0x47: {  	_ =	shalt  }
0x48: {  	_ =	shalt  }
0x49: {  	_ =	shalt  }
0x4a: {  	_ =	shalt  }
0x4b: {  	_ =	shalt  }
0x4c: {  	_ =	shalt  }
0x4d: {  	_ =	shalt  }
0x4e: {  	_ =	shalt  }
0x4f: {  	_ =	shalt  }
0x50: {  	_ =	shalt  }
0x51: {  	_ =	shalt  }
0x52: {  	_ =	shalt  }
0x53: {  	_ =	shalt  }
0x54: {  	_ =	shalt  }
0x55: {  	_ =	shalt  }
0x56: {  	_ =	shalt  }
0x57: {  	_ =	shalt  }
0x58: {  	_ =	shalt  }
0x59: {  	_ =	shalt  }
0x5a: {  	_ =	shalt  }
0x5b: {  	_ =	shalt  }
0x5c: {  	_ =	shalt  }
0x5d: {  	_ =	shalt  }
0x5e: {  	_ =	shalt  }
0x5f: {  	_ =	shalt  }
0x60: {  	_ =	shalt  }
0x61: {  	_ =	shalt  }
0x62: {  	_ =	shalt  }
0x63: {  	_ =	shalt  }
0x64: {  	_ =	shalt  }
0x65: {  	_ =	shalt  }
0x66: {  	_ =	shalt  }
0x67: {  	_ =	shalt  }
0x68: {  	_ =	shalt  }
0x69: {  	_ =	shalt  }
0x6a: {  	_ =	shalt  }
0x6b: {  	_ =	shalt  }
0x6c: {  	_ =	shalt  }
0x6d: {  	_ =	shalt  }
0x6e: {  	_ =	shalt  }
0x6f: {  	_ =	shalt  }
0x70: {  	_ =	shalt  }
0x71: {  	_ =	shalt  }
0x72: {  	_ =	shalt  }
0x73: {  	_ =	shalt  }
0x74: {  	_ =	shalt  }
0x75: {  	_ =	shalt  }
0x76: {  	_ =	shalt  }
0x77: {  	_ =	shalt  }
0x78: {  	_ =	shalt  }
0x79: {  	_ =	shalt  }
0x7a: {  	_ =	shalt  }
0x7b: {  	_ =	shalt  }
0x7c: {  	_ =	shalt  }
0x7d: {  	_ =	shalt  }
0x7e: {  	_ =	shalt  }
0x7f: {  	_ =	shalt  }
0x80: {  	_ =	shalt  }
0x81: {  	_ =	shalt  }
0x82: {  	_ =	shalt  }
0x83: {  	_ =	shalt  }
0x84: {  	_ =	shalt  }
0x85: {  	_ =	shalt  }
0x86: {  	_ =	shalt  }
0x87: {  	_ =	shalt  }
.Lfunc_end0:
.L_simem_size_0:
called_computation.1_lowered:
.L_overlay_start_0:
0x88: {  	s2 =	sld [smem:$0x3FD9]  }
0x89: {  	s3 =	sld [smem:$0x3FFE];
	_ =	sdelay $0x1  }
0x8a: {  	s1 =	srdreg.scid  }
0x8b: {  	s0 =	sand.u32 $0x1, s1  }
0x8c: {  	s17 =	sshll.u32 s0, $0xA;
	s2 =	sadd.s32 s3, s2  }
0x8d: {  	s2 =	sadd.s32 s2, s17  }
0x8e: {  	[smem:$0x3FC5] =	sst s2  }
0x8f: {  	_ = 	snop  }
0x90: {  	s2 =	sld [smem:$0x3FD0];
	(tm) =	ssettm $0x1  }
0x91: {  	s18 =	sld [smem:$0x3FFB];
	_ =	sdelay $0x3  }
0x92: {  	_ =	strace s18  }
0x93: {  	s3 =	sld [smem:$0x3FFC];
	_ =	sdelay $0x3  }
0x94: {  	_ =	strace s3  }
0x95: {  	s3 =	sld [smem:$0x3FFD];
	_ =	sdelay $0x3  }
0x96: {  	_ =	strace s3  }
0x97: {  	_ =	strace $0x8FFFFFFF  }
0x98: {  	s19 =	sld [smem:$0x3FDB];
	_ =	sdelay $0x1  }
0x99: {  	s4 =	simm.s32 $_scs_section_size  }
0x9a: {  	s5 =	simm.s32 $_size__tile_overlayer_lowered;
	s6 =	simm.s32 $_tile_overlayer_lowered  }
0x9b: {  	s22 =	simm.s32 $0x1BFF;
	s21 =	sshll.u32 s6, $0x1;
	s3 =	sadd.s32 s4, s19  }
0x9c: {  	s7 =	simm.s32 $0x0;
	s20 =	sshll.u32 s5, $0x1;
	s5 =	sadd.s32 s21, s3  }
0x9d: {  	[timem:s7], [sflag:s22] =	dma.local [hbm:s5], s20  }
0x9e: {  	_ =	swait.ge [sflag:s22], s20  }
0x9f: {  	s4 =	ssub.s32 $0x0, s20;
	[sflag:s22] =	ssyncset.done $0x0  }
0xa0: {  	[sflag:s22] =	ssyncadd.s32 s4;
	_ =	sdelay $0x1  }
0xa1: {  	s23 =	simm.s32 $0x1B8B  }
0xa2: {  	_ =	swait.ge [sflag:s23], $0x1  }
0xa3: {  	[sflag:s23] =	ssyncset.done $0x0  }
0xa4: {  	s25 =	simm.s32 $0x1B8E;
	s24 =	sld [smem:$0x3FFE];
	[sflag:s23] =	ssyncadd.s32 $0xFFFFFFFF  }
0xa5: {  	s26 =	simm.s32 $execute0_lowered;
	[smem:$0x3FD2] =	sst s25  }
0xa6: {  	s5 =	sshll.u32 s26, $0x1;
	_ =	strace $0x80000046;
	[dreg:$0x1] =	wrdreg $0xFFFFFFFF  }
0xa7: {  	s28 =	simm.s32 $_size_execute0_lowered;
	s3 =	sadd.s32 s3, s5;
	[dreg:$0x0] =	wrdreg $0x0  }
0xa8: {  	s5 =	sshll.u32 s28, $0x1;
	[dreg:$0x2] =	wrdreg s3  }
0xa9: {  	[dreg:$0x3] =	wrdreg s5  }
0xaa: {  	[dreg:$0x4] =	wrdreg $0xC0  }
0xab: {  	_ =	task [dreg:s7], $0x5FFFF  }
0xac: {  	[dreg:$0x1] =	wrdreg $0xFFFFFFFF  }
0xad: {  	[dreg:$0x0] =	wrdreg $0x60  }
0xae: {  	[dreg:$0x2] =	wrdreg s24  }
0xaf: {  	[dreg:$0x3] =	wrdreg s2  }
0xb0: {  	[dreg:$0x4] =	wrdreg $0x9  }
0xb1: {  	_ =	task.clear_ibuf [dreg:s7], $0x5FFFF;
	_ =	strace $0x90000046  }
0xb2: {  	s29 =	simm.s32 $0x9;
	_ =	strace $0x80000048  }
0xb3: {  	_ =	swait.ge [sflag:s29], $0x1  }
0xb4: {  	[sflag:s29] =	ssyncadd.s32 $0xFFFFFFFF  }
0xb5: {  	_ =	strace $0x90000048  }
0xb6: {  	_ =	sfence  }
0xb7: {  	s30 =	sld [smem:$0x0];
	_ =	sdelay $0x2  }
0xb8: {  	s31 =	sshll.u32 s1, $0xD;
	s1 =	sshrl.u32 s1, $0x2  }
0xb9: {  	s3 =	sand.u32 $0x4000, s31;
	s1 =	sadd.s32 s1, s30  }
0xba: {  	s0 =	sor.u32 s3, s0;
	s1 =	sshll.u32 s1, $0x11  }
0xbb: {  	s0 =	sor.u32 s1, s0  }
0xbc: {  	s0 =	sadd.s32 $0x8F2B, s0  }
0xbd: {  	[sflag:s0] =	ssyncadd.remote.s32 $0x1  }
0xbe: {  	_ =	sfence.sel $0xFFFF  }
0xbf: {  	[dreg:$0x0] =	wrdreg $0xFFFFFFFF;
	(pc) =	sbr.abs _section_cstart, $3  }
0xc0: {  	[dreg:$0x1] =	wrdreg $0xFFFFFFFF  }
0xc1: {  	_ =	task.clear_ibuf [dreg:s7], $0x2FFFF;
	_ =	strace $0x9FFFFFFF  }
0xc2: {  	(tm) =	ssettm $0x7FFFFFFF  }
0xc3: {  	_ =	shalt  }
tec
execute0_lowered:
.L_overlay_start_1:
0x0: {  	(tag) =	ssettag $0x1  }
0x1: {  	s0 =	rddreg [dreg:$0x0]  }
0x2: {  	s1 =	rddreg [dreg:$0x1]  }
0x3: {  	s18 =	simm.s32 $0x0;
	s2 =	srdreg.scid;
	s13 =	stileid.u32  }
0x4: {  	s30 =	simm.s32 $0x12D00;
	s31 =	simm.s32 $0x13D00;
	s28 =	simm.s32 $0xC80  }
0x5: {  	[smem:$0x7FF] =	sst s18;
	s2 =	sand.u32 $0x1, s2;
	s25 =	smul.u32 $0x6800, s13  }
0x6: {  	s3 =	sshll.u32 s13, $0x1;
	s4 =	sadd.s32 $0xA00, s0;
	s23 =	smul.u32 $0xD000, s2  }
0x7: {  	s5 =	sor.u32 s2, s3;
	s6 =	ssub.s32 $0x2, s2;
	s2 =	smul.u32 $0x3400, s2  }
0x8: {  	_ =	strace $0x80000047;
	s3 =	sadd.s32 $0xDA00, s0;
	s7 =	smul.u32 $0x3400, s5  }
0x9: {  	s0 =	sadd.s32 $0x800, s0;
	s26 =	sshrl.u32 s6, $0x1;
	s5 =	smul.u32 $0xD000, s5  }
0xa: {  	[dreg:$0x3] =	wrdreg s0;
	s0 =	ssub.s32 s6, s26;
	s29 =	sshrl.u32 s7, $0x3  }
0xb: {  	s8 =	sadd.s32 $0x680, s7;
	s5 =	sadd.s32 s1, s5;
	s10 =	sadd.s32 $0xD00, s7  }
0xc: {  	s12 =	sadd.s32 $0x1380, s7;
	s17 =	sadd.s32 $0x1A00, s7;
	s22 =	sadd.s32 $0x2700, s7  }
0xd: {  	s0 =	smax.u32 s0, $0x1;
	s6 =	sadd.s32 s4, s29;
	[dreg:$0x5] =	wrdreg s5  }
0xe: {  	s9 =	sshll.u32 s8, $0x2;
	s11 =	sshrl.u32 s10, $0x3;
	s14 =	sshll.u32 s10, $0x2  }
0xf: {  	s15 =	sshrl.u32 s12, $0x3;
	s20 =	sshrl.u32 s17, $0x3;
	[dreg:$0x14] =	wrdreg s0  }
0x10: {  	s10 =	sshrl.u32 s22, $0x3;
	[dreg:$0x4] =	wrdreg s6;
	s16 =	sadd.s32 s4, s15  }
0x11: {  	s6 =	sshrl.u32 s8, $0x3;
	s8 =	sadd.s32 s4, s20;
	[dreg:$0xa] =	wrdreg s16  }
0x12: {  	s19 =	sshll.u32 s12, $0x2;
	s10 =	sadd.s32 s4, s10;
	[dreg:$0xb] =	wrdreg s8  }
0x13: {  	s12 =	smul.u32 $0x1A000, s13;
	s5 =	sadd.s32 s4, s6;
	[dreg:$0xd] =	wrdreg s10  }
0x14: {  	s26 =	sshll.u32 s22, $0x2;
	s6 =	sadd.s32 s1, s19;
	[dreg:$0x6] =	wrdreg s5  }
0x15: {  	s5 =	sadd.s32 s1, s9;
	s9 =	sadd.s32 $0x2080, s7;
	[dreg:$0xf] =	wrdreg s6  }
0x16: {  	s7 =	sadd.s32 $0x2D80, s7;
	s6 =	sadd.s32 s1, s26;
	[dreg:$0x7] =	wrdreg s5  }
0x17: {  	s5 =	sadd.s32 s4, s11;
	s21 =	sshrl.u32 s9, $0x3;
	[dreg:$0x12] =	wrdreg s6  }
0x18: {  	s11 =	sshrl.u32 s7, $0x3;
	[dreg:$0x8] =	wrdreg s5;
	s5 =	sadd.s32 s1, s14  }
0x19: {  	s24 =	sshll.u32 s9, $0x2;
	s8 =	sadd.s32 s4, s21;
	[dreg:$0x9] =	wrdreg s5  }
0x1a: {  	s7 =	sshll.u32 s7, $0x2;
	s4 =	sadd.s32 s4, s11;
	[dreg:$0xc] =	wrdreg s8  }
0x1b: {  	s21 =	sadd.s32 s2, s25;
	s5 =	sshll.u32 s17, $0x2;
	[dreg:$0xe] =	wrdreg s4  }
0x1c: {  	s4 =	sadd.s32 s23, s12;
	s20 =	sadd.s32 $0x680, s21;
	s22 =	sadd.s32 $0xD00, s21  }
0x1d: {  	s23 =	sadd.s32 $0x1380, s21;
	s25 =	sadd.s32 $0x2080, s21;
	s26 =	sadd.s32 $0x2700, s21  }
0x1e: {  	s5 =	sadd.s32 s1, s5;
	s29 =	sadd.s32 $0x1A00, s4;
	[dreg:$0x1d] =	wrdreg s20  }
0x1f: {  	s6 =	sshrl.u32 s4, $0x2;
	s9 =	sadd.s32 $0x3400, s4;
	[dreg:$0x1e] =	wrdreg s22  }
0x20: {  	s10 =	sadd.s32 $0x4E00, s4;
	s11 =	sadd.s32 $0x6800, s4;
	[dreg:$0x1f] =	wrdreg s23  }
0x21: {  	s14 =	sadd.s32 $0x8200, s4;
	s15 =	sadd.s32 $0x9C00, s4;
	[smem:$0x7FB] =	sst s25  }
0x22: {  	s16 =	sadd.s32 $0xB600, s4;
	[smem:$0x7FC] =	sst s26;
	s23 =	simm.s32 $0x980  }
0x23: {  	s25 =	simm.s32 $0xB00;
	s4 =	simm.s32 $0xB80;
	s26 =	simm.s32 $0x17D00  }
0x24: {  	[dreg:$0x10] =	wrdreg s5;
	s5 =	sadd.s32 s1, s24;
	s1 =	sadd.s32 s1, s7  }
0x25: {  	s7 =	sadd.s32 $0x1AD00, s6;
	s0 =	sshrl.u32 s9, $0x2;
	s2 =	sshrl.u32 s11, $0x2  }
0x26: {  	s24 =	sadd.s32 $0x1A00, s21;
	s9 =	simm.s32 $0x3;
	[dreg:$0x11] =	wrdreg s5  }
0x27: {  	s11 =	simm.s32 $0xD00;
	s6 =	simm.s32 $0x680;
	[dreg:$0x13] =	wrdreg s1  }
0x28: {  	s1 =	sshrl.u32 s29, $0x2;
	[dreg:$0x15] =	wrdreg s7;
	s0 =	sadd.s32 $0x1AD00, s0  }
0x29: {  	s13 =	sadd.s32 $0x1AD00, s2;
	s2 =	sshrl.u32 s16, $0x2;
	[smem:$0x7FA] =	sst s24  }
0x2a: {  	s29 =	sadd.s32 $0x2D80, s21;
	s16 =	simm.s32 $0xDD00;
	s24 =	simm.s32 $0xA00  }
0x2b: {  	s5 =	simm.s32 $0x18D00;
	s7 =	simm.s32 $0x19D00;
	[dreg:$0x17] =	wrdreg s0  }
0x2c: {  	s8 =	sadd.s32 $0x1AD00, s1;
	s1 =	sshrl.u32 s10, $0x2;
	[dreg:$0x19] =	wrdreg s13  }
0x2d: {  	s0 =	sshrl.u32 s14, $0x2;
	s19 =	sadd.s32 $0x1AD00, s2;
	[smem:$0x7FD] =	sst s29  }
0x2e: {  	s10 =	simm.s32 $0x80;
	s13 =	simm.s32 $0x16D00;
	[dreg:$0x16] =	wrdreg s8  }
0x2f: {  	s14 =	simm.s32 $0xC00;
	s12 =	sadd.s32 $0x1AD00, s1;
	[dreg:$0x1c] =	wrdreg s19  }
0x30: {  	s1 =	sshrl.u32 s15, $0x2;
	s0 =	sadd.s32 $0x1AD00, s0;
	[dreg:$0x18] =	wrdreg s12  }
0x31: {  	s15 =	simm.s32 $0x1;
	s8 =	simm.s32 $0x0;
	[dreg:$0x1a] =	wrdreg s0  }
0x32: {  	s17 =	sadd.s32 $0x1AD00, s1;
	s0 =	simm.s32 $0x14D00;
	s12 =	simm.s32 $0xA80  }
0x33: {  	v0 =	vimm.s32 $0x0;
	s1 =	simm.s32 $0x15D00;
	[dreg:$0x1b] =	wrdreg s17;
	s17 =	simm.s32 $0x2  }
.LBB2_1:
0x34: {  	s2 =	rddreg [dreg:$0x3];
	s19 =	simm.s32 $0x1AD00;
	s20 =	smulhi.u32 $0x4EC4EC4F, s21  }
0x35: {  	[tilespmem:s19], [sflag:$0x3] =	stream.linear.gather [hbm4b:s2+s18], $0x40, $0x38;
	[tilespmem:$0x1AD40] =	vst v63  }
0x36: {  	_ =	swait.ge [sflag:s9], $0x40  }
0x37: {  	s2 =	sshrl.u32 s20, $0x3;
	[sflag:s9] =	ssyncset.done $0x0  }
0x38: {  	s22 =	rddreg [dreg:$0x4];
	s2 =	smul.u32 $0xFFFFFF98, s2;
	[sflag:s9] =	ssyncadd.s32 $0xFFFFFFC0  }
0x39: {  	[tilespmem:s18], [sflag:$0x3] =	stream.linear.gather [hbm4b:s22+s18], $0x680, $0x38;
	[tilespmem:$0x1AD40] =	vst v63  }
0x3a: {  	_ =	swait.ge [sflag:s9], $0x680  }
0x3b: {  	s2 =	sshra.s32 s2, $0x2;
	[sflag:s9] =	ssyncset.done $0x0  }
0x3c: {  	s18 =	simm.s32 $0x0;
	s19 =	rddreg [dreg:$0x15];
	[sflag:s9] =	ssyncadd.s32 $0xFFFFF980  }
0x3d: {  	s2 =	sadd.s32 s2, s19;
	v1 =	vld [tilespmem:s18+$0x0]  }
0x3e: {  	v2 =	vld [tilespmem:s2+$0x0];
	_ =	sdelay $0x4  }
0x3f: {  	v2 =	vadd.s32 v2, v1  }
0x40: {  	vm0 =	vgt.s32 v2, $0x13FFFF  }
0x41: {  	v1 =	vsel vm0, $0x2, v0  }
0x42: {  	v3 =	vmul.u32 $0xFFF60000, v1;
	_ =	sdelay $0x1  }
0x43: {  	v2 =	vadd.s32 v2, v3  }
0x44: {  	s22 =	sadd.s32 $0x10, s21;
	vm0 =	vgt.s32 v2, $0x9FFFF  }
0x45: {  	s29 =	simm.s32 $0x80;
	s20 =	simm.s32 $0x40;
	s2 =	smulhi.u32 $0x4EC4EC4F, s22;
	v3 =	vsel vm0, $0x3FF60000, v0  }
.LBB2_2:
0x46: {  	p0 =	sne.s32 s29, $0x19C0;
	v2 =	vadd.s32 v2, v3  }
0x47: {  	v3 =	vsel vm0, $0x1, v0;
	s2 =	sshrl.u32 s2, $0x3;
	v2 =	vshll.u32 v2, $0x2  }
0x48: {  	s2 =	smul.u32 $0xFFFFFF98, s2;
	v2 =	vor.u32 v3, v2  }
0x49: {  	v1 =	vor.u32 v1, v2  }
0x4a: {  	s19 =	sadd.s32 $0x10, s19;
	s2 =	sshra.s32 s2, $0x2;
	[tilespmem:s18+$0x0] =	vst v1;
	s18 =	sshra.s32 s20, $0x2  }
0x4b: {  	s20 =	smov.u32 s29;
	s2 =	sadd.s32 s2, s19;
	v1 =	vld [tilespmem:s18+$0x0]  }
0x4c: {  	v2 =	vld [tilespmem:s2+$0x0];
	_ =	sdelay $0x4  }
0x4d: {  	v2 =	vadd.s32 v2, v1  }
0x4e: {  	vm0 =	vgt.s32 v2, $0x13FFFF  }
0x4f: {  	v1 =	vsel vm0, $0x2, v0  }
.Ltmp0:
0x50: {  	v3 =	vmul.u32 $0xFFF60000, v1;
	(pc) =	sbr.rel @p0 .LBB2_2-.Ltmp0, $4  }
0x51: {  	_ = 	snop  }
0x52: {  	v2 =	vadd.s32 v2, v3  }
0x53: {  	s22 =	sadd.s32 $0x10, s22;
	vm0 =	vgt.s32 v2, $0x9FFFF  }
0x54: {  	s29 =	sadd.s32 $0x40, s29;
	s2 =	smulhi.u32 $0x4EC4EC4F, s22;
	v3 =	vsel vm0, $0x3FF60000, v0  }
0x55: {  	v2 =	vadd.s32 v2, v3  }
0x56: {  	v3 =	vsel vm0, $0x1, v0;
	s2 =	sshrl.u32 s2, $0x3;
	v2 =	vshll.u32 v2, $0x2  }
0x57: {  	s2 =	smul.u32 $0xFFFFFF98, s2;
	v2 =	vor.u32 v3, v2  }
0x58: {  	v1 =	vor.u32 v1, v2  }
0x59: {  	s20 =	sshra.s32 s20, $0x2;
	s22 =	sadd.s32 $0x10, s19;
	s2 =	sshra.s32 s2, $0x2;
	[tilespmem:s18+$0x0] =	vst v1  }
0x5a: {  	s2 =	sadd.s32 s2, s22;
	v1 =	vld [tilespmem:s20+$0x0]  }
0x5b: {  	v2 =	vld [tilespmem:s2+$0x0];
	_ =	sdelay $0x4  }
0x5c: {  	v1 =	vadd.s32 v2, v1  }
0x5d: {  	vm0 =	vgt.s32 v1, $0x13FFFF  }
0x5e: {  	v2 =	vsel vm0, $0x2, v0  }
0x5f: {  	v3 =	vmul.u32 $0xFFF60000, v2;
	_ =	sdelay $0x1  }
0x60: {  	v1 =	vadd.s32 v1, v3  }
0x61: {  	vm0 =	vgt.s32 v1, $0x9FFFF  }
0x62: {  	v3 =	vsel vm0, $0x3FF60000, v0  }
0x63: {  	v1 =	vadd.s32 v1, v3  }
0x64: {  	v3 =	vsel vm0, $0x1, v0;
	v1 =	vshll.u32 v1, $0x2  }
0x65: {  	v1 =	vor.u32 v3, v1  }
0x66: {  	v1 =	vor.u32 v2, v1  }
0x67: {  	s2 =	simm.s32 $0x0;
	[tilespmem:s20+$0x0] =	vst v1  }
0x68: {  	[tilespmem:s11], [sflag:$0x1] =	stream.indirect.gather [hbm4b:s3+s10], $0x20, s2, s10, $0xb8;
	[tilespmem:$0x1AD40] =	vst v63  }
0x69: {  	s19 =	simm.s32 $0x1D00  }
0x6a: {  	[tilespmem:s19], [sflag:$0x1] =	stream.indirect.gather [hbm4b:s3+s10], $0x20, s10, s10, $0xb8;
	[tilespmem:$0x1AD40] =	vst v63  }
0x6b: {  	s22 =	simm.s32 $0x2D00;
	s20 =	simm.s32 $0x100  }
0x6c: {  	[tilespmem:s22], [sflag:$0x1] =	stream.indirect.gather [hbm4b:s3+s10], $0x20, s20, s10, $0xb8;
	[tilespmem:$0x1AD40] =	vst v63  }
0x6d: {  	s20 =	simm.s32 $0x180;
	s22 =	simm.s32 $0x3D00  }
0x6e: {  	[tilespmem:s22], [sflag:$0x1] =	stream.indirect.gather [hbm4b:s3+s10], $0x20, s20, s10, $0xb8;
	[tilespmem:$0x1AD40] =	vst v63  }
0x6f: {  	s20 =	simm.s32 $0x200;
	s22 =	simm.s32 $0x4D00  }
0x70: {  	[tilespmem:s22], [sflag:$0x1] =	stream.indirect.gather [hbm4b:s3+s10], $0x20, s20, s10, $0xb8;
	[tilespmem:$0x1AD40] =	vst v63  }
0x71: {  	s20 =	simm.s32 $0x280;
	s22 =	simm.s32 $0x5D00  }
0x72: {  	[tilespmem:s22], [sflag:$0x1] =	stream.indirect.gather [hbm4b:s3+s10], $0x20, s20, s10, $0xb8;
	[tilespmem:$0x1AD40] =	vst v63  }
0x73: {  	s20 =	simm.s32 $0x300;
	s22 =	simm.s32 $0x6D00  }
0x74: {  	[tilespmem:s22], [sflag:$0x1] =	stream.indirect.gather [hbm4b:s3+s10], $0x20, s20, s10, $0xb8;
	[tilespmem:$0x1AD40] =	vst v63  }
0x75: {  	s20 =	simm.s32 $0x380;
	s22 =	simm.s32 $0x7D00  }
0x76: {  	[tilespmem:s22], [sflag:$0x1] =	stream.indirect.gather [hbm4b:s3+s10], $0x20, s20, s10, $0xb8;
	[tilespmem:$0x1AD40] =	vst v63  }
0x77: {  	s20 =	simm.s32 $0x400;
	s22 =	simm.s32 $0x8D00  }
0x78: {  	[tilespmem:s22], [sflag:$0x1] =	stream.indirect.gather [hbm4b:s3+s10], $0x20, s20, s10, $0xb8;
	[tilespmem:$0x1AD40] =	vst v63  }
0x79: {  	s20 =	simm.s32 $0x480;
	s22 =	simm.s32 $0x9D00  }
0x7a: {  	[tilespmem:s22], [sflag:$0x1] =	stream.indirect.gather [hbm4b:s3+s10], $0x20, s20, s10, $0xb8;
	[tilespmem:$0x1AD40] =	vst v63  }
0x7b: {  	s20 =	simm.s32 $0x500;
	s22 =	simm.s32 $0xAD00  }
0x7c: {  	[tilespmem:s22], [sflag:$0x1] =	stream.indirect.gather [hbm4b:s3+s10], $0x20, s20, s10, $0xb8;
	[tilespmem:$0x1AD40] =	vst v63  }
0x7d: {  	s20 =	simm.s32 $0x580;
	s22 =	simm.s32 $0xBD00  }
0x7e: {  	[tilespmem:s22], [sflag:$0x1] =	stream.indirect.gather [hbm4b:s3+s10], $0x20, s20, s10, $0xb8;
	[tilespmem:$0x1AD40] =	vst v63  }
0x7f: {  	s20 =	simm.s32 $0x600;
	s22 =	simm.s32 $0xCD00  }
0x80: {  	[tilespmem:s22], [sflag:$0x1] =	stream.indirect.gather [hbm4b:s3+s10], $0x20, s20, s10, $0xb8;
	[tilespmem:$0x1AD40] =	vst v63  }
0x81: {  	_ =	swait.ge [sflag:s15], $0x1000  }
0x82: {  	[sflag:s15] =	ssyncset.done $0x0  }
0x83: {  	[sflag:s15] =	ssyncadd.s32 $0xFFFFF000  }
0x84: {  	_ =	swait.ge [sflag:s15], $0x1000  }
0x85: {  	[sflag:s15] =	ssyncset.done $0x0  }
0x86: {  	[sflag:s15] =	ssyncadd.s32 $0xFFFFF000  }
0x87: {  	_ =	swait.ge [sflag:s15], $0x1000  }
0x88: {  	[sflag:s15] =	ssyncset.done $0x0  }
0x89: {  	[sflag:s15] =	ssyncadd.s32 $0xFFFFF000  }
0x8a: {  	_ =	swait.ge [sflag:s15], $0x1000  }
0x8b: {  	[sflag:s15] =	ssyncset.done $0x0  }
0x8c: {  	[sflag:s15] =	ssyncadd.s32 $0xFFFFF000  }
0x8d: {  	_ =	swait.ge [sflag:s15], $0x1000  }
0x8e: {  	[sflag:s15] =	ssyncset.done $0x0  }
0x8f: {  	[sflag:s15] =	ssyncadd.s32 $0xFFFFF000  }
0x90: {  	_ =	swait.ge [sflag:s15], $0x1000  }
0x91: {  	[sflag:s15] =	ssyncset.done $0x0  }
0x92: {  	[sflag:s15] =	ssyncadd.s32 $0xFFFFF000  }
0x93: {  	_ =	swait.ge [sflag:s15], $0x1000  }
0x94: {  	[sflag:s15] =	ssyncset.done $0x0  }
0x95: {  	[sflag:s15] =	ssyncadd.s32 $0xFFFFF000  }
0x96: {  	_ =	swait.ge [sflag:s15], $0x1000  }
0x97: {  	[sflag:s15] =	ssyncset.done $0x0  }
0x98: {  	[sflag:s15] =	ssyncadd.s32 $0xFFFFF000  }
0x99: {  	_ =	swait.ge [sflag:s15], $0x1000  }
0x9a: {  	[sflag:s15] =	ssyncset.done $0x0  }
0x9b: {  	[sflag:s15] =	ssyncadd.s32 $0xFFFFF000  }
0x9c: {  	_ =	swait.ge [sflag:s15], $0x1000  }
0x9d: {  	[sflag:s15] =	ssyncset.done $0x0  }
0x9e: {  	[sflag:s15] =	ssyncadd.s32 $0xFFFFF000  }
0x9f: {  	_ =	swait.ge [sflag:s15], $0x1000  }
0xa0: {  	[sflag:s15] =	ssyncset.done $0x0  }
0xa1: {  	[sflag:s15] =	ssyncadd.s32 $0xFFFFF000  }
0xa2: {  	_ =	swait.ge [sflag:s15], $0x1000  }
0xa3: {  	[sflag:s15] =	ssyncset.done $0x0  }
0xa4: {  	[sflag:s15] =	ssyncadd.s32 $0xFFFFF000  }
0xa5: {  	_ =	swait.ge [sflag:s15], $0x1000  }
0xa6: {  	[sflag:s15] =	ssyncset.done $0x0  }
0xa7: {  	s20 =	rddreg [dreg:$0x5];
	[sflag:s15] =	ssyncadd.s32 $0xFFFFF000  }
0xa8: {  	[hbm4b:s20+s2] =	stream.linear.scatter [tilespmem:s11], [sflag:$0x2], $0xD000, $0x38;
	[tilespmem:$0x1AD40] =	vst v63  }
0xa9: {  	s20 =	rddreg [dreg:$0x1d]  }
0xaa: {  	s22 =	rddreg [dreg:$0x6];
	s18 =	smulhi.u32 $0x4EC4EC4F, s20  }
0xab: {  	[tilespmem:s6], [sflag:$0x3] =	stream.linear.gather [hbm4b:s22+s2], $0x680, $0x38;
	[tilespmem:$0x1AD40] =	vst v63  }
0xac: {  	s22 =	sshrl.u32 s18, $0x3  }
0xad: {  	_ =	swait.ge [sflag:s9], $0x680;
	s2 =	smul.u32 $0xFFFFFF98, s22  }
0xae: {  	s18 =	simm.s32 $0x0;
	[sflag:s9] =	ssyncset.done $0x0  }
0xaf: {  	s19 =	rddreg [dreg:$0x16];
	[sflag:s9] =	ssyncadd.s32 $0xFFFFF980;
	s2 =	sshra.s32 s2, $0x2  }
0xb0: {  	v1 =	vld [tilespmem:s18+$0x680];
	s2 =	sadd.s32 s2, s19  }
0xb1: {  	v2 =	vld [tilespmem:s2+$0x0];
	_ =	sdelay $0x4  }
0xb2: {  	v2 =	vadd.s32 v2, v1  }
0xb3: {  	vm0 =	vgt.s32 v2, $0x13FFFF  }
0xb4: {  	v1 =	vsel vm0, $0x2, v0  }
0xb5: {  	v3 =	vmul.u32 $0xFFF60000, v1;
	_ =	sdelay $0x1  }
0xb6: {  	v2 =	vadd.s32 v2, v3  }
0xb7: {  	s22 =	sadd.s32 $0x10, s20;
	vm0 =	vgt.s32 v2, $0x9FFFF  }
0xb8: {  	s29 =	simm.s32 $0x80;
	s20 =	simm.s32 $0x40;
	s2 =	smulhi.u32 $0x4EC4EC4F, s22;
	v3 =	vsel vm0, $0x3FF60000, v0  }
.LBB2_4:
0xb9: {  	p0 =	sne.s32 s29, $0x19C0;
	v2 =	vadd.s32 v2, v3  }
0xba: {  	v3 =	vsel vm0, $0x1, v0;
	s2 =	sshrl.u32 s2, $0x3;
	v2 =	vshll.u32 v2, $0x2  }
0xbb: {  	s2 =	smul.u32 $0xFFFFFF98, s2;
	v2 =	vor.u32 v3, v2  }
0xbc: {  	v1 =	vor.u32 v1, v2  }
0xbd: {  	s19 =	sadd.s32 $0x10, s19;
	s2 =	sshra.s32 s2, $0x2;
	[tilespmem:s18+$0x680] =	vst v1;
	s18 =	sshra.s32 s20, $0x2  }
0xbe: {  	s20 =	smov.u32 s29;
	s2 =	sadd.s32 s2, s19;
	v1 =	vld [tilespmem:s18+$0x680]  }
0xbf: {  	v2 =	vld [tilespmem:s2+$0x0];
	_ =	sdelay $0x4  }
0xc0: {  	v2 =	vadd.s32 v2, v1  }
0xc1: {  	vm0 =	vgt.s32 v2, $0x13FFFF  }
0xc2: {  	v1 =	vsel vm0, $0x2, v0  }
.Ltmp1:
0xc3: {  	v3 =	vmul.u32 $0xFFF60000, v1;
	(pc) =	sbr.rel @p0 .LBB2_4-.Ltmp1, $4  }
0xc4: {  	_ = 	snop  }
0xc5: {  	v2 =	vadd.s32 v2, v3  }
0xc6: {  	s22 =	sadd.s32 $0x10, s22;
	vm0 =	vgt.s32 v2, $0x9FFFF  }
0xc7: {  	s29 =	sadd.s32 $0x40, s29;
	s2 =	smulhi.u32 $0x4EC4EC4F, s22;
	v3 =	vsel vm0, $0x3FF60000, v0  }
0xc8: {  	v2 =	vadd.s32 v2, v3  }
0xc9: {  	v3 =	vsel vm0, $0x1, v0;
	s2 =	sshrl.u32 s2, $0x3;
	v2 =	vshll.u32 v2, $0x2  }
0xca: {  	s2 =	smul.u32 $0xFFFFFF98, s2;
	v2 =	vor.u32 v3, v2  }
0xcb: {  	v1 =	vor.u32 v1, v2  }
0xcc: {  	s20 =	sshra.s32 s20, $0x2;
	s22 =	sadd.s32 $0x10, s19;
	s2 =	sshra.s32 s2, $0x2;
	[tilespmem:s18+$0x680] =	vst v1  }
0xcd: {  	s2 =	sadd.s32 s2, s22;
	v1 =	vld [tilespmem:s20+$0x680]  }
0xce: {  	v2 =	vld [tilespmem:s2+$0x0];
	_ =	sdelay $0x4  }
0xcf: {  	v1 =	vadd.s32 v2, v1  }
0xd0: {  	vm0 =	vgt.s32 v1, $0x13FFFF  }
0xd1: {  	v2 =	vsel vm0, $0x2, v0  }
0xd2: {  	v3 =	vmul.u32 $0xFFF60000, v2;
	_ =	sdelay $0x1  }
0xd3: {  	v1 =	vadd.s32 v1, v3  }
0xd4: {  	vm0 =	vgt.s32 v1, $0x9FFFF  }
0xd5: {  	v3 =	vsel vm0, $0x3FF60000, v0  }
0xd6: {  	v1 =	vadd.s32 v1, v3  }
0xd7: {  	v3 =	vsel vm0, $0x1, v0;
	v1 =	vshll.u32 v1, $0x2  }
0xd8: {  	v1 =	vor.u32 v3, v1  }
0xd9: {  	v1 =	vor.u32 v2, v1  }
0xda: {  	[tilespmem:s20+$0x680] =	vst v1  }
0xdb: {  	[tilespmem:s16], [sflag:$0x1] =	stream.indirect.gather [hbm4b:s3+s10], $0x20, s6, s10, $0xb8;
	[tilespmem:$0x1AD40] =	vst v63  }
0xdc: {  	s19 =	simm.s32 $0xED00;
	s18 =	simm.s32 $0x700  }
0xdd: {  	[tilespmem:s19], [sflag:$0x1] =	stream.indirect.gather [hbm4b:s3+s10], $0x20, s18, s10, $0xb8;
	[tilespmem:$0x1AD40] =	vst v63  }
0xde: {  	s22 =	simm.s32 $0xFD00;
	s20 =	simm.s32 $0x780  }
0xdf: {  	[tilespmem:s22], [sflag:$0x1] =	stream.indirect.gather [hbm4b:s3+s10], $0x20, s20, s10, $0xb8;
	[tilespmem:$0x1AD40] =	vst v63  }
0xe0: {  	s18 =	simm.s32 $0x800;
	s19 =	simm.s32 $0x10D00  }
0xe1: {  	[tilespmem:s19], [sflag:$0x1] =	stream.indirect.gather [hbm4b:s3+s10], $0x20, s18, s10, $0xb8;
	[tilespmem:$0x1AD40] =	vst v63  }
0xe2: {  	s20 =	simm.s32 $0x880;
	s22 =	simm.s32 $0x11D00  }
0xe3: {  	[tilespmem:s22], [sflag:$0x1] =	stream.indirect.gather [hbm4b:s3+s10], $0x20, s20, s10, $0xb8;
	[tilespmem:$0x1AD40] =	vst v63  }
0xe4: {  	s18 =	simm.s32 $0x900  }
0xe5: {  	[tilespmem:s30], [sflag:$0x1] =	stream.indirect.gather [hbm4b:s3+s10], $0x20, s18, s10, $0xb8;
	[tilespmem:$0x1AD40] =	vst v63  }
0xe6: {  	_ = 	snop  }
0xe7: {  	[tilespmem:s31], [sflag:$0x1] =	stream.indirect.gather [hbm4b:s3+s10], $0x20, s23, s10, $0xb8;
	[tilespmem:$0x1AD40] =	vst v63  }
0xe8: {  	_ = 	snop  }
0xe9: {  	[tilespmem:s0], [sflag:$0x1] =	stream.indirect.gather [hbm4b:s3+s10], $0x20, s24, s10, $0xb8;
	[tilespmem:$0x1AD40] =	vst v63  }
0xea: {  	_ = 	snop  }
0xeb: {  	[tilespmem:s1], [sflag:$0x1] =	stream.indirect.gather [hbm4b:s3+s10], $0x20, s12, s10, $0xb8;
	[tilespmem:$0x1AD40] =	vst v63  }
0xec: {  	_ = 	snop  }
0xed: {  	[tilespmem:s13], [sflag:$0x1] =	stream.indirect.gather [hbm4b:s3+s10], $0x20, s25, s10, $0xb8;
	[tilespmem:$0x1AD40] =	vst v63  }
0xee: {  	_ = 	snop  }
0xef: {  	[tilespmem:s26], [sflag:$0x1] =	stream.indirect.gather [hbm4b:s3+s10], $0x20, s4, s10, $0xb8;
	[tilespmem:$0x1AD40] =	vst v63  }
0xf0: {  	_ = 	snop  }
0xf1: {  	[tilespmem:s5], [sflag:$0x1] =	stream.indirect.gather [hbm4b:s3+s10], $0x20, s14, s10, $0xb8;
	[tilespmem:$0x1AD40] =	vst v63  }
0xf2: {  	_ = 	snop  }
0xf3: {  	[tilespmem:s7], [sflag:$0x1] =	stream.indirect.gather [hbm4b:s3+s10], $0x20, s28, s10, $0xb8;
	[tilespmem:$0x1AD40] =	vst v63  }
0xf4: {  	_ =	swait.ge [sflag:s15], $0x1000  }
0xf5: {  	[sflag:s15] =	ssyncset.done $0x0  }
0xf6: {  	[sflag:s15] =	ssyncadd.s32 $0xFFFFF000  }
0xf7: {  	_ =	swait.ge [sflag:s15], $0x1000  }
0xf8: {  	[sflag:s15] =	ssyncset.done $0x0  }
0xf9: {  	[sflag:s15] =	ssyncadd.s32 $0xFFFFF000  }
0xfa: {  	_ =	swait.ge [sflag:s15], $0x1000  }
0xfb: {  	[sflag:s15] =	ssyncset.done $0x0  }
0xfc: {  	[sflag:s15] =	ssyncadd.s32 $0xFFFFF000  }
0xfd: {  	_ =	swait.ge [sflag:s15], $0x1000  }
0xfe: {  	[sflag:s15] =	ssyncset.done $0x0  }
0xff: {  	[sflag:s15] =	ssyncadd.s32 $0xFFFFF000  }
0x100: {  	_ =	swait.ge [sflag:s15], $0x1000  }
0x101: {  	[sflag:s15] =	ssyncset.done $0x0  }
0x102: {  	[sflag:s15] =	ssyncadd.s32 $0xFFFFF000  }
0x103: {  	_ =	swait.ge [sflag:s15], $0x1000  }
0x104: {  	[sflag:s15] =	ssyncset.done $0x0  }
0x105: {  	[sflag:s15] =	ssyncadd.s32 $0xFFFFF000  }
0x106: {  	_ =	swait.ge [sflag:s15], $0x1000  }
0x107: {  	[sflag:s15] =	ssyncset.done $0x0  }
0x108: {  	[sflag:s15] =	ssyncadd.s32 $0xFFFFF000  }
0x109: {  	_ =	swait.ge [sflag:s15], $0x1000  }
0x10a: {  	[sflag:s15] =	ssyncset.done $0x0  }
0x10b: {  	[sflag:s15] =	ssyncadd.s32 $0xFFFFF000  }
0x10c: {  	_ =	swait.ge [sflag:s15], $0x1000  }
0x10d: {  	[sflag:s15] =	ssyncset.done $0x0  }
0x10e: {  	[sflag:s15] =	ssyncadd.s32 $0xFFFFF000  }
0x10f: {  	_ =	swait.ge [sflag:s15], $0x1000  }
0x110: {  	[sflag:s15] =	ssyncset.done $0x0  }
0x111: {  	[sflag:s15] =	ssyncadd.s32 $0xFFFFF000  }
0x112: {  	_ =	swait.ge [sflag:s15], $0x1000  }
0x113: {  	[sflag:s15] =	ssyncset.done $0x0  }
0x114: {  	[sflag:s15] =	ssyncadd.s32 $0xFFFFF000  }
0x115: {  	_ =	swait.ge [sflag:s15], $0x1000  }
0x116: {  	[sflag:s15] =	ssyncset.done $0x0  }
0x117: {  	[sflag:s15] =	ssyncadd.s32 $0xFFFFF000  }
0x118: {  	_ =	swait.ge [sflag:s15], $0x1000  }
0x119: {  	[sflag:s15] =	ssyncset.done $0x0  }
0x11a: {  	s19 =	simm.s32 $0x0;
	s20 =	rddreg [dreg:$0x7];
	[sflag:s15] =	ssyncadd.s32 $0xFFFFF000  }
0x11b: {  	[hbm4b:s20+s19] =	stream.linear.scatter [tilespmem:s16], [sflag:$0x2], $0xD000, $0x38;
	[tilespmem:$0x1AD40] =	vst v63  }
0x11c: {  	_ =	swait.ge [sflag:s17], $0xD000  }
0x11d: {  	[sflag:s17] =	ssyncset.done $0x0;
	s20 =	rddreg [dreg:$0x1e]  }
0x11e: {  	s22 =	rddreg [dreg:$0x8];
	[sflag:s17] =	ssyncadd.s32 $0xFFFF3000;
	s18 =	smulhi.u32 $0x4EC4EC4F, s20  }
0x11f: {  	[tilespmem:s19], [sflag:$0x3] =	stream.linear.gather [hbm4b:s22+s19], $0x680, $0x38;
	[tilespmem:$0x1AD40] =	vst v63  }
0x120: {  	s22 =	sshrl.u32 s18, $0x3  }
0x121: {  	_ =	swait.ge [sflag:s9], $0x680;
	s2 =	smul.u32 $0xFFFFFF98, s22  }
0x122: {  	s18 =	simm.s32 $0x0;
	[sflag:s9] =	ssyncset.done $0x0  }
0x123: {  	s19 =	rddreg [dreg:$0x17];
	[sflag:s9] =	ssyncadd.s32 $0xFFFFF980;
	s2 =	sshra.s32 s2, $0x2  }
0x124: {  	v1 =	vld [tilespmem:s18+$0x0];
	s2 =	sadd.s32 s2, s19  }
0x125: {  	v2 =	vld [tilespmem:s2+$0x0];
	_ =	sdelay $0x4  }
0x126: {  	v2 =	vadd.s32 v2, v1  }
0x127: {  	vm0 =	vgt.s32 v2, $0x13FFFF  }
0x128: {  	v1 =	vsel vm0, $0x2, v0  }
0x129: {  	v3 =	vmul.u32 $0xFFF60000, v1;
	_ =	sdelay $0x1  }
0x12a: {  	v2 =	vadd.s32 v2, v3  }
0x12b: {  	s22 =	sadd.s32 $0x10, s20;
	vm0 =	vgt.s32 v2, $0x9FFFF  }
0x12c: {  	s29 =	simm.s32 $0x80;
	s20 =	simm.s32 $0x40;
	s2 =	smulhi.u32 $0x4EC4EC4F, s22;
	v3 =	vsel vm0, $0x3FF60000, v0  }
.LBB2_6:
0x12d: {  	p0 =	sne.s32 s29, $0x19C0;
	v2 =	vadd.s32 v2, v3  }
0x12e: {  	v3 =	vsel vm0, $0x1, v0;
	s2 =	sshrl.u32 s2, $0x3;
	v2 =	vshll.u32 v2, $0x2  }
0x12f: {  	s2 =	smul.u32 $0xFFFFFF98, s2;
	v2 =	vor.u32 v3, v2  }
0x130: {  	v1 =	vor.u32 v1, v2  }
0x131: {  	s19 =	sadd.s32 $0x10, s19;
	s2 =	sshra.s32 s2, $0x2;
	[tilespmem:s18+$0x0] =	vst v1;
	s18 =	sshra.s32 s20, $0x2  }
0x132: {  	s20 =	smov.u32 s29;
	s2 =	sadd.s32 s2, s19;
	v1 =	vld [tilespmem:s18+$0x0]  }
0x133: {  	v2 =	vld [tilespmem:s2+$0x0];
	_ =	sdelay $0x4  }
0x134: {  	v2 =	vadd.s32 v2, v1  }
0x135: {  	vm0 =	vgt.s32 v2, $0x13FFFF  }
0x136: {  	v1 =	vsel vm0, $0x2, v0  }
.Ltmp2:
0x137: {  	v3 =	vmul.u32 $0xFFF60000, v1;
	(pc) =	sbr.rel @p0 .LBB2_6-.Ltmp2, $4  }
0x138: {  	_ = 	snop  }
0x139: {  	v2 =	vadd.s32 v2, v3  }
0x13a: {  	s22 =	sadd.s32 $0x10, s22;
	vm0 =	vgt.s32 v2, $0x9FFFF  }
0x13b: {  	s29 =	sadd.s32 $0x40, s29;
	s2 =	smulhi.u32 $0x4EC4EC4F, s22;
	v3 =	vsel vm0, $0x3FF60000, v0  }
0x13c: {  	v2 =	vadd.s32 v2, v3  }
0x13d: {  	v3 =	vsel vm0, $0x1, v0;
	s2 =	sshrl.u32 s2, $0x3;
	v2 =	vshll.u32 v2, $0x2  }
0x13e: {  	s2 =	smul.u32 $0xFFFFFF98, s2;
	v2 =	vor.u32 v3, v2  }
0x13f: {  	v1 =	vor.u32 v1, v2  }
0x140: {  	s20 =	sshra.s32 s20, $0x2;
	s22 =	sadd.s32 $0x10, s19;
	s2 =	sshra.s32 s2, $0x2;
	[tilespmem:s18+$0x0] =	vst v1  }
0x141: {  	s2 =	sadd.s32 s2, s22;
	v1 =	vld [tilespmem:s20+$0x0]  }
0x142: {  	v2 =	vld [tilespmem:s2+$0x0];
	_ =	sdelay $0x4  }
0x143: {  	v1 =	vadd.s32 v2, v1  }
0x144: {  	vm0 =	vgt.s32 v1, $0x13FFFF  }
0x145: {  	v2 =	vsel vm0, $0x2, v0  }
0x146: {  	v3 =	vmul.u32 $0xFFF60000, v2;
	_ =	sdelay $0x1  }
0x147: {  	v1 =	vadd.s32 v1, v3  }
0x148: {  	vm0 =	vgt.s32 v1, $0x9FFFF  }
0x149: {  	v3 =	vsel vm0, $0x3FF60000, v0  }
0x14a: {  	v1 =	vadd.s32 v1, v3  }
0x14b: {  	v3 =	vsel vm0, $0x1, v0;
	v1 =	vshll.u32 v1, $0x2  }
0x14c: {  	v1 =	vor.u32 v3, v1  }
0x14d: {  	v1 =	vor.u32 v2, v1  }
0x14e: {  	s2 =	simm.s32 $0x0;
	[tilespmem:s20+$0x0] =	vst v1  }
0x14f: {  	[tilespmem:s11], [sflag:$0x1] =	stream.indirect.gather [hbm4b:s3+s10], $0x20, s2, s10, $0xb8;
	[tilespmem:$0x1AD40] =	vst v63  }
0x150: {  	s19 =	simm.s32 $0x1D00  }
0x151: {  	[tilespmem:s19], [sflag:$0x1] =	stream.indirect.gather [hbm4b:s3+s10], $0x20, s10, s10, $0xb8;
	[tilespmem:$0x1AD40] =	vst v63  }
0x152: {  	s22 =	simm.s32 $0x2D00;
	s20 =	simm.s32 $0x100  }
0x153: {  	[tilespmem:s22], [sflag:$0x1] =	stream.indirect.gather [hbm4b:s3+s10], $0x20, s20, s10, $0xb8;
	[tilespmem:$0x1AD40] =	vst v63  }
0x154: {  	s20 =	simm.s32 $0x180;
	s22 =	simm.s32 $0x3D00  }
0x155: {  	[tilespmem:s22], [sflag:$0x1] =	stream.indirect.gather [hbm4b:s3+s10], $0x20, s20, s10, $0xb8;
	[tilespmem:$0x1AD40] =	vst v63  }
0x156: {  	s20 =	simm.s32 $0x200;
	s22 =	simm.s32 $0x4D00  }
0x157: {  	[tilespmem:s22], [sflag:$0x1] =	stream.indirect.gather [hbm4b:s3+s10], $0x20, s20, s10, $0xb8;
	[tilespmem:$0x1AD40] =	vst v63  }
0x158: {  	s20 =	simm.s32 $0x280;
	s22 =	simm.s32 $0x5D00  }
0x159: {  	[tilespmem:s22], [sflag:$0x1] =	stream.indirect.gather [hbm4b:s3+s10], $0x20, s20, s10, $0xb8;
	[tilespmem:$0x1AD40] =	vst v63  }
0x15a: {  	s20 =	simm.s32 $0x300;
	s22 =	simm.s32 $0x6D00  }
0x15b: {  	[tilespmem:s22], [sflag:$0x1] =	stream.indirect.gather [hbm4b:s3+s10], $0x20, s20, s10, $0xb8;
	[tilespmem:$0x1AD40] =	vst v63  }
0x15c: {  	s20 =	simm.s32 $0x380;
	s22 =	simm.s32 $0x7D00  }
0x15d: {  	[tilespmem:s22], [sflag:$0x1] =	stream.indirect.gather [hbm4b:s3+s10], $0x20, s20, s10, $0xb8;
	[tilespmem:$0x1AD40] =	vst v63  }
0x15e: {  	s20 =	simm.s32 $0x400;
	s22 =	simm.s32 $0x8D00  }
0x15f: {  	[tilespmem:s22], [sflag:$0x1] =	stream.indirect.gather [hbm4b:s3+s10], $0x20, s20, s10, $0xb8;
	[tilespmem:$0x1AD40] =	vst v63  }
0x160: {  	s20 =	simm.s32 $0x480;
	s22 =	simm.s32 $0x9D00  }
0x161: {  	[tilespmem:s22], [sflag:$0x1] =	stream.indirect.gather [hbm4b:s3+s10], $0x20, s20, s10, $0xb8;
	[tilespmem:$0x1AD40] =	vst v63  }
0x162: {  	s20 =	simm.s32 $0x500;
	s22 =	simm.s32 $0xAD00  }
0x163: {  	[tilespmem:s22], [sflag:$0x1] =	stream.indirect.gather [hbm4b:s3+s10], $0x20, s20, s10, $0xb8;
	[tilespmem:$0x1AD40] =	vst v63  }
0x164: {  	s20 =	simm.s32 $0x580;
	s22 =	simm.s32 $0xBD00  }
0x165: {  	[tilespmem:s22], [sflag:$0x1] =	stream.indirect.gather [hbm4b:s3+s10], $0x20, s20, s10, $0xb8;
	[tilespmem:$0x1AD40] =	vst v63  }
0x166: {  	s20 =	simm.s32 $0x600;
	s22 =	simm.s32 $0xCD00  }
0x167: {  	[tilespmem:s22], [sflag:$0x1] =	stream.indirect.gather [hbm4b:s3+s10], $0x20, s20, s10, $0xb8;
	[tilespmem:$0x1AD40] =	vst v63  }
0x168: {  	_ =	swait.ge [sflag:s15], $0x1000  }
0x169: {  	[sflag:s15] =	ssyncset.done $0x0  }
0x16a: {  	[sflag:s15] =	ssyncadd.s32 $0xFFFFF000  }
0x16b: {  	_ =	swait.ge [sflag:s15], $0x1000  }
0x16c: {  	[sflag:s15] =	ssyncset.done $0x0  }
0x16d: {  	[sflag:s15] =	ssyncadd.s32 $0xFFFFF000  }
0x16e: {  	_ =	swait.ge [sflag:s15], $0x1000  }
0x16f: {  	[sflag:s15] =	ssyncset.done $0x0  }
0x170: {  	[sflag:s15] =	ssyncadd.s32 $0xFFFFF000  }
0x171: {  	_ =	swait.ge [sflag:s15], $0x1000  }
0x172: {  	[sflag:s15] =	ssyncset.done $0x0  }
0x173: {  	[sflag:s15] =	ssyncadd.s32 $0xFFFFF000  }
0x174: {  	_ =	swait.ge [sflag:s15], $0x1000  }
0x175: {  	[sflag:s15] =	ssyncset.done $0x0  }
0x176: {  	[sflag:s15] =	ssyncadd.s32 $0xFFFFF000  }
0x177: {  	_ =	swait.ge [sflag:s15], $0x1000  }
0x178: {  	[sflag:s15] =	ssyncset.done $0x0  }
0x179: {  	[sflag:s15] =	ssyncadd.s32 $0xFFFFF000  }
0x17a: {  	_ =	swait.ge [sflag:s15], $0x1000  }
0x17b: {  	[sflag:s15] =	ssyncset.done $0x0  }
0x17c: {  	[sflag:s15] =	ssyncadd.s32 $0xFFFFF000  }
0x17d: {  	_ =	swait.ge [sflag:s15], $0x1000  }
0x17e: {  	[sflag:s15] =	ssyncset.done $0x0  }
0x17f: {  	[sflag:s15] =	ssyncadd.s32 $0xFFFFF000  }
0x180: {  	_ =	swait.ge [sflag:s15], $0x1000  }
0x181: {  	[sflag:s15] =	ssyncset.done $0x0  }
0x182: {  	[sflag:s15] =	ssyncadd.s32 $0xFFFFF000  }
0x183: {  	_ =	swait.ge [sflag:s15], $0x1000  }
0x184: {  	[sflag:s15] =	ssyncset.done $0x0  }
0x185: {  	[sflag:s15] =	ssyncadd.s32 $0xFFFFF000  }
0x186: {  	_ =	swait.ge [sflag:s15], $0x1000  }
0x187: {  	[sflag:s15] =	ssyncset.done $0x0  }
0x188: {  	[sflag:s15] =	ssyncadd.s32 $0xFFFFF000  }
0x189: {  	_ =	swait.ge [sflag:s15], $0x1000  }
0x18a: {  	[sflag:s15] =	ssyncset.done $0x0  }
0x18b: {  	[sflag:s15] =	ssyncadd.s32 $0xFFFFF000  }
0x18c: {  	_ =	swait.ge [sflag:s15], $0x1000  }
0x18d: {  	[sflag:s15] =	ssyncset.done $0x0  }
0x18e: {  	s20 =	rddreg [dreg:$0x9];
	[sflag:s15] =	ssyncadd.s32 $0xFFFFF000  }
0x18f: {  	[hbm4b:s20+s2] =	stream.linear.scatter [tilespmem:s11], [sflag:$0x2], $0xD000, $0x38;
	[tilespmem:$0x1AD40] =	vst v63  }
0x190: {  	_ =	swait.ge [sflag:s17], $0xD000  }
0x191: {  	[sflag:s17] =	ssyncset.done $0x0;
	s20 =	rddreg [dreg:$0x1f]  }
0x192: {  	s22 =	rddreg [dreg:$0xa];
	[sflag:s17] =	ssyncadd.s32 $0xFFFF3000;
	s18 =	smulhi.u32 $0x4EC4EC4F, s20  }
0x193: {  	[tilespmem:s6], [sflag:$0x3] =	stream.linear.gather [hbm4b:s22+s2], $0x680, $0x38;
	[tilespmem:$0x1AD40] =	vst v63  }
0x194: {  	s22 =	sshrl.u32 s18, $0x3  }
0x195: {  	_ =	swait.ge [sflag:s9], $0x680;
	s2 =	smul.u32 $0xFFFFFF98, s22  }
0x196: {  	s18 =	simm.s32 $0x0;
	[sflag:s9] =	ssyncset.done $0x0  }
0x197: {  	s19 =	rddreg [dreg:$0x18];
	[sflag:s9] =	ssyncadd.s32 $0xFFFFF980;
	s2 =	sshra.s32 s2, $0x2  }
0x198: {  	v1 =	vld [tilespmem:s18+$0x680];
	s2 =	sadd.s32 s2, s19  }
0x199: {  	v2 =	vld [tilespmem:s2+$0x0];
	_ =	sdelay $0x4  }
0x19a: {  	v2 =	vadd.s32 v2, v1  }
0x19b: {  	vm0 =	vgt.s32 v2, $0x13FFFF  }
0x19c: {  	v1 =	vsel vm0, $0x2, v0  }
0x19d: {  	v3 =	vmul.u32 $0xFFF60000, v1;
	_ =	sdelay $0x1  }
0x19e: {  	v2 =	vadd.s32 v2, v3  }
0x19f: {  	s22 =	sadd.s32 $0x10, s20;
	vm0 =	vgt.s32 v2, $0x9FFFF  }
0x1a0: {  	s29 =	simm.s32 $0x80;
	s20 =	simm.s32 $0x40;
	s2 =	smulhi.u32 $0x4EC4EC4F, s22;
	v3 =	vsel vm0, $0x3FF60000, v0  }
.LBB2_8:
0x1a1: {  	p0 =	sne.s32 s29, $0x19C0;
	v2 =	vadd.s32 v2, v3  }
0x1a2: {  	v3 =	vsel vm0, $0x1, v0;
	s2 =	sshrl.u32 s2, $0x3;
	v2 =	vshll.u32 v2, $0x2  }
0x1a3: {  	s2 =	smul.u32 $0xFFFFFF98, s2;
	v2 =	vor.u32 v3, v2  }
0x1a4: {  	v1 =	vor.u32 v1, v2  }
0x1a5: {  	s19 =	sadd.s32 $0x10, s19;
	s2 =	sshra.s32 s2, $0x2;
	[tilespmem:s18+$0x680] =	vst v1;
	s18 =	sshra.s32 s20, $0x2  }
0x1a6: {  	s20 =	smov.u32 s29;
	s2 =	sadd.s32 s2, s19;
	v1 =	vld [tilespmem:s18+$0x680]  }
0x1a7: {  	v2 =	vld [tilespmem:s2+$0x0];
	_ =	sdelay $0x4  }
0x1a8: {  	v2 =	vadd.s32 v2, v1  }
0x1a9: {  	vm0 =	vgt.s32 v2, $0x13FFFF  }
0x1aa: {  	v1 =	vsel vm0, $0x2, v0  }
.Ltmp3:
0x1ab: {  	v3 =	vmul.u32 $0xFFF60000, v1;
	(pc) =	sbr.rel @p0 .LBB2_8-.Ltmp3, $4  }
0x1ac: {  	_ = 	snop  }
0x1ad: {  	v2 =	vadd.s32 v2, v3  }
0x1ae: {  	s22 =	sadd.s32 $0x10, s22;
	vm0 =	vgt.s32 v2, $0x9FFFF  }
0x1af: {  	s29 =	sadd.s32 $0x40, s29;
	s2 =	smulhi.u32 $0x4EC4EC4F, s22;
	v3 =	vsel vm0, $0x3FF60000, v0  }
0x1b0: {  	v2 =	vadd.s32 v2, v3  }
0x1b1: {  	v3 =	vsel vm0, $0x1, v0;
	s2 =	sshrl.u32 s2, $0x3;
	v2 =	vshll.u32 v2, $0x2  }
0x1b2: {  	s2 =	smul.u32 $0xFFFFFF98, s2;
	v2 =	vor.u32 v3, v2  }
0x1b3: {  	v1 =	vor.u32 v1, v2  }
0x1b4: {  	s20 =	sshra.s32 s20, $0x2;
	s22 =	sadd.s32 $0x10, s19;
	s2 =	sshra.s32 s2, $0x2;
	[tilespmem:s18+$0x680] =	vst v1  }
0x1b5: {  	s2 =	sadd.s32 s2, s22;
	v1 =	vld [tilespmem:s20+$0x680]  }
0x1b6: {  	v2 =	vld [tilespmem:s2+$0x0];
	_ =	sdelay $0x4  }
0x1b7: {  	v1 =	vadd.s32 v2, v1  }
0x1b8: {  	vm0 =	vgt.s32 v1, $0x13FFFF  }
0x1b9: {  	v2 =	vsel vm0, $0x2, v0  }
0x1ba: {  	v3 =	vmul.u32 $0xFFF60000, v2;
	_ =	sdelay $0x1  }
0x1bb: {  	v1 =	vadd.s32 v1, v3  }
0x1bc: {  	vm0 =	vgt.s32 v1, $0x9FFFF  }
0x1bd: {  	v3 =	vsel vm0, $0x3FF60000, v0  }
0x1be: {  	v1 =	vadd.s32 v1, v3  }
0x1bf: {  	v3 =	vsel vm0, $0x1, v0;
	v1 =	vshll.u32 v1, $0x2  }
0x1c0: {  	v1 =	vor.u32 v3, v1  }
0x1c1: {  	v1 =	vor.u32 v2, v1  }
0x1c2: {  	[tilespmem:s20+$0x680] =	vst v1  }
0x1c3: {  	[tilespmem:s16], [sflag:$0x1] =	stream.indirect.gather [hbm4b:s3+s10], $0x20, s6, s10, $0xb8;
	[tilespmem:$0x1AD40] =	vst v63  }
0x1c4: {  	s19 =	simm.s32 $0xED00;
	s18 =	simm.s32 $0x700  }
0x1c5: {  	[tilespmem:s19], [sflag:$0x1] =	stream.indirect.gather [hbm4b:s3+s10], $0x20, s18, s10, $0xb8;
	[tilespmem:$0x1AD40] =	vst v63  }
0x1c6: {  	s22 =	simm.s32 $0xFD00;
	s20 =	simm.s32 $0x780  }
0x1c7: {  	[tilespmem:s22], [sflag:$0x1] =	stream.indirect.gather [hbm4b:s3+s10], $0x20, s20, s10, $0xb8;
	[tilespmem:$0x1AD40] =	vst v63  }
0x1c8: {  	s18 =	simm.s32 $0x800;
	s19 =	simm.s32 $0x10D00  }
0x1c9: {  	[tilespmem:s19], [sflag:$0x1] =	stream.indirect.gather [hbm4b:s3+s10], $0x20, s18, s10, $0xb8;
	[tilespmem:$0x1AD40] =	vst v63  }
0x1ca: {  	s20 =	simm.s32 $0x880;
	s22 =	simm.s32 $0x11D00  }
0x1cb: {  	[tilespmem:s22], [sflag:$0x1] =	stream.indirect.gather [hbm4b:s3+s10], $0x20, s20, s10, $0xb8;
	[tilespmem:$0x1AD40] =	vst v63  }
0x1cc: {  	s18 =	simm.s32 $0x900  }
0x1cd: {  	[tilespmem:s30], [sflag:$0x1] =	stream.indirect.gather [hbm4b:s3+s10], $0x20, s18, s10, $0xb8;
	[tilespmem:$0x1AD40] =	vst v63  }
0x1ce: {  	_ = 	snop  }
0x1cf: {  	[tilespmem:s31], [sflag:$0x1] =	stream.indirect.gather [hbm4b:s3+s10], $0x20, s23, s10, $0xb8;
	[tilespmem:$0x1AD40] =	vst v63  }
0x1d0: {  	_ = 	snop  }
0x1d1: {  	[tilespmem:s0], [sflag:$0x1] =	stream.indirect.gather [hbm4b:s3+s10], $0x20, s24, s10, $0xb8;
	[tilespmem:$0x1AD40] =	vst v63  }
0x1d2: {  	_ = 	snop  }
0x1d3: {  	[tilespmem:s1], [sflag:$0x1] =	stream.indirect.gather [hbm4b:s3+s10], $0x20, s12, s10, $0xb8;
	[tilespmem:$0x1AD40] =	vst v63  }
0x1d4: {  	_ = 	snop  }
0x1d5: {  	[tilespmem:s13], [sflag:$0x1] =	stream.indirect.gather [hbm4b:s3+s10], $0x20, s25, s10, $0xb8;
	[tilespmem:$0x1AD40] =	vst v63  }
0x1d6: {  	_ = 	snop  }
0x1d7: {  	[tilespmem:s26], [sflag:$0x1] =	stream.indirect.gather [hbm4b:s3+s10], $0x20, s4, s10, $0xb8;
	[tilespmem:$0x1AD40] =	vst v63  }
0x1d8: {  	_ = 	snop  }
0x1d9: {  	[tilespmem:s5], [sflag:$0x1] =	stream.indirect.gather [hbm4b:s3+s10], $0x20, s14, s10, $0xb8;
	[tilespmem:$0x1AD40] =	vst v63  }
0x1da: {  	_ = 	snop  }
0x1db: {  	[tilespmem:s7], [sflag:$0x1] =	stream.indirect.gather [hbm4b:s3+s10], $0x20, s28, s10, $0xb8;
	[tilespmem:$0x1AD40] =	vst v63  }
0x1dc: {  	_ =	swait.ge [sflag:s15], $0x1000  }
0x1dd: {  	[sflag:s15] =	ssyncset.done $0x0  }
0x1de: {  	[sflag:s15] =	ssyncadd.s32 $0xFFFFF000  }
0x1df: {  	_ =	swait.ge [sflag:s15], $0x1000  }
0x1e0: {  	[sflag:s15] =	ssyncset.done $0x0  }
0x1e1: {  	[sflag:s15] =	ssyncadd.s32 $0xFFFFF000  }
0x1e2: {  	_ =	swait.ge [sflag:s15], $0x1000  }
0x1e3: {  	[sflag:s15] =	ssyncset.done $0x0  }
0x1e4: {  	[sflag:s15] =	ssyncadd.s32 $0xFFFFF000  }
0x1e5: {  	_ =	swait.ge [sflag:s15], $0x1000  }
0x1e6: {  	[sflag:s15] =	ssyncset.done $0x0  }
0x1e7: {  	[sflag:s15] =	ssyncadd.s32 $0xFFFFF000  }
0x1e8: {  	_ =	swait.ge [sflag:s15], $0x1000  }
0x1e9: {  	[sflag:s15] =	ssyncset.done $0x0  }
0x1ea: {  	[sflag:s15] =	ssyncadd.s32 $0xFFFFF000  }
0x1eb: {  	_ =	swait.ge [sflag:s15], $0x1000  }
0x1ec: {  	[sflag:s15] =	ssyncset.done $0x0  }
0x1ed: {  	[sflag:s15] =	ssyncadd.s32 $0xFFFFF000  }
0x1ee: {  	_ =	swait.ge [sflag:s15], $0x1000  }
0x1ef: {  	[sflag:s15] =	ssyncset.done $0x0  }
0x1f0: {  	[sflag:s15] =	ssyncadd.s32 $0xFFFFF000  }
0x1f1: {  	_ =	swait.ge [sflag:s15], $0x1000  }
0x1f2: {  	[sflag:s15] =	ssyncset.done $0x0  }
0x1f3: {  	[sflag:s15] =	ssyncadd.s32 $0xFFFFF000  }
0x1f4: {  	_ =	swait.ge [sflag:s15], $0x1000  }
0x1f5: {  	[sflag:s15] =	ssyncset.done $0x0  }
0x1f6: {  	[sflag:s15] =	ssyncadd.s32 $0xFFFFF000  }
0x1f7: {  	_ =	swait.ge [sflag:s15], $0x1000  }
0x1f8: {  	[sflag:s15] =	ssyncset.done $0x0  }
0x1f9: {  	[sflag:s15] =	ssyncadd.s32 $0xFFFFF000  }
0x1fa: {  	_ =	swait.ge [sflag:s15], $0x1000  }
0x1fb: {  	[sflag:s15] =	ssyncset.done $0x0  }
0x1fc: {  	[sflag:s15] =	ssyncadd.s32 $0xFFFFF000  }
0x1fd: {  	_ =	swait.ge [sflag:s15], $0x1000  }
0x1fe: {  	[sflag:s15] =	ssyncset.done $0x0  }
0x1ff: {  	[sflag:s15] =	ssyncadd.s32 $0xFFFFF000  }
0x200: {  	_ =	swait.ge [sflag:s15], $0x1000  }
0x201: {  	[sflag:s15] =	ssyncset.done $0x0  }
0x202: {  	s19 =	simm.s32 $0x0;
	s20 =	rddreg [dreg:$0xf];
	[sflag:s15] =	ssyncadd.s32 $0xFFFFF000  }
0x203: {  	[hbm4b:s20+s19] =	stream.linear.scatter [tilespmem:s16], [sflag:$0x2], $0xD000, $0x38;
	[tilespmem:$0x1AD40] =	vst v63  }
0x204: {  	_ =	swait.ge [sflag:s17], $0xD000  }
0x205: {  	s20 =	sld [smem:$0x7FA];
	_ =	sdelay $0x1  }
0x206: {  	[sflag:s17] =	ssyncset.done $0x0  }
0x207: {  	s22 =	rddreg [dreg:$0xb];
	[sflag:s17] =	ssyncadd.s32 $0xFFFF3000;
	s18 =	smulhi.u32 $0x4EC4EC4F, s20  }
0x208: {  	[tilespmem:s19], [sflag:$0x3] =	stream.linear.gather [hbm4b:s22+s19], $0x680, $0x38;
	[tilespmem:$0x1AD40] =	vst v63  }
0x209: {  	s22 =	sshrl.u32 s18, $0x3  }
0x20a: {  	_ =	swait.ge [sflag:s9], $0x680;
	s2 =	smul.u32 $0xFFFFFF98, s22  }
0x20b: {  	[sflag:s9] =	ssyncset.done $0x0;
	s19 =	rddreg [dreg:$0x19]  }
0x20c: {  	[sflag:s9] =	ssyncadd.s32 $0xFFFFF980;
	s18 =	simm.s32 $0x0;
	s2 =	sshra.s32 s2, $0x2  }
0x20d: {  	v1 =	vld [tilespmem:s18+$0x0];
	s2 =	sadd.s32 s2, s19  }
0x20e: {  	v2 =	vld [tilespmem:s2+$0x0];
	_ =	sdelay $0x4  }
0x20f: {  	v2 =	vadd.s32 v2, v1  }
0x210: {  	vm0 =	vgt.s32 v2, $0x13FFFF  }
0x211: {  	v1 =	vsel vm0, $0x2, v0  }
0x212: {  	v3 =	vmul.u32 $0xFFF60000, v1;
	_ =	sdelay $0x1  }
0x213: {  	v2 =	vadd.s32 v2, v3  }
0x214: {  	s22 =	sadd.s32 $0x10, s20;
	vm0 =	vgt.s32 v2, $0x9FFFF  }
0x215: {  	s29 =	simm.s32 $0x80;
	s20 =	simm.s32 $0x40;
	s2 =	smulhi.u32 $0x4EC4EC4F, s22;
	v3 =	vsel vm0, $0x3FF60000, v0  }
.LBB2_10:
0x216: {  	p0 =	sne.s32 s29, $0x19C0;
	v2 =	vadd.s32 v2, v3  }
0x217: {  	v3 =	vsel vm0, $0x1, v0;
	s2 =	sshrl.u32 s2, $0x3;
	v2 =	vshll.u32 v2, $0x2  }
0x218: {  	s2 =	smul.u32 $0xFFFFFF98, s2;
	v2 =	vor.u32 v3, v2  }
0x219: {  	v1 =	vor.u32 v1, v2  }
0x21a: {  	s19 =	sadd.s32 $0x10, s19;
	s2 =	sshra.s32 s2, $0x2;
	[tilespmem:s18+$0x0] =	vst v1;
	s18 =	sshra.s32 s20, $0x2  }
0x21b: {  	s20 =	smov.u32 s29;
	s2 =	sadd.s32 s2, s19;
	v1 =	vld [tilespmem:s18+$0x0]  }
0x21c: {  	v2 =	vld [tilespmem:s2+$0x0];
	_ =	sdelay $0x4  }
0x21d: {  	v2 =	vadd.s32 v2, v1  }
0x21e: {  	vm0 =	vgt.s32 v2, $0x13FFFF  }
0x21f: {  	v1 =	vsel vm0, $0x2, v0  }
.Ltmp4:
0x220: {  	v3 =	vmul.u32 $0xFFF60000, v1;
	(pc) =	sbr.rel @p0 .LBB2_10-.Ltmp4, $4  }
0x221: {  	_ = 	snop  }
0x222: {  	v2 =	vadd.s32 v2, v3  }
0x223: {  	s22 =	sadd.s32 $0x10, s22;
	vm0 =	vgt.s32 v2, $0x9FFFF  }
0x224: {  	s29 =	sadd.s32 $0x40, s29;
	s2 =	smulhi.u32 $0x4EC4EC4F, s22;
	v3 =	vsel vm0, $0x3FF60000, v0  }
0x225: {  	v2 =	vadd.s32 v2, v3  }
0x226: {  	v3 =	vsel vm0, $0x1, v0;
	s2 =	sshrl.u32 s2, $0x3;
	v2 =	vshll.u32 v2, $0x2  }
0x227: {  	s2 =	smul.u32 $0xFFFFFF98, s2;
	v2 =	vor.u32 v3, v2  }
0x228: {  	v1 =	vor.u32 v1, v2  }
0x229: {  	s20 =	sshra.s32 s20, $0x2;
	s22 =	sadd.s32 $0x10, s19;
	s2 =	sshra.s32 s2, $0x2;
	[tilespmem:s18+$0x0] =	vst v1  }
0x22a: {  	s2 =	sadd.s32 s2, s22;
	v1 =	vld [tilespmem:s20+$0x0]  }
0x22b: {  	v2 =	vld [tilespmem:s2+$0x0];
	_ =	sdelay $0x4  }
0x22c: {  	v1 =	vadd.s32 v2, v1  }
0x22d: {  	vm0 =	vgt.s32 v1, $0x13FFFF  }
0x22e: {  	v2 =	vsel vm0, $0x2, v0  }
0x22f: {  	v3 =	vmul.u32 $0xFFF60000, v2;
	_ =	sdelay $0x1  }
0x230: {  	v1 =	vadd.s32 v1, v3  }
0x231: {  	vm0 =	vgt.s32 v1, $0x9FFFF  }
0x232: {  	v3 =	vsel vm0, $0x3FF60000, v0  }
0x233: {  	v1 =	vadd.s32 v1, v3  }
0x234: {  	v3 =	vsel vm0, $0x1, v0;
	v1 =	vshll.u32 v1, $0x2  }
0x235: {  	v1 =	vor.u32 v3, v1  }
0x236: {  	v1 =	vor.u32 v2, v1  }
0x237: {  	s2 =	simm.s32 $0x0;
	[tilespmem:s20+$0x0] =	vst v1  }
0x238: {  	[tilespmem:s11], [sflag:$0x1] =	stream.indirect.gather [hbm4b:s3+s10], $0x20, s2, s10, $0xb8;
	[tilespmem:$0x1AD40] =	vst v63  }
0x239: {  	s19 =	simm.s32 $0x1D00  }
0x23a: {  	[tilespmem:s19], [sflag:$0x1] =	stream.indirect.gather [hbm4b:s3+s10], $0x20, s10, s10, $0xb8;
	[tilespmem:$0x1AD40] =	vst v63  }
0x23b: {  	s22 =	simm.s32 $0x2D00;
	s20 =	simm.s32 $0x100  }
0x23c: {  	[tilespmem:s22], [sflag:$0x1] =	stream.indirect.gather [hbm4b:s3+s10], $0x20, s20, s10, $0xb8;
	[tilespmem:$0x1AD40] =	vst v63  }
0x23d: {  	s20 =	simm.s32 $0x180;
	s22 =	simm.s32 $0x3D00  }
0x23e: {  	[tilespmem:s22], [sflag:$0x1] =	stream.indirect.gather [hbm4b:s3+s10], $0x20, s20, s10, $0xb8;
	[tilespmem:$0x1AD40] =	vst v63  }
0x23f: {  	s20 =	simm.s32 $0x200;
	s22 =	simm.s32 $0x4D00  }
0x240: {  	[tilespmem:s22], [sflag:$0x1] =	stream.indirect.gather [hbm4b:s3+s10], $0x20, s20, s10, $0xb8;
	[tilespmem:$0x1AD40] =	vst v63  }
0x241: {  	s20 =	simm.s32 $0x280;
	s22 =	simm.s32 $0x5D00  }
0x242: {  	[tilespmem:s22], [sflag:$0x1] =	stream.indirect.gather [hbm4b:s3+s10], $0x20, s20, s10, $0xb8;
	[tilespmem:$0x1AD40] =	vst v63  }
0x243: {  	s20 =	simm.s32 $0x300;
	s22 =	simm.s32 $0x6D00  }
0x244: {  	[tilespmem:s22], [sflag:$0x1] =	stream.indirect.gather [hbm4b:s3+s10], $0x20, s20, s10, $0xb8;
	[tilespmem:$0x1AD40] =	vst v63  }
0x245: {  	s20 =	simm.s32 $0x380;
	s22 =	simm.s32 $0x7D00  }
0x246: {  	[tilespmem:s22], [sflag:$0x1] =	stream.indirect.gather [hbm4b:s3+s10], $0x20, s20, s10, $0xb8;
	[tilespmem:$0x1AD40] =	vst v63  }
0x247: {  	s20 =	simm.s32 $0x400;
	s22 =	simm.s32 $0x8D00  }
0x248: {  	[tilespmem:s22], [sflag:$0x1] =	stream.indirect.gather [hbm4b:s3+s10], $0x20, s20, s10, $0xb8;
	[tilespmem:$0x1AD40] =	vst v63  }
0x249: {  	s20 =	simm.s32 $0x480;
	s22 =	simm.s32 $0x9D00  }
0x24a: {  	[tilespmem:s22], [sflag:$0x1] =	stream.indirect.gather [hbm4b:s3+s10], $0x20, s20, s10, $0xb8;
	[tilespmem:$0x1AD40] =	vst v63  }
0x24b: {  	s20 =	simm.s32 $0x500;
	s22 =	simm.s32 $0xAD00  }
0x24c: {  	[tilespmem:s22], [sflag:$0x1] =	stream.indirect.gather [hbm4b:s3+s10], $0x20, s20, s10, $0xb8;
	[tilespmem:$0x1AD40] =	vst v63  }
0x24d: {  	s20 =	simm.s32 $0x580;
	s22 =	simm.s32 $0xBD00  }
0x24e: {  	[tilespmem:s22], [sflag:$0x1] =	stream.indirect.gather [hbm4b:s3+s10], $0x20, s20, s10, $0xb8;
	[tilespmem:$0x1AD40] =	vst v63  }
0x24f: {  	s20 =	simm.s32 $0x600;
	s22 =	simm.s32 $0xCD00  }
0x250: {  	[tilespmem:s22], [sflag:$0x1] =	stream.indirect.gather [hbm4b:s3+s10], $0x20, s20, s10, $0xb8;
	[tilespmem:$0x1AD40] =	vst v63  }
0x251: {  	_ =	swait.ge [sflag:s15], $0x1000  }
0x252: {  	[sflag:s15] =	ssyncset.done $0x0  }
0x253: {  	[sflag:s15] =	ssyncadd.s32 $0xFFFFF000  }
0x254: {  	_ =	swait.ge [sflag:s15], $0x1000  }
0x255: {  	[sflag:s15] =	ssyncset.done $0x0  }
0x256: {  	[sflag:s15] =	ssyncadd.s32 $0xFFFFF000  }
0x257: {  	_ =	swait.ge [sflag:s15], $0x1000  }
0x258: {  	[sflag:s15] =	ssyncset.done $0x0  }
0x259: {  	[sflag:s15] =	ssyncadd.s32 $0xFFFFF000  }
0x25a: {  	_ =	swait.ge [sflag:s15], $0x1000  }
0x25b: {  	[sflag:s15] =	ssyncset.done $0x0  }
0x25c: {  	[sflag:s15] =	ssyncadd.s32 $0xFFFFF000  }
0x25d: {  	_ =	swait.ge [sflag:s15], $0x1000  }
0x25e: {  	[sflag:s15] =	ssyncset.done $0x0  }
0x25f: {  	[sflag:s15] =	ssyncadd.s32 $0xFFFFF000  }
0x260: {  	_ =	swait.ge [sflag:s15], $0x1000  }
0x261: {  	[sflag:s15] =	ssyncset.done $0x0  }
0x262: {  	[sflag:s15] =	ssyncadd.s32 $0xFFFFF000  }
0x263: {  	_ =	swait.ge [sflag:s15], $0x1000  }
0x264: {  	[sflag:s15] =	ssyncset.done $0x0  }
0x265: {  	[sflag:s15] =	ssyncadd.s32 $0xFFFFF000  }
0x266: {  	_ =	swait.ge [sflag:s15], $0x1000  }
0x267: {  	[sflag:s15] =	ssyncset.done $0x0  }
0x268: {  	[sflag:s15] =	ssyncadd.s32 $0xFFFFF000  }
0x269: {  	_ =	swait.ge [sflag:s15], $0x1000  }
0x26a: {  	[sflag:s15] =	ssyncset.done $0x0  }
0x26b: {  	[sflag:s15] =	ssyncadd.s32 $0xFFFFF000  }
0x26c: {  	_ =	swait.ge [sflag:s15], $0x1000  }
0x26d: {  	[sflag:s15] =	ssyncset.done $0x0  }
0x26e: {  	[sflag:s15] =	ssyncadd.s32 $0xFFFFF000  }
0x26f: {  	_ =	swait.ge [sflag:s15], $0x1000  }
0x270: {  	[sflag:s15] =	ssyncset.done $0x0  }
0x271: {  	[sflag:s15] =	ssyncadd.s32 $0xFFFFF000  }
0x272: {  	_ =	swait.ge [sflag:s15], $0x1000  }
0x273: {  	[sflag:s15] =	ssyncset.done $0x0  }
0x274: {  	[sflag:s15] =	ssyncadd.s32 $0xFFFFF000  }
0x275: {  	_ =	swait.ge [sflag:s15], $0x1000  }
0x276: {  	[sflag:s15] =	ssyncset.done $0x0  }
0x277: {  	s20 =	rddreg [dreg:$0x10];
	[sflag:s15] =	ssyncadd.s32 $0xFFFFF000  }
0x278: {  	[hbm4b:s20+s2] =	stream.linear.scatter [tilespmem:s11], [sflag:$0x2], $0xD000, $0x38;
	[tilespmem:$0x1AD40] =	vst v63  }
0x279: {  	_ =	swait.ge [sflag:s17], $0xD000  }
0x27a: {  	s20 =	sld [smem:$0x7FB];
	_ =	sdelay $0x1  }
0x27b: {  	[sflag:s17] =	ssyncset.done $0x0  }
0x27c: {  	s22 =	rddreg [dreg:$0xc];
	[sflag:s17] =	ssyncadd.s32 $0xFFFF3000;
	s18 =	smulhi.u32 $0x4EC4EC4F, s20  }
0x27d: {  	[tilespmem:s6], [sflag:$0x3] =	stream.linear.gather [hbm4b:s22+s2], $0x680, $0x38;
	[tilespmem:$0x1AD40] =	vst v63  }
0x27e: {  	s22 =	sshrl.u32 s18, $0x3  }
0x27f: {  	_ =	swait.ge [sflag:s9], $0x680;
	s2 =	smul.u32 $0xFFFFFF98, s22  }
0x280: {  	[sflag:s9] =	ssyncset.done $0x0;
	s19 =	rddreg [dreg:$0x1a]  }
0x281: {  	[sflag:s9] =	ssyncadd.s32 $0xFFFFF980;
	s18 =	simm.s32 $0x0;
	s2 =	sshra.s32 s2, $0x2  }
0x282: {  	v1 =	vld [tilespmem:s18+$0x680];
	s2 =	sadd.s32 s2, s19  }
0x283: {  	v2 =	vld [tilespmem:s2+$0x0];
	_ =	sdelay $0x4  }
0x284: {  	v2 =	vadd.s32 v2, v1  }
0x285: {  	vm0 =	vgt.s32 v2, $0x13FFFF  }
0x286: {  	v1 =	vsel vm0, $0x2, v0  }
0x287: {  	v3 =	vmul.u32 $0xFFF60000, v1;
	_ =	sdelay $0x1  }
0x288: {  	v2 =	vadd.s32 v2, v3  }
0x289: {  	s22 =	sadd.s32 $0x10, s20;
	vm0 =	vgt.s32 v2, $0x9FFFF  }
0x28a: {  	s29 =	simm.s32 $0x80;
	s20 =	simm.s32 $0x40;
	s2 =	smulhi.u32 $0x4EC4EC4F, s22;
	v3 =	vsel vm0, $0x3FF60000, v0  }
.LBB2_12:
0x28b: {  	p0 =	sne.s32 s29, $0x19C0;
	v2 =	vadd.s32 v2, v3  }
0x28c: {  	v3 =	vsel vm0, $0x1, v0;
	s2 =	sshrl.u32 s2, $0x3;
	v2 =	vshll.u32 v2, $0x2  }
0x28d: {  	s2 =	smul.u32 $0xFFFFFF98, s2;
	v2 =	vor.u32 v3, v2  }
0x28e: {  	v1 =	vor.u32 v1, v2  }
0x28f: {  	s19 =	sadd.s32 $0x10, s19;
	s2 =	sshra.s32 s2, $0x2;
	[tilespmem:s18+$0x680] =	vst v1;
	s18 =	sshra.s32 s20, $0x2  }
0x290: {  	s20 =	smov.u32 s29;
	s2 =	sadd.s32 s2, s19;
	v1 =	vld [tilespmem:s18+$0x680]  }
0x291: {  	v2 =	vld [tilespmem:s2+$0x0];
	_ =	sdelay $0x4  }
0x292: {  	v2 =	vadd.s32 v2, v1  }
0x293: {  	vm0 =	vgt.s32 v2, $0x13FFFF  }
0x294: {  	v1 =	vsel vm0, $0x2, v0  }
.Ltmp5:
0x295: {  	v3 =	vmul.u32 $0xFFF60000, v1;
	(pc) =	sbr.rel @p0 .LBB2_12-.Ltmp5, $4  }
0x296: {  	_ = 	snop  }
0x297: {  	v2 =	vadd.s32 v2, v3  }
0x298: {  	s22 =	sadd.s32 $0x10, s22;
	vm0 =	vgt.s32 v2, $0x9FFFF  }
0x299: {  	s29 =	sadd.s32 $0x40, s29;
	s2 =	smulhi.u32 $0x4EC4EC4F, s22;
	v3 =	vsel vm0, $0x3FF60000, v0  }
0x29a: {  	v2 =	vadd.s32 v2, v3  }
0x29b: {  	v3 =	vsel vm0, $0x1, v0;
	s2 =	sshrl.u32 s2, $0x3;
	v2 =	vshll.u32 v2, $0x2  }
0x29c: {  	s2 =	smul.u32 $0xFFFFFF98, s2;
	v2 =	vor.u32 v3, v2  }
0x29d: {  	v1 =	vor.u32 v1, v2  }
0x29e: {  	s20 =	sshra.s32 s20, $0x2;
	s22 =	sadd.s32 $0x10, s19;
	s2 =	sshra.s32 s2, $0x2;
	[tilespmem:s18+$0x680] =	vst v1  }
0x29f: {  	s2 =	sadd.s32 s2, s22;
	v1 =	vld [tilespmem:s20+$0x680]  }
0x2a0: {  	v2 =	vld [tilespmem:s2+$0x0];
	_ =	sdelay $0x4  }
0x2a1: {  	v1 =	vadd.s32 v2, v1  }
0x2a2: {  	vm0 =	vgt.s32 v1, $0x13FFFF  }
0x2a3: {  	v2 =	vsel vm0, $0x2, v0  }
0x2a4: {  	v3 =	vmul.u32 $0xFFF60000, v2;
	_ =	sdelay $0x1  }
0x2a5: {  	v1 =	vadd.s32 v1, v3  }
0x2a6: {  	vm0 =	vgt.s32 v1, $0x9FFFF  }
0x2a7: {  	v3 =	vsel vm0, $0x3FF60000, v0  }
0x2a8: {  	v1 =	vadd.s32 v1, v3  }
0x2a9: {  	v3 =	vsel vm0, $0x1, v0;
	v1 =	vshll.u32 v1, $0x2  }
0x2aa: {  	v1 =	vor.u32 v3, v1  }
0x2ab: {  	v1 =	vor.u32 v2, v1  }
0x2ac: {  	[tilespmem:s20+$0x680] =	vst v1  }
0x2ad: {  	[tilespmem:s16], [sflag:$0x1] =	stream.indirect.gather [hbm4b:s3+s10], $0x20, s6, s10, $0xb8;
	[tilespmem:$0x1AD40] =	vst v63  }
0x2ae: {  	s19 =	simm.s32 $0xED00;
	s18 =	simm.s32 $0x700  }
0x2af: {  	[tilespmem:s19], [sflag:$0x1] =	stream.indirect.gather [hbm4b:s3+s10], $0x20, s18, s10, $0xb8;
	[tilespmem:$0x1AD40] =	vst v63  }
0x2b0: {  	s22 =	simm.s32 $0xFD00;
	s20 =	simm.s32 $0x780  }
0x2b1: {  	[tilespmem:s22], [sflag:$0x1] =	stream.indirect.gather [hbm4b:s3+s10], $0x20, s20, s10, $0xb8;
	[tilespmem:$0x1AD40] =	vst v63  }
0x2b2: {  	s18 =	simm.s32 $0x800;
	s19 =	simm.s32 $0x10D00  }
0x2b3: {  	[tilespmem:s19], [sflag:$0x1] =	stream.indirect.gather [hbm4b:s3+s10], $0x20, s18, s10, $0xb8;
	[tilespmem:$0x1AD40] =	vst v63  }
0x2b4: {  	s20 =	simm.s32 $0x880;
	s22 =	simm.s32 $0x11D00  }
0x2b5: {  	[tilespmem:s22], [sflag:$0x1] =	stream.indirect.gather [hbm4b:s3+s10], $0x20, s20, s10, $0xb8;
	[tilespmem:$0x1AD40] =	vst v63  }
0x2b6: {  	s18 =	simm.s32 $0x900  }
0x2b7: {  	[tilespmem:s30], [sflag:$0x1] =	stream.indirect.gather [hbm4b:s3+s10], $0x20, s18, s10, $0xb8;
	[tilespmem:$0x1AD40] =	vst v63  }
0x2b8: {  	_ = 	snop  }
0x2b9: {  	[tilespmem:s31], [sflag:$0x1] =	stream.indirect.gather [hbm4b:s3+s10], $0x20, s23, s10, $0xb8;
	[tilespmem:$0x1AD40] =	vst v63  }
0x2ba: {  	_ = 	snop  }
0x2bb: {  	[tilespmem:s0], [sflag:$0x1] =	stream.indirect.gather [hbm4b:s3+s10], $0x20, s24, s10, $0xb8;
	[tilespmem:$0x1AD40] =	vst v63  }
0x2bc: {  	_ = 	snop  }
0x2bd: {  	[tilespmem:s1], [sflag:$0x1] =	stream.indirect.gather [hbm4b:s3+s10], $0x20, s12, s10, $0xb8;
	[tilespmem:$0x1AD40] =	vst v63  }
0x2be: {  	_ = 	snop  }
0x2bf: {  	[tilespmem:s13], [sflag:$0x1] =	stream.indirect.gather [hbm4b:s3+s10], $0x20, s25, s10, $0xb8;
	[tilespmem:$0x1AD40] =	vst v63  }
0x2c0: {  	_ = 	snop  }
0x2c1: {  	[tilespmem:s26], [sflag:$0x1] =	stream.indirect.gather [hbm4b:s3+s10], $0x20, s4, s10, $0xb8;
	[tilespmem:$0x1AD40] =	vst v63  }
0x2c2: {  	_ = 	snop  }
0x2c3: {  	[tilespmem:s5], [sflag:$0x1] =	stream.indirect.gather [hbm4b:s3+s10], $0x20, s14, s10, $0xb8;
	[tilespmem:$0x1AD40] =	vst v63  }
0x2c4: {  	_ = 	snop  }
0x2c5: {  	[tilespmem:s7], [sflag:$0x1] =	stream.indirect.gather [hbm4b:s3+s10], $0x20, s28, s10, $0xb8;
	[tilespmem:$0x1AD40] =	vst v63  }
0x2c6: {  	_ =	swait.ge [sflag:s15], $0x1000  }
0x2c7: {  	[sflag:s15] =	ssyncset.done $0x0  }
0x2c8: {  	[sflag:s15] =	ssyncadd.s32 $0xFFFFF000  }
0x2c9: {  	_ =	swait.ge [sflag:s15], $0x1000  }
0x2ca: {  	[sflag:s15] =	ssyncset.done $0x0  }
0x2cb: {  	[sflag:s15] =	ssyncadd.s32 $0xFFFFF000  }
0x2cc: {  	_ =	swait.ge [sflag:s15], $0x1000  }
0x2cd: {  	[sflag:s15] =	ssyncset.done $0x0  }
0x2ce: {  	[sflag:s15] =	ssyncadd.s32 $0xFFFFF000  }
0x2cf: {  	_ =	swait.ge [sflag:s15], $0x1000  }
0x2d0: {  	[sflag:s15] =	ssyncset.done $0x0  }
0x2d1: {  	[sflag:s15] =	ssyncadd.s32 $0xFFFFF000  }
0x2d2: {  	_ =	swait.ge [sflag:s15], $0x1000  }
0x2d3: {  	[sflag:s15] =	ssyncset.done $0x0  }
0x2d4: {  	[sflag:s15] =	ssyncadd.s32 $0xFFFFF000  }
0x2d5: {  	_ =	swait.ge [sflag:s15], $0x1000  }
0x2d6: {  	[sflag:s15] =	ssyncset.done $0x0  }
0x2d7: {  	[sflag:s15] =	ssyncadd.s32 $0xFFFFF000  }
0x2d8: {  	_ =	swait.ge [sflag:s15], $0x1000  }
0x2d9: {  	[sflag:s15] =	ssyncset.done $0x0  }
0x2da: {  	[sflag:s15] =	ssyncadd.s32 $0xFFFFF000  }
0x2db: {  	_ =	swait.ge [sflag:s15], $0x1000  }
0x2dc: {  	[sflag:s15] =	ssyncset.done $0x0  }
0x2dd: {  	[sflag:s15] =	ssyncadd.s32 $0xFFFFF000  }
0x2de: {  	_ =	swait.ge [sflag:s15], $0x1000  }
0x2df: {  	[sflag:s15] =	ssyncset.done $0x0  }
0x2e0: {  	[sflag:s15] =	ssyncadd.s32 $0xFFFFF000  }
0x2e1: {  	_ =	swait.ge [sflag:s15], $0x1000  }
0x2e2: {  	[sflag:s15] =	ssyncset.done $0x0  }
0x2e3: {  	[sflag:s15] =	ssyncadd.s32 $0xFFFFF000  }
0x2e4: {  	_ =	swait.ge [sflag:s15], $0x1000  }
0x2e5: {  	[sflag:s15] =	ssyncset.done $0x0  }
0x2e6: {  	[sflag:s15] =	ssyncadd.s32 $0xFFFFF000  }
0x2e7: {  	_ =	swait.ge [sflag:s15], $0x1000  }
0x2e8: {  	[sflag:s15] =	ssyncset.done $0x0  }
0x2e9: {  	[sflag:s15] =	ssyncadd.s32 $0xFFFFF000  }
0x2ea: {  	_ =	swait.ge [sflag:s15], $0x1000  }
0x2eb: {  	[sflag:s15] =	ssyncset.done $0x0  }
0x2ec: {  	s19 =	simm.s32 $0x0;
	s20 =	rddreg [dreg:$0x11];
	[sflag:s15] =	ssyncadd.s32 $0xFFFFF000  }
0x2ed: {  	[hbm4b:s20+s19] =	stream.linear.scatter [tilespmem:s16], [sflag:$0x2], $0xD000, $0x38;
	[tilespmem:$0x1AD40] =	vst v63  }
0x2ee: {  	_ =	swait.ge [sflag:s17], $0xD000  }
0x2ef: {  	s20 =	sld [smem:$0x7FC];
	_ =	sdelay $0x1  }
0x2f0: {  	[sflag:s17] =	ssyncset.done $0x0  }
0x2f1: {  	s22 =	rddreg [dreg:$0xd];
	[sflag:s17] =	ssyncadd.s32 $0xFFFF3000;
	s18 =	smulhi.u32 $0x4EC4EC4F, s20  }
0x2f2: {  	[tilespmem:s19], [sflag:$0x3] =	stream.linear.gather [hbm4b:s22+s19], $0x680, $0x38;
	[tilespmem:$0x1AD40] =	vst v63  }
0x2f3: {  	s22 =	sshrl.u32 s18, $0x3  }
0x2f4: {  	_ =	swait.ge [sflag:s9], $0x680;
	s2 =	smul.u32 $0xFFFFFF98, s22  }
0x2f5: {  	[sflag:s9] =	ssyncset.done $0x0;
	s19 =	rddreg [dreg:$0x1b]  }
0x2f6: {  	[sflag:s9] =	ssyncadd.s32 $0xFFFFF980;
	s18 =	simm.s32 $0x0;
	s2 =	sshra.s32 s2, $0x2  }
0x2f7: {  	v1 =	vld [tilespmem:s18+$0x0];
	s2 =	sadd.s32 s2, s19  }
0x2f8: {  	v2 =	vld [tilespmem:s2+$0x0];
	_ =	sdelay $0x4  }
0x2f9: {  	v2 =	vadd.s32 v2, v1  }
0x2fa: {  	vm0 =	vgt.s32 v2, $0x13FFFF  }
0x2fb: {  	v1 =	vsel vm0, $0x2, v0  }
0x2fc: {  	v3 =	vmul.u32 $0xFFF60000, v1;
	_ =	sdelay $0x1  }
0x2fd: {  	v2 =	vadd.s32 v2, v3  }
0x2fe: {  	s22 =	sadd.s32 $0x10, s20;
	vm0 =	vgt.s32 v2, $0x9FFFF  }
0x2ff: {  	s29 =	simm.s32 $0x80;
	s20 =	simm.s32 $0x40;
	s2 =	smulhi.u32 $0x4EC4EC4F, s22;
	v3 =	vsel vm0, $0x3FF60000, v0  }
.LBB2_14:
0x300: {  	p0 =	sne.s32 s29, $0x19C0;
	v2 =	vadd.s32 v2, v3  }
0x301: {  	v3 =	vsel vm0, $0x1, v0;
	s2 =	sshrl.u32 s2, $0x3;
	v2 =	vshll.u32 v2, $0x2  }
0x302: {  	s2 =	smul.u32 $0xFFFFFF98, s2;
	v2 =	vor.u32 v3, v2  }
0x303: {  	v1 =	vor.u32 v1, v2  }
0x304: {  	s19 =	sadd.s32 $0x10, s19;
	s2 =	sshra.s32 s2, $0x2;
	[tilespmem:s18+$0x0] =	vst v1;
	s18 =	sshra.s32 s20, $0x2  }
0x305: {  	s20 =	smov.u32 s29;
	s2 =	sadd.s32 s2, s19;
	v1 =	vld [tilespmem:s18+$0x0]  }
0x306: {  	v2 =	vld [tilespmem:s2+$0x0];
	_ =	sdelay $0x4  }
0x307: {  	v2 =	vadd.s32 v2, v1  }
0x308: {  	vm0 =	vgt.s32 v2, $0x13FFFF  }
0x309: {  	v1 =	vsel vm0, $0x2, v0  }
.Ltmp6:
0x30a: {  	v3 =	vmul.u32 $0xFFF60000, v1;
	(pc) =	sbr.rel @p0 .LBB2_14-.Ltmp6, $4  }
0x30b: {  	_ = 	snop  }
0x30c: {  	v2 =	vadd.s32 v2, v3  }
0x30d: {  	s22 =	sadd.s32 $0x10, s22;
	vm0 =	vgt.s32 v2, $0x9FFFF  }
0x30e: {  	s29 =	sadd.s32 $0x40, s29;
	s2 =	smulhi.u32 $0x4EC4EC4F, s22;
	v3 =	vsel vm0, $0x3FF60000, v0  }
0x30f: {  	v2 =	vadd.s32 v2, v3  }
0x310: {  	v3 =	vsel vm0, $0x1, v0;
	s2 =	sshrl.u32 s2, $0x3;
	v2 =	vshll.u32 v2, $0x2  }
0x311: {  	s2 =	smul.u32 $0xFFFFFF98, s2;
	v2 =	vor.u32 v3, v2  }
0x312: {  	v1 =	vor.u32 v1, v2  }
0x313: {  	s20 =	sshra.s32 s20, $0x2;
	s22 =	sadd.s32 $0x10, s19;
	s2 =	sshra.s32 s2, $0x2;
	[tilespmem:s18+$0x0] =	vst v1  }
0x314: {  	s2 =	sadd.s32 s2, s22;
	v1 =	vld [tilespmem:s20+$0x0]  }
0x315: {  	v2 =	vld [tilespmem:s2+$0x0];
	_ =	sdelay $0x4  }
0x316: {  	v1 =	vadd.s32 v2, v1  }
0x317: {  	vm0 =	vgt.s32 v1, $0x13FFFF  }
0x318: {  	v2 =	vsel vm0, $0x2, v0  }
0x319: {  	v3 =	vmul.u32 $0xFFF60000, v2;
	_ =	sdelay $0x1  }
0x31a: {  	v1 =	vadd.s32 v1, v3  }
0x31b: {  	vm0 =	vgt.s32 v1, $0x9FFFF  }
0x31c: {  	v3 =	vsel vm0, $0x3FF60000, v0  }
0x31d: {  	v1 =	vadd.s32 v1, v3  }
0x31e: {  	v3 =	vsel vm0, $0x1, v0;
	v1 =	vshll.u32 v1, $0x2  }
0x31f: {  	v1 =	vor.u32 v3, v1  }
0x320: {  	v1 =	vor.u32 v2, v1  }
0x321: {  	s2 =	simm.s32 $0x0;
	[tilespmem:s20+$0x0] =	vst v1  }
0x322: {  	[tilespmem:s11], [sflag:$0x1] =	stream.indirect.gather [hbm4b:s3+s10], $0x20, s2, s10, $0xb8;
	[tilespmem:$0x1AD40] =	vst v63  }
0x323: {  	s19 =	simm.s32 $0x1D00  }
0x324: {  	[tilespmem:s19], [sflag:$0x1] =	stream.indirect.gather [hbm4b:s3+s10], $0x20, s10, s10, $0xb8;
	[tilespmem:$0x1AD40] =	vst v63  }
0x325: {  	s22 =	simm.s32 $0x2D00;
	s20 =	simm.s32 $0x100  }
0x326: {  	[tilespmem:s22], [sflag:$0x1] =	stream.indirect.gather [hbm4b:s3+s10], $0x20, s20, s10, $0xb8;
	[tilespmem:$0x1AD40] =	vst v63  }
0x327: {  	s20 =	simm.s32 $0x180;
	s22 =	simm.s32 $0x3D00  }
0x328: {  	[tilespmem:s22], [sflag:$0x1] =	stream.indirect.gather [hbm4b:s3+s10], $0x20, s20, s10, $0xb8;
	[tilespmem:$0x1AD40] =	vst v63  }
0x329: {  	s20 =	simm.s32 $0x200;
	s22 =	simm.s32 $0x4D00  }
0x32a: {  	[tilespmem:s22], [sflag:$0x1] =	stream.indirect.gather [hbm4b:s3+s10], $0x20, s20, s10, $0xb8;
	[tilespmem:$0x1AD40] =	vst v63  }
0x32b: {  	s20 =	simm.s32 $0x280;
	s22 =	simm.s32 $0x5D00  }
0x32c: {  	[tilespmem:s22], [sflag:$0x1] =	stream.indirect.gather [hbm4b:s3+s10], $0x20, s20, s10, $0xb8;
	[tilespmem:$0x1AD40] =	vst v63  }
0x32d: {  	s20 =	simm.s32 $0x300;
	s22 =	simm.s32 $0x6D00  }
0x32e: {  	[tilespmem:s22], [sflag:$0x1] =	stream.indirect.gather [hbm4b:s3+s10], $0x20, s20, s10, $0xb8;
	[tilespmem:$0x1AD40] =	vst v63  }
0x32f: {  	s20 =	simm.s32 $0x380;
	s22 =	simm.s32 $0x7D00  }
0x330: {  	[tilespmem:s22], [sflag:$0x1] =	stream.indirect.gather [hbm4b:s3+s10], $0x20, s20, s10, $0xb8;
	[tilespmem:$0x1AD40] =	vst v63  }
0x331: {  	s20 =	simm.s32 $0x400;
	s22 =	simm.s32 $0x8D00  }
0x332: {  	[tilespmem:s22], [sflag:$0x1] =	stream.indirect.gather [hbm4b:s3+s10], $0x20, s20, s10, $0xb8;
	[tilespmem:$0x1AD40] =	vst v63  }
0x333: {  	s20 =	simm.s32 $0x480;
	s22 =	simm.s32 $0x9D00  }
0x334: {  	[tilespmem:s22], [sflag:$0x1] =	stream.indirect.gather [hbm4b:s3+s10], $0x20, s20, s10, $0xb8;
	[tilespmem:$0x1AD40] =	vst v63  }
0x335: {  	s20 =	simm.s32 $0x500;
	s22 =	simm.s32 $0xAD00  }
0x336: {  	[tilespmem:s22], [sflag:$0x1] =	stream.indirect.gather [hbm4b:s3+s10], $0x20, s20, s10, $0xb8;
	[tilespmem:$0x1AD40] =	vst v63  }
0x337: {  	s20 =	simm.s32 $0x580;
	s22 =	simm.s32 $0xBD00  }
0x338: {  	[tilespmem:s22], [sflag:$0x1] =	stream.indirect.gather [hbm4b:s3+s10], $0x20, s20, s10, $0xb8;
	[tilespmem:$0x1AD40] =	vst v63  }
0x339: {  	s20 =	simm.s32 $0x600;
	s22 =	simm.s32 $0xCD00  }
0x33a: {  	[tilespmem:s22], [sflag:$0x1] =	stream.indirect.gather [hbm4b:s3+s10], $0x20, s20, s10, $0xb8;
	[tilespmem:$0x1AD40] =	vst v63  }
0x33b: {  	_ =	swait.ge [sflag:s15], $0x1000  }
0x33c: {  	[sflag:s15] =	ssyncset.done $0x0  }
0x33d: {  	[sflag:s15] =	ssyncadd.s32 $0xFFFFF000  }
0x33e: {  	_ =	swait.ge [sflag:s15], $0x1000  }
0x33f: {  	[sflag:s15] =	ssyncset.done $0x0  }
0x340: {  	[sflag:s15] =	ssyncadd.s32 $0xFFFFF000  }
0x341: {  	_ =	swait.ge [sflag:s15], $0x1000  }
0x342: {  	[sflag:s15] =	ssyncset.done $0x0  }
0x343: {  	[sflag:s15] =	ssyncadd.s32 $0xFFFFF000  }
0x344: {  	_ =	swait.ge [sflag:s15], $0x1000  }
0x345: {  	[sflag:s15] =	ssyncset.done $0x0  }
0x346: {  	[sflag:s15] =	ssyncadd.s32 $0xFFFFF000  }
0x347: {  	_ =	swait.ge [sflag:s15], $0x1000  }
0x348: {  	[sflag:s15] =	ssyncset.done $0x0  }
0x349: {  	[sflag:s15] =	ssyncadd.s32 $0xFFFFF000  }
0x34a: {  	_ =	swait.ge [sflag:s15], $0x1000  }
0x34b: {  	[sflag:s15] =	ssyncset.done $0x0  }
0x34c: {  	[sflag:s15] =	ssyncadd.s32 $0xFFFFF000  }
0x34d: {  	_ =	swait.ge [sflag:s15], $0x1000  }
0x34e: {  	[sflag:s15] =	ssyncset.done $0x0  }
0x34f: {  	[sflag:s15] =	ssyncadd.s32 $0xFFFFF000  }
0x350: {  	_ =	swait.ge [sflag:s15], $0x1000  }
0x351: {  	[sflag:s15] =	ssyncset.done $0x0  }
0x352: {  	[sflag:s15] =	ssyncadd.s32 $0xFFFFF000  }
0x353: {  	_ =	swait.ge [sflag:s15], $0x1000  }
0x354: {  	[sflag:s15] =	ssyncset.done $0x0  }
0x355: {  	[sflag:s15] =	ssyncadd.s32 $0xFFFFF000  }
0x356: {  	_ =	swait.ge [sflag:s15], $0x1000  }
0x357: {  	[sflag:s15] =	ssyncset.done $0x0  }
0x358: {  	[sflag:s15] =	ssyncadd.s32 $0xFFFFF000  }
0x359: {  	_ =	swait.ge [sflag:s15], $0x1000  }
0x35a: {  	[sflag:s15] =	ssyncset.done $0x0  }
0x35b: {  	[sflag:s15] =	ssyncadd.s32 $0xFFFFF000  }
0x35c: {  	_ =	swait.ge [sflag:s15], $0x1000  }
0x35d: {  	[sflag:s15] =	ssyncset.done $0x0  }
0x35e: {  	[sflag:s15] =	ssyncadd.s32 $0xFFFFF000  }
0x35f: {  	_ =	swait.ge [sflag:s15], $0x1000  }
0x360: {  	[sflag:s15] =	ssyncset.done $0x0  }
0x361: {  	s19 =	rddreg [dreg:$0x12];
	[sflag:s15] =	ssyncadd.s32 $0xFFFFF000  }
0x362: {  	[hbm4b:s19+s2] =	stream.linear.scatter [tilespmem:s11], [sflag:$0x2], $0xD000, $0x38;
	[tilespmem:$0x1AD40] =	vst v63  }
0x363: {  	_ =	swait.ge [sflag:s17], $0xD000  }
0x364: {  	s22 =	sld [smem:$0x7FD];
	_ =	sdelay $0x1  }
0x365: {  	[sflag:s17] =	ssyncset.done $0x0  }
0x366: {  	s20 =	rddreg [dreg:$0xe];
	[sflag:s17] =	ssyncadd.s32 $0xFFFF3000;
	s18 =	smulhi.u32 $0x4EC4EC4F, s22  }
0x367: {  	[tilespmem:s6], [sflag:$0x3] =	stream.linear.gather [hbm4b:s20+s2], $0x680, $0x38;
	[tilespmem:$0x1AD40] =	vst v63  }
0x368: {  	_ =	swait.ge [sflag:s9], $0x680;
	s20 =	sshrl.u32 s18, $0x3  }
0x369: {  	[sflag:s9] =	ssyncset.done $0x0;
	s2 =	smul.u32 $0xFFFFFF98, s20  }
0x36a: {  	[sflag:s9] =	ssyncadd.s32 $0xFFFFF980  }
0x36b: {  	s18 =	simm.s32 $0x0;
	s20 =	rddreg [dreg:$0x1c];
	s2 =	sshra.s32 s2, $0x2  }
0x36c: {  	v1 =	vld [tilespmem:s18+$0x680];
	s2 =	sadd.s32 s2, s20  }
0x36d: {  	v2 =	vld [tilespmem:s2+$0x0];
	_ =	sdelay $0x4  }
0x36e: {  	v2 =	vadd.s32 v2, v1  }
0x36f: {  	vm0 =	vgt.s32 v2, $0x13FFFF  }
0x370: {  	v1 =	vsel vm0, $0x2, v0  }
0x371: {  	v3 =	vmul.u32 $0xFFF60000, v1;
	_ =	sdelay $0x1  }
0x372: {  	v2 =	vadd.s32 v2, v3  }
0x373: {  	s22 =	sadd.s32 $0x10, s22;
	vm0 =	vgt.s32 v2, $0x9FFFF  }
0x374: {  	s29 =	simm.s32 $0x80;
	s19 =	simm.s32 $0x40;
	s2 =	smulhi.u32 $0x4EC4EC4F, s22;
	v3 =	vsel vm0, $0x3FF60000, v0  }
.LBB2_16:
0x375: {  	p0 =	sne.s32 s29, $0x19C0;
	v2 =	vadd.s32 v2, v3  }
0x376: {  	v3 =	vsel vm0, $0x1, v0;
	s2 =	sshrl.u32 s2, $0x3;
	v2 =	vshll.u32 v2, $0x2  }
0x377: {  	s2 =	smul.u32 $0xFFFFFF98, s2;
	v2 =	vor.u32 v3, v2  }
0x378: {  	v1 =	vor.u32 v1, v2  }
0x379: {  	s20 =	sadd.s32 $0x10, s20;
	s2 =	sshra.s32 s2, $0x2;
	[tilespmem:s18+$0x680] =	vst v1;
	s18 =	sshra.s32 s19, $0x2  }
0x37a: {  	s19 =	smov.u32 s29;
	s2 =	sadd.s32 s2, s20;
	v1 =	vld [tilespmem:s18+$0x680]  }
0x37b: {  	v2 =	vld [tilespmem:s2+$0x0];
	_ =	sdelay $0x4  }
0x37c: {  	v2 =	vadd.s32 v2, v1  }
0x37d: {  	vm0 =	vgt.s32 v2, $0x13FFFF  }
0x37e: {  	v1 =	vsel vm0, $0x2, v0  }
.Ltmp7:
0x37f: {  	v3 =	vmul.u32 $0xFFF60000, v1;
	(pc) =	sbr.rel @p0 .LBB2_16-.Ltmp7, $4  }
0x380: {  	_ = 	snop  }
0x381: {  	v2 =	vadd.s32 v2, v3  }
0x382: {  	s22 =	sadd.s32 $0x10, s22;
	vm0 =	vgt.s32 v2, $0x9FFFF  }
0x383: {  	s29 =	sadd.s32 $0x40, s29;
	s2 =	smulhi.u32 $0x4EC4EC4F, s22;
	v3 =	vsel vm0, $0x3FF60000, v0  }
0x384: {  	_ = 	snop  }
0x385: {  	v2 =	vadd.s32 v2, v3;
	s2 =	sshrl.u32 s2, $0x3  }
0x386: {  	v3 =	vsel vm0, $0x1, v0;
	v2 =	vshll.u32 v2, $0x2;
	s2 =	smul.u32 $0xFFFFFF98, s2  }
0x387: {  	v2 =	vor.u32 v3, v2  }
0x388: {  	s20 =	sadd.s32 $0x10, s20;
	v1 =	vor.u32 v1, v2;
	s2 =	sshra.s32 s2, $0x2  }
0x389: {  	[tilespmem:s18+$0x680] =	vst v1;
	s2 =	sadd.s32 s2, s20  }
0x38a: {  	s20 =	sshra.s32 s19, $0x2;
	v1 =	vld [tilespmem:s2+$0x0]  }
0x38b: {  	v2 =	vld [tilespmem:s20+$0x680];
	_ =	sdelay $0x4  }
0x38c: {  	v1 =	vadd.s32 v1, v2  }
0x38d: {  	vm14 =	vgt.s32 v1, $0x13FFFF  }
0x38e: {  	v2 =	vsel vm14, $0x2, v0  }
0x38f: {  	v3 =	vmul.u32 $0xFFF60000, v2;
	_ =	sdelay $0x1  }
0x390: {  	v1 =	vadd.s32 v1, v3  }
0x391: {  	vm15 =	vgt.s32 v1, $0x9FFFF  }
0x392: {  	v3 =	vsel vm15, $0x3FF60000, v0  }
0x393: {  	v1 =	vadd.s32 v1, v3  }
0x394: {  	v3 =	vsel vm15, $0x1, v0;
	v1 =	vshll.u32 v1, $0x2  }
0x395: {  	v1 =	vor.u32 v3, v1  }
0x396: {  	v1 =	vor.u32 v2, v1  }
0x397: {  	[tilespmem:s20+$0x680] =	vst v1  }
0x398: {  	[tilespmem:s16], [sflag:$0x1] =	stream.indirect.gather [hbm4b:s3+s10], $0x20, s6, s10, $0xb8;
	[tilespmem:$0x1AD40] =	vst v63  }
0x399: {  	s22 =	simm.s32 $0x700;
	s29 =	simm.s32 $0xED00  }
0x39a: {  	[tilespmem:s29], [sflag:$0x1] =	stream.indirect.gather [hbm4b:s3+s10], $0x20, s22, s10, $0xb8;
	[tilespmem:$0x1AD40] =	vst v63  }
0x39b: {  	s19 =	simm.s32 $0x780;
	s20 =	simm.s32 $0xFD00  }
0x39c: {  	[tilespmem:s20], [sflag:$0x1] =	stream.indirect.gather [hbm4b:s3+s10], $0x20, s19, s10, $0xb8;
	[tilespmem:$0x1AD40] =	vst v63  }
0x39d: {  	s22 =	simm.s32 $0x800;
	s29 =	simm.s32 $0x10D00  }
0x39e: {  	[tilespmem:s29], [sflag:$0x1] =	stream.indirect.gather [hbm4b:s3+s10], $0x20, s22, s10, $0xb8;
	[tilespmem:$0x1AD40] =	vst v63  }
0x39f: {  	s18 =	simm.s32 $0x880;
	s19 =	simm.s32 $0x11D00  }
0x3a0: {  	[tilespmem:s19], [sflag:$0x1] =	stream.indirect.gather [hbm4b:s3+s10], $0x20, s18, s10, $0xb8;
	[tilespmem:$0x1AD40] =	vst v63  }
0x3a1: {  	s20 =	simm.s32 $0x900  }
0x3a2: {  	[tilespmem:s30], [sflag:$0x1] =	stream.indirect.gather [hbm4b:s3+s10], $0x20, s20, s10, $0xb8;
	[tilespmem:$0x1AD40] =	vst v63  }
0x3a3: {  	_ = 	snop  }
0x3a4: {  	[tilespmem:s31], [sflag:$0x1] =	stream.indirect.gather [hbm4b:s3+s10], $0x20, s23, s10, $0xb8;
	[tilespmem:$0x1AD40] =	vst v63  }
0x3a5: {  	_ = 	snop  }
0x3a6: {  	[tilespmem:s0], [sflag:$0x1] =	stream.indirect.gather [hbm4b:s3+s10], $0x20, s24, s10, $0xb8;
	[tilespmem:$0x1AD40] =	vst v63  }
0x3a7: {  	_ = 	snop  }
0x3a8: {  	[tilespmem:s1], [sflag:$0x1] =	stream.indirect.gather [hbm4b:s3+s10], $0x20, s12, s10, $0xb8;
	[tilespmem:$0x1AD40] =	vst v63  }
0x3a9: {  	_ = 	snop  }
0x3aa: {  	[tilespmem:s13], [sflag:$0x1] =	stream.indirect.gather [hbm4b:s3+s10], $0x20, s25, s10, $0xb8;
	[tilespmem:$0x1AD40] =	vst v63  }
0x3ab: {  	_ = 	snop  }
0x3ac: {  	[tilespmem:s26], [sflag:$0x1] =	stream.indirect.gather [hbm4b:s3+s10], $0x20, s4, s10, $0xb8;
	[tilespmem:$0x1AD40] =	vst v63  }
0x3ad: {  	_ = 	snop  }
0x3ae: {  	[tilespmem:s5], [sflag:$0x1] =	stream.indirect.gather [hbm4b:s3+s10], $0x20, s14, s10, $0xb8;
	[tilespmem:$0x1AD40] =	vst v63  }
0x3af: {  	_ = 	snop  }
0x3b0: {  	[tilespmem:s7], [sflag:$0x1] =	stream.indirect.gather [hbm4b:s3+s10], $0x20, s28, s10, $0xb8;
	[tilespmem:$0x1AD40] =	vst v63  }
0x3b1: {  	_ =	swait.ge [sflag:s15], $0x1000  }
0x3b2: {  	[sflag:s15] =	ssyncset.done $0x0  }
0x3b3: {  	[sflag:s15] =	ssyncadd.s32 $0xFFFFF000  }
0x3b4: {  	_ =	swait.ge [sflag:s15], $0x1000  }
0x3b5: {  	[sflag:s15] =	ssyncset.done $0x0  }
0x3b6: {  	[sflag:s15] =	ssyncadd.s32 $0xFFFFF000  }
0x3b7: {  	_ =	swait.ge [sflag:s15], $0x1000  }
0x3b8: {  	[sflag:s15] =	ssyncset.done $0x0  }
0x3b9: {  	[sflag:s15] =	ssyncadd.s32 $0xFFFFF000  }
0x3ba: {  	_ =	swait.ge [sflag:s15], $0x1000  }
0x3bb: {  	[sflag:s15] =	ssyncset.done $0x0  }
0x3bc: {  	[sflag:s15] =	ssyncadd.s32 $0xFFFFF000  }
0x3bd: {  	_ =	swait.ge [sflag:s15], $0x1000  }
0x3be: {  	[sflag:s15] =	ssyncset.done $0x0  }
0x3bf: {  	[sflag:s15] =	ssyncadd.s32 $0xFFFFF000  }
0x3c0: {  	_ =	swait.ge [sflag:s15], $0x1000  }
0x3c1: {  	[sflag:s15] =	ssyncset.done $0x0  }
0x3c2: {  	[sflag:s15] =	ssyncadd.s32 $0xFFFFF000  }
0x3c3: {  	_ =	swait.ge [sflag:s15], $0x1000  }
0x3c4: {  	[sflag:s15] =	ssyncset.done $0x0  }
0x3c5: {  	[sflag:s15] =	ssyncadd.s32 $0xFFFFF000  }
0x3c6: {  	_ =	swait.ge [sflag:s15], $0x1000  }
0x3c7: {  	[sflag:s15] =	ssyncset.done $0x0  }
0x3c8: {  	[sflag:s15] =	ssyncadd.s32 $0xFFFFF000  }
0x3c9: {  	_ =	swait.ge [sflag:s15], $0x1000  }
0x3ca: {  	[sflag:s15] =	ssyncset.done $0x0  }
0x3cb: {  	[sflag:s15] =	ssyncadd.s32 $0xFFFFF000  }
0x3cc: {  	_ =	swait.ge [sflag:s15], $0x1000  }
0x3cd: {  	[sflag:s15] =	ssyncset.done $0x0  }
0x3ce: {  	[sflag:s15] =	ssyncadd.s32 $0xFFFFF000  }
0x3cf: {  	_ =	swait.ge [sflag:s15], $0x1000  }
0x3d0: {  	[sflag:s15] =	ssyncset.done $0x0  }
0x3d1: {  	[sflag:s15] =	ssyncadd.s32 $0xFFFFF000  }
0x3d2: {  	_ =	swait.ge [sflag:s15], $0x1000  }
0x3d3: {  	[sflag:s15] =	ssyncset.done $0x0  }
0x3d4: {  	[sflag:s15] =	ssyncadd.s32 $0xFFFFF000  }
0x3d5: {  	_ =	swait.ge [sflag:s15], $0x1000  }
0x3d6: {  	[sflag:s15] =	ssyncset.done $0x0  }
0x3d7: {  	s18 =	simm.s32 $0x0;
	s22 =	rddreg [dreg:$0x13];
	[sflag:s15] =	ssyncadd.s32 $0xFFFFF000  }
0x3d8: {  	[hbm4b:s22+s18] =	stream.linear.scatter [tilespmem:s16], [sflag:$0x2], $0xD000, $0x38;
	[tilespmem:$0x1AD40] =	vst v63  }
0x3d9: {  	_ =	swait.ge [sflag:s17], $0xD000  }
0x3da: {  	[sflag:s17] =	ssyncset.done $0x0  }
0x3db: {  	[sflag:s17] =	ssyncadd.s32 $0xFFFF3000  }
0x3dc: {  	_ =	swait.ge [sflag:s17], $0xD000  }
0x3dd: {  	s8 =	sadd.s32 $0x1, s8;
	s29 =	rddreg [dreg:$0x14]  }
0x3de: {  	p0 =	sne.s32 s8, s29  }
.Ltmp8:
0x3df: {  	_ = 	snop;
	(pc) =	sbr.rel @p0 .LBB2_1-.Ltmp8, $3  }
0x3e0: {  	_ =	sdelay $0x1  }
0x3e1: {  	[sflag:s17] =	ssyncset.done $0x0  }
0x3e2: {  	[sflag:s17] =	ssyncadd.s32 $0xFFFF3000  }
0x3e3: {  	_ =	sfence.sel $0x180000  }
0x3e4: {  	[bflag:$0x0] =	sbarrier.arrive $0xFFFF  }
0x3e5: {  	_ =	strace $0x90000047  }
0x3e6: {  	s0 =	stileid.u32;
	[bflag:$0x2] =	sbarrier.arrive $0xFFFF  }
0x3e7: {  	p0 =	sne.s32 s0, $0x0;
	s0 =	rddreg [dreg:$0x2]  }
0x3e8: {  	s0 =	sadd.s32 @!p0 $0x100000, s0  }
0x3e9: {  	[sflag:s0] =	ssyncadd.tile.s32 @!p0 $0x1;
	_ =	shalt  }
.Lfunc_end2:
_tile_overlayer_lowered:
.L_overlay_start_2:
0x3ea: {  	(tag) =	ssettag $0x2  }
0x3eb: {  	s0 =	rddreg [dreg:$0x0];
	s2 =	stileid.u32  }
0x3ec: {  	s1 =	rddreg [dreg:$0x1];
	p0 =	sne.s32 s2, $0x0  }
0x3ed: {  	s3 =	rddreg [dreg:$0x2];
	[bflag:$0x3] =	sbarrier.arrive $0xFFFF;
	s2 =	simm.s32 @!p0 $0x1C03  }
0x3ee: {  	[timem:s3], [sflag:s2] =	dma.local @!p0 [hbm:s0], s1  }
0x3ef: {  	s0 =	simm.s32 @!p0 $0x3  }
0x3f0: {  	_ =	swait.ge @!p0 [sflag:s0], s1  }
0x3f1: {  	s1 =	ssub.s32 @!p0 $0x0, s1;
	[sflag:s0] =	ssyncset.done @!p0 $0x0  }
0x3f2: {  	[sflag:s0] =	ssyncadd.s32 @!p0 s1  }
0x3f3: {  	[bflag:$0x3] =	sbarrier.arrive $0xFFFF  }
0x3f4: {  	_ =	shalt  }

// kernel: sparse-core-data-format-call.cloned.1.call-start
scs
called_computation_lowered:
.L_overlay_start_0:
0x0: {  	s2 =	sld [smem:$0x3FD9]  }
0x1: {  	s3 =	sld [smem:$0x3FFE];
	_ =	sdelay $0x1  }
0x2: {  	s1 =	srdreg.scid  }
0x3: {  	s0 =	sand.u32 $0x1, s1  }
0x4: {  	s18 =	sshll.u32 s0, $0xA;
	s2 =	sadd.s32 s3, s2  }
0x5: {  	s2 =	sadd.s32 s2, s18  }
0x6: {  	[smem:$0x3FC5] =	sst s2  }
0x7: {  	_ = 	snop  }
0x8: {  	s2 =	sld [smem:$0x3FD0];
	(tm) =	ssettm $0x1  }
0x9: {  	s19 =	sld [smem:$0x3FFB];
	_ =	sdelay $0x3  }
0xa: {  	_ =	strace s19  }
0xb: {  	s3 =	sld [smem:$0x3FFC];
	_ =	sdelay $0x3  }
0xc: {  	_ =	strace s3  }
0xd: {  	s3 =	sld [smem:$0x3FFD];
	_ =	sdelay $0x3  }
0xe: {  	_ =	strace s3  }
0xf: {  	_ =	strace $0x8FFFFFFF  }
0x10: {  	s20 =	sld [smem:$0x3FDB];
	_ =	sdelay $0x1  }
0x11: {  	s4 =	simm.s32 $_scs_section_size  }
0x12: {  	s5 =	simm.s32 $_size__tile_overlayer_lowered;
	s6 =	simm.s32 $_tile_overlayer_lowered  }
0x13: {  	s23 =	simm.s32 $0x1BFF;
	s22 =	sshll.u32 s6, $0x1;
	s3 =	sadd.s32 s4, s20  }
0x14: {  	s7 =	simm.s32 $0x0;
	s21 =	sshll.u32 s5, $0x1;
	s5 =	sadd.s32 s22, s3  }
0x15: {  	[timem:s7], [sflag:s23] =	dma.local [hbm:s5], s21  }
0x16: {  	_ =	swait.ge [sflag:s23], s21  }
0x17: {  	s4 =	ssub.s32 $0x0, s21;
	[sflag:s23] =	ssyncset.done $0x0  }
0x18: {  	[sflag:s23] =	ssyncadd.s32 s4;
	_ =	sdelay $0x1  }
0x19: {  	s24 =	simm.s32 $0x1B8B  }
0x1a: {  	_ =	swait.ge [sflag:s24], $0x1  }
0x1b: {  	[sflag:s24] =	ssyncset.done $0x0  }
0x1c: {  	s26 =	simm.s32 $0x1B8E;
	s25 =	sld [smem:$0x3FFE];
	[sflag:s24] =	ssyncadd.s32 $0xFFFFFFFF  }
0x1d: {  	s27 =	simm.s32 $execute0_lowered;
	[smem:$0x3FD2] =	sst s26  }
0x1e: {  	s5 =	sshll.u32 s27, $0x1;
	_ =	strace $0x80000049;
	[dreg:$0x1] =	wrdreg $0xFFFFFFFF  }
0x1f: {  	s28 =	simm.s32 $_size_execute0_lowered;
	s3 =	sadd.s32 s3, s5;
	[dreg:$0x0] =	wrdreg $0x0  }
0x20: {  	s5 =	sshll.u32 s28, $0x1;
	[dreg:$0x2] =	wrdreg s3  }
0x21: {  	[dreg:$0x3] =	wrdreg s5  }
0x22: {  	[dreg:$0x4] =	wrdreg $0xC0  }
0x23: {  	_ =	task [dreg:s7], $0x5FFFF  }
0x24: {  	[dreg:$0x1] =	wrdreg $0xFFFFFFFF  }
0x25: {  	[dreg:$0x0] =	wrdreg $0x60  }
0x26: {  	[dreg:$0x2] =	wrdreg s25  }
0x27: {  	[dreg:$0x3] =	wrdreg s2  }
0x28: {  	[dreg:$0x4] =	wrdreg $0x9  }
0x29: {  	_ =	task.clear_ibuf [dreg:s7], $0x5FFFF;
	_ =	strace $0x90000049  }
0x2a: {  	s29 =	simm.s32 $0x9;
	_ =	strace $0x8000004B  }
0x2b: {  	_ =	swait.ge [sflag:s29], $0x1  }
0x2c: {  	[sflag:s29] =	ssyncadd.s32 $0xFFFFFFFF  }
0x2d: {  	_ =	strace $0x9000004B  }
0x2e: {  	_ =	sfence  }
0x2f: {  	s30 =	sld [smem:$0x0];
	_ =	sdelay $0x2  }
0x30: {  	s31 =	sshll.u32 s1, $0xD;
	s1 =	sshrl.u32 s1, $0x2  }
0x31: {  	s3 =	sand.u32 $0x4000, s31;
	s1 =	sadd.s32 s1, s30  }
0x32: {  	s0 =	sor.u32 s3, s0;
	s1 =	sshll.u32 s1, $0x11  }
0x33: {  	s0 =	sor.u32 s1, s0  }
0x34: {  	s0 =	sadd.s32 $0x8F2B, s0  }
0x35: {  	[sflag:s0] =	ssyncadd.remote.s32 $0x1  }
0x36: {  	_ =	sfence.sel $0xFFFF  }
0x37: {  	[dreg:$0x0] =	wrdreg $0xFFFFFFFF;
	(pc) =	sbr.abs _section_cstart, $3  }
0x38: {  	[dreg:$0x1] =	wrdreg $0xFFFFFFFF  }
0x39: {  	_ =	task.clear_ibuf [dreg:s7], $0x2FFFF;
	_ =	strace $0x9FFFFFFF  }
0x3a: {  	(tm) =	ssettm $0x7FFFFFFF  }
0x3b: {  	_ =	shalt  }
tec
execute0_lowered:
.L_overlay_start_1:
0x0: {  	(tag) =	ssettag $0x1  }
0x1: {  	s0 =	srdreg.scid  }
0x2: {  	s1 =	sshll.u32 s0, $0x4  }
0x3: {  	s6 =	rddreg [dreg:$0x0];
	s0 =	stileid.u32;
	s1 =	sand.u32 $0x10, s1  }
0x4: {  	s3 =	rddreg [dreg:$0x1];
	s1 =	sor.u32 s0, s1  }
0x5: {  	s5 =	simm.s32 $0x1;
	s31 =	simm.s32 $0x2;
	s2 =	sshll.u32 s1, $0x7  }
0x6: {  	s15 =	simm.s32 $0x0;
	s8 =	simm.s32 $0x20000;
	s4 =	ssub.s32 $0x4000, s2  }
0x7: {  	s14 =	simm.s32 $0x0;
	s9 =	simm.s32 $0x0;
	s30 =	sand.u32 $0xF80, s4  }
0x8: {  	s10 =	simm.s32 $0x0;
	s11 =	simm.s32 $0x0;
	p0 =	sne.s32 s30, $0x0  }
.Ltmp0:
0x9: {  	s7 =	sshrl.u32 s4, $0xC;
	s5 =	simm.s32 @!p0 $0x0;
	(pc) =	sbr.rel .LBB1_1-.Ltmp0, $4  }
0xa: {  	s13 =	simm.s32 $0x0;
	s1 =	rddreg [dreg:$0x2];
	s5 =	sadd.s32 s5, s7  }
0xb: {  	_ =	strace $0x8000004A;
	s4 =	simm.s32 $0x1;
	s5 =	smul.u32 $0x7, s5  }
0xc: {  	s6 =	sadd.s32 $0x800, s6;
	s12 =	smov.u32 s2;
	[sflag:s4] =	ssyncpa.u1 $0x0  }
0xd: {  	[sflag:s31] =	ssyncpa.u1 $0x0;
	p0 =	por $0x0, $0x0;
	s7 =	sadd.s32 $0x1, s5  }
.LBB1_4:
0xe: {  	s20 =	sshra.s32 s20, $0x2  }
0xf: {  	s28 =	sand.u32 $0x78, s10;
	s21 =	sshll.u32 s9, $0xE;
	s22 =	sshll.u32 s10, $0x3  }
0x10: {  	s24 =	sshll.u32 s9, $0x7;
	p1 =	sgt.s32 s9, $0x2C0;
	s30 =	sshra.s32 s9, $0x1F  }
0x11: {  	s26 =	sshra.s32 s10, $0x1F;
	s19 =	sadd.s32 s20, s19;
	s21 =	sand.u32 $0xFFFE0000, s21  }
0x12: {  	v5 =	vld [tilespmem:s17+$0xFFFFFFD0];
	[tilespmem:s18+$0x2040 ss:$0x81] =	vst.msk $0xffff, v4;
	s23 =	sand.u32 $0xFFFFFC00, s22;
	s29 =	sand.u32 $0x380, s24;
	s22 =	sand.u32 $0x3C00, s22  }
0x13: {  	v58 =	vld [tilespmem:s17+$0xFFFFFFE0];
	[tilespmem:s18+$0x2850 ss:$0x81] =	vst.msk $0xffff, v3;
	s21 =	sadd.s32 s23, s21;
	s20 =	sor.u32 s28, s22;
	s22 =	smov.u32 s9  }
0x14: {  	v59 =	vld [tilespmem:s17+$0xFFFFFFF0];
	[tilespmem:s18+$0x3060 ss:$0x81] =	vst.msk $0xffff, v2;
	s24 =	sand.u32 s30, s9;
	s21 =	sshrl.u32 s21, $0xE;
	s22 =	simm.s32 @!p1 $0x2C0  }
0x15: {  	v60 =	vld [tilespmem:s17+$0x0];
	[tilespmem:s18+$0x0 ss:$0x81] =	vst.msk $0xffff, v1;
	p1 =	sgt.s32 s10, $0x3F80;
	s31 =	ssub.s32 s22, s24;
	s22 =	smov.u32 s10  }
0x16: {  	v61 =	vld [tilespmem:s17+$0x10];
	[tilespmem:s19+$0x3870 ss:$0x81] =	vst.msk $0xffff, v0;
	s25 =	smulhi.u32 $0x4EC4ED, s21;
	s24 =	sand.u32 s26, s10;
	s22 =	simm.s32 @!p1 $0x3F80  }
0x17: {  	v62 =	vld [tilespmem:s17+$0x20];
	s20 =	sor.u32 s29, s20;
	[tilespmem:s19+$0x810 ss:$0x81] =	vst.msk $0xffff, v5;
	s27 =	sadd.s32 $0xFFFFFD40, s31;
	s22 =	ssub.s32 s22, s24  }
0x18: {  	v63 =	vld [tilespmem:s17+$0xFFFFFFC0];
	[tilespmem:s19+$0x1020 ss:$0x81] =	vst.msk $0xffff, v58;
	s18 =	ssub.s32 $0x340, s31;
	s28 =	smul.u32 $0x340, s25;
	s29 =	sadd.s32 $0xFFFFC080, s22  }
0x19: {  	[tilespmem:s19+$0x1830 ss:$0x81] =	vst.msk $0xffff, v59;
	p1 =	sgt.s32 s27, $0x7F;
	s22 =	ssub.s32 $0x4000, s22;
	p2 =	sgt.s32 s29, $0x7F  }
0x1a: {  	s30 =	sand.u32 $0x7, s10;
	[tilespmem:s19+$0x2040 ss:$0x81] =	vst.msk $0xffff, v60;
	s18 =	simm.s32 @p1 $0x0;
	s22 =	simm.s32 @p2 $0x0  }
0x1b: {  	s20 =	sshrl.u32 s20, $0x3;
	[tilespmem:s19+$0x2850 ss:$0x81] =	vst.msk $0xffff, v61;
	s17 =	ssub.s32 s21, s28;
	s18 =	smul.u32 s22, s18  }
0x1c: {  	[tilespmem:s19+$0x3060 ss:$0x81] =	vst.msk $0xffff, v62;
	s20 =	sadd.s32 s3, s20;
	s21 =	sshll.u32 s30, $0x12;
	s17 =	sshll.u32 s17, $0xB  }
0x1d: {  	[tilespmem:s19+$0x0 ss:$0x81] =	vst.msk $0xffff, v63;
	s31 =	sor.u32 $0x400, s21;
	s17 =	sadd.s32 s17, s20;
	s18 =	sand.u32 $0x3FFFFFFF, s18  }
0x1e: {  	[hbm4b:s17+s31] =	stream.strided.scatter [tilespmem:s16], [sflag:$0x2], s18, s8, s31, $0x20;
	[tilespmem:$0x10100] =	vst v63  }
.LBB1_5:
0x1f: {  	p1 =	slt.u32 s13, $0x2  }
0x20: {  	s17 =	smov.u32 s15;
	p2 =	sgt.s32 @!p1 s15, $0x2C0;
	s16 =	sshra.s32 @!p1 s15, $0x1F  }
0x21: {  	p3 =	sgt.s32 @!p1 s14, $0x3F80;
	s18 =	sshra.s32 @!p1 s14, $0x1F;
	p2 =	por !p2, p1  }
0x22: {  	s15 =	sand.u32 @!p1 s16, s15;
	p3 =	por !p3, p1;
	s16 =	smov.u32 s14  }
0x23: {  	s14 =	sand.u32 @!p1 s18, s14;
	s17 =	simm.s32 @p2 $0x2C0;
	s16 =	simm.s32 @p3 $0x3F80  }
0x24: {  	s15 =	ssub.s32 @!p1 s17, s15;
	s14 =	ssub.s32 @!p1 s16, s14  }
0x25: {  	s18 =	smov.u32 s12;
	s16 =	sadd.s32 @!p1 $0xFFFFFD40, s15;
	s17 =	sadd.s32 @!p1 $0xFFFFC080, s14  }
0x26: {  	s15 =	ssub.s32 @!p1 $0x340, s15;
	p2 =	sgt.s32 @!p1 s16, $0x7F;
	p3 =	sgt.s32 @!p1 s17, $0x7F  }
0x27: {  	s14 =	ssub.s32 @!p1 $0x4000, s14;
	p2 =	por !p2, p1;
	p3 =	por !p3, p1  }
0x28: {  	s16 =	sadd.s32 $0x80, s11;
	s15 =	simm.s32 @!p2 $0x0;
	s14 =	simm.s32 @!p3 $0x0  }
0x29: {  	p2 =	sgt.s32 s16, $0x33F;
	s14 =	smul.u32 @!p1 s14, s15;
	s15 =	sadd.s32 $0x1000, s12  }
0x2a: {  	s18 =	smov.u32 @p2 s15  }
0x2b: {  	s16 =	simm.s32 @p2 $0x0;
	p2 =	sgt.s32 s18, $0x3FFF  }
0x2c: {  	s18 =	smov.u32 @p2 s2;
	p2 =	sne.s32 s13, s7  }
.Ltmp1:
0x2d: {  	p0 =	por !p0, !p0;
	s17 =	simm.s32 @!p1 $0x2;
	(pc) =	sbr.rel @!p2 .LBB1_6-.Ltmp1, $4  }
0x2e: {  	s15 =	smov.u32 s9;
	s9 =	smov.u32 s11;
	s14 =	sand.u32 @!p1 $0x3FFFFFFF, s14  }
0x2f: {  	s11 =	smov.u32 s16;
	_ =	swait.ge @!p1 [sflag:s17], s14;
	s19 =	ssub.s32 @!p1 $0x0, s14  }
0x30: {  	s14 =	smov.u32 s10;
	s13 =	sadd.s32 $0x1, s13;
	[sflag:s17] =	ssyncset.done @!p1 $0x0  }
0x31: {  	s10 =	smov.u32 s12;
	s12 =	smov.u32 s18;
	[sflag:s17] =	ssyncadd.s32 @!p1 s19  }
.LBB1_1:
0x32: {  	p1 =	sge.u32 s13, s5  }
0x33: {  	s16 =	sshrl.u32 @!p1 s12, $0x3  }
0x34: {  	s17 =	sshll.u32 @!p1 s11, $0x3;
	s16 =	smul.u32 @!p1 $0x1C00, s16  }
0x35: {  	s18 =	sshll.u32 @!p1 s12, $0x7;
	s17 =	sand.u32 @!p1 $0xFFFFFC00, s17  }
0x36: {  	s16 =	sadd.s32 @!p1 s16, s17;
	s17 =	sand.u32 @!p1 $0x380, s18  }
0x37: {  	s16 =	sor.u32 @!p1 s17, s16  }
0x38: {  	s17 =	sshrl.u32 @!p1 s16, $0x7  }
0x39: {  	s17 =	smulhi.u32 @!p1 $0x24924925, s17;
	_ =	sdelay $0x1  }
0x3a: {  	s18 =	sand.u32 @!p1 $0x7F, s11;
	s19 =	smul.u32 @!p1 $0x380, s17  }
0x3b: {  	s31 =	sadd.s32 $0xFFFFFFFF, s13;
	s16 =	sor.u32 @!p1 s18, s16;
	s18 =	sxor.u32 @!p1 $0xFFFFFFFF, s13  }
0x3c: {  	s18 =	sshll.u32 @!p1 s18, $0xE;
	s17 =	sand.u32 @!p1 $0x3FFF, s17;
	s16 =	ssub.s32 @!p1 s16, s19  }
0x3d: {  	s17 =	smul.u32 @!p1 $0x70, s17;
	s19 =	sshrl.u32 @!p1 s16, $0x3;
	s16 =	sand.u32 @!p1 $0x7, s16  }
0x3e: {  	s18 =	sand.u32 @!p1 $0x4000, s18;
	s19 =	sadd.s32 @!p1 s6, s19;
	s16 =	sshll.u32 @!p1 s16, $0x12  }
0x3f: {  	s17 =	sadd.s32 @!p1 s17, s19;
	s16 =	sor.u32 @!p1 $0x400, s16;
	s19 =	simm.s32 @!p1 $0x1C00  }
0x40: {  	[tilespmem:s18], [sflag:$0x1] =	stream.strided.gather @!p1 [hbm4b:s17+s16], $0x4000, s19, s16, $0x38;
	[tilespmem:$0x10100] =	vst v63  }
0x41: {  	p1 =	sge.u32 s31, s5  }
.Ltmp2:
0x42: {  	_ = 	snop;
	(pc) =	sbr.rel @p1 .LBB1_5-.Ltmp2, $1  }
0x43: {  	_ =	sdelay $0x3  }
0x44: {  	s16 =	simm.s32 $0x1  }
0x45: {  	_ =	swait.ge [sflag:s4], $0x4000;
	s16 =	simm.s32 @!p0 $0x0  }
0x46: {  	[sflag:s4] =	ssyncset.done $0x0;
	s17 =	sshll.u32 s16, $0xE  }
0x47: {  	[sflag:s4] =	ssyncadd.s32 $0xFFFFC000;
	s17 =	sor.u32 $0x40, s17  }
0x48: {  	s16 =	smul.u32 $0x10200, s16;
	v0 =	vld [tilespmem:s17+$0x30]  }
0x49: {  	v1 =	vld [tilespmem:s17+$0xFFFFFFD0]  }
0x4a: {  	s16 =	sshrl.u32 s16, $0x2;
	v5 =	vld [tilespmem:s17+$0xFFFFFFE0]  }
0x4b: {  	v6 =	vld [tilespmem:s17+$0xFFFFFFF0];
	s19 =	sor.u32 $0x8000, s16  }
0x4c: {  	s31 =	sand.u32 $0x1, s13;
	v4 =	vld [tilespmem:s17+$0x0];
	s18 =	sadd.s32 $0x0, s19  }
0x4d: {  	v3 =	vld [tilespmem:s17+$0x10];
	s16 =	smul.u32 $0x10200, s31;
	[tilespmem:s18+$0x3870 ss:$0x81] =	vst.msk $0xffff, v0  }
0x4e: {  	v2 =	vld [tilespmem:s17+$0x20];
	[tilespmem:s18+$0x810 ss:$0x81] =	vst.msk $0xffff, v1  }
0x4f: {  	s16 =	sshrl.u32 s16, $0x2;
	v1 =	vld [tilespmem:s17+$0xFFFFFFC0];
	[tilespmem:s18+$0x1020 ss:$0x81] =	vst.msk $0xffff, v5;
	s17 =	sadd.s32 $0x80, s17  }
0x50: {  	s20 =	simm.s32 $0x4;
	s21 =	simm.s32 $0x8;
	s16 =	sor.u32 $0x8000, s16;
	[tilespmem:s18+$0x1830 ss:$0x81] =	vst.msk $0xffff, v6;
	v0 =	vld [tilespmem:s17+$0x30]  }
.LBB1_3:
0x51: {  	p1 =	sne.s32 s21, $0x1FC;
	v5 =	vld [tilespmem:s17+$0xFFFFFFD0];
	[tilespmem:s18+$0x2040 ss:$0x81] =	vst.msk $0xffff, v4  }
0x52: {  	v6 =	vld [tilespmem:s17+$0xFFFFFFE0];
	[tilespmem:s18+$0x2850 ss:$0x81] =	vst.msk $0xffff, v3  }
0x53: {  	s22 =	sshra.s32 s20, $0x2;
	s20 =	smov.u32 s21;
	v7 =	vld [tilespmem:s17+$0xFFFFFFF0];
	[tilespmem:s18+$0x3060 ss:$0x81] =	vst.msk $0xffff, v2  }
.Ltmp3:
0x54: {  	v4 =	vld [tilespmem:s17+$0x0];
	[tilespmem:s18+$0x0 ss:$0x81] =	vst.msk $0xffff, v1;
	s18 =	sadd.s32 s22, s19;
	(pc) =	sbr.rel @p1 .LBB1_3-.Ltmp3, $4  }
0x55: {  	v3 =	vld [tilespmem:s17+$0x10];
	[tilespmem:s18+$0x3870 ss:$0x81] =	vst.msk $0xffff, v0  }
0x56: {  	[tilespmem:s18+$0x810 ss:$0x81] =	vst.msk $0xffff, v5;
	v2 =	vld [tilespmem:s17+$0x20]  }
0x57: {  	v1 =	vld [tilespmem:s17+$0xFFFFFFC0];
	[tilespmem:s18+$0x1020 ss:$0x81] =	vst.msk $0xffff, v6;
	s17 =	sadd.s32 $0x80, s17  }
0x58: {  	s21 =	sadd.s32 $0x4, s21;
	v0 =	vld [tilespmem:s17+$0x30];
	[tilespmem:s18+$0x1830 ss:$0x81] =	vst.msk $0xffff, v7  }
.Ltmp4:
0x59: {  	_ = 	snop;
	(pc) =	sbr.rel .LBB1_4-.Ltmp4, $1  }
0x5a: {  	_ =	sdelay $0x3  }
.LBB1_6:
0x5b: {  	_ =	sfence.sel $0x180000  }
0x5c: {  	s2 =	simm.s32 $0x1;
	[bflag:$0x0] =	sbarrier.arrive $0xFFFF  }
0x5d: {  	s31 =	simm.s32 $0x2;
	[sflag:s2] =	ssyncpa.u1 $0x1  }
0x5e: {  	[sflag:s31] =	ssyncpa.u1 $0x1  }
0x5f: {  	p0 =	sne.s32 s0, $0x0;
	_ =	strace $0x9000004A  }
0x60: {  	s0 =	sadd.s32 @!p0 $0x100000, s1;
	[bflag:$0x2] =	sbarrier.arrive $0xFFFF  }
0x61: {  	[sflag:s0] =	ssyncadd.tile.s32 @!p0 $0x1;
	_ =	shalt  }
.Lfunc_end1:
_tile_overlayer_lowered:
.L_overlay_start_2:
0x62: {  	(tag) =	ssettag $0x2  }
0x63: {  	s0 =	rddreg [dreg:$0x0];
	s2 =	stileid.u32  }
0x64: {  	s1 =	rddreg [dreg:$0x1];
	p0 =	sne.s32 s2, $0x0  }
0x65: {  	s3 =	rddreg [dreg:$0x2];
	[bflag:$0x3] =	sbarrier.arrive $0xFFFF;
	s2 =	simm.s32 @!p0 $0x1C01  }
0x66: {  	[timem:s3], [sflag:s2] =	dma.local @!p0 [hbm:s0], s1  }
0x67: {  	s0 =	simm.s32 @!p0 $0x1  }
0x68: {  	_ =	swait.ge @!p0 [sflag:s0], s1  }
0x69: {  	s1 =	ssub.s32 @!p0 $0x0, s1;
	[sflag:s0] =	ssyncset.done @!p0 $0x0  }
0x6a: {  	[sflag:s0] =	ssyncadd.s32 @!p0 s1  }
0x6b: {  	[bflag:$0x3] =	sbarrier.arrive $0xFFFF  }
0x6c: {  	_ =	shalt  }

</sc_bundles>
